<compile_context>
chip_gen: v7x
topology: tpu7x:2x2x1
jax: 0.10.2.dev20260603
libtpu: 0.0.44.dev20260713+nightly
codegen_flags: <defaults>
</compile_context>

<pallas_src>
import functools

import jax
import jax.numpy as jnp
from jax import lax
from jax.experimental import pallas as pl
from jax.experimental.pallas import tpu as pltpu
from jax.experimental.pallas import tpu_sc as plsc

N = 10000
D = 128
H = 128
C = 64
E = 320000

NC = 2
NS = 16
K = 80
NCH = E // NS // K
NPAD = 10240
RPT = NPAD // NS
NW = NC * NS
NCHW = E // NW // K
RING = 10
WSC = 32
NSLOT = D // WSC

f32 = jnp.float32


def _sc_pass_body(ngroups, q_hbm, src_hbm, dst_hbm,
                  part_hbm, src_v, dst_v, srcg_v, rows_v, zb_v, acc_s,
                  *gsems):
    c = lax.axis_index("c")
    s = lax.axis_index("s")
    row0 = s * RPT

    pltpu.sync_copy(src_hbm.at[s], src_v)
    pltpu.sync_copy(dst_hbm.at[s], dst_v)

    zeros16 = jnp.zeros((16,), f32)

    def fill_zeros(r, carry):
        for j in range(WSC // 16):
            zb_v[r, pl.ds(j * 16, 16)] = zeros16
        return carry

    lax.fori_loop(0, RPT, fill_zeros, 0)

    for p in range(ngroups):
        grp = c * ngroups + p

        def scale_idx(r, carry):
            for j in range(K // 16):
                v = src_v[r, pl.ds(j * 16, 16)]
                srcg_v[r, pl.ds(j * 16, 16)] = v * NSLOT + grp
            return carry

        lax.fori_loop(0, NCH, scale_idx, 0)

        def gstart(b, ci):
            pltpu.async_copy(q_hbm.at[srcg_v.at[ci]], rows_v.at[b],
                             gsems[b])

        def gwait(b):
            pltpu.make_async_copy(q_hbm.at[pl.ds(0, K)], rows_v.at[b],
                                  gsems[b]).wait()

        pltpu.sync_copy(zb_v, acc_s.at[pl.ds(row0, RPT)])
        plsc.subcore_barrier()

        for b in range(RING):
            gstart(b, b)

        def outer(i, carry):
            for b in range(RING):
                ci = i * RING + b
                gwait(b)
                pltpu.sync_copy(rows_v.at[b], acc_s.at[dst_v.at[ci]],
                                add=True)

                @pl.when(ci + RING < NCH)
                def _():
                    gstart(b, ci + RING)
            return carry

        lax.fori_loop(0, NCH // RING, outer, 0)
        plsc.subcore_barrier()

        pltpu.sync_copy(acc_s.at[pl.ds(row0, RPT)],
                        part_hbm.at[pl.ds(row0, RPT),
                                    pl.ds(grp * WSC, WSC)])


def _sc_deg_body(dst_hbm, degpart_hbm, dst_v, dacc_t):
    c = lax.axis_index("c")
    s = lax.axis_index("s")
    wid = c * NS + s

    pltpu.sync_copy(dst_hbm.at[wid], dst_v)

    zeros16 = jnp.zeros((16,), f32)
    ones16 = jnp.ones((16,), f32)

    def zero_deg(r, carry):
        dacc_t[pl.ds(r * 16, 16)] = zeros16
        return carry

    lax.fori_loop(0, NPAD // 16, zero_deg, 0)

    def chunk(ci, carry):
        for j in range(K // 16):
            idx = dst_v[ci, pl.ds(j * 16, 16)]
            plsc.addupdate_scatter(dacc_t, [idx], ones16)
        return carry

    lax.fori_loop(0, NCHW, chunk, 0)
    pltpu.sync_copy(dacc_t, degpart_hbm.at[wid])


_SC_PARAMS = pltpu.CompilerParams(use_tc_tiling_on_sc=False,
                                  needs_layout_passes=False)


def _make_sc_pass(ngroups):
    mesh = plsc.VectorSubcoreMesh(core_axis_name="c", subcore_axis_name="s",
                                  num_cores=NC, num_subcores=NS)
    return pl.kernel(
        functools.partial(_sc_pass_body, ngroups),
        out_type=jax.ShapeDtypeStruct((NPAD, D), f32),
        mesh=mesh,
        scratch_types=(
            pltpu.VMEM((NCH, K), jnp.int32),
            pltpu.VMEM((NCH, K), jnp.int32),
            pltpu.VMEM((NCH, K), jnp.int32),
            pltpu.VMEM((RING, K, WSC), f32),
            pltpu.VMEM((RPT, WSC), f32),
            pltpu.VMEM_SHARED((NPAD, WSC), f32),
        ) + (pltpu.SemaphoreType.DMA,) * RING,
        compiler_params=_SC_PARAMS,
        name=f"sage_sc_agg_g{ngroups}",
    )


_sc_deg = pl.kernel(
    _sc_deg_body,
    out_type=jax.ShapeDtypeStruct((NW, NPAD), f32),
    mesh=plsc.VectorSubcoreMesh(core_axis_name="c", subcore_axis_name="s",
                                num_cores=NC, num_subcores=NS),
    scratch_types=(
        pltpu.VMEM((NCHW, K), jnp.int32),
        pltpu.VMEM((NPAD,), f32),
    ),
    compiler_params=_SC_PARAMS,
    name="sage_sc_deg",
)

_sc_agg1 = _make_sc_pass(2)
_sc_agg2 = _make_sc_pass(1)


RB = 1000
GRID = N // RB


def _a_body(x_ref, w_ref, b_ref, o_ref):
    o_ref[...] = (jnp.dot(x_ref[...], w_ref[...],
                          preferred_element_type=f32) + b_ref[...])


def _b_body(s1_ref, p_ref, dp_ref,
            wn1_ref, wn2_ref, ws2_ref, b2_ref, q2_ref, s2_ref):
    deg = jnp.maximum(jnp.sum(dp_ref[...], axis=1, keepdims=True), 1.0)
    neigh = p_ref[...] / deg
    h = s1_ref[...] + jnp.dot(neigh, wn1_ref[...], preferred_element_type=f32)
    h = jnp.maximum(h, 0.0)
    q2_ref[...] = jnp.dot(h, wn2_ref[...], preferred_element_type=f32)
    s2_ref[...] = (jnp.dot(h, ws2_ref[...], preferred_element_type=f32)
                   + b2_ref[...])


def _c_body(s2_ref, p_ref, dp_ref, o_ref):
    deg = jnp.maximum(jnp.sum(dp_ref[...], axis=1, keepdims=True), 1.0)
    o_ref[...] = s2_ref[...] + p_ref[:, :C] / deg


def _rows(shape):
    return pl.BlockSpec((RB,) + shape[1:], lambda i: (i,) + (0,) * (len(shape) - 1))


def _full(shape):
    return pl.BlockSpec(shape, lambda i: (0,) * len(shape))


_tc_a = pl.pallas_call(
    _a_body,
    grid=(GRID,),
    in_specs=[_rows((N, D)), _full((D, H)), _full((1, H))],
    out_specs=_rows((N, H)),
    out_shape=jax.ShapeDtypeStruct((N, H), f32),
)

_tc_b = pl.pallas_call(
    _b_body,
    grid=(GRID,),
    in_specs=[_rows((N, H)),
              _rows((NPAD, D)),
              _rows((NPAD, NW)),
              _full((D, H)),
              _full((H, D)), _full((H, C)), _full((1, C))],
    out_specs=(_rows((N, D)), _rows((N, C))),
    out_shape=(jax.ShapeDtypeStruct((N, D), f32),
               jax.ShapeDtypeStruct((N, C), f32)),
)

_tc_c = pl.pallas_call(
    _c_body,
    grid=(GRID,),
    in_specs=[_rows((N, C)),
              _rows((NPAD, D)),
              _rows((NPAD, NW))],
    out_specs=_rows((N, C)),
    out_shape=jax.ShapeDtypeStruct((N, C), f32),
)


def kernel(x, edge_index, W_self1, W_neigh1, b1, W_self2, W_neigh2, b2):
    src = edge_index[0].astype(jnp.int32).reshape(NS, NCH, K)
    dst = edge_index[1].astype(jnp.int32).reshape(NS, NCH, K)
    dstw = edge_index[1].astype(jnp.int32).reshape(NW, NCHW, K)

    wn2p = jnp.pad(W_neigh2, ((0, 0), (0, D - C)))

    s1 = _tc_a(x, W_self1, b1.reshape(1, H))
    degparts = _sc_deg(dstw)
    parts1 = _sc_agg1(x.reshape(NSLOT * N, WSC), src, dst)
    degT = degparts.T
    q2, s2 = _tc_b(s1, parts1, degT,
                   W_neigh1, wn2p, W_self2, b2.reshape(1, C))
    parts2 = _sc_agg2(q2.reshape(NSLOT * N, WSC), src, dst)
    return _tc_c(s2, parts2, degT)

# --- scband reference (transcript-rebuilt; emitter-appended) ---
"""Pipeline reference for scband-sagenet-70007966924829 (READ-ONLY COPY).

The authoritative reference and input builder live on the scoring server;
editing this copy changes nothing except your own understanding.
"""

import jax, jax.numpy as jnp
import numpy as np

N = 10000
E = 320000
D = 128
H = 128
C = 64

def setup_inputs(seed: int = 0) -> dict:
    key = jax.random.key(seed)
    ks = jax.random.split(key, 8)
    x = jax.random.normal(ks[0], (N, D), dtype=jnp.float32)
    edge_index = jax.random.randint(ks[1], (2, E), 0, N, dtype=jnp.int64)
    W_self1 = jax.random.normal(ks[2], (D, H), dtype=jnp.float32) * 0.05
    W_neigh1 = jax.random.normal(ks[3], (D, H), dtype=jnp.float32) * 0.05
    b1 = jnp.zeros((H,), dtype=jnp.float32)
    W_self2 = jax.random.normal(ks[4], (H, C), dtype=jnp.float32) * 0.05
    W_neigh2 = jax.random.normal(ks[5], (H, C), dtype=jnp.float32) * 0.05
    b2 = jnp.zeros((C,), dtype=jnp.float32)
    return {"x": x, "edge_index": edge_index, "W_self1": W_self1, "W_neigh1": W_neigh1, "b1": b1, "W_self2": W_self2, "W_neigh2": W_neigh2, "b2": b2}

def _sage_conv(h, src, dst, Ws, Wn, b):
    # DGL SAGEConv 'mean': neigh = mean over incoming neighbors; rst = fc_self(h) + fc_neigh(neigh) + bias
    msg = h[src]  # gather src node features per edge
    agg = jax.ops.segment_sum(msg, dst, num_segments=h.shape[0])
    deg = jax.ops.segment_sum(jnp.ones((src.shape[0],), h.dtype), dst, num_segments=h.shape[0])
    neigh = agg / jnp.maximum(deg, 1.0)[:, None]
    return h @ Ws + neigh @ Wn + b

def reference(x, edge_index, W_self1, W_neigh1, b1, W_self2, W_neigh2, b2):
    src = edge_index[0]
    dst = edge_index[1]
    # layer 1 with relu activation (dropout is identity in eval mode)
    h = jax.nn.relu(_sage_conv(x, src, dst, W_self1, W_neigh1, b1))
    # layer 2, no activation
    out = _sage_conv(h, src, dst, W_self2, W_neigh2, b2)
    return out

if __name__ == "__main__":
    import jax
    _d = setup_inputs()
    print(jax.jit(kernel)(*tuple(_d.values())))

</pallas_src>

<mosaic_0001>
#map = affine_map<(d0, d1) -> (0, 0, 0)>
#map1 = affine_map<(d0, d1) -> (0, 0)>
module attributes {stable_mosaic.version = 14 : i64} {
  func.func @sage_sc_deg(%arg0: i32, %arg1: i32, %arg2: memref<32x125x80xi32, #tpu.memory_space<hbm>>, %arg3: memref<32x10240xf32, #tpu.memory_space<hbm>>, %arg4: memref<125x80xi32, #tpu.memory_space<vmem>>, %arg5: memref<10240xf32, #tpu.memory_space<vmem>>) attributes {dimension_semantics = [#tpu.dimension_semantics<core_parallel>, #tpu.dimension_semantics<subcore_parallel>], iteration_bounds = array<i64: 2, 16>, scalar_prefetch = 0 : i64, scratch_operands = 2 : i64, tpu.core_type = #tpu.core_type<sc_vector_subcore>, window_params = [{transform_indices = #map}, {transform_indices = #map1}]} {
    %mul3A = arith.constant 16 : i32
    %mul3A_0 = arith.muli %arg0, %mul3A : i32
    %add3A = arith.addi %mul3A_0, %arg1 : i32
    "tpu.region"() ({
      %run_scoped3A = tpu.sem_alloc : memref<!tpu.dma_semaphore, #tpu.memory_space<semaphore_mem>>
      %dma_start3A = arith.constant 0 : i32
      %dma_start3A_15 = arith.constant 0 : i32
      %dma_start3A_16 = tpu.memref_slice %arg2[%add3A, %dma_start3A, %dma_start3A_15] : memref<32x125x80xi32, #tpu.memory_space<hbm>> -> memref<1x125x80xi32, #tpu.memory_space<hbm>>
      %dma_start3A_17 = tpu.memref_squeeze %dma_start3A_16 : memref<1x125x80xi32, #tpu.memory_space<hbm>> -> memref<125x80xi32, #tpu.memory_space<hbm>>
      %dma_start3A_18 = arith.constant 0 : i32
      %dma_start3A_19 = arith.constant 0 : i32
      %dma_start3A_20 = tpu.memref_slice %arg2[%add3A, %dma_start3A_18, %dma_start3A_19] : memref<32x125x80xi32, #tpu.memory_space<hbm>> -> memref<1x125x80xi32, #tpu.memory_space<hbm>>
      %dma_start3A_21 = tpu.memref_squeeze %dma_start3A_20 : memref<1x125x80xi32, #tpu.memory_space<hbm>> -> memref<125x80xi32, #tpu.memory_space<hbm>>
      tpu.enqueue_dma source(%dma_start3A_21 : memref<125x80xi32, #tpu.memory_space<hbm>>) target(%arg4 : memref<125x80xi32, #tpu.memory_space<vmem>>) target_semaphore(%run_scoped3A : memref<!tpu.dma_semaphore, #tpu.memory_space<semaphore_mem>>)
      %dma_wait3A = arith.constant 0 : i32
      %dma_wait3A_22 = arith.constant 0 : i32
      %dma_wait3A_23 = tpu.memref_slice %arg2[%add3A, %dma_wait3A, %dma_wait3A_22] : memref<32x125x80xi32, #tpu.memory_space<hbm>> -> memref<1x125x80xi32, #tpu.memory_space<hbm>>
      %dma_wait3A_24 = tpu.memref_squeeze %dma_wait3A_23 : memref<1x125x80xi32, #tpu.memory_space<hbm>> -> memref<125x80xi32, #tpu.memory_space<hbm>>
      %dma_wait3A_25 = arith.constant 0 : i32
      %dma_wait3A_26 = arith.constant 0 : i32
      %dma_wait3A_27 = tpu.memref_slice %arg2[%add3A, %dma_wait3A_25, %dma_wait3A_26] : memref<32x125x80xi32, #tpu.memory_space<hbm>> -> memref<1x125x80xi32, #tpu.memory_space<hbm>>
      %dma_wait3A_28 = tpu.memref_squeeze %dma_wait3A_27 : memref<1x125x80xi32, #tpu.memory_space<hbm>> -> memref<125x80xi32, #tpu.memory_space<hbm>>
      tpu.wait_dma2 semaphore(%run_scoped3A : memref<!tpu.dma_semaphore, #tpu.memory_space<semaphore_mem>>) src(%dma_wait3A_28 : memref<125x80xi32, #tpu.memory_space<hbm>>) dst(%arg4 : memref<125x80xi32, #tpu.memory_space<vmem>>)
      tpu.yield
    }) : () -> ()
    %broadcast_in_dim3A = arith.constant 0.000000e+00 : f32
    %broadcast_in_dim3A_1 = vector.broadcast %broadcast_in_dim3A : f32 to vector<16xf32>
    %broadcast_in_dim3A_2 = arith.constant 1.000000e+00 : f32
    %broadcast_in_dim3A_3 = vector.broadcast %broadcast_in_dim3A_2 : f32 to vector<16xf32>
    %scan3A = arith.constant 0 : i32
    %scan3A_4 = arith.constant 0 : i32
    %scan3A_5 = arith.constant 640 : i32
    %scan3A_6 = arith.addi %scan3A_4, %scan3A_5 : i32
    %scan3A_7 = arith.constant 1 : i32
    scf.for %scan3A_15 = %scan3A_4 to %scan3A_6 step %scan3A_7  : i32 {
      %mul3A_16 = arith.constant 16 : i32
      %mul3A_17 = arith.muli %scan3A_15, %mul3A_16 : i32
      %swap3A = arith.index_cast %mul3A_17 : i32 to index
      %swap3A_18 = tpu.vector_load %arg5[%swap3A] {strides = array<i32>} : memref<10240xf32, #tpu.memory_space<vmem>>, vector<16xf32>,
      tpu.vector_store %arg5[%swap3A], %broadcast_in_dim3A_1 {strides = array<i32>} : memref<10240xf32, #tpu.memory_space<vmem>>, vector<16xf32>,
    }
    %scan3A_8 = arith.constant 640 : i32
    %scan3A_9 = arith.constant 0 : i32
    %scan3A_10 = arith.constant 0 : i32
    %scan3A_11 = arith.constant 125 : i32
    %scan3A_12 = arith.addi %scan3A_10, %scan3A_11 : i32
    %scan3A_13 = arith.constant 1 : i32
    scf.for %scan3A_15 = %scan3A_10 to %scan3A_12 step %scan3A_13  : i32 {
      %get3A = arith.index_cast %scan3A_15 : i32 to index
      %get3A_16 = arith.constant 0 : index
      %get3A_17 = tpu.vector_load %arg4[%get3A, %get3A_16] {strides = array<i32>} : memref<125x80xi32, #tpu.memory_space<vmem>>, vector<16xi32>,
      tpu.vector_store_idx %arg5[%get3A_17], %broadcast_in_dim3A_3 {add = true} : memref<10240xf32, #tpu.memory_space<vmem>>[vector<16xi32>], vector<16xf32>,
      %get3A_18 = arith.index_cast %scan3A_15 : i32 to index
      %get3A_19 = arith.constant 16 : index
      %get3A_20 = tpu.vector_load %arg4[%get3A_18, %get3A_19] {strides = array<i32>} : memref<125x80xi32, #tpu.memory_space<vmem>>, vector<16xi32>,
      tpu.vector_store_idx %arg5[%get3A_20], %broadcast_in_dim3A_3 {add = true} : memref<10240xf32, #tpu.memory_space<vmem>>[vector<16xi32>], vector<16xf32>,
      %get3A_21 = arith.index_cast %scan3A_15 : i32 to index
      %get3A_22 = arith.constant 32 : index
      %get3A_23 = tpu.vector_load %arg4[%get3A_21, %get3A_22] {strides = array<i32>} : memref<125x80xi32, #tpu.memory_space<vmem>>, vector<16xi32>,
      tpu.vector_store_idx %arg5[%get3A_23], %broadcast_in_dim3A_3 {add = true} : memref<10240xf32, #tpu.memory_space<vmem>>[vector<16xi32>], vector<16xf32>,
      %get3A_24 = arith.index_cast %scan3A_15 : i32 to index
      %get3A_25 = arith.constant 48 : index
      %get3A_26 = tpu.vector_load %arg4[%get3A_24, %get3A_25] {strides = array<i32>} : memref<125x80xi32, #tpu.memory_space<vmem>>, vector<16xi32>,
      tpu.vector_store_idx %arg5[%get3A_26], %broadcast_in_dim3A_3 {add = true} : memref<10240xf32, #tpu.memory_space<vmem>>[vector<16xi32>], vector<16xf32>,
      %get3A_27 = arith.index_cast %scan3A_15 : i32 to index
      %get3A_28 = arith.constant 64 : index
      %get3A_29 = tpu.vector_load %arg4[%get3A_27, %get3A_28] {strides = array<i32>} : memref<125x80xi32, #tpu.memory_space<vmem>>, vector<16xi32>,
      tpu.vector_store_idx %arg5[%get3A_29], %broadcast_in_dim3A_3 {add = true} : memref<10240xf32, #tpu.memory_space<vmem>>[vector<16xi32>], vector<16xf32>,
    }
    %scan3A_14 = arith.constant 125 : i32
    "tpu.region"() ({
      %run_scoped3A = tpu.sem_alloc : memref<!tpu.dma_semaphore, #tpu.memory_space<semaphore_mem>>
      %dma_start3A = arith.constant 0 : i32
      %dma_start3A_15 = tpu.memref_slice %arg3[%add3A, %dma_start3A] : memref<32x10240xf32, #tpu.memory_space<hbm>> -> memref<1x10240xf32, #tpu.memory_space<hbm>>
      %dma_start3A_16 = tpu.memref_squeeze %dma_start3A_15 : memref<1x10240xf32, #tpu.memory_space<hbm>> -> memref<10240xf32, #tpu.memory_space<hbm>>
      %dma_start3A_17 = arith.constant 0 : i32
      %dma_start3A_18 = tpu.memref_slice %arg3[%add3A, %dma_start3A_17] : memref<32x10240xf32, #tpu.memory_space<hbm>> -> memref<1x10240xf32, #tpu.memory_space<hbm>>
      %dma_start3A_19 = tpu.memref_squeeze %dma_start3A_18 : memref<1x10240xf32, #tpu.memory_space<hbm>> -> memref<10240xf32, #tpu.memory_space<hbm>>
      tpu.enqueue_dma source(%arg5 : memref<10240xf32, #tpu.memory_space<vmem>>) target(%dma_start3A_19 : memref<10240xf32, #tpu.memory_space<hbm>>) target_semaphore(%run_scoped3A : memref<!tpu.dma_semaphore, #tpu.memory_space<semaphore_mem>>)
      %dma_wait3A = arith.constant 0 : i32
      %dma_wait3A_20 = tpu.memref_slice %arg3[%add3A, %dma_wait3A] : memref<32x10240xf32, #tpu.memory_space<hbm>> -> memref<1x10240xf32, #tpu.memory_space<hbm>>
      %dma_wait3A_21 = tpu.memref_squeeze %dma_wait3A_20 : memref<1x10240xf32, #tpu.memory_space<hbm>> -> memref<10240xf32, #tpu.memory_space<hbm>>
      %dma_wait3A_22 = arith.constant 0 : i32
      %dma_wait3A_23 = tpu.memref_slice %arg3[%add3A, %dma_wait3A_22] : memref<32x10240xf32, #tpu.memory_space<hbm>> -> memref<1x10240xf32, #tpu.memory_space<hbm>>
      %dma_wait3A_24 = tpu.memref_squeeze %dma_wait3A_23 : memref<1x10240xf32, #tpu.memory_space<hbm>> -> memref<10240xf32, #tpu.memory_space<hbm>>
      tpu.wait_dma2 semaphore(%run_scoped3A : memref<!tpu.dma_semaphore, #tpu.memory_space<semaphore_mem>>) src(%arg5 : memref<10240xf32, #tpu.memory_space<vmem>>) dst(%dma_wait3A_24 : memref<10240xf32, #tpu.memory_space<hbm>>)
      tpu.yield
    }) : () -> ()
    return
  }
}

#map = affine_map<(d0, d1) -> (0, 0)>
#map1 = affine_map<(d0, d1) -> (0, 0, 0)>
module attributes {stable_mosaic.version = 14 : i64} {
  func.func @sage_sc_agg_g2(%arg0: i32, %arg1: i32, %arg2: memref<40000x32xf32, #tpu.memory_space<hbm>>, %arg3: memref<16x250x80xi32, #tpu.memory_space<hbm>>, %arg4: memref<16x250x80xi32, #tpu.memory_space<hbm>>, %arg5: memref<10240x128xf32, #tpu.memory_space<hbm>>, %arg6: memref<250x80xi32, #tpu.memory_space<vmem>>, %arg7: memref<250x80xi32, #tpu.memory_space<vmem>>, %arg8: memref<250x80xi32, #tpu.memory_space<vmem>>, %arg9: memref<10x80x32xf32, #tpu.memory_space<vmem>>, %arg10: memref<640x32xf32, #tpu.memory_space<vmem>>, %arg11: memref<10240x32xf32, #tpu.memory_space<vmem_shared>>, %arg12: memref<!tpu.dma_semaphore, #tpu.memory_space<semaphore_mem>>, %arg13: memref<!tpu.dma_semaphore, #tpu.memory_space<semaphore_mem>>, %arg14: memref<!tpu.dma_semaphore, #tpu.memory_space<semaphore_mem>>, %arg15: memref<!tpu.dma_semaphore, #tpu.memory_space<semaphore_mem>>, %arg16: memref<!tpu.dma_semaphore, #tpu.memory_space<semaphore_mem>>, %arg17: memref<!tpu.dma_semaphore, #tpu.memory_space<semaphore_mem>>, %arg18: memref<!tpu.dma_semaphore, #tpu.memory_space<semaphore_mem>>, %arg19: memref<!tpu.dma_semaphore, #tpu.memory_space<semaphore_mem>>, %arg20: memref<!tpu.dma_semaphore, #tpu.memory_space<semaphore_mem>>, %arg21: memref<!tpu.dma_semaphore, #tpu.memory_space<semaphore_mem>>) attributes {dimension_semantics = [#tpu.dimension_semantics<core_parallel>, #tpu.dimension_semantics<subcore_parallel>], iteration_bounds = array<i64: 2, 16>, scalar_prefetch = 0 : i64, scratch_operands = 16 : i64, tpu.core_type = #tpu.core_type<sc_vector_subcore>, window_params = [{transform_indices = #map}, {transform_indices = #map1}, {transform_indices = #map1}, {transform_indices = #map}]} {
    %mul3A = arith.constant 640 : i32
    %mul3A_0 = arith.muli %arg1, %mul3A : i32
    "tpu.region"() ({
      %run_scoped3A = tpu.sem_alloc : memref<!tpu.dma_semaphore, #tpu.memory_space<semaphore_mem>>
      %dma_start3A_284 = arith.constant 0 : i32
      %dma_start3A_285 = arith.constant 0 : i32
      %dma_start3A_286 = tpu.memref_slice %arg3[%arg1, %dma_start3A_284, %dma_start3A_285] : memref<16x250x80xi32, #tpu.memory_space<hbm>> -> memref<1x250x80xi32, #tpu.memory_space<hbm>>
      %dma_start3A_287 = tpu.memref_squeeze %dma_start3A_286 : memref<1x250x80xi32, #tpu.memory_space<hbm>> -> memref<250x80xi32, #tpu.memory_space<hbm>>
      %dma_start3A_288 = arith.constant 0 : i32
      %dma_start3A_289 = arith.constant 0 : i32
      %dma_start3A_290 = tpu.memref_slice %arg3[%arg1, %dma_start3A_288, %dma_start3A_289] : memref<16x250x80xi32, #tpu.memory_space<hbm>> -> memref<1x250x80xi32, #tpu.memory_space<hbm>>
      %dma_start3A_291 = tpu.memref_squeeze %dma_start3A_290 : memref<1x250x80xi32, #tpu.memory_space<hbm>> -> memref<250x80xi32, #tpu.memory_space<hbm>>
      tpu.enqueue_dma source(%dma_start3A_291 : memref<250x80xi32, #tpu.memory_space<hbm>>) target(%arg6 : memref<250x80xi32, #tpu.memory_space<vmem>>) target_semaphore(%run_scoped3A : memref<!tpu.dma_semaphore, #tpu.memory_space<semaphore_mem>>)
      %dma_wait3A = arith.constant 0 : i32
      %dma_wait3A_292 = arith.constant 0 : i32
      %dma_wait3A_293 = tpu.memref_slice %arg3[%arg1, %dma_wait3A, %dma_wait3A_292] : memref<16x250x80xi32, #tpu.memory_space<hbm>> -> memref<1x250x80xi32, #tpu.memory_space<hbm>>
      %dma_wait3A_294 = tpu.memref_squeeze %dma_wait3A_293 : memref<1x250x80xi32, #tpu.memory_space<hbm>> -> memref<250x80xi32, #tpu.memory_space<hbm>>
      %dma_wait3A_295 = arith.constant 0 : i32
      %dma_wait3A_296 = arith.constant 0 : i32
      %dma_wait3A_297 = tpu.memref_slice %arg3[%arg1, %dma_wait3A_295, %dma_wait3A_296] : memref<16x250x80xi32, #tpu.memory_space<hbm>> -> memref<1x250x80xi32, #tpu.memory_space<hbm>>
      %dma_wait3A_298 = tpu.memref_squeeze %dma_wait3A_297 : memref<1x250x80xi32, #tpu.memory_space<hbm>> -> memref<250x80xi32, #tpu.memory_space<hbm>>
      tpu.wait_dma2 semaphore(%run_scoped3A : memref<!tpu.dma_semaphore, #tpu.memory_space<semaphore_mem>>) src(%dma_wait3A_298 : memref<250x80xi32, #tpu.memory_space<hbm>>) dst(%arg6 : memref<250x80xi32, #tpu.memory_space<vmem>>)
      tpu.yield
    }) : () -> ()
    "tpu.region"() ({
      %run_scoped3A = tpu.sem_alloc : memref<!tpu.dma_semaphore, #tpu.memory_space<semaphore_mem>>
      %dma_start3A_284 = arith.constant 0 : i32
      %dma_start3A_285 = arith.constant 0 : i32
      %dma_start3A_286 = tpu.memref_slice %arg4[%arg1, %dma_start3A_284, %dma_start3A_285] : memref<16x250x80xi32, #tpu.memory_space<hbm>> -> memref<1x250x80xi32, #tpu.memory_space<hbm>>
      %dma_start3A_287 = tpu.memref_squeeze %dma_start3A_286 : memref<1x250x80xi32, #tpu.memory_space<hbm>> -> memref<250x80xi32, #tpu.memory_space<hbm>>
      %dma_start3A_288 = arith.constant 0 : i32
      %dma_start3A_289 = arith.constant 0 : i32
      %dma_start3A_290 = tpu.memref_slice %arg4[%arg1, %dma_start3A_288, %dma_start3A_289] : memref<16x250x80xi32, #tpu.memory_space<hbm>> -> memref<1x250x80xi32, #tpu.memory_space<hbm>>
      %dma_start3A_291 = tpu.memref_squeeze %dma_start3A_290 : memref<1x250x80xi32, #tpu.memory_space<hbm>> -> memref<250x80xi32, #tpu.memory_space<hbm>>
      tpu.enqueue_dma source(%dma_start3A_291 : memref<250x80xi32, #tpu.memory_space<hbm>>) target(%arg7 : memref<250x80xi32, #tpu.memory_space<vmem>>) target_semaphore(%run_scoped3A : memref<!tpu.dma_semaphore, #tpu.memory_space<semaphore_mem>>)
      %dma_wait3A = arith.constant 0 : i32
      %dma_wait3A_292 = arith.constant 0 : i32
      %dma_wait3A_293 = tpu.memref_slice %arg4[%arg1, %dma_wait3A, %dma_wait3A_292] : memref<16x250x80xi32, #tpu.memory_space<hbm>> -> memref<1x250x80xi32, #tpu.memory_space<hbm>>
      %dma_wait3A_294 = tpu.memref_squeeze %dma_wait3A_293 : memref<1x250x80xi32, #tpu.memory_space<hbm>> -> memref<250x80xi32, #tpu.memory_space<hbm>>
      %dma_wait3A_295 = arith.constant 0 : i32
      %dma_wait3A_296 = arith.constant 0 : i32
      %dma_wait3A_297 = tpu.memref_slice %arg4[%arg1, %dma_wait3A_295, %dma_wait3A_296] : memref<16x250x80xi32, #tpu.memory_space<hbm>> -> memref<1x250x80xi32, #tpu.memory_space<hbm>>
      %dma_wait3A_298 = tpu.memref_squeeze %dma_wait3A_297 : memref<1x250x80xi32, #tpu.memory_space<hbm>> -> memref<250x80xi32, #tpu.memory_space<hbm>>
      tpu.wait_dma2 semaphore(%run_scoped3A : memref<!tpu.dma_semaphore, #tpu.memory_space<semaphore_mem>>) src(%dma_wait3A_298 : memref<250x80xi32, #tpu.memory_space<hbm>>) dst(%arg7 : memref<250x80xi32, #tpu.memory_space<vmem>>)
      tpu.yield
    }) : () -> ()
    %broadcast_in_dim3A = arith.constant 0.000000e+00 : f32
    %broadcast_in_dim3A_1 = vector.broadcast %broadcast_in_dim3A : f32 to vector<16xf32>
    %scan3A = arith.constant 0 : i32
    %scan3A_2 = arith.constant 0 : i32
    %scan3A_3 = arith.constant 640 : i32
    %scan3A_4 = arith.addi %scan3A_2, %scan3A_3 : i32
    %scan3A_5 = arith.constant 1 : i32
    scf.for %scan3A_284 = %scan3A_2 to %scan3A_4 step %scan3A_5  : i32 {
      %swap3A = arith.index_cast %scan3A_284 : i32 to index
      %swap3A_285 = arith.constant 0 : index
      %swap3A_286 = tpu.vector_load %arg10[%swap3A, %swap3A_285] {strides = array<i32>} : memref<640x32xf32, #tpu.memory_space<vmem>>, vector<16xf32>,
      tpu.vector_store %arg10[%swap3A, %swap3A_285], %broadcast_in_dim3A_1 {strides = array<i32>} : memref<640x32xf32, #tpu.memory_space<vmem>>, vector<16xf32>,
      %swap3A_287 = arith.index_cast %scan3A_284 : i32 to index
      %swap3A_288 = arith.constant 16 : index
      %swap3A_289 = tpu.vector_load %arg10[%swap3A_287, %swap3A_288] {strides = array<i32>} : memref<640x32xf32, #tpu.memory_space<vmem>>, vector<16xf32>,
      tpu.vector_store %arg10[%swap3A_287, %swap3A_288], %broadcast_in_dim3A_1 {strides = array<i32>} : memref<640x32xf32, #tpu.memory_space<vmem>>, vector<16xf32>,
    }
    %scan3A_6 = arith.constant 640 : i32
    %mul3A_7 = arith.constant 2 : i32
    %mul3A_8 = arith.muli %arg0, %mul3A_7 : i32
    %add3A = arith.constant 0 : i32
    %add3A_9 = arith.addi %mul3A_8, %add3A : i32
    %scan3A_10 = arith.constant 0 : i32
    %scan3A_11 = arith.constant 0 : i32
    %scan3A_12 = arith.constant 250 : i32
    %scan3A_13 = arith.addi %scan3A_11, %scan3A_12 : i32
    %scan3A_14 = arith.constant 1 : i32
    scf.for %scan3A_284 = %scan3A_11 to %scan3A_13 step %scan3A_14  : i32 {
      %get3A = arith.index_cast %scan3A_284 : i32 to index
      %get3A_285 = arith.constant 0 : index
      %get3A_286 = tpu.vector_load %arg6[%get3A, %get3A_285] {strides = array<i32>} : memref<250x80xi32, #tpu.memory_space<vmem>>, vector<16xi32>,
      %mul3A_287 = arith.constant 4 : i32
      %mul3A_288 = vector.broadcast %mul3A_287 : i32 to vector<16xi32>
      %mul3A_289 = arith.muli %get3A_286, %mul3A_288 : vector<16xi32>
      %add3A_290 = vector.broadcast %add3A_9 : i32 to vector<16xi32>
      %add3A_291 = arith.addi %mul3A_289, %add3A_290 : vector<16xi32>
      %swap3A = arith.index_cast %scan3A_284 : i32 to index
      %swap3A_292 = arith.constant 0 : index
      %swap3A_293 = tpu.vector_load %arg8[%swap3A, %swap3A_292] {strides = array<i32>} : memref<250x80xi32, #tpu.memory_space<vmem>>, vector<16xi32>,
      tpu.vector_store %arg8[%swap3A, %swap3A_292], %add3A_291 {strides = array<i32>} : memref<250x80xi32, #tpu.memory_space<vmem>>, vector<16xi32>,
      %get3A_294 = arith.index_cast %scan3A_284 : i32 to index
      %get3A_295 = arith.constant 16 : index
      %get3A_296 = tpu.vector_load %arg6[%get3A_294, %get3A_295] {strides = array<i32>} : memref<250x80xi32, #tpu.memory_space<vmem>>, vector<16xi32>,
      %mul3A_297 = arith.constant 4 : i32
      %mul3A_298 = vector.broadcast %mul3A_297 : i32 to vector<16xi32>
      %mul3A_299 = arith.muli %get3A_296, %mul3A_298 : vector<16xi32>
      %add3A_300 = vector.broadcast %add3A_9 : i32 to vector<16xi32>
      %add3A_301 = arith.addi %mul3A_299, %add3A_300 : vector<16xi32>
      %swap3A_302 = arith.index_cast %scan3A_284 : i32 to index
      %swap3A_303 = arith.constant 16 : index
      %swap3A_304 = tpu.vector_load %arg8[%swap3A_302, %swap3A_303] {strides = array<i32>} : memref<250x80xi32, #tpu.memory_space<vmem>>, vector<16xi32>,
      tpu.vector_store %arg8[%swap3A_302, %swap3A_303], %add3A_301 {strides = array<i32>} : memref<250x80xi32, #tpu.memory_space<vmem>>, vector<16xi32>,
      %get3A_305 = arith.index_cast %scan3A_284 : i32 to index
      %get3A_306 = arith.constant 32 : index
      %get3A_307 = tpu.vector_load %arg6[%get3A_305, %get3A_306] {strides = array<i32>} : memref<250x80xi32, #tpu.memory_space<vmem>>, vector<16xi32>,
      %mul3A_308 = arith.constant 4 : i32
      %mul3A_309 = vector.broadcast %mul3A_308 : i32 to vector<16xi32>
      %mul3A_310 = arith.muli %get3A_307, %mul3A_309 : vector<16xi32>
      %add3A_311 = vector.broadcast %add3A_9 : i32 to vector<16xi32>
      %add3A_312 = arith.addi %mul3A_310, %add3A_311 : vector<16xi32>
      %swap3A_313 = arith.index_cast %scan3A_284 : i32 to index
      %swap3A_314 = arith.constant 32 : index
      %swap3A_315 = tpu.vector_load %arg8[%swap3A_313, %swap3A_314] {strides = array<i32>} : memref<250x80xi32, #tpu.memory_space<vmem>>, vector<16xi32>,
      tpu.vector_store %arg8[%swap3A_313, %swap3A_314], %add3A_312 {strides = array<i32>} : memref<250x80xi32, #tpu.memory_space<vmem>>, vector<16xi32>,
      %get3A_316 = arith.index_cast %scan3A_284 : i32 to index
      %get3A_317 = arith.constant 48 : index
      %get3A_318 = tpu.vector_load %arg6[%get3A_316, %get3A_317] {strides = array<i32>} : memref<250x80xi32, #tpu.memory_space<vmem>>, vector<16xi32>,
      %mul3A_319 = arith.constant 4 : i32
      %mul3A_320 = vector.broadcast %mul3A_319 : i32 to vector<16xi32>
      %mul3A_321 = arith.muli %get3A_318, %mul3A_320 : vector<16xi32>
      %add3A_322 = vector.broadcast %add3A_9 : i32 to vector<16xi32>
      %add3A_323 = arith.addi %mul3A_321, %add3A_322 : vector<16xi32>
      %swap3A_324 = arith.index_cast %scan3A_284 : i32 to index
      %swap3A_325 = arith.constant 48 : index
      %swap3A_326 = tpu.vector_load %arg8[%swap3A_324, %swap3A_325] {strides = array<i32>} : memref<250x80xi32, #tpu.memory_space<vmem>>, vector<16xi32>,
      tpu.vector_store %arg8[%swap3A_324, %swap3A_325], %add3A_323 {strides = array<i32>} : memref<250x80xi32, #tpu.memory_space<vmem>>, vector<16xi32>,
      %get3A_327 = arith.index_cast %scan3A_284 : i32 to index
      %get3A_328 = arith.constant 64 : index
      %get3A_329 = tpu.vector_load %arg6[%get3A_327, %get3A_328] {strides = array<i32>} : memref<250x80xi32, #tpu.memory_space<vmem>>, vector<16xi32>,
      %mul3A_330 = arith.constant 4 : i32
      %mul3A_331 = vector.broadcast %mul3A_330 : i32 to vector<16xi32>
      %mul3A_332 = arith.muli %get3A_329, %mul3A_331 : vector<16xi32>
      %add3A_333 = vector.broadcast %add3A_9 : i32 to vector<16xi32>
      %add3A_334 = arith.addi %mul3A_332, %add3A_333 : vector<16xi32>
      %swap3A_335 = arith.index_cast %scan3A_284 : i32 to index
      %swap3A_336 = arith.constant 64 : index
      %swap3A_337 = tpu.vector_load %arg8[%swap3A_335, %swap3A_336] {strides = array<i32>} : memref<250x80xi32, #tpu.memory_space<vmem>>, vector<16xi32>,
      tpu.vector_store %arg8[%swap3A_335, %swap3A_336], %add3A_334 {strides = array<i32>} : memref<250x80xi32, #tpu.memory_space<vmem>>, vector<16xi32>,
    }
    %scan3A_15 = arith.constant 250 : i32
    "tpu.region"() ({
      %run_scoped3A = tpu.sem_alloc : memref<!tpu.dma_semaphore, #tpu.memory_space<semaphore_mem>>
      %dma_start3A_284 = arith.constant 0 : i32
      %dma_start3A_285 = tpu.memref_slice %arg11[%mul3A_0, %dma_start3A_284] : memref<10240x32xf32, #tpu.memory_space<vmem_shared>> -> memref<640x32xf32, #tpu.memory_space<vmem_shared>>
      %dma_start3A_286 = arith.constant 0 : i32
      %dma_start3A_287 = tpu.memref_slice %arg11[%mul3A_0, %dma_start3A_286] : memref<10240x32xf32, #tpu.memory_space<vmem_shared>> -> memref<640x32xf32, #tpu.memory_space<vmem_shared>>
      tpu.enqueue_dma source(%arg10 : memref<640x32xf32, #tpu.memory_space<vmem>>) target(%dma_start3A_287 : memref<640x32xf32, #tpu.memory_space<vmem_shared>>) target_semaphore(%run_scoped3A : memref<!tpu.dma_semaphore, #tpu.memory_space<semaphore_mem>>)
      %dma_wait3A = arith.constant 0 : i32
      %dma_wait3A_288 = tpu.memref_slice %arg11[%mul3A_0, %dma_wait3A] : memref<10240x32xf32, #tpu.memory_space<vmem_shared>> -> memref<640x32xf32, #tpu.memory_space<vmem_shared>>
      %dma_wait3A_289 = arith.constant 0 : i32
      %dma_wait3A_290 = tpu.memref_slice %arg11[%mul3A_0, %dma_wait3A_289] : memref<10240x32xf32, #tpu.memory_space<vmem_shared>> -> memref<640x32xf32, #tpu.memory_space<vmem_shared>>
      tpu.wait_dma2 semaphore(%run_scoped3A : memref<!tpu.dma_semaphore, #tpu.memory_space<semaphore_mem>>) src(%arg10 : memref<640x32xf32, #tpu.memory_space<vmem>>) dst(%dma_wait3A_290 : memref<640x32xf32, #tpu.memory_space<vmem_shared>>)
      tpu.yield
    }) : () -> ()
    %barrier3A = arith.constant 0 : index
    tpu.barrier barrier_id(%barrier3A)
    %dma_start3A = arith.constant 0 : i32
    %dma_start3A_16 = arith.constant 0 : i32
    %dma_start3A_17 = arith.constant 0 : i32
    %dma_start3A_18 = arith.constant 0 : i32
    %dma_start3A_19 = tpu.memref_slice %arg9[%dma_start3A_16, %dma_start3A_17, %dma_start3A_18] : memref<10x80x32xf32, #tpu.memory_space<vmem>> -> memref<1x80x32xf32, #tpu.memory_space<vmem>>
    %dma_start3A_20 = tpu.memref_squeeze %dma_start3A_19 : memref<1x80x32xf32, #tpu.memory_space<vmem>> -> memref<80x32xf32, #tpu.memory_space<vmem>>
    %dma_start3A_21 = arith.constant 0 : i32
    %dma_start3A_22 = tpu.memref_slice %arg8[%dma_start3A, %dma_start3A_21] : memref<250x80xi32, #tpu.memory_space<vmem>> -> memref<1x80xi32, #tpu.memory_space<vmem>>
    %dma_start3A_23 = tpu.memref_squeeze %dma_start3A_22 : memref<1x80xi32, #tpu.memory_space<vmem>> -> memref<80xi32, #tpu.memory_space<vmem>>
    %dma_start3A_24 = arith.constant 0 : i32
    %dma_start3A_25 = arith.constant 0 : i32
    %dma_start3A_26 = tpu.memref_slice %arg2[%dma_start3A_24, %dma_start3A_25] : memref<40000x32xf32, #tpu.memory_space<hbm>> -> memref<40000x32xf32, #tpu.memory_space<hbm>>
    tpu.enqueue_indirect_dma source(%dma_start3A_26 : memref<40000x32xf32, #tpu.memory_space<hbm>>) target(%dma_start3A_20 : memref<80x32xf32, #tpu.memory_space<vmem>>) offsets(%dma_start3A_23 : memref<80xi32, #tpu.memory_space<vmem>>) semaphore(%arg12 : memref<!tpu.dma_semaphore, #tpu.memory_space<semaphore_mem>>)
    %dma_start3A_27 = arith.constant 1 : i32
    %dma_start3A_28 = arith.constant 1 : i32
    %dma_start3A_29 = arith.constant 0 : i32
    %dma_start3A_30 = arith.constant 0 : i32
    %dma_start3A_31 = tpu.memref_slice %arg9[%dma_start3A_28, %dma_start3A_29, %dma_start3A_30] : memref<10x80x32xf32, #tpu.memory_space<vmem>> -> memref<1x80x32xf32, #tpu.memory_space<vmem>>
    %dma_start3A_32 = tpu.memref_squeeze %dma_start3A_31 : memref<1x80x32xf32, #tpu.memory_space<vmem>> -> memref<80x32xf32, #tpu.memory_space<vmem>>
    %dma_start3A_33 = arith.constant 0 : i32
    %dma_start3A_34 = tpu.memref_slice %arg8[%dma_start3A_27, %dma_start3A_33] : memref<250x80xi32, #tpu.memory_space<vmem>> -> memref<1x80xi32, #tpu.memory_space<vmem>>
    %dma_start3A_35 = tpu.memref_squeeze %dma_start3A_34 : memref<1x80xi32, #tpu.memory_space<vmem>> -> memref<80xi32, #tpu.memory_space<vmem>>
    %dma_start3A_36 = arith.constant 0 : i32
    %dma_start3A_37 = arith.constant 0 : i32
    %dma_start3A_38 = tpu.memref_slice %arg2[%dma_start3A_36, %dma_start3A_37] : memref<40000x32xf32, #tpu.memory_space<hbm>> -> memref<40000x32xf32, #tpu.memory_space<hbm>>
    tpu.enqueue_indirect_dma source(%dma_start3A_38 : memref<40000x32xf32, #tpu.memory_space<hbm>>) target(%dma_start3A_32 : memref<80x32xf32, #tpu.memory_space<vmem>>) offsets(%dma_start3A_35 : memref<80xi32, #tpu.memory_space<vmem>>) semaphore(%arg13 : memref<!tpu.dma_semaphore, #tpu.memory_space<semaphore_mem>>)
    %dma_start3A_39 = arith.constant 2 : i32
    %dma_start3A_40 = arith.constant 2 : i32
    %dma_start3A_41 = arith.constant 0 : i32
    %dma_start3A_42 = arith.constant 0 : i32
    %dma_start3A_43 = tpu.memref_slice %arg9[%dma_start3A_40, %dma_start3A_41, %dma_start3A_42] : memref<10x80x32xf32, #tpu.memory_space<vmem>> -> memref<1x80x32xf32, #tpu.memory_space<vmem>>
    %dma_start3A_44 = tpu.memref_squeeze %dma_start3A_43 : memref<1x80x32xf32, #tpu.memory_space<vmem>> -> memref<80x32xf32, #tpu.memory_space<vmem>>
    %dma_start3A_45 = arith.constant 0 : i32
    %dma_start3A_46 = tpu.memref_slice %arg8[%dma_start3A_39, %dma_start3A_45] : memref<250x80xi32, #tpu.memory_space<vmem>> -> memref<1x80xi32, #tpu.memory_space<vmem>>
    %dma_start3A_47 = tpu.memref_squeeze %dma_start3A_46 : memref<1x80xi32, #tpu.memory_space<vmem>> -> memref<80xi32, #tpu.memory_space<vmem>>
    %dma_start3A_48 = arith.constant 0 : i32
    %dma_start3A_49 = arith.constant 0 : i32
    %dma_start3A_50 = tpu.memref_slice %arg2[%dma_start3A_48, %dma_start3A_49] : memref<40000x32xf32, #tpu.memory_space<hbm>> -> memref<40000x32xf32, #tpu.memory_space<hbm>>
    tpu.enqueue_indirect_dma source(%dma_start3A_50 : memref<40000x32xf32, #tpu.memory_space<hbm>>) target(%dma_start3A_44 : memref<80x32xf32, #tpu.memory_space<vmem>>) offsets(%dma_start3A_47 : memref<80xi32, #tpu.memory_space<vmem>>) semaphore(%arg14 : memref<!tpu.dma_semaphore, #tpu.memory_space<semaphore_mem>>)
    %dma_start3A_51 = arith.constant 3 : i32
    %dma_start3A_52 = arith.constant 3 : i32
    %dma_start3A_53 = arith.constant 0 : i32
    %dma_start3A_54 = arith.constant 0 : i32
    %dma_start3A_55 = tpu.memref_slice %arg9[%dma_start3A_52, %dma_start3A_53, %dma_start3A_54] : memref<10x80x32xf32, #tpu.memory_space<vmem>> -> memref<1x80x32xf32, #tpu.memory_space<vmem>>
    %dma_start3A_56 = tpu.memref_squeeze %dma_start3A_55 : memref<1x80x32xf32, #tpu.memory_space<vmem>> -> memref<80x32xf32, #tpu.memory_space<vmem>>
    %dma_start3A_57 = arith.constant 0 : i32
    %dma_start3A_58 = tpu.memref_slice %arg8[%dma_start3A_51, %dma_start3A_57] : memref<250x80xi32, #tpu.memory_space<vmem>> -> memref<1x80xi32, #tpu.memory_space<vmem>>
    %dma_start3A_59 = tpu.memref_squeeze %dma_start3A_58 : memref<1x80xi32, #tpu.memory_space<vmem>> -> memref<80xi32, #tpu.memory_space<vmem>>
    %dma_start3A_60 = arith.constant 0 : i32
    %dma_start3A_61 = arith.constant 0 : i32
    %dma_start3A_62 = tpu.memref_slice %arg2[%dma_start3A_60, %dma_start3A_61] : memref<40000x32xf32, #tpu.memory_space<hbm>> -> memref<40000x32xf32, #tpu.memory_space<hbm>>
    tpu.enqueue_indirect_dma source(%dma_start3A_62 : memref<40000x32xf32, #tpu.memory_space<hbm>>) target(%dma_start3A_56 : memref<80x32xf32, #tpu.memory_space<vmem>>) offsets(%dma_start3A_59 : memref<80xi32, #tpu.memory_space<vmem>>) semaphore(%arg15 : memref<!tpu.dma_semaphore, #tpu.memory_space<semaphore_mem>>)
    %dma_start3A_63 = arith.constant 4 : i32
    %dma_start3A_64 = arith.constant 4 : i32
    %dma_start3A_65 = arith.constant 0 : i32
    %dma_start3A_66 = arith.constant 0 : i32
    %dma_start3A_67 = tpu.memref_slice %arg9[%dma_start3A_64, %dma_start3A_65, %dma_start3A_66] : memref<10x80x32xf32, #tpu.memory_space<vmem>> -> memref<1x80x32xf32, #tpu.memory_space<vmem>>
    %dma_start3A_68 = tpu.memref_squeeze %dma_start3A_67 : memref<1x80x32xf32, #tpu.memory_space<vmem>> -> memref<80x32xf32, #tpu.memory_space<vmem>>
    %dma_start3A_69 = arith.constant 0 : i32
    %dma_start3A_70 = tpu.memref_slice %arg8[%dma_start3A_63, %dma_start3A_69] : memref<250x80xi32, #tpu.memory_space<vmem>> -> memref<1x80xi32, #tpu.memory_space<vmem>>
    %dma_start3A_71 = tpu.memref_squeeze %dma_start3A_70 : memref<1x80xi32, #tpu.memory_space<vmem>> -> memref<80xi32, #tpu.memory_space<vmem>>
    %dma_start3A_72 = arith.constant 0 : i32
    %dma_start3A_73 = arith.constant 0 : i32
    %dma_start3A_74 = tpu.memref_slice %arg2[%dma_start3A_72, %dma_start3A_73] : memref<40000x32xf32, #tpu.memory_space<hbm>> -> memref<40000x32xf32, #tpu.memory_space<hbm>>
    tpu.enqueue_indirect_dma source(%dma_start3A_74 : memref<40000x32xf32, #tpu.memory_space<hbm>>) target(%dma_start3A_68 : memref<80x32xf32, #tpu.memory_space<vmem>>) offsets(%dma_start3A_71 : memref<80xi32, #tpu.memory_space<vmem>>) semaphore(%arg16 : memref<!tpu.dma_semaphore, #tpu.memory_space<semaphore_mem>>)
    %dma_start3A_75 = arith.constant 5 : i32
    %dma_start3A_76 = arith.constant 5 : i32
    %dma_start3A_77 = arith.constant 0 : i32
    %dma_start3A_78 = arith.constant 0 : i32
    %dma_start3A_79 = tpu.memref_slice %arg9[%dma_start3A_76, %dma_start3A_77, %dma_start3A_78] : memref<10x80x32xf32, #tpu.memory_space<vmem>> -> memref<1x80x32xf32, #tpu.memory_space<vmem>>
    %dma_start3A_80 = tpu.memref_squeeze %dma_start3A_79 : memref<1x80x32xf32, #tpu.memory_space<vmem>> -> memref<80x32xf32, #tpu.memory_space<vmem>>
    %dma_start3A_81 = arith.constant 0 : i32
    %dma_start3A_82 = tpu.memref_slice %arg8[%dma_start3A_75, %dma_start3A_81] : memref<250x80xi32, #tpu.memory_space<vmem>> -> memref<1x80xi32, #tpu.memory_space<vmem>>
    %dma_start3A_83 = tpu.memref_squeeze %dma_start3A_82 : memref<1x80xi32, #tpu.memory_space<vmem>> -> memref<80xi32, #tpu.memory_space<vmem>>
    %dma_start3A_84 = arith.constant 0 : i32
    %dma_start3A_85 = arith.constant 0 : i32
    %dma_start3A_86 = tpu.memref_slice %arg2[%dma_start3A_84, %dma_start3A_85] : memref<40000x32xf32, #tpu.memory_space<hbm>> -> memref<40000x32xf32, #tpu.memory_space<hbm>>
    tpu.enqueue_indirect_dma source(%dma_start3A_86 : memref<40000x32xf32, #tpu.memory_space<hbm>>) target(%dma_start3A_80 : memref<80x32xf32, #tpu.memory_space<vmem>>) offsets(%dma_start3A_83 : memref<80xi32, #tpu.memory_space<vmem>>) semaphore(%arg17 : memref<!tpu.dma_semaphore, #tpu.memory_space<semaphore_mem>>)
    %dma_start3A_87 = arith.constant 6 : i32
    %dma_start3A_88 = arith.constant 6 : i32
    %dma_start3A_89 = arith.constant 0 : i32
    %dma_start3A_90 = arith.constant 0 : i32
    %dma_start3A_91 = tpu.memref_slice %arg9[%dma_start3A_88, %dma_start3A_89, %dma_start3A_90] : memref<10x80x32xf32, #tpu.memory_space<vmem>> -> memref<1x80x32xf32, #tpu.memory_space<vmem>>
    %dma_start3A_92 = tpu.memref_squeeze %dma_start3A_91 : memref<1x80x32xf32, #tpu.memory_space<vmem>> -> memref<80x32xf32, #tpu.memory_space<vmem>>
    %dma_start3A_93 = arith.constant 0 : i32
    %dma_start3A_94 = tpu.memref_slice %arg8[%dma_start3A_87, %dma_start3A_93] : memref<250x80xi32, #tpu.memory_space<vmem>> -> memref<1x80xi32, #tpu.memory_space<vmem>>
    %dma_start3A_95 = tpu.memref_squeeze %dma_start3A_94 : memref<1x80xi32, #tpu.memory_space<vmem>> -> memref<80xi32, #tpu.memory_space<vmem>>
    %dma_start3A_96 = arith.constant 0 : i32
    %dma_start3A_97 = arith.constant 0 : i32
    %dma_start3A_98 = tpu.memref_slice %arg2[%dma_start3A_96, %dma_start3A_97] : memref<40000x32xf32, #tpu.memory_space<hbm>> -> memref<40000x32xf32, #tpu.memory_space<hbm>>
    tpu.enqueue_indirect_dma source(%dma_start3A_98 : memref<40000x32xf32, #tpu.memory_space<hbm>>) target(%dma_start3A_92 : memref<80x32xf32, #tpu.memory_space<vmem>>) offsets(%dma_start3A_95 : memref<80xi32, #tpu.memory_space<vmem>>) semaphore(%arg18 : memref<!tpu.dma_semaphore, #tpu.memory_space<semaphore_mem>>)
    %dma_start3A_99 = arith.constant 7 : i32
    %dma_start3A_100 = arith.constant 7 : i32
    %dma_start3A_101 = arith.constant 0 : i32
    %dma_start3A_102 = arith.constant 0 : i32
    %dma_start3A_103 = tpu.memref_slice %arg9[%dma_start3A_100, %dma_start3A_101, %dma_start3A_102] : memref<10x80x32xf32, #tpu.memory_space<vmem>> -> memref<1x80x32xf32, #tpu.memory_space<vmem>>
    %dma_start3A_104 = tpu.memref_squeeze %dma_start3A_103 : memref<1x80x32xf32, #tpu.memory_space<vmem>> -> memref<80x32xf32, #tpu.memory_space<vmem>>
    %dma_start3A_105 = arith.constant 0 : i32
    %dma_start3A_106 = tpu.memref_slice %arg8[%dma_start3A_99, %dma_start3A_105] : memref<250x80xi32, #tpu.memory_space<vmem>> -> memref<1x80xi32, #tpu.memory_space<vmem>>
    %dma_start3A_107 = tpu.memref_squeeze %dma_start3A_106 : memref<1x80xi32, #tpu.memory_space<vmem>> -> memref<80xi32, #tpu.memory_space<vmem>>
    %dma_start3A_108 = arith.constant 0 : i32
    %dma_start3A_109 = arith.constant 0 : i32
    %dma_start3A_110 = tpu.memref_slice %arg2[%dma_start3A_108, %dma_start3A_109] : memref<40000x32xf32, #tpu.memory_space<hbm>> -> memref<40000x32xf32, #tpu.memory_space<hbm>>
    tpu.enqueue_indirect_dma source(%dma_start3A_110 : memref<40000x32xf32, #tpu.memory_space<hbm>>) target(%dma_start3A_104 : memref<80x32xf32, #tpu.memory_space<vmem>>) offsets(%dma_start3A_107 : memref<80xi32, #tpu.memory_space<vmem>>) semaphore(%arg19 : memref<!tpu.dma_semaphore, #tpu.memory_space<semaphore_mem>>)
    %dma_start3A_111 = arith.constant 8 : i32
    %dma_start3A_112 = arith.constant 8 : i32
    %dma_start3A_113 = arith.constant 0 : i32
    %dma_start3A_114 = arith.constant 0 : i32
    %dma_start3A_115 = tpu.memref_slice %arg9[%dma_start3A_112, %dma_start3A_113, %dma_start3A_114] : memref<10x80x32xf32, #tpu.memory_space<vmem>> -> memref<1x80x32xf32, #tpu.memory_space<vmem>>
    %dma_start3A_116 = tpu.memref_squeeze %dma_start3A_115 : memref<1x80x32xf32, #tpu.memory_space<vmem>> -> memref<80x32xf32, #tpu.memory_space<vmem>>
    %dma_start3A_117 = arith.constant 0 : i32
    %dma_start3A_118 = tpu.memref_slice %arg8[%dma_start3A_111, %dma_start3A_117] : memref<250x80xi32, #tpu.memory_space<vmem>> -> memref<1x80xi32, #tpu.memory_space<vmem>>
    %dma_start3A_119 = tpu.memref_squeeze %dma_start3A_118 : memref<1x80xi32, #tpu.memory_space<vmem>> -> memref<80xi32, #tpu.memory_space<vmem>>
    %dma_start3A_120 = arith.constant 0 : i32
    %dma_start3A_121 = arith.constant 0 : i32
    %dma_start3A_122 = tpu.memref_slice %arg2[%dma_start3A_120, %dma_start3A_121] : memref<40000x32xf32, #tpu.memory_space<hbm>> -> memref<40000x32xf32, #tpu.memory_space<hbm>>
    tpu.enqueue_indirect_dma source(%dma_start3A_122 : memref<40000x32xf32, #tpu.memory_space<hbm>>) target(%dma_start3A_116 : memref<80x32xf32, #tpu.memory_space<vmem>>) offsets(%dma_start3A_119 : memref<80xi32, #tpu.memory_space<vmem>>) semaphore(%arg20 : memref<!tpu.dma_semaphore, #tpu.memory_space<semaphore_mem>>)
    %dma_start3A_123 = arith.constant 9 : i32
    %dma_start3A_124 = arith.constant 9 : i32
    %dma_start3A_125 = arith.constant 0 : i32
    %dma_start3A_126 = arith.constant 0 : i32
    %dma_start3A_127 = tpu.memref_slice %arg9[%dma_start3A_124, %dma_start3A_125, %dma_start3A_126] : memref<10x80x32xf32, #tpu.memory_space<vmem>> -> memref<1x80x32xf32, #tpu.memory_space<vmem>>
    %dma_start3A_128 = tpu.memref_squeeze %dma_start3A_127 : memref<1x80x32xf32, #tpu.memory_space<vmem>> -> memref<80x32xf32, #tpu.memory_space<vmem>>
    %dma_start3A_129 = arith.constant 0 : i32
    %dma_start3A_130 = tpu.memref_slice %arg8[%dma_start3A_123, %dma_start3A_129] : memref<250x80xi32, #tpu.memory_space<vmem>> -> memref<1x80xi32, #tpu.memory_space<vmem>>
    %dma_start3A_131 = tpu.memref_squeeze %dma_start3A_130 : memref<1x80xi32, #tpu.memory_space<vmem>> -> memref<80xi32, #tpu.memory_space<vmem>>
    %dma_start3A_132 = arith.constant 0 : i32
    %dma_start3A_133 = arith.constant 0 : i32
    %dma_start3A_134 = tpu.memref_slice %arg2[%dma_start3A_132, %dma_start3A_133] : memref<40000x32xf32, #tpu.memory_space<hbm>> -> memref<40000x32xf32, #tpu.memory_space<hbm>>
    tpu.enqueue_indirect_dma source(%dma_start3A_134 : memref<40000x32xf32, #tpu.memory_space<hbm>>) target(%dma_start3A_128 : memref<80x32xf32, #tpu.memory_space<vmem>>) offsets(%dma_start3A_131 : memref<80xi32, #tpu.memory_space<vmem>>) semaphore(%arg21 : memref<!tpu.dma_semaphore, #tpu.memory_space<semaphore_mem>>)
    %scan3A_135 = arith.constant 0 : i32
    %scan3A_136 = arith.constant 0 : i32
    %scan3A_137 = arith.constant 25 : i32
    %scan3A_138 = arith.addi %scan3A_136, %scan3A_137 : i32
    %scan3A_139 = arith.constant 1 : i32
    scf.for %scan3A_284 = %scan3A_136 to %scan3A_138 step %scan3A_139  : i32 {
      %mul3A_285 = arith.constant 10 : i32
      %mul3A_286 = arith.muli %scan3A_284, %mul3A_285 : i32
      %add3A_287 = arith.constant 0 : i32
      %add3A_288 = arith.addi %mul3A_286, %add3A_287 : i32
      %dma_wait3A = arith.constant 0 : i32
      %dma_wait3A_289 = arith.constant 0 : i32
      %dma_wait3A_290 = arith.constant 0 : i32
      %dma_wait3A_291 = tpu.memref_slice %arg9[%dma_wait3A, %dma_wait3A_289, %dma_wait3A_290] : memref<10x80x32xf32, #tpu.memory_space<vmem>> -> memref<1x80x32xf32, #tpu.memory_space<vmem>>
      %dma_wait3A_292 = tpu.memref_squeeze %dma_wait3A_291 : memref<1x80x32xf32, #tpu.memory_space<vmem>> -> memref<80x32xf32, #tpu.memory_space<vmem>>
      %dma_wait3A_293 = arith.constant 0 : i32
      %dma_wait3A_294 = arith.constant 0 : i32
      %dma_wait3A_295 = tpu.memref_slice %arg2[%dma_wait3A_293, %dma_wait3A_294] : memref<40000x32xf32, #tpu.memory_space<hbm>> -> memref<80x32xf32, #tpu.memory_space<hbm>>
      %dma_wait3A_296 = arith.constant 0 : i32
      %dma_wait3A_297 = arith.constant 0 : i32
      %dma_wait3A_298 = tpu.memref_slice %arg9[%dma_wait3A, %dma_wait3A_296, %dma_wait3A_297] : memref<10x80x32xf32, #tpu.memory_space<vmem>> -> memref<1x80x32xf32, #tpu.memory_space<vmem>>
      %dma_wait3A_299 = tpu.memref_squeeze %dma_wait3A_298 : memref<1x80x32xf32, #tpu.memory_space<vmem>> -> memref<80x32xf32, #tpu.memory_space<vmem>>
      %dma_wait3A_300 = arith.constant 0 : i32
      %dma_wait3A_301 = arith.constant 0 : i32
      %dma_wait3A_302 = tpu.memref_slice %arg2[%dma_wait3A_300, %dma_wait3A_301] : memref<40000x32xf32, #tpu.memory_space<hbm>> -> memref<80x32xf32, #tpu.memory_space<hbm>>
      tpu.wait_dma2 semaphore(%arg12 : memref<!tpu.dma_semaphore, #tpu.memory_space<semaphore_mem>>) src(%dma_wait3A_302 : memref<80x32xf32, #tpu.memory_space<hbm>>) dst(%dma_wait3A_299 : memref<80x32xf32, #tpu.memory_space<vmem>>)
      %run_scoped3A = arith.constant 0 : i32
      "tpu.region"() ({
        %run_scoped3A_550 = tpu.sem_alloc : memref<!tpu.dma_semaphore, #tpu.memory_space<semaphore_mem>>
        %dma_start3A_551 = arith.constant 0 : i32
        %dma_start3A_552 = arith.constant 0 : i32
        %dma_start3A_553 = tpu.memref_slice %arg9[%run_scoped3A, %dma_start3A_551, %dma_start3A_552] : memref<10x80x32xf32, #tpu.memory_space<vmem>> -> memref<1x80x32xf32, #tpu.memory_space<vmem>>
        %dma_start3A_554 = tpu.memref_squeeze %dma_start3A_553 : memref<1x80x32xf32, #tpu.memory_space<vmem>> -> memref<80x32xf32, #tpu.memory_space<vmem>>
        %dma_start3A_555 = arith.constant 0 : i32
        %dma_start3A_556 = tpu.memref_slice %arg7[%add3A_288, %dma_start3A_555] : memref<250x80xi32, #tpu.memory_space<vmem>> -> memref<1x80xi32, #tpu.memory_space<vmem>>
        %dma_start3A_557 = tpu.memref_squeeze %dma_start3A_556 : memref<1x80xi32, #tpu.memory_space<vmem>> -> memref<80xi32, #tpu.memory_space<vmem>>
        %dma_start3A_558 = arith.constant 0 : i32
        %dma_start3A_559 = arith.constant 0 : i32
        %dma_start3A_560 = tpu.memref_slice %arg11[%dma_start3A_558, %dma_start3A_559] : memref<10240x32xf32, #tpu.memory_space<vmem_shared>> -> memref<10240x32xf32, #tpu.memory_space<vmem_shared>>
        tpu.enqueue_indirect_dma source(%dma_start3A_554 : memref<80x32xf32, #tpu.memory_space<vmem>>) target(%dma_start3A_560 : memref<10240x32xf32, #tpu.memory_space<vmem_shared>>) offsets(%dma_start3A_557 : memref<80xi32, #tpu.memory_space<vmem>>) semaphore(%run_scoped3A_550 : memref<!tpu.dma_semaphore, #tpu.memory_space<semaphore_mem>>) {add = true}
        %dma_wait3A_561 = arith.constant 0 : i32
        %dma_wait3A_562 = arith.constant 0 : i32
        %dma_wait3A_563 = tpu.memref_slice %arg9[%run_scoped3A, %dma_wait3A_561, %dma_wait3A_562] : memref<10x80x32xf32, #tpu.memory_space<vmem>> -> memref<1x80x32xf32, #tpu.memory_space<vmem>>
        %dma_wait3A_564 = tpu.memref_squeeze %dma_wait3A_563 : memref<1x80x32xf32, #tpu.memory_space<vmem>> -> memref<80x32xf32, #tpu.memory_space<vmem>>
        %dma_wait3A_565 = arith.constant 0 : i32
        %dma_wait3A_566 = tpu.memref_slice %arg7[%add3A_288, %dma_wait3A_565] : memref<250x80xi32, #tpu.memory_space<vmem>> -> memref<1x80xi32, #tpu.memory_space<vmem>>
        %dma_wait3A_567 = tpu.memref_squeeze %dma_wait3A_566 : memref<1x80xi32, #tpu.memory_space<vmem>> -> memref<80xi32, #tpu.memory_space<vmem>>
        %dma_wait3A_568 = arith.constant 0 : i32
        %dma_wait3A_569 = arith.constant 0 : i32
        %dma_wait3A_570 = tpu.memref_slice %arg11[%dma_wait3A_568, %dma_wait3A_569] : memref<10240x32xf32, #tpu.memory_space<vmem_shared>> -> memref<10240x32xf32, #tpu.memory_space<vmem_shared>>
        tpu.wait_indirect_dma semaphore(%run_scoped3A_550 : memref<!tpu.dma_semaphore, #tpu.memory_space<semaphore_mem>>) src(%dma_wait3A_564 : memref<80x32xf32, #tpu.memory_space<vmem>>) dst(%dma_wait3A_570 : memref<10240x32xf32, #tpu.memory_space<vmem_shared>>)
        tpu.yield
      }) : () -> ()
      %add3A_303 = arith.constant 10 : i32
      %add3A_304 = arith.addi %add3A_288, %add3A_303 : i32
      %lt3A = arith.constant 250 : i32
      %lt3A_305 = arith.cmpi slt, %add3A_304, %lt3A : i32
      %convert_element_type3A = arith.extui %lt3A_305 : i1 to i32
      %cond3A = arith.constant 0 : i32
      %cond3A_306 = arith.cmpi ne, %convert_element_type3A, %cond3A : i32
      scf.if %cond3A_306 {
        %add3A_550 = arith.constant 10 : i32
        %add3A_551 = arith.addi %add3A_288, %add3A_550 : i32
        %dma_start3A_552 = arith.constant 0 : i32
        %dma_start3A_553 = arith.constant 0 : i32
        %dma_start3A_554 = arith.constant 0 : i32
        %dma_start3A_555 = tpu.memref_slice %arg9[%dma_start3A_552, %dma_start3A_553, %dma_start3A_554] : memref<10x80x32xf32, #tpu.memory_space<vmem>> -> memref<1x80x32xf32, #tpu.memory_space<vmem>>
        %dma_start3A_556 = tpu.memref_squeeze %dma_start3A_555 : memref<1x80x32xf32, #tpu.memory_space<vmem>> -> memref<80x32xf32, #tpu.memory_space<vmem>>
        %dma_start3A_557 = arith.constant 0 : i32
        %dma_start3A_558 = tpu.memref_slice %arg8[%add3A_551, %dma_start3A_557] : memref<250x80xi32, #tpu.memory_space<vmem>> -> memref<1x80xi32, #tpu.memory_space<vmem>>
        %dma_start3A_559 = tpu.memref_squeeze %dma_start3A_558 : memref<1x80xi32, #tpu.memory_space<vmem>> -> memref<80xi32, #tpu.memory_space<vmem>>
        %dma_start3A_560 = arith.constant 0 : i32
        %dma_start3A_561 = arith.constant 0 : i32
        %dma_start3A_562 = tpu.memref_slice %arg2[%dma_start3A_560, %dma_start3A_561] : memref<40000x32xf32, #tpu.memory_space<hbm>> -> memref<40000x32xf32, #tpu.memory_space<hbm>>
        tpu.enqueue_indirect_dma source(%dma_start3A_562 : memref<40000x32xf32, #tpu.memory_space<hbm>>) target(%dma_start3A_556 : memref<80x32xf32, #tpu.memory_space<vmem>>) offsets(%dma_start3A_559 : memref<80xi32, #tpu.memory_space<vmem>>) semaphore(%arg12 : memref<!tpu.dma_semaphore, #tpu.memory_space<semaphore_mem>>)
      } else {
      }
      %mul3A_307 = arith.constant 10 : i32
      %mul3A_308 = arith.muli %scan3A_284, %mul3A_307 : i32
      %add3A_309 = arith.constant 1 : i32
      %add3A_310 = arith.addi %mul3A_308, %add3A_309 : i32
      %dma_wait3A_311 = arith.constant 1 : i32
      %dma_wait3A_312 = arith.constant 0 : i32
      %dma_wait3A_313 = arith.constant 0 : i32
      %dma_wait3A_314 = tpu.memref_slice %arg9[%dma_wait3A_311, %dma_wait3A_312, %dma_wait3A_313] : memref<10x80x32xf32, #tpu.memory_space<vmem>> -> memref<1x80x32xf32, #tpu.memory_space<vmem>>
      %dma_wait3A_315 = tpu.memref_squeeze %dma_wait3A_314 : memref<1x80x32xf32, #tpu.memory_space<vmem>> -> memref<80x32xf32, #tpu.memory_space<vmem>>
      %dma_wait3A_316 = arith.constant 0 : i32
      %dma_wait3A_317 = arith.constant 0 : i32
      %dma_wait3A_318 = tpu.memref_slice %arg2[%dma_wait3A_316, %dma_wait3A_317] : memref<40000x32xf32, #tpu.memory_space<hbm>> -> memref<80x32xf32, #tpu.memory_space<hbm>>
      %dma_wait3A_319 = arith.constant 0 : i32
      %dma_wait3A_320 = arith.constant 0 : i32
      %dma_wait3A_321 = tpu.memref_slice %arg9[%dma_wait3A_311, %dma_wait3A_319, %dma_wait3A_320] : memref<10x80x32xf32, #tpu.memory_space<vmem>> -> memref<1x80x32xf32, #tpu.memory_space<vmem>>
      %dma_wait3A_322 = tpu.memref_squeeze %dma_wait3A_321 : memref<1x80x32xf32, #tpu.memory_space<vmem>> -> memref<80x32xf32, #tpu.memory_space<vmem>>
      %dma_wait3A_323 = arith.constant 0 : i32
      %dma_wait3A_324 = arith.constant 0 : i32
      %dma_wait3A_325 = tpu.memref_slice %arg2[%dma_wait3A_323, %dma_wait3A_324] : memref<40000x32xf32, #tpu.memory_space<hbm>> -> memref<80x32xf32, #tpu.memory_space<hbm>>
      tpu.wait_dma2 semaphore(%arg13 : memref<!tpu.dma_semaphore, #tpu.memory_space<semaphore_mem>>) src(%dma_wait3A_325 : memref<80x32xf32, #tpu.memory_space<hbm>>) dst(%dma_wait3A_322 : memref<80x32xf32, #tpu.memory_space<vmem>>)
      %run_scoped3A_326 = arith.constant 1 : i32
      "tpu.region"() ({
        %run_scoped3A_550 = tpu.sem_alloc : memref<!tpu.dma_semaphore, #tpu.memory_space<semaphore_mem>>
        %dma_start3A_551 = arith.constant 0 : i32
        %dma_start3A_552 = arith.constant 0 : i32
        %dma_start3A_553 = tpu.memref_slice %arg9[%run_scoped3A_326, %dma_start3A_551, %dma_start3A_552] : memref<10x80x32xf32, #tpu.memory_space<vmem>> -> memref<1x80x32xf32, #tpu.memory_space<vmem>>
        %dma_start3A_554 = tpu.memref_squeeze %dma_start3A_553 : memref<1x80x32xf32, #tpu.memory_space<vmem>> -> memref<80x32xf32, #tpu.memory_space<vmem>>
        %dma_start3A_555 = arith.constant 0 : i32
        %dma_start3A_556 = tpu.memref_slice %arg7[%add3A_310, %dma_start3A_555] : memref<250x80xi32, #tpu.memory_space<vmem>> -> memref<1x80xi32, #tpu.memory_space<vmem>>
        %dma_start3A_557 = tpu.memref_squeeze %dma_start3A_556 : memref<1x80xi32, #tpu.memory_space<vmem>> -> memref<80xi32, #tpu.memory_space<vmem>>
        %dma_start3A_558 = arith.constant 0 : i32
        %dma_start3A_559 = arith.constant 0 : i32
        %dma_start3A_560 = tpu.memref_slice %arg11[%dma_start3A_558, %dma_start3A_559] : memref<10240x32xf32, #tpu.memory_space<vmem_shared>> -> memref<10240x32xf32, #tpu.memory_space<vmem_shared>>
        tpu.enqueue_indirect_dma source(%dma_start3A_554 : memref<80x32xf32, #tpu.memory_space<vmem>>) target(%dma_start3A_560 : memref<10240x32xf32, #tpu.memory_space<vmem_shared>>) offsets(%dma_start3A_557 : memref<80xi32, #tpu.memory_space<vmem>>) semaphore(%run_scoped3A_550 : memref<!tpu.dma_semaphore, #tpu.memory_space<semaphore_mem>>) {add = true}
        %dma_wait3A_561 = arith.constant 0 : i32
        %dma_wait3A_562 = arith.constant 0 : i32
        %dma_wait3A_563 = tpu.memref_slice %arg9[%run_scoped3A_326, %dma_wait3A_561, %dma_wait3A_562] : memref<10x80x32xf32, #tpu.memory_space<vmem>> -> memref<1x80x32xf32, #tpu.memory_space<vmem>>
        %dma_wait3A_564 = tpu.memref_squeeze %dma_wait3A_563 : memref<1x80x32xf32, #tpu.memory_space<vmem>> -> memref<80x32xf32, #tpu.memory_space<vmem>>
        %dma_wait3A_565 = arith.constant 0 : i32
        %dma_wait3A_566 = tpu.memref_slice %arg7[%add3A_310, %dma_wait3A_565] : memref<250x80xi32, #tpu.memory_space<vmem>> -> memref<1x80xi32, #tpu.memory_space<vmem>>
        %dma_wait3A_567 = tpu.memref_squeeze %dma_wait3A_566 : memref<1x80xi32, #tpu.memory_space<vmem>> -> memref<80xi32, #tpu.memory_space<vmem>>
        %dma_wait3A_568 = arith.constant 0 : i32
        %dma_wait3A_569 = arith.constant 0 : i32
        %dma_wait3A_570 = tpu.memref_slice %arg11[%dma_wait3A_568, %dma_wait3A_569] : memref<10240x32xf32, #tpu.memory_space<vmem_shared>> -> memref<10240x32xf32, #tpu.memory_space<vmem_shared>>
        tpu.wait_indirect_dma semaphore(%run_scoped3A_550 : memref<!tpu.dma_semaphore, #tpu.memory_space<semaphore_mem>>) src(%dma_wait3A_564 : memref<80x32xf32, #tpu.memory_space<vmem>>) dst(%dma_wait3A_570 : memref<10240x32xf32, #tpu.memory_space<vmem_shared>>)
        tpu.yield
      }) : () -> ()
      %add3A_327 = arith.constant 10 : i32
      %add3A_328 = arith.addi %add3A_310, %add3A_327 : i32
      %lt3A_329 = arith.constant 250 : i32
      %lt3A_330 = arith.cmpi slt, %add3A_328, %lt3A_329 : i32
      %convert_element_type3A_331 = arith.extui %lt3A_330 : i1 to i32
      %cond3A_332 = arith.constant 0 : i32
      %cond3A_333 = arith.cmpi ne, %convert_element_type3A_331, %cond3A_332 : i32
      scf.if %cond3A_333 {
        %add3A_550 = arith.constant 10 : i32
        %add3A_551 = arith.addi %add3A_310, %add3A_550 : i32
        %dma_start3A_552 = arith.constant 1 : i32
        %dma_start3A_553 = arith.constant 0 : i32
        %dma_start3A_554 = arith.constant 0 : i32
        %dma_start3A_555 = tpu.memref_slice %arg9[%dma_start3A_552, %dma_start3A_553, %dma_start3A_554] : memref<10x80x32xf32, #tpu.memory_space<vmem>> -> memref<1x80x32xf32, #tpu.memory_space<vmem>>
        %dma_start3A_556 = tpu.memref_squeeze %dma_start3A_555 : memref<1x80x32xf32, #tpu.memory_space<vmem>> -> memref<80x32xf32, #tpu.memory_space<vmem>>
        %dma_start3A_557 = arith.constant 0 : i32
        %dma_start3A_558 = tpu.memref_slice %arg8[%add3A_551, %dma_start3A_557] : memref<250x80xi32, #tpu.memory_space<vmem>> -> memref<1x80xi32, #tpu.memory_space<vmem>>
        %dma_start3A_559 = tpu.memref_squeeze %dma_start3A_558 : memref<1x80xi32, #tpu.memory_space<vmem>> -> memref<80xi32, #tpu.memory_space<vmem>>
        %dma_start3A_560 = arith.constant 0 : i32
        %dma_start3A_561 = arith.constant 0 : i32
        %dma_start3A_562 = tpu.memref_slice %arg2[%dma_start3A_560, %dma_start3A_561] : memref<40000x32xf32, #tpu.memory_space<hbm>> -> memref<40000x32xf32, #tpu.memory_space<hbm>>
        tpu.enqueue_indirect_dma source(%dma_start3A_562 : memref<40000x32xf32, #tpu.memory_space<hbm>>) target(%dma_start3A_556 : memref<80x32xf32, #tpu.memory_space<vmem>>) offsets(%dma_start3A_559 : memref<80xi32, #tpu.memory_space<vmem>>) semaphore(%arg13 : memref<!tpu.dma_semaphore, #tpu.memory_space<semaphore_mem>>)
      } else {
      }
      %mul3A_334 = arith.constant 10 : i32
      %mul3A_335 = arith.muli %scan3A_284, %mul3A_334 : i32
      %add3A_336 = arith.constant 2 : i32
      %add3A_337 = arith.addi %mul3A_335, %add3A_336 : i32
      %dma_wait3A_338 = arith.constant 2 : i32
      %dma_wait3A_339 = arith.constant 0 : i32
      %dma_wait3A_340 = arith.constant 0 : i32
      %dma_wait3A_341 = tpu.memref_slice %arg9[%dma_wait3A_338, %dma_wait3A_339, %dma_wait3A_340] : memref<10x80x32xf32, #tpu.memory_space<vmem>> -> memref<1x80x32xf32, #tpu.memory_space<vmem>>
      %dma_wait3A_342 = tpu.memref_squeeze %dma_wait3A_341 : memref<1x80x32xf32, #tpu.memory_space<vmem>> -> memref<80x32xf32, #tpu.memory_space<vmem>>
      %dma_wait3A_343 = arith.constant 0 : i32
      %dma_wait3A_344 = arith.constant 0 : i32
      %dma_wait3A_345 = tpu.memref_slice %arg2[%dma_wait3A_343, %dma_wait3A_344] : memref<40000x32xf32, #tpu.memory_space<hbm>> -> memref<80x32xf32, #tpu.memory_space<hbm>>
      %dma_wait3A_346 = arith.constant 0 : i32
      %dma_wait3A_347 = arith.constant 0 : i32
      %dma_wait3A_348 = tpu.memref_slice %arg9[%dma_wait3A_338, %dma_wait3A_346, %dma_wait3A_347] : memref<10x80x32xf32, #tpu.memory_space<vmem>> -> memref<1x80x32xf32, #tpu.memory_space<vmem>>
      %dma_wait3A_349 = tpu.memref_squeeze %dma_wait3A_348 : memref<1x80x32xf32, #tpu.memory_space<vmem>> -> memref<80x32xf32, #tpu.memory_space<vmem>>
      %dma_wait3A_350 = arith.constant 0 : i32
      %dma_wait3A_351 = arith.constant 0 : i32
      %dma_wait3A_352 = tpu.memref_slice %arg2[%dma_wait3A_350, %dma_wait3A_351] : memref<40000x32xf32, #tpu.memory_space<hbm>> -> memref<80x32xf32, #tpu.memory_space<hbm>>
      tpu.wait_dma2 semaphore(%arg14 : memref<!tpu.dma_semaphore, #tpu.memory_space<semaphore_mem>>) src(%dma_wait3A_352 : memref<80x32xf32, #tpu.memory_space<hbm>>) dst(%dma_wait3A_349 : memref<80x32xf32, #tpu.memory_space<vmem>>)
      %run_scoped3A_353 = arith.constant 2 : i32
      "tpu.region"() ({
        %run_scoped3A_550 = tpu.sem_alloc : memref<!tpu.dma_semaphore, #tpu.memory_space<semaphore_mem>>
        %dma_start3A_551 = arith.constant 0 : i32
        %dma_start3A_552 = arith.constant 0 : i32
        %dma_start3A_553 = tpu.memref_slice %arg9[%run_scoped3A_353, %dma_start3A_551, %dma_start3A_552] : memref<10x80x32xf32, #tpu.memory_space<vmem>> -> memref<1x80x32xf32, #tpu.memory_space<vmem>>
        %dma_start3A_554 = tpu.memref_squeeze %dma_start3A_553 : memref<1x80x32xf32, #tpu.memory_space<vmem>> -> memref<80x32xf32, #tpu.memory_space<vmem>>
        %dma_start3A_555 = arith.constant 0 : i32
        %dma_start3A_556 = tpu.memref_slice %arg7[%add3A_337, %dma_start3A_555] : memref<250x80xi32, #tpu.memory_space<vmem>> -> memref<1x80xi32, #tpu.memory_space<vmem>>
        %dma_start3A_557 = tpu.memref_squeeze %dma_start3A_556 : memref<1x80xi32, #tpu.memory_space<vmem>> -> memref<80xi32, #tpu.memory_space<vmem>>
        %dma_start3A_558 = arith.constant 0 : i32
        %dma_start3A_559 = arith.constant 0 : i32
        %dma_start3A_560 = tpu.memref_slice %arg11[%dma_start3A_558, %dma_start3A_559] : memref<10240x32xf32, #tpu.memory_space<vmem_shared>> -> memref<10240x32xf32, #tpu.memory_space<vmem_shared>>
        tpu.enqueue_indirect_dma source(%dma_start3A_554 : memref<80x32xf32, #tpu.memory_space<vmem>>) target(%dma_start3A_560 : memref<10240x32xf32, #tpu.memory_space<vmem_shared>>) offsets(%dma_start3A_557 : memref<80xi32, #tpu.memory_space<vmem>>) semaphore(%run_scoped3A_550 : memref<!tpu.dma_semaphore, #tpu.memory_space<semaphore_mem>>) {add = true}
        %dma_wait3A_561 = arith.constant 0 : i32
        %dma_wait3A_562 = arith.constant 0 : i32
        %dma_wait3A_563 = tpu.memref_slice %arg9[%run_scoped3A_353, %dma_wait3A_561, %dma_wait3A_562] : memref<10x80x32xf32, #tpu.memory_space<vmem>> -> memref<1x80x32xf32, #tpu.memory_space<vmem>>
        %dma_wait3A_564 = tpu.memref_squeeze %dma_wait3A_563 : memref<1x80x32xf32, #tpu.memory_space<vmem>> -> memref<80x32xf32, #tpu.memory_space<vmem>>
        %dma_wait3A_565 = arith.constant 0 : i32
        %dma_wait3A_566 = tpu.memref_slice %arg7[%add3A_337, %dma_wait3A_565] : memref<250x80xi32, #tpu.memory_space<vmem>> -> memref<1x80xi32, #tpu.memory_space<vmem>>
        %dma_wait3A_567 = tpu.memref_squeeze %dma_wait3A_566 : memref<1x80xi32, #tpu.memory_space<vmem>> -> memref<80xi32, #tpu.memory_space<vmem>>
        %dma_wait3A_568 = arith.constant 0 : i32
        %dma_wait3A_569 = arith.constant 0 : i32
        %dma_wait3A_570 = tpu.memref_slice %arg11[%dma_wait3A_568, %dma_wait3A_569] : memref<10240x32xf32, #tpu.memory_space<vmem_shared>> -> memref<10240x32xf32, #tpu.memory_space<vmem_shared>>
        tpu.wait_indirect_dma semaphore(%run_scoped3A_550 : memref<!tpu.dma_semaphore, #tpu.memory_space<semaphore_mem>>) src(%dma_wait3A_564 : memref<80x32xf32, #tpu.memory_space<vmem>>) dst(%dma_wait3A_570 : memref<10240x32xf32, #tpu.memory_space<vmem_shared>>)
        tpu.yield
      }) : () -> ()
      %add3A_354 = arith.constant 10 : i32
      %add3A_355 = arith.addi %add3A_337, %add3A_354 : i32
      %lt3A_356 = arith.constant 250 : i32
      %lt3A_357 = arith.cmpi slt, %add3A_355, %lt3A_356 : i32
      %convert_element_type3A_358 = arith.extui %lt3A_357 : i1 to i32
      %cond3A_359 = arith.constant 0 : i32
      %cond3A_360 = arith.cmpi ne, %convert_element_type3A_358, %cond3A_359 : i32
      scf.if %cond3A_360 {
        %add3A_550 = arith.constant 10 : i32
        %add3A_551 = arith.addi %add3A_337, %add3A_550 : i32
        %dma_start3A_552 = arith.constant 2 : i32
        %dma_start3A_553 = arith.constant 0 : i32
        %dma_start3A_554 = arith.constant 0 : i32
        %dma_start3A_555 = tpu.memref_slice %arg9[%dma_start3A_552, %dma_start3A_553, %dma_start3A_554] : memref<10x80x32xf32, #tpu.memory_space<vmem>> -> memref<1x80x32xf32, #tpu.memory_space<vmem>>
        %dma_start3A_556 = tpu.memref_squeeze %dma_start3A_555 : memref<1x80x32xf32, #tpu.memory_space<vmem>> -> memref<80x32xf32, #tpu.memory_space<vmem>>
        %dma_start3A_557 = arith.constant 0 : i32
        %dma_start3A_558 = tpu.memref_slice %arg8[%add3A_551, %dma_start3A_557] : memref<250x80xi32, #tpu.memory_space<vmem>> -> memref<1x80xi32, #tpu.memory_space<vmem>>
        %dma_start3A_559 = tpu.memref_squeeze %dma_start3A_558 : memref<1x80xi32, #tpu.memory_space<vmem>> -> memref<80xi32, #tpu.memory_space<vmem>>
        %dma_start3A_560 = arith.constant 0 : i32
        %dma_start3A_561 = arith.constant 0 : i32
        %dma_start3A_562 = tpu.memref_slice %arg2[%dma_start3A_560, %dma_start3A_561] : memref<40000x32xf32, #tpu.memory_space<hbm>> -> memref<40000x32xf32, #tpu.memory_space<hbm>>
        tpu.enqueue_indirect_dma source(%dma_start3A_562 : memref<40000x32xf32, #tpu.memory_space<hbm>>) target(%dma_start3A_556 : memref<80x32xf32, #tpu.memory_space<vmem>>) offsets(%dma_start3A_559 : memref<80xi32, #tpu.memory_space<vmem>>) semaphore(%arg14 : memref<!tpu.dma_semaphore, #tpu.memory_space<semaphore_mem>>)
      } else {
      }
      %mul3A_361 = arith.constant 10 : i32
      %mul3A_362 = arith.muli %scan3A_284, %mul3A_361 : i32
      %add3A_363 = arith.constant 3 : i32
      %add3A_364 = arith.addi %mul3A_362, %add3A_363 : i32
      %dma_wait3A_365 = arith.constant 3 : i32
      %dma_wait3A_366 = arith.constant 0 : i32
      %dma_wait3A_367 = arith.constant 0 : i32
      %dma_wait3A_368 = tpu.memref_slice %arg9[%dma_wait3A_365, %dma_wait3A_366, %dma_wait3A_367] : memref<10x80x32xf32, #tpu.memory_space<vmem>> -> memref<1x80x32xf32, #tpu.memory_space<vmem>>
      %dma_wait3A_369 = tpu.memref_squeeze %dma_wait3A_368 : memref<1x80x32xf32, #tpu.memory_space<vmem>> -> memref<80x32xf32, #tpu.memory_space<vmem>>
      %dma_wait3A_370 = arith.constant 0 : i32
      %dma_wait3A_371 = arith.constant 0 : i32
      %dma_wait3A_372 = tpu.memref_slice %arg2[%dma_wait3A_370, %dma_wait3A_371] : memref<40000x32xf32, #tpu.memory_space<hbm>> -> memref<80x32xf32, #tpu.memory_space<hbm>>
      %dma_wait3A_373 = arith.constant 0 : i32
      %dma_wait3A_374 = arith.constant 0 : i32
      %dma_wait3A_375 = tpu.memref_slice %arg9[%dma_wait3A_365, %dma_wait3A_373, %dma_wait3A_374] : memref<10x80x32xf32, #tpu.memory_space<vmem>> -> memref<1x80x32xf32, #tpu.memory_space<vmem>>
      %dma_wait3A_376 = tpu.memref_squeeze %dma_wait3A_375 : memref<1x80x32xf32, #tpu.memory_space<vmem>> -> memref<80x32xf32, #tpu.memory_space<vmem>>
      %dma_wait3A_377 = arith.constant 0 : i32
      %dma_wait3A_378 = arith.constant 0 : i32
      %dma_wait3A_379 = tpu.memref_slice %arg2[%dma_wait3A_377, %dma_wait3A_378] : memref<40000x32xf32, #tpu.memory_space<hbm>> -> memref<80x32xf32, #tpu.memory_space<hbm>>
      tpu.wait_dma2 semaphore(%arg15 : memref<!tpu.dma_semaphore, #tpu.memory_space<semaphore_mem>>) src(%dma_wait3A_379 : memref<80x32xf32, #tpu.memory_space<hbm>>) dst(%dma_wait3A_376 : memref<80x32xf32, #tpu.memory_space<vmem>>)
      %run_scoped3A_380 = arith.constant 3 : i32
      "tpu.region"() ({
        %run_scoped3A_550 = tpu.sem_alloc : memref<!tpu.dma_semaphore, #tpu.memory_space<semaphore_mem>>
        %dma_start3A_551 = arith.constant 0 : i32
        %dma_start3A_552 = arith.constant 0 : i32
        %dma_start3A_553 = tpu.memref_slice %arg9[%run_scoped3A_380, %dma_start3A_551, %dma_start3A_552] : memref<10x80x32xf32, #tpu.memory_space<vmem>> -> memref<1x80x32xf32, #tpu.memory_space<vmem>>
        %dma_start3A_554 = tpu.memref_squeeze %dma_start3A_553 : memref<1x80x32xf32, #tpu.memory_space<vmem>> -> memref<80x32xf32, #tpu.memory_space<vmem>>
        %dma_start3A_555 = arith.constant 0 : i32
        %dma_start3A_556 = tpu.memref_slice %arg7[%add3A_364, %dma_start3A_555] : memref<250x80xi32, #tpu.memory_space<vmem>> -> memref<1x80xi32, #tpu.memory_space<vmem>>
        %dma_start3A_557 = tpu.memref_squeeze %dma_start3A_556 : memref<1x80xi32, #tpu.memory_space<vmem>> -> memref<80xi32, #tpu.memory_space<vmem>>
        %dma_start3A_558 = arith.constant 0 : i32
        %dma_start3A_559 = arith.constant 0 : i32
        %dma_start3A_560 = tpu.memref_slice %arg11[%dma_start3A_558, %dma_start3A_559] : memref<10240x32xf32, #tpu.memory_space<vmem_shared>> -> memref<10240x32xf32, #tpu.memory_space<vmem_shared>>
        tpu.enqueue_indirect_dma source(%dma_start3A_554 : memref<80x32xf32, #tpu.memory_space<vmem>>) target(%dma_start3A_560 : memref<10240x32xf32, #tpu.memory_space<vmem_shared>>) offsets(%dma_start3A_557 : memref<80xi32, #tpu.memory_space<vmem>>) semaphore(%run_scoped3A_550 : memref<!tpu.dma_semaphore, #tpu.memory_space<semaphore_mem>>) {add = true}
        %dma_wait3A_561 = arith.constant 0 : i32
        %dma_wait3A_562 = arith.constant 0 : i32
        %dma_wait3A_563 = tpu.memref_slice %arg9[%run_scoped3A_380, %dma_wait3A_561, %dma_wait3A_562] : memref<10x80x32xf32, #tpu.memory_space<vmem>> -> memref<1x80x32xf32, #tpu.memory_space<vmem>>
        %dma_wait3A_564 = tpu.memref_squeeze %dma_wait3A_563 : memref<1x80x32xf32, #tpu.memory_space<vmem>> -> memref<80x32xf32, #tpu.memory_space<vmem>>
        %dma_wait3A_565 = arith.constant 0 : i32
        %dma_wait3A_566 = tpu.memref_slice %arg7[%add3A_364, %dma_wait3A_565] : memref<250x80xi32, #tpu.memory_space<vmem>> -> memref<1x80xi32, #tpu.memory_space<vmem>>
        %dma_wait3A_567 = tpu.memref_squeeze %dma_wait3A_566 : memref<1x80xi32, #tpu.memory_space<vmem>> -> memref<80xi32, #tpu.memory_space<vmem>>
        %dma_wait3A_568 = arith.constant 0 : i32
        %dma_wait3A_569 = arith.constant 0 : i32
        %dma_wait3A_570 = tpu.memref_slice %arg11[%dma_wait3A_568, %dma_wait3A_569] : memref<10240x32xf32, #tpu.memory_space<vmem_shared>> -> memref<10240x32xf32, #tpu.memory_space<vmem_shared>>
        tpu.wait_indirect_dma semaphore(%run_scoped3A_550 : memref<!tpu.dma_semaphore, #tpu.memory_space<semaphore_mem>>) src(%dma_wait3A_564 : memref<80x32xf32, #tpu.memory_space<vmem>>) dst(%dma_wait3A_570 : memref<10240x32xf32, #tpu.memory_space<vmem_shared>>)
        tpu.yield
      }) : () -> ()
      %add3A_381 = arith.constant 10 : i32
      %add3A_382 = arith.addi %add3A_364, %add3A_381 : i32
      %lt3A_383 = arith.constant 250 : i32
      %lt3A_384 = arith.cmpi slt, %add3A_382, %lt3A_383 : i32
      %convert_element_type3A_385 = arith.extui %lt3A_384 : i1 to i32
      %cond3A_386 = arith.constant 0 : i32
      %cond3A_387 = arith.cmpi ne, %convert_element_type3A_385, %cond3A_386 : i32
      scf.if %cond3A_387 {
        %add3A_550 = arith.constant 10 : i32
        %add3A_551 = arith.addi %add3A_364, %add3A_550 : i32
        %dma_start3A_552 = arith.constant 3 : i32
        %dma_start3A_553 = arith.constant 0 : i32
        %dma_start3A_554 = arith.constant 0 : i32
        %dma_start3A_555 = tpu.memref_slice %arg9[%dma_start3A_552, %dma_start3A_553, %dma_start3A_554] : memref<10x80x32xf32, #tpu.memory_space<vmem>> -> memref<1x80x32xf32, #tpu.memory_space<vmem>>
        %dma_start3A_556 = tpu.memref_squeeze %dma_start3A_555 : memref<1x80x32xf32, #tpu.memory_space<vmem>> -> memref<80x32xf32, #tpu.memory_space<vmem>>
        %dma_start3A_557 = arith.constant 0 : i32
        %dma_start3A_558 = tpu.memref_slice %arg8[%add3A_551, %dma_start3A_557] : memref<250x80xi32, #tpu.memory_space<vmem>> -> memref<1x80xi32, #tpu.memory_space<vmem>>
        %dma_start3A_559 = tpu.memref_squeeze %dma_start3A_558 : memref<1x80xi32, #tpu.memory_space<vmem>> -> memref<80xi32, #tpu.memory_space<vmem>>
        %dma_start3A_560 = arith.constant 0 : i32
        %dma_start3A_561 = arith.constant 0 : i32
        %dma_start3A_562 = tpu.memref_slice %arg2[%dma_start3A_560, %dma_start3A_561] : memref<40000x32xf32, #tpu.memory_space<hbm>> -> memref<40000x32xf32, #tpu.memory_space<hbm>>
        tpu.enqueue_indirect_dma source(%dma_start3A_562 : memref<40000x32xf32, #tpu.memory_space<hbm>>) target(%dma_start3A_556 : memref<80x32xf32, #tpu.memory_space<vmem>>) offsets(%dma_start3A_559 : memref<80xi32, #tpu.memory_space<vmem>>) semaphore(%arg15 : memref<!tpu.dma_semaphore, #tpu.memory_space<semaphore_mem>>)
      } else {
      }
      %mul3A_388 = arith.constant 10 : i32
      %mul3A_389 = arith.muli %scan3A_284, %mul3A_388 : i32
      %add3A_390 = arith.constant 4 : i32
      %add3A_391 = arith.addi %mul3A_389, %add3A_390 : i32
      %dma_wait3A_392 = arith.constant 4 : i32
      %dma_wait3A_393 = arith.constant 0 : i32
      %dma_wait3A_394 = arith.constant 0 : i32
      %dma_wait3A_395 = tpu.memref_slice %arg9[%dma_wait3A_392, %dma_wait3A_393, %dma_wait3A_394] : memref<10x80x32xf32, #tpu.memory_space<vmem>> -> memref<1x80x32xf32, #tpu.memory_space<vmem>>
      %dma_wait3A_396 = tpu.memref_squeeze %dma_wait3A_395 : memref<1x80x32xf32, #tpu.memory_space<vmem>> -> memref<80x32xf32, #tpu.memory_space<vmem>>
      %dma_wait3A_397 = arith.constant 0 : i32
      %dma_wait3A_398 = arith.constant 0 : i32
      %dma_wait3A_399 = tpu.memref_slice %arg2[%dma_wait3A_397, %dma_wait3A_398] : memref<40000x32xf32, #tpu.memory_space<hbm>> -> memref<80x32xf32, #tpu.memory_space<hbm>>
      %dma_wait3A_400 = arith.constant 0 : i32
      %dma_wait3A_401 = arith.constant 0 : i32
      %dma_wait3A_402 = tpu.memref_slice %arg9[%dma_wait3A_392, %dma_wait3A_400, %dma_wait3A_401] : memref<10x80x32xf32, #tpu.memory_space<vmem>> -> memref<1x80x32xf32, #tpu.memory_space<vmem>>
      %dma_wait3A_403 = tpu.memref_squeeze %dma_wait3A_402 : memref<1x80x32xf32, #tpu.memory_space<vmem>> -> memref<80x32xf32, #tpu.memory_space<vmem>>
      %dma_wait3A_404 = arith.constant 0 : i32
      %dma_wait3A_405 = arith.constant 0 : i32
      %dma_wait3A_406 = tpu.memref_slice %arg2[%dma_wait3A_404, %dma_wait3A_405] : memref<40000x32xf32, #tpu.memory_space<hbm>> -> memref<80x32xf32, #tpu.memory_space<hbm>>
      tpu.wait_dma2 semaphore(%arg16 : memref<!tpu.dma_semaphore, #tpu.memory_space<semaphore_mem>>) src(%dma_wait3A_406 : memref<80x32xf32, #tpu.memory_space<hbm>>) dst(%dma_wait3A_403 : memref<80x32xf32, #tpu.memory_space<vmem>>)
      %run_scoped3A_407 = arith.constant 4 : i32
      "tpu.region"() ({
        %run_scoped3A_550 = tpu.sem_alloc : memref<!tpu.dma_semaphore, #tpu.memory_space<semaphore_mem>>
        %dma_start3A_551 = arith.constant 0 : i32
        %dma_start3A_552 = arith.constant 0 : i32
        %dma_start3A_553 = tpu.memref_slice %arg9[%run_scoped3A_407, %dma_start3A_551, %dma_start3A_552] : memref<10x80x32xf32, #tpu.memory_space<vmem>> -> memref<1x80x32xf32, #tpu.memory_space<vmem>>
        %dma_start3A_554 = tpu.memref_squeeze %dma_start3A_553 : memref<1x80x32xf32, #tpu.memory_space<vmem>> -> memref<80x32xf32, #tpu.memory_space<vmem>>
        %dma_start3A_555 = arith.constant 0 : i32
        %dma_start3A_556 = tpu.memref_slice %arg7[%add3A_391, %dma_start3A_555] : memref<250x80xi32, #tpu.memory_space<vmem>> -> memref<1x80xi32, #tpu.memory_space<vmem>>
        %dma_start3A_557 = tpu.memref_squeeze %dma_start3A_556 : memref<1x80xi32, #tpu.memory_space<vmem>> -> memref<80xi32, #tpu.memory_space<vmem>>
        %dma_start3A_558 = arith.constant 0 : i32
        %dma_start3A_559 = arith.constant 0 : i32
        %dma_start3A_560 = tpu.memref_slice %arg11[%dma_start3A_558, %dma_start3A_559] : memref<10240x32xf32, #tpu.memory_space<vmem_shared>> -> memref<10240x32xf32, #tpu.memory_space<vmem_shared>>
        tpu.enqueue_indirect_dma source(%dma_start3A_554 : memref<80x32xf32, #tpu.memory_space<vmem>>) target(%dma_start3A_560 : memref<10240x32xf32, #tpu.memory_space<vmem_shared>>) offsets(%dma_start3A_557 : memref<80xi32, #tpu.memory_space<vmem>>) semaphore(%run_scoped3A_550 : memref<!tpu.dma_semaphore, #tpu.memory_space<semaphore_mem>>) {add = true}
        %dma_wait3A_561 = arith.constant 0 : i32
        %dma_wait3A_562 = arith.constant 0 : i32
        %dma_wait3A_563 = tpu.memref_slice %arg9[%run_scoped3A_407, %dma_wait3A_561, %dma_wait3A_562] : memref<10x80x32xf32, #tpu.memory_space<vmem>> -> memref<1x80x32xf32, #tpu.memory_space<vmem>>
        %dma_wait3A_564 = tpu.memref_squeeze %dma_wait3A_563 : memref<1x80x32xf32, #tpu.memory_space<vmem>> -> memref<80x32xf32, #tpu.memory_space<vmem>>
        %dma_wait3A_565 = arith.constant 0 : i32
        %dma_wait3A_566 = tpu.memref_slice %arg7[%add3A_391, %dma_wait3A_565] : memref<250x80xi32, #tpu.memory_space<vmem>> -> memref<1x80xi32, #tpu.memory_space<vmem>>
        %dma_wait3A_567 = tpu.memref_squeeze %dma_wait3A_566 : memref<1x80xi32, #tpu.memory_space<vmem>> -> memref<80xi32, #tpu.memory_space<vmem>>
        %dma_wait3A_568 = arith.constant 0 : i32
        %dma_wait3A_569 = arith.constant 0 : i32
        %dma_wait3A_570 = tpu.memref_slice %arg11[%dma_wait3A_568, %dma_wait3A_569] : memref<10240x32xf32, #tpu.memory_space<vmem_shared>> -> memref<10240x32xf32, #tpu.memory_space<vmem_shared>>
        tpu.wait_indirect_dma semaphore(%run_scoped3A_550 : memref<!tpu.dma_semaphore, #tpu.memory_space<semaphore_mem>>) src(%dma_wait3A_564 : memref<80x32xf32, #tpu.memory_space<vmem>>) dst(%dma_wait3A_570 : memref<10240x32xf32, #tpu.memory_space<vmem_shared>>)
        tpu.yield
      }) : () -> ()
      %add3A_408 = arith.constant 10 : i32
      %add3A_409 = arith.addi %add3A_391, %add3A_408 : i32
      %lt3A_410 = arith.constant 250 : i32
      %lt3A_411 = arith.cmpi slt, %add3A_409, %lt3A_410 : i32
      %convert_element_type3A_412 = arith.extui %lt3A_411 : i1 to i32
      %cond3A_413 = arith.constant 0 : i32
      %cond3A_414 = arith.cmpi ne, %convert_element_type3A_412, %cond3A_413 : i32
      scf.if %cond3A_414 {
        %add3A_550 = arith.constant 10 : i32
        %add3A_551 = arith.addi %add3A_391, %add3A_550 : i32
        %dma_start3A_552 = arith.constant 4 : i32
        %dma_start3A_553 = arith.constant 0 : i32
        %dma_start3A_554 = arith.constant 0 : i32
        %dma_start3A_555 = tpu.memref_slice %arg9[%dma_start3A_552, %dma_start3A_553, %dma_start3A_554] : memref<10x80x32xf32, #tpu.memory_space<vmem>> -> memref<1x80x32xf32, #tpu.memory_space<vmem>>
        %dma_start3A_556 = tpu.memref_squeeze %dma_start3A_555 : memref<1x80x32xf32, #tpu.memory_space<vmem>> -> memref<80x32xf32, #tpu.memory_space<vmem>>
        %dma_start3A_557 = arith.constant 0 : i32
        %dma_start3A_558 = tpu.memref_slice %arg8[%add3A_551, %dma_start3A_557] : memref<250x80xi32, #tpu.memory_space<vmem>> -> memref<1x80xi32, #tpu.memory_space<vmem>>
        %dma_start3A_559 = tpu.memref_squeeze %dma_start3A_558 : memref<1x80xi32, #tpu.memory_space<vmem>> -> memref<80xi32, #tpu.memory_space<vmem>>
        %dma_start3A_560 = arith.constant 0 : i32
        %dma_start3A_561 = arith.constant 0 : i32
        %dma_start3A_562 = tpu.memref_slice %arg2[%dma_start3A_560, %dma_start3A_561] : memref<40000x32xf32, #tpu.memory_space<hbm>> -> memref<40000x32xf32, #tpu.memory_space<hbm>>
        tpu.enqueue_indirect_dma source(%dma_start3A_562 : memref<40000x32xf32, #tpu.memory_space<hbm>>) target(%dma_start3A_556 : memref<80x32xf32, #tpu.memory_space<vmem>>) offsets(%dma_start3A_559 : memref<80xi32, #tpu.memory_space<vmem>>) semaphore(%arg16 : memref<!tpu.dma_semaphore, #tpu.memory_space<semaphore_mem>>)
      } else {
      }
      %mul3A_415 = arith.constant 10 : i32
      %mul3A_416 = arith.muli %scan3A_284, %mul3A_415 : i32
      %add3A_417 = arith.constant 5 : i32
      %add3A_418 = arith.addi %mul3A_416, %add3A_417 : i32
      %dma_wait3A_419 = arith.constant 5 : i32
      %dma_wait3A_420 = arith.constant 0 : i32
      %dma_wait3A_421 = arith.constant 0 : i32
      %dma_wait3A_422 = tpu.memref_slice %arg9[%dma_wait3A_419, %dma_wait3A_420, %dma_wait3A_421] : memref<10x80x32xf32, #tpu.memory_space<vmem>> -> memref<1x80x32xf32, #tpu.memory_space<vmem>>
      %dma_wait3A_423 = tpu.memref_squeeze %dma_wait3A_422 : memref<1x80x32xf32, #tpu.memory_space<vmem>> -> memref<80x32xf32, #tpu.memory_space<vmem>>
      %dma_wait3A_424 = arith.constant 0 : i32
      %dma_wait3A_425 = arith.constant 0 : i32
      %dma_wait3A_426 = tpu.memref_slice %arg2[%dma_wait3A_424, %dma_wait3A_425] : memref<40000x32xf32, #tpu.memory_space<hbm>> -> memref<80x32xf32, #tpu.memory_space<hbm>>
      %dma_wait3A_427 = arith.constant 0 : i32
      %dma_wait3A_428 = arith.constant 0 : i32
      %dma_wait3A_429 = tpu.memref_slice %arg9[%dma_wait3A_419, %dma_wait3A_427, %dma_wait3A_428] : memref<10x80x32xf32, #tpu.memory_space<vmem>> -> memref<1x80x32xf32, #tpu.memory_space<vmem>>
      %dma_wait3A_430 = tpu.memref_squeeze %dma_wait3A_429 : memref<1x80x32xf32, #tpu.memory_space<vmem>> -> memref<80x32xf32, #tpu.memory_space<vmem>>
      %dma_wait3A_431 = arith.constant 0 : i32
      %dma_wait3A_432 = arith.constant 0 : i32
      %dma_wait3A_433 = tpu.memref_slice %arg2[%dma_wait3A_431, %dma_wait3A_432] : memref<40000x32xf32, #tpu.memory_space<hbm>> -> memref<80x32xf32, #tpu.memory_space<hbm>>
      tpu.wait_dma2 semaphore(%arg17 : memref<!tpu.dma_semaphore, #tpu.memory_space<semaphore_mem>>) src(%dma_wait3A_433 : memref<80x32xf32, #tpu.memory_space<hbm>>) dst(%dma_wait3A_430 : memref<80x32xf32, #tpu.memory_space<vmem>>)
      %run_scoped3A_434 = arith.constant 5 : i32
      "tpu.region"() ({
        %run_scoped3A_550 = tpu.sem_alloc : memref<!tpu.dma_semaphore, #tpu.memory_space<semaphore_mem>>
        %dma_start3A_551 = arith.constant 0 : i32
        %dma_start3A_552 = arith.constant 0 : i32
        %dma_start3A_553 = tpu.memref_slice %arg9[%run_scoped3A_434, %dma_start3A_551, %dma_start3A_552] : memref<10x80x32xf32, #tpu.memory_space<vmem>> -> memref<1x80x32xf32, #tpu.memory_space<vmem>>
        %dma_start3A_554 = tpu.memref_squeeze %dma_start3A_553 : memref<1x80x32xf32, #tpu.memory_space<vmem>> -> memref<80x32xf32, #tpu.memory_space<vmem>>
        %dma_start3A_555 = arith.constant 0 : i32
        %dma_start3A_556 = tpu.memref_slice %arg7[%add3A_418, %dma_start3A_555] : memref<250x80xi32, #tpu.memory_space<vmem>> -> memref<1x80xi32, #tpu.memory_space<vmem>>
        %dma_start3A_557 = tpu.memref_squeeze %dma_start3A_556 : memref<1x80xi32, #tpu.memory_space<vmem>> -> memref<80xi32, #tpu.memory_space<vmem>>
        %dma_start3A_558 = arith.constant 0 : i32
        %dma_start3A_559 = arith.constant 0 : i32
        %dma_start3A_560 = tpu.memref_slice %arg11[%dma_start3A_558, %dma_start3A_559] : memref<10240x32xf32, #tpu.memory_space<vmem_shared>> -> memref<10240x32xf32, #tpu.memory_space<vmem_shared>>
        tpu.enqueue_indirect_dma source(%dma_start3A_554 : memref<80x32xf32, #tpu.memory_space<vmem>>) target(%dma_start3A_560 : memref<10240x32xf32, #tpu.memory_space<vmem_shared>>) offsets(%dma_start3A_557 : memref<80xi32, #tpu.memory_space<vmem>>) semaphore(%run_scoped3A_550 : memref<!tpu.dma_semaphore, #tpu.memory_space<semaphore_mem>>) {add = true}
        %dma_wait3A_561 = arith.constant 0 : i32
        %dma_wait3A_562 = arith.constant 0 : i32
        %dma_wait3A_563 = tpu.memref_slice %arg9[%run_scoped3A_434, %dma_wait3A_561, %dma_wait3A_562] : memref<10x80x32xf32, #tpu.memory_space<vmem>> -> memref<1x80x32xf32, #tpu.memory_space<vmem>>
        %dma_wait3A_564 = tpu.memref_squeeze %dma_wait3A_563 : memref<1x80x32xf32, #tpu.memory_space<vmem>> -> memref<80x32xf32, #tpu.memory_space<vmem>>
        %dma_wait3A_565 = arith.constant 0 : i32
        %dma_wait3A_566 = tpu.memref_slice %arg7[%add3A_418, %dma_wait3A_565] : memref<250x80xi32, #tpu.memory_space<vmem>> -> memref<1x80xi32, #tpu.memory_space<vmem>>
        %dma_wait3A_567 = tpu.memref_squeeze %dma_wait3A_566 : memref<1x80xi32, #tpu.memory_space<vmem>> -> memref<80xi32, #tpu.memory_space<vmem>>
        %dma_wait3A_568 = arith.constant 0 : i32
        %dma_wait3A_569 = arith.constant 0 : i32
        %dma_wait3A_570 = tpu.memref_slice %arg11[%dma_wait3A_568, %dma_wait3A_569] : memref<10240x32xf32, #tpu.memory_space<vmem_shared>> -> memref<10240x32xf32, #tpu.memory_space<vmem_shared>>
        tpu.wait_indirect_dma semaphore(%run_scoped3A_550 : memref<!tpu.dma_semaphore, #tpu.memory_space<semaphore_mem>>) src(%dma_wait3A_564 : memref<80x32xf32, #tpu.memory_space<vmem>>) dst(%dma_wait3A_570 : memref<10240x32xf32, #tpu.memory_space<vmem_shared>>)
        tpu.yield
      }) : () -> ()
      %add3A_435 = arith.constant 10 : i32
      %add3A_436 = arith.addi %add3A_418, %add3A_435 : i32
      %lt3A_437 = arith.constant 250 : i32
      %lt3A_438 = arith.cmpi slt, %add3A_436, %lt3A_437 : i32
      %convert_element_type3A_439 = arith.extui %lt3A_438 : i1 to i32
      %cond3A_440 = arith.constant 0 : i32
      %cond3A_441 = arith.cmpi ne, %convert_element_type3A_439, %cond3A_440 : i32
      scf.if %cond3A_441 {
        %add3A_550 = arith.constant 10 : i32
        %add3A_551 = arith.addi %add3A_418, %add3A_550 : i32
        %dma_start3A_552 = arith.constant 5 : i32
        %dma_start3A_553 = arith.constant 0 : i32
        %dma_start3A_554 = arith.constant 0 : i32
        %dma_start3A_555 = tpu.memref_slice %arg9[%dma_start3A_552, %dma_start3A_553, %dma_start3A_554] : memref<10x80x32xf32, #tpu.memory_space<vmem>> -> memref<1x80x32xf32, #tpu.memory_space<vmem>>
        %dma_start3A_556 = tpu.memref_squeeze %dma_start3A_555 : memref<1x80x32xf32, #tpu.memory_space<vmem>> -> memref<80x32xf32, #tpu.memory_space<vmem>>
        %dma_start3A_557 = arith.constant 0 : i32
        %dma_start3A_558 = tpu.memref_slice %arg8[%add3A_551, %dma_start3A_557] : memref<250x80xi32, #tpu.memory_space<vmem>> -> memref<1x80xi32, #tpu.memory_space<vmem>>
        %dma_start3A_559 = tpu.memref_squeeze %dma_start3A_558 : memref<1x80xi32, #tpu.memory_space<vmem>> -> memref<80xi32, #tpu.memory_space<vmem>>
        %dma_start3A_560 = arith.constant 0 : i32
        %dma_start3A_561 = arith.constant 0 : i32
        %dma_start3A_562 = tpu.memref_slice %arg2[%dma_start3A_560, %dma_start3A_561] : memref<40000x32xf32, #tpu.memory_space<hbm>> -> memref<40000x32xf32, #tpu.memory_space<hbm>>
        tpu.enqueue_indirect_dma source(%dma_start3A_562 : memref<40000x32xf32, #tpu.memory_space<hbm>>) target(%dma_start3A_556 : memref<80x32xf32, #tpu.memory_space<vmem>>) offsets(%dma_start3A_559 : memref<80xi32, #tpu.memory_space<vmem>>) semaphore(%arg17 : memref<!tpu.dma_semaphore, #tpu.memory_space<semaphore_mem>>)
      } else {
      }
      %mul3A_442 = arith.constant 10 : i32
      %mul3A_443 = arith.muli %scan3A_284, %mul3A_442 : i32
      %add3A_444 = arith.constant 6 : i32
      %add3A_445 = arith.addi %mul3A_443, %add3A_444 : i32
      %dma_wait3A_446 = arith.constant 6 : i32
      %dma_wait3A_447 = arith.constant 0 : i32
      %dma_wait3A_448 = arith.constant 0 : i32
      %dma_wait3A_449 = tpu.memref_slice %arg9[%dma_wait3A_446, %dma_wait3A_447, %dma_wait3A_448] : memref<10x80x32xf32, #tpu.memory_space<vmem>> -> memref<1x80x32xf32, #tpu.memory_space<vmem>>
      %dma_wait3A_450 = tpu.memref_squeeze %dma_wait3A_449 : memref<1x80x32xf32, #tpu.memory_space<vmem>> -> memref<80x32xf32, #tpu.memory_space<vmem>>
      %dma_wait3A_451 = arith.constant 0 : i32
      %dma_wait3A_452 = arith.constant 0 : i32
      %dma_wait3A_453 = tpu.memref_slice %arg2[%dma_wait3A_451, %dma_wait3A_452] : memref<40000x32xf32, #tpu.memory_space<hbm>> -> memref<80x32xf32, #tpu.memory_space<hbm>>
      %dma_wait3A_454 = arith.constant 0 : i32
      %dma_wait3A_455 = arith.constant 0 : i32
      %dma_wait3A_456 = tpu.memref_slice %arg9[%dma_wait3A_446, %dma_wait3A_454, %dma_wait3A_455] : memref<10x80x32xf32, #tpu.memory_space<vmem>> -> memref<1x80x32xf32, #tpu.memory_space<vmem>>
      %dma_wait3A_457 = tpu.memref_squeeze %dma_wait3A_456 : memref<1x80x32xf32, #tpu.memory_space<vmem>> -> memref<80x32xf32, #tpu.memory_space<vmem>>
      %dma_wait3A_458 = arith.constant 0 : i32
      %dma_wait3A_459 = arith.constant 0 : i32
      %dma_wait3A_460 = tpu.memref_slice %arg2[%dma_wait3A_458, %dma_wait3A_459] : memref<40000x32xf32, #tpu.memory_space<hbm>> -> memref<80x32xf32, #tpu.memory_space<hbm>>
      tpu.wait_dma2 semaphore(%arg18 : memref<!tpu.dma_semaphore, #tpu.memory_space<semaphore_mem>>) src(%dma_wait3A_460 : memref<80x32xf32, #tpu.memory_space<hbm>>) dst(%dma_wait3A_457 : memref<80x32xf32, #tpu.memory_space<vmem>>)
      %run_scoped3A_461 = arith.constant 6 : i32
      "tpu.region"() ({
        %run_scoped3A_550 = tpu.sem_alloc : memref<!tpu.dma_semaphore, #tpu.memory_space<semaphore_mem>>
        %dma_start3A_551 = arith.constant 0 : i32
        %dma_start3A_552 = arith.constant 0 : i32
        %dma_start3A_553 = tpu.memref_slice %arg9[%run_scoped3A_461, %dma_start3A_551, %dma_start3A_552] : memref<10x80x32xf32, #tpu.memory_space<vmem>> -> memref<1x80x32xf32, #tpu.memory_space<vmem>>
        %dma_start3A_554 = tpu.memref_squeeze %dma_start3A_553 : memref<1x80x32xf32, #tpu.memory_space<vmem>> -> memref<80x32xf32, #tpu.memory_space<vmem>>
        %dma_start3A_555 = arith.constant 0 : i32
        %dma_start3A_556 = tpu.memref_slice %arg7[%add3A_445, %dma_start3A_555] : memref<250x80xi32, #tpu.memory_space<vmem>> -> memref<1x80xi32, #tpu.memory_space<vmem>>
        %dma_start3A_557 = tpu.memref_squeeze %dma_start3A_556 : memref<1x80xi32, #tpu.memory_space<vmem>> -> memref<80xi32, #tpu.memory_space<vmem>>
        %dma_start3A_558 = arith.constant 0 : i32
        %dma_start3A_559 = arith.constant 0 : i32
        %dma_start3A_560 = tpu.memref_slice %arg11[%dma_start3A_558, %dma_start3A_559] : memref<10240x32xf32, #tpu.memory_space<vmem_shared>> -> memref<10240x32xf32, #tpu.memory_space<vmem_shared>>
        tpu.enqueue_indirect_dma source(%dma_start3A_554 : memref<80x32xf32, #tpu.memory_space<vmem>>) target(%dma_start3A_560 : memref<10240x32xf32, #tpu.memory_space<vmem_shared>>) offsets(%dma_start3A_557 : memref<80xi32, #tpu.memory_space<vmem>>) semaphore(%run_scoped3A_550 : memref<!tpu.dma_semaphore, #tpu.memory_space<semaphore_mem>>) {add = true}
        %dma_wait3A_561 = arith.constant 0 : i32
        %dma_wait3A_562 = arith.constant 0 : i32
        %dma_wait3A_563 = tpu.memref_slice %arg9[%run_scoped3A_461, %dma_wait3A_561, %dma_wait3A_562] : memref<10x80x32xf32, #tpu.memory_space<vmem>> -> memref<1x80x32xf32, #tpu.memory_space<vmem>>
        %dma_wait3A_564 = tpu.memref_squeeze %dma_wait3A_563 : memref<1x80x32xf32, #tpu.memory_space<vmem>> -> memref<80x32xf32, #tpu.memory_space<vmem>>
        %dma_wait3A_565 = arith.constant 0 : i32
        %dma_wait3A_566 = tpu.memref_slice %arg7[%add3A_445, %dma_wait3A_565] : memref<250x80xi32, #tpu.memory_space<vmem>> -> memref<1x80xi32, #tpu.memory_space<vmem>>
        %dma_wait3A_567 = tpu.memref_squeeze %dma_wait3A_566 : memref<1x80xi32, #tpu.memory_space<vmem>> -> memref<80xi32, #tpu.memory_space<vmem>>
        %dma_wait3A_568 = arith.constant 0 : i32
        %dma_wait3A_569 = arith.constant 0 : i32
        %dma_wait3A_570 = tpu.memref_slice %arg11[%dma_wait3A_568, %dma_wait3A_569] : memref<10240x32xf32, #tpu.memory_space<vmem_shared>> -> memref<10240x32xf32, #tpu.memory_space<vmem_shared>>
        tpu.wait_indirect_dma semaphore(%run_scoped3A_550 : memref<!tpu.dma_semaphore, #tpu.memory_space<semaphore_mem>>) src(%dma_wait3A_564 : memref<80x32xf32, #tpu.memory_space<vmem>>) dst(%dma_wait3A_570 : memref<10240x32xf32, #tpu.memory_space<vmem_shared>>)
        tpu.yield
      }) : () -> ()
      %add3A_462 = arith.constant 10 : i32
      %add3A_463 = arith.addi %add3A_445, %add3A_462 : i32
      %lt3A_464 = arith.constant 250 : i32
      %lt3A_465 = arith.cmpi slt, %add3A_463, %lt3A_464 : i32
      %convert_element_type3A_466 = arith.extui %lt3A_465 : i1 to i32
      %cond3A_467 = arith.constant 0 : i32
      %cond3A_468 = arith.cmpi ne, %convert_element_type3A_466, %cond3A_467 : i32
      scf.if %cond3A_468 {
        %add3A_550 = arith.constant 10 : i32
        %add3A_551 = arith.addi %add3A_445, %add3A_550 : i32
        %dma_start3A_552 = arith.constant 6 : i32
        %dma_start3A_553 = arith.constant 0 : i32
        %dma_start3A_554 = arith.constant 0 : i32
        %dma_start3A_555 = tpu.memref_slice %arg9[%dma_start3A_552, %dma_start3A_553, %dma_start3A_554] : memref<10x80x32xf32, #tpu.memory_space<vmem>> -> memref<1x80x32xf32, #tpu.memory_space<vmem>>
        %dma_start3A_556 = tpu.memref_squeeze %dma_start3A_555 : memref<1x80x32xf32, #tpu.memory_space<vmem>> -> memref<80x32xf32, #tpu.memory_space<vmem>>
        %dma_start3A_557 = arith.constant 0 : i32
        %dma_start3A_558 = tpu.memref_slice %arg8[%add3A_551, %dma_start3A_557] : memref<250x80xi32, #tpu.memory_space<vmem>> -> memref<1x80xi32, #tpu.memory_space<vmem>>
        %dma_start3A_559 = tpu.memref_squeeze %dma_start3A_558 : memref<1x80xi32, #tpu.memory_space<vmem>> -> memref<80xi32, #tpu.memory_space<vmem>>
        %dma_start3A_560 = arith.constant 0 : i32
        %dma_start3A_561 = arith.constant 0 : i32
        %dma_start3A_562 = tpu.memref_slice %arg2[%dma_start3A_560, %dma_start3A_561] : memref<40000x32xf32, #tpu.memory_space<hbm>> -> memref<40000x32xf32, #tpu.memory_space<hbm>>
        tpu.enqueue_indirect_dma source(%dma_start3A_562 : memref<40000x32xf32, #tpu.memory_space<hbm>>) target(%dma_start3A_556 : memref<80x32xf32, #tpu.memory_space<vmem>>) offsets(%dma_start3A_559 : memref<80xi32, #tpu.memory_space<vmem>>) semaphore(%arg18 : memref<!tpu.dma_semaphore, #tpu.memory_space<semaphore_mem>>)
      } else {
      }
      %mul3A_469 = arith.constant 10 : i32
      %mul3A_470 = arith.muli %scan3A_284, %mul3A_469 : i32
      %add3A_471 = arith.constant 7 : i32
      %add3A_472 = arith.addi %mul3A_470, %add3A_471 : i32
      %dma_wait3A_473 = arith.constant 7 : i32
      %dma_wait3A_474 = arith.constant 0 : i32
      %dma_wait3A_475 = arith.constant 0 : i32
      %dma_wait3A_476 = tpu.memref_slice %arg9[%dma_wait3A_473, %dma_wait3A_474, %dma_wait3A_475] : memref<10x80x32xf32, #tpu.memory_space<vmem>> -> memref<1x80x32xf32, #tpu.memory_space<vmem>>
      %dma_wait3A_477 = tpu.memref_squeeze %dma_wait3A_476 : memref<1x80x32xf32, #tpu.memory_space<vmem>> -> memref<80x32xf32, #tpu.memory_space<vmem>>
      %dma_wait3A_478 = arith.constant 0 : i32
      %dma_wait3A_479 = arith.constant 0 : i32
      %dma_wait3A_480 = tpu.memref_slice %arg2[%dma_wait3A_478, %dma_wait3A_479] : memref<40000x32xf32, #tpu.memory_space<hbm>> -> memref<80x32xf32, #tpu.memory_space<hbm>>
      %dma_wait3A_481 = arith.constant 0 : i32
      %dma_wait3A_482 = arith.constant 0 : i32
      %dma_wait3A_483 = tpu.memref_slice %arg9[%dma_wait3A_473, %dma_wait3A_481, %dma_wait3A_482] : memref<10x80x32xf32, #tpu.memory_space<vmem>> -> memref<1x80x32xf32, #tpu.memory_space<vmem>>
      %dma_wait3A_484 = tpu.memref_squeeze %dma_wait3A_483 : memref<1x80x32xf32, #tpu.memory_space<vmem>> -> memref<80x32xf32, #tpu.memory_space<vmem>>
      %dma_wait3A_485 = arith.constant 0 : i32
      %dma_wait3A_486 = arith.constant 0 : i32
      %dma_wait3A_487 = tpu.memref_slice %arg2[%dma_wait3A_485, %dma_wait3A_486] : memref<40000x32xf32, #tpu.memory_space<hbm>> -> memref<80x32xf32, #tpu.memory_space<hbm>>
      tpu.wait_dma2 semaphore(%arg19 : memref<!tpu.dma_semaphore, #tpu.memory_space<semaphore_mem>>) src(%dma_wait3A_487 : memref<80x32xf32, #tpu.memory_space<hbm>>) dst(%dma_wait3A_484 : memref<80x32xf32, #tpu.memory_space<vmem>>)
      %run_scoped3A_488 = arith.constant 7 : i32
      "tpu.region"() ({
        %run_scoped3A_550 = tpu.sem_alloc : memref<!tpu.dma_semaphore, #tpu.memory_space<semaphore_mem>>
        %dma_start3A_551 = arith.constant 0 : i32
        %dma_start3A_552 = arith.constant 0 : i32
        %dma_start3A_553 = tpu.memref_slice %arg9[%run_scoped3A_488, %dma_start3A_551, %dma_start3A_552] : memref<10x80x32xf32, #tpu.memory_space<vmem>> -> memref<1x80x32xf32, #tpu.memory_space<vmem>>
        %dma_start3A_554 = tpu.memref_squeeze %dma_start3A_553 : memref<1x80x32xf32, #tpu.memory_space<vmem>> -> memref<80x32xf32, #tpu.memory_space<vmem>>
        %dma_start3A_555 = arith.constant 0 : i32
        %dma_start3A_556 = tpu.memref_slice %arg7[%add3A_472, %dma_start3A_555] : memref<250x80xi32, #tpu.memory_space<vmem>> -> memref<1x80xi32, #tpu.memory_space<vmem>>
        %dma_start3A_557 = tpu.memref_squeeze %dma_start3A_556 : memref<1x80xi32, #tpu.memory_space<vmem>> -> memref<80xi32, #tpu.memory_space<vmem>>
        %dma_start3A_558 = arith.constant 0 : i32
        %dma_start3A_559 = arith.constant 0 : i32
        %dma_start3A_560 = tpu.memref_slice %arg11[%dma_start3A_558, %dma_start3A_559] : memref<10240x32xf32, #tpu.memory_space<vmem_shared>> -> memref<10240x32xf32, #tpu.memory_space<vmem_shared>>
        tpu.enqueue_indirect_dma source(%dma_start3A_554 : memref<80x32xf32, #tpu.memory_space<vmem>>) target(%dma_start3A_560 : memref<10240x32xf32, #tpu.memory_space<vmem_shared>>) offsets(%dma_start3A_557 : memref<80xi32, #tpu.memory_space<vmem>>) semaphore(%run_scoped3A_550 : memref<!tpu.dma_semaphore, #tpu.memory_space<semaphore_mem>>) {add = true}
        %dma_wait3A_561 = arith.constant 0 : i32
        %dma_wait3A_562 = arith.constant 0 : i32
        %dma_wait3A_563 = tpu.memref_slice %arg9[%run_scoped3A_488, %dma_wait3A_561, %dma_wait3A_562] : memref<10x80x32xf32, #tpu.memory_space<vmem>> -> memref<1x80x32xf32, #tpu.memory_space<vmem>>
        %dma_wait3A_564 = tpu.memref_squeeze %dma_wait3A_563 : memref<1x80x32xf32, #tpu.memory_space<vmem>> -> memref<80x32xf32, #tpu.memory_space<vmem>>
        %dma_wait3A_565 = arith.constant 0 : i32
        %dma_wait3A_566 = tpu.memref_slice %arg7[%add3A_472, %dma_wait3A_565] : memref<250x80xi32, #tpu.memory_space<vmem>> -> memref<1x80xi32, #tpu.memory_space<vmem>>
        %dma_wait3A_567 = tpu.memref_squeeze %dma_wait3A_566 : memref<1x80xi32, #tpu.memory_space<vmem>> -> memref<80xi32, #tpu.memory_space<vmem>>
        %dma_wait3A_568 = arith.constant 0 : i32
        %dma_wait3A_569 = arith.constant 0 : i32
        %dma_wait3A_570 = tpu.memref_slice %arg11[%dma_wait3A_568, %dma_wait3A_569] : memref<10240x32xf32, #tpu.memory_space<vmem_shared>> -> memref<10240x32xf32, #tpu.memory_space<vmem_shared>>
        tpu.wait_indirect_dma semaphore(%run_scoped3A_550 : memref<!tpu.dma_semaphore, #tpu.memory_space<semaphore_mem>>) src(%dma_wait3A_564 : memref<80x32xf32, #tpu.memory_space<vmem>>) dst(%dma_wait3A_570 : memref<10240x32xf32, #tpu.memory_space<vmem_shared>>)
        tpu.yield
      }) : () -> ()
      %add3A_489 = arith.constant 10 : i32
      %add3A_490 = arith.addi %add3A_472, %add3A_489 : i32
      %lt3A_491 = arith.constant 250 : i32
      %lt3A_492 = arith.cmpi slt, %add3A_490, %lt3A_491 : i32
      %convert_element_type3A_493 = arith.extui %lt3A_492 : i1 to i32
      %cond3A_494 = arith.constant 0 : i32
      %cond3A_495 = arith.cmpi ne, %convert_element_type3A_493, %cond3A_494 : i32
      scf.if %cond3A_495 {
        %add3A_550 = arith.constant 10 : i32
        %add3A_551 = arith.addi %add3A_472, %add3A_550 : i32
        %dma_start3A_552 = arith.constant 7 : i32
        %dma_start3A_553 = arith.constant 0 : i32
        %dma_start3A_554 = arith.constant 0 : i32
        %dma_start3A_555 = tpu.memref_slice %arg9[%dma_start3A_552, %dma_start3A_553, %dma_start3A_554] : memref<10x80x32xf32, #tpu.memory_space<vmem>> -> memref<1x80x32xf32, #tpu.memory_space<vmem>>
        %dma_start3A_556 = tpu.memref_squeeze %dma_start3A_555 : memref<1x80x32xf32, #tpu.memory_space<vmem>> -> memref<80x32xf32, #tpu.memory_space<vmem>>
        %dma_start3A_557 = arith.constant 0 : i32
        %dma_start3A_558 = tpu.memref_slice %arg8[%add3A_551, %dma_start3A_557] : memref<250x80xi32, #tpu.memory_space<vmem>> -> memref<1x80xi32, #tpu.memory_space<vmem>>
        %dma_start3A_559 = tpu.memref_squeeze %dma_start3A_558 : memref<1x80xi32, #tpu.memory_space<vmem>> -> memref<80xi32, #tpu.memory_space<vmem>>
        %dma_start3A_560 = arith.constant 0 : i32
        %dma_start3A_561 = arith.constant 0 : i32
        %dma_start3A_562 = tpu.memref_slice %arg2[%dma_start3A_560, %dma_start3A_561] : memref<40000x32xf32, #tpu.memory_space<hbm>> -> memref<40000x32xf32, #tpu.memory_space<hbm>>
        tpu.enqueue_indirect_dma source(%dma_start3A_562 : memref<40000x32xf32, #tpu.memory_space<hbm>>) target(%dma_start3A_556 : memref<80x32xf32, #tpu.memory_space<vmem>>) offsets(%dma_start3A_559 : memref<80xi32, #tpu.memory_space<vmem>>) semaphore(%arg19 : memref<!tpu.dma_semaphore, #tpu.memory_space<semaphore_mem>>)
      } else {
      }
      %mul3A_496 = arith.constant 10 : i32
      %mul3A_497 = arith.muli %scan3A_284, %mul3A_496 : i32
      %add3A_498 = arith.constant 8 : i32
      %add3A_499 = arith.addi %mul3A_497, %add3A_498 : i32
      %dma_wait3A_500 = arith.constant 8 : i32
      %dma_wait3A_501 = arith.constant 0 : i32
      %dma_wait3A_502 = arith.constant 0 : i32
      %dma_wait3A_503 = tpu.memref_slice %arg9[%dma_wait3A_500, %dma_wait3A_501, %dma_wait3A_502] : memref<10x80x32xf32, #tpu.memory_space<vmem>> -> memref<1x80x32xf32, #tpu.memory_space<vmem>>
      %dma_wait3A_504 = tpu.memref_squeeze %dma_wait3A_503 : memref<1x80x32xf32, #tpu.memory_space<vmem>> -> memref<80x32xf32, #tpu.memory_space<vmem>>
      %dma_wait3A_505 = arith.constant 0 : i32
      %dma_wait3A_506 = arith.constant 0 : i32
      %dma_wait3A_507 = tpu.memref_slice %arg2[%dma_wait3A_505, %dma_wait3A_506] : memref<40000x32xf32, #tpu.memory_space<hbm>> -> memref<80x32xf32, #tpu.memory_space<hbm>>
      %dma_wait3A_508 = arith.constant 0 : i32
      %dma_wait3A_509 = arith.constant 0 : i32
      %dma_wait3A_510 = tpu.memref_slice %arg9[%dma_wait3A_500, %dma_wait3A_508, %dma_wait3A_509] : memref<10x80x32xf32, #tpu.memory_space<vmem>> -> memref<1x80x32xf32, #tpu.memory_space<vmem>>
      %dma_wait3A_511 = tpu.memref_squeeze %dma_wait3A_510 : memref<1x80x32xf32, #tpu.memory_space<vmem>> -> memref<80x32xf32, #tpu.memory_space<vmem>>
      %dma_wait3A_512 = arith.constant 0 : i32
      %dma_wait3A_513 = arith.constant 0 : i32
      %dma_wait3A_514 = tpu.memref_slice %arg2[%dma_wait3A_512, %dma_wait3A_513] : memref<40000x32xf32, #tpu.memory_space<hbm>> -> memref<80x32xf32, #tpu.memory_space<hbm>>
      tpu.wait_dma2 semaphore(%arg20 : memref<!tpu.dma_semaphore, #tpu.memory_space<semaphore_mem>>) src(%dma_wait3A_514 : memref<80x32xf32, #tpu.memory_space<hbm>>) dst(%dma_wait3A_511 : memref<80x32xf32, #tpu.memory_space<vmem>>)
      %run_scoped3A_515 = arith.constant 8 : i32
      "tpu.region"() ({
        %run_scoped3A_550 = tpu.sem_alloc : memref<!tpu.dma_semaphore, #tpu.memory_space<semaphore_mem>>
        %dma_start3A_551 = arith.constant 0 : i32
        %dma_start3A_552 = arith.constant 0 : i32
        %dma_start3A_553 = tpu.memref_slice %arg9[%run_scoped3A_515, %dma_start3A_551, %dma_start3A_552] : memref<10x80x32xf32, #tpu.memory_space<vmem>> -> memref<1x80x32xf32, #tpu.memory_space<vmem>>
        %dma_start3A_554 = tpu.memref_squeeze %dma_start3A_553 : memref<1x80x32xf32, #tpu.memory_space<vmem>> -> memref<80x32xf32, #tpu.memory_space<vmem>>
        %dma_start3A_555 = arith.constant 0 : i32
        %dma_start3A_556 = tpu.memref_slice %arg7[%add3A_499, %dma_start3A_555] : memref<250x80xi32, #tpu.memory_space<vmem>> -> memref<1x80xi32, #tpu.memory_space<vmem>>
        %dma_start3A_557 = tpu.memref_squeeze %dma_start3A_556 : memref<1x80xi32, #tpu.memory_space<vmem>> -> memref<80xi32, #tpu.memory_space<vmem>>
        %dma_start3A_558 = arith.constant 0 : i32
        %dma_start3A_559 = arith.constant 0 : i32
        %dma_start3A_560 = tpu.memref_slice %arg11[%dma_start3A_558, %dma_start3A_559] : memref<10240x32xf32, #tpu.memory_space<vmem_shared>> -> memref<10240x32xf32, #tpu.memory_space<vmem_shared>>
        tpu.enqueue_indirect_dma source(%dma_start3A_554 : memref<80x32xf32, #tpu.memory_space<vmem>>) target(%dma_start3A_560 : memref<10240x32xf32, #tpu.memory_space<vmem_shared>>) offsets(%dma_start3A_557 : memref<80xi32, #tpu.memory_space<vmem>>) semaphore(%run_scoped3A_550 : memref<!tpu.dma_semaphore, #tpu.memory_space<semaphore_mem>>) {add = true}
        %dma_wait3A_561 = arith.constant 0 : i32
        %dma_wait3A_562 = arith.constant 0 : i32
        %dma_wait3A_563 = tpu.memref_slice %arg9[%run_scoped3A_515, %dma_wait3A_561, %dma_wait3A_562] : memref<10x80x32xf32, #tpu.memory_space<vmem>> -> memref<1x80x32xf32, #tpu.memory_space<vmem>>
        %dma_wait3A_564 = tpu.memref_squeeze %dma_wait3A_563 : memref<1x80x32xf32, #tpu.memory_space<vmem>> -> memref<80x32xf32, #tpu.memory_space<vmem>>
        %dma_wait3A_565 = arith.constant 0 : i32
        %dma_wait3A_566 = tpu.memref_slice %arg7[%add3A_499, %dma_wait3A_565] : memref<250x80xi32, #tpu.memory_space<vmem>> -> memref<1x80xi32, #tpu.memory_space<vmem>>
        %dma_wait3A_567 = tpu.memref_squeeze %dma_wait3A_566 : memref<1x80xi32, #tpu.memory_space<vmem>> -> memref<80xi32, #tpu.memory_space<vmem>>
        %dma_wait3A_568 = arith.constant 0 : i32
        %dma_wait3A_569 = arith.constant 0 : i32
        %dma_wait3A_570 = tpu.memref_slice %arg11[%dma_wait3A_568, %dma_wait3A_569] : memref<10240x32xf32, #tpu.memory_space<vmem_shared>> -> memref<10240x32xf32, #tpu.memory_space<vmem_shared>>
        tpu.wait_indirect_dma semaphore(%run_scoped3A_550 : memref<!tpu.dma_semaphore, #tpu.memory_space<semaphore_mem>>) src(%dma_wait3A_564 : memref<80x32xf32, #tpu.memory_space<vmem>>) dst(%dma_wait3A_570 : memref<10240x32xf32, #tpu.memory_space<vmem_shared>>)
        tpu.yield
      }) : () -> ()
      %add3A_516 = arith.constant 10 : i32
      %add3A_517 = arith.addi %add3A_499, %add3A_516 : i32
      %lt3A_518 = arith.constant 250 : i32
      %lt3A_519 = arith.cmpi slt, %add3A_517, %lt3A_518 : i32
      %convert_element_type3A_520 = arith.extui %lt3A_519 : i1 to i32
      %cond3A_521 = arith.constant 0 : i32
      %cond3A_522 = arith.cmpi ne, %convert_element_type3A_520, %cond3A_521 : i32
      scf.if %cond3A_522 {
        %add3A_550 = arith.constant 10 : i32
        %add3A_551 = arith.addi %add3A_499, %add3A_550 : i32
        %dma_start3A_552 = arith.constant 8 : i32
        %dma_start3A_553 = arith.constant 0 : i32
        %dma_start3A_554 = arith.constant 0 : i32
        %dma_start3A_555 = tpu.memref_slice %arg9[%dma_start3A_552, %dma_start3A_553, %dma_start3A_554] : memref<10x80x32xf32, #tpu.memory_space<vmem>> -> memref<1x80x32xf32, #tpu.memory_space<vmem>>
        %dma_start3A_556 = tpu.memref_squeeze %dma_start3A_555 : memref<1x80x32xf32, #tpu.memory_space<vmem>> -> memref<80x32xf32, #tpu.memory_space<vmem>>
        %dma_start3A_557 = arith.constant 0 : i32
        %dma_start3A_558 = tpu.memref_slice %arg8[%add3A_551, %dma_start3A_557] : memref<250x80xi32, #tpu.memory_space<vmem>> -> memref<1x80xi32, #tpu.memory_space<vmem>>
        %dma_start3A_559 = tpu.memref_squeeze %dma_start3A_558 : memref<1x80xi32, #tpu.memory_space<vmem>> -> memref<80xi32, #tpu.memory_space<vmem>>
        %dma_start3A_560 = arith.constant 0 : i32
        %dma_start3A_561 = arith.constant 0 : i32
        %dma_start3A_562 = tpu.memref_slice %arg2[%dma_start3A_560, %dma_start3A_561] : memref<40000x32xf32, #tpu.memory_space<hbm>> -> memref<40000x32xf32, #tpu.memory_space<hbm>>
        tpu.enqueue_indirect_dma source(%dma_start3A_562 : memref<40000x32xf32, #tpu.memory_space<hbm>>) target(%dma_start3A_556 : memref<80x32xf32, #tpu.memory_space<vmem>>) offsets(%dma_start3A_559 : memref<80xi32, #tpu.memory_space<vmem>>) semaphore(%arg20 : memref<!tpu.dma_semaphore, #tpu.memory_space<semaphore_mem>>)
      } else {
      }
      %mul3A_523 = arith.constant 10 : i32
      %mul3A_524 = arith.muli %scan3A_284, %mul3A_523 : i32
      %add3A_525 = arith.constant 9 : i32
      %add3A_526 = arith.addi %mul3A_524, %add3A_525 : i32
      %dma_wait3A_527 = arith.constant 9 : i32
      %dma_wait3A_528 = arith.constant 0 : i32
      %dma_wait3A_529 = arith.constant 0 : i32
      %dma_wait3A_530 = tpu.memref_slice %arg9[%dma_wait3A_527, %dma_wait3A_528, %dma_wait3A_529] : memref<10x80x32xf32, #tpu.memory_space<vmem>> -> memref<1x80x32xf32, #tpu.memory_space<vmem>>
      %dma_wait3A_531 = tpu.memref_squeeze %dma_wait3A_530 : memref<1x80x32xf32, #tpu.memory_space<vmem>> -> memref<80x32xf32, #tpu.memory_space<vmem>>
      %dma_wait3A_532 = arith.constant 0 : i32
      %dma_wait3A_533 = arith.constant 0 : i32
      %dma_wait3A_534 = tpu.memref_slice %arg2[%dma_wait3A_532, %dma_wait3A_533] : memref<40000x32xf32, #tpu.memory_space<hbm>> -> memref<80x32xf32, #tpu.memory_space<hbm>>
      %dma_wait3A_535 = arith.constant 0 : i32
      %dma_wait3A_536 = arith.constant 0 : i32
      %dma_wait3A_537 = tpu.memref_slice %arg9[%dma_wait3A_527, %dma_wait3A_535, %dma_wait3A_536] : memref<10x80x32xf32, #tpu.memory_space<vmem>> -> memref<1x80x32xf32, #tpu.memory_space<vmem>>
      %dma_wait3A_538 = tpu.memref_squeeze %dma_wait3A_537 : memref<1x80x32xf32, #tpu.memory_space<vmem>> -> memref<80x32xf32, #tpu.memory_space<vmem>>
      %dma_wait3A_539 = arith.constant 0 : i32
      %dma_wait3A_540 = arith.constant 0 : i32
      %dma_wait3A_541 = tpu.memref_slice %arg2[%dma_wait3A_539, %dma_wait3A_540] : memref<40000x32xf32, #tpu.memory_space<hbm>> -> memref<80x32xf32, #tpu.memory_space<hbm>>
      tpu.wait_dma2 semaphore(%arg21 : memref<!tpu.dma_semaphore, #tpu.memory_space<semaphore_mem>>) src(%dma_wait3A_541 : memref<80x32xf32, #tpu.memory_space<hbm>>) dst(%dma_wait3A_538 : memref<80x32xf32, #tpu.memory_space<vmem>>)
      %run_scoped3A_542 = arith.constant 9 : i32
      "tpu.region"() ({
        %run_scoped3A_550 = tpu.sem_alloc : memref<!tpu.dma_semaphore, #tpu.memory_space<semaphore_mem>>
        %dma_start3A_551 = arith.constant 0 : i32
        %dma_start3A_552 = arith.constant 0 : i32
        %dma_start3A_553 = tpu.memref_slice %arg9[%run_scoped3A_542, %dma_start3A_551, %dma_start3A_552] : memref<10x80x32xf32, #tpu.memory_space<vmem>> -> memref<1x80x32xf32, #tpu.memory_space<vmem>>
        %dma_start3A_554 = tpu.memref_squeeze %dma_start3A_553 : memref<1x80x32xf32, #tpu.memory_space<vmem>> -> memref<80x32xf32, #tpu.memory_space<vmem>>
        %dma_start3A_555 = arith.constant 0 : i32
        %dma_start3A_556 = tpu.memref_slice %arg7[%add3A_526, %dma_start3A_555] : memref<250x80xi32, #tpu.memory_space<vmem>> -> memref<1x80xi32, #tpu.memory_space<vmem>>
        %dma_start3A_557 = tpu.memref_squeeze %dma_start3A_556 : memref<1x80xi32, #tpu.memory_space<vmem>> -> memref<80xi32, #tpu.memory_space<vmem>>
        %dma_start3A_558 = arith.constant 0 : i32
        %dma_start3A_559 = arith.constant 0 : i32
        %dma_start3A_560 = tpu.memref_slice %arg11[%dma_start3A_558, %dma_start3A_559] : memref<10240x32xf32, #tpu.memory_space<vmem_shared>> -> memref<10240x32xf32, #tpu.memory_space<vmem_shared>>
        tpu.enqueue_indirect_dma source(%dma_start3A_554 : memref<80x32xf32, #tpu.memory_space<vmem>>) target(%dma_start3A_560 : memref<10240x32xf32, #tpu.memory_space<vmem_shared>>) offsets(%dma_start3A_557 : memref<80xi32, #tpu.memory_space<vmem>>) semaphore(%run_scoped3A_550 : memref<!tpu.dma_semaphore, #tpu.memory_space<semaphore_mem>>) {add = true}
        %dma_wait3A_561 = arith.constant 0 : i32
        %dma_wait3A_562 = arith.constant 0 : i32
        %dma_wait3A_563 = tpu.memref_slice %arg9[%run_scoped3A_542, %dma_wait3A_561, %dma_wait3A_562] : memref<10x80x32xf32, #tpu.memory_space<vmem>> -> memref<1x80x32xf32, #tpu.memory_space<vmem>>
        %dma_wait3A_564 = tpu.memref_squeeze %dma_wait3A_563 : memref<1x80x32xf32, #tpu.memory_space<vmem>> -> memref<80x32xf32, #tpu.memory_space<vmem>>
        %dma_wait3A_565 = arith.constant 0 : i32
        %dma_wait3A_566 = tpu.memref_slice %arg7[%add3A_526, %dma_wait3A_565] : memref<250x80xi32, #tpu.memory_space<vmem>> -> memref<1x80xi32, #tpu.memory_space<vmem>>
        %dma_wait3A_567 = tpu.memref_squeeze %dma_wait3A_566 : memref<1x80xi32, #tpu.memory_space<vmem>> -> memref<80xi32, #tpu.memory_space<vmem>>
        %dma_wait3A_568 = arith.constant 0 : i32
        %dma_wait3A_569 = arith.constant 0 : i32
        %dma_wait3A_570 = tpu.memref_slice %arg11[%dma_wait3A_568, %dma_wait3A_569] : memref<10240x32xf32, #tpu.memory_space<vmem_shared>> -> memref<10240x32xf32, #tpu.memory_space<vmem_shared>>
        tpu.wait_indirect_dma semaphore(%run_scoped3A_550 : memref<!tpu.dma_semaphore, #tpu.memory_space<semaphore_mem>>) src(%dma_wait3A_564 : memref<80x32xf32, #tpu.memory_space<vmem>>) dst(%dma_wait3A_570 : memref<10240x32xf32, #tpu.memory_space<vmem_shared>>)
        tpu.yield
      }) : () -> ()
      %add3A_543 = arith.constant 10 : i32
      %add3A_544 = arith.addi %add3A_526, %add3A_543 : i32
      %lt3A_545 = arith.constant 250 : i32
      %lt3A_546 = arith.cmpi slt, %add3A_544, %lt3A_545 : i32
      %convert_element_type3A_547 = arith.extui %lt3A_546 : i1 to i32
      %cond3A_548 = arith.constant 0 : i32
      %cond3A_549 = arith.cmpi ne, %convert_element_type3A_547, %cond3A_548 : i32
      scf.if %cond3A_549 {
        %add3A_550 = arith.constant 10 : i32
        %add3A_551 = arith.addi %add3A_526, %add3A_550 : i32
        %dma_start3A_552 = arith.constant 9 : i32
        %dma_start3A_553 = arith.constant 0 : i32
        %dma_start3A_554 = arith.constant 0 : i32
        %dma_start3A_555 = tpu.memref_slice %arg9[%dma_start3A_552, %dma_start3A_553, %dma_start3A_554] : memref<10x80x32xf32, #tpu.memory_space<vmem>> -> memref<1x80x32xf32, #tpu.memory_space<vmem>>
        %dma_start3A_556 = tpu.memref_squeeze %dma_start3A_555 : memref<1x80x32xf32, #tpu.memory_space<vmem>> -> memref<80x32xf32, #tpu.memory_space<vmem>>
        %dma_start3A_557 = arith.constant 0 : i32
        %dma_start3A_558 = tpu.memref_slice %arg8[%add3A_551, %dma_start3A_557] : memref<250x80xi32, #tpu.memory_space<vmem>> -> memref<1x80xi32, #tpu.memory_space<vmem>>
        %dma_start3A_559 = tpu.memref_squeeze %dma_start3A_558 : memref<1x80xi32, #tpu.memory_space<vmem>> -> memref<80xi32, #tpu.memory_space<vmem>>
        %dma_start3A_560 = arith.constant 0 : i32
        %dma_start3A_561 = arith.constant 0 : i32
        %dma_start3A_562 = tpu.memref_slice %arg2[%dma_start3A_560, %dma_start3A_561] : memref<40000x32xf32, #tpu.memory_space<hbm>> -> memref<40000x32xf32, #tpu.memory_space<hbm>>
        tpu.enqueue_indirect_dma source(%dma_start3A_562 : memref<40000x32xf32, #tpu.memory_space<hbm>>) target(%dma_start3A_556 : memref<80x32xf32, #tpu.memory_space<vmem>>) offsets(%dma_start3A_559 : memref<80xi32, #tpu.memory_space<vmem>>) semaphore(%arg21 : memref<!tpu.dma_semaphore, #tpu.memory_space<semaphore_mem>>)
      } else {
      }
    }
    %scan3A_140 = arith.constant 25 : i32
    %barrier3A_141 = arith.constant 0 : index
    tpu.barrier barrier_id(%barrier3A_141)
    %mul3A_142 = arith.constant 32 : i32
    %mul3A_143 = arith.muli %add3A_9, %mul3A_142 : i32
    "tpu.region"() ({
      %run_scoped3A = tpu.sem_alloc : memref<!tpu.dma_semaphore, #tpu.memory_space<semaphore_mem>>
      %dma_start3A_284 = tpu.memref_slice %arg5[%mul3A_0, %mul3A_143] : memref<10240x128xf32, #tpu.memory_space<hbm>> -> memref<640x32xf32, #tpu.memory_space<hbm>>
      %dma_start3A_285 = arith.constant 0 : i32
      %dma_start3A_286 = tpu.memref_slice %arg11[%mul3A_0, %dma_start3A_285] : memref<10240x32xf32, #tpu.memory_space<vmem_shared>> -> memref<640x32xf32, #tpu.memory_space<vmem_shared>>
      tpu.enqueue_dma source(%dma_start3A_286 : memref<640x32xf32, #tpu.memory_space<vmem_shared>>) target(%dma_start3A_284 : memref<640x32xf32, #tpu.memory_space<hbm>>) target_semaphore(%run_scoped3A : memref<!tpu.dma_semaphore, #tpu.memory_space<semaphore_mem>>)
      %dma_wait3A = tpu.memref_slice %arg5[%mul3A_0, %mul3A_143] : memref<10240x128xf32, #tpu.memory_space<hbm>> -> memref<640x32xf32, #tpu.memory_space<hbm>>
      %dma_wait3A_287 = arith.constant 0 : i32
      %dma_wait3A_288 = tpu.memref_slice %arg11[%mul3A_0, %dma_wait3A_287] : memref<10240x32xf32, #tpu.memory_space<vmem_shared>> -> memref<640x32xf32, #tpu.memory_space<vmem_shared>>
      tpu.wait_dma2 semaphore(%run_scoped3A : memref<!tpu.dma_semaphore, #tpu.memory_space<semaphore_mem>>) src(%dma_wait3A_288 : memref<640x32xf32, #tpu.memory_space<vmem_shared>>) dst(%dma_wait3A : memref<640x32xf32, #tpu.memory_space<hbm>>)
      tpu.yield
    }) : () -> ()
    %mul3A_144 = arith.constant 2 : i32
    %mul3A_145 = arith.muli %arg0, %mul3A_144 : i32
    %add3A_146 = arith.constant 1 : i32
    %add3A_147 = arith.addi %mul3A_145, %add3A_146 : i32
    %scan3A_148 = arith.constant 0 : i32
    %scan3A_149 = arith.constant 0 : i32
    %scan3A_150 = arith.constant 250 : i32
    %scan3A_151 = arith.addi %scan3A_149, %scan3A_150 : i32
    %scan3A_152 = arith.constant 1 : i32
    scf.for %scan3A_284 = %scan3A_149 to %scan3A_151 step %scan3A_152  : i32 {
      %get3A = arith.index_cast %scan3A_284 : i32 to index
      %get3A_285 = arith.constant 0 : index
      %get3A_286 = tpu.vector_load %arg6[%get3A, %get3A_285] {strides = array<i32>} : memref<250x80xi32, #tpu.memory_space<vmem>>, vector<16xi32>,
      %mul3A_287 = arith.constant 4 : i32
      %mul3A_288 = vector.broadcast %mul3A_287 : i32 to vector<16xi32>
      %mul3A_289 = arith.muli %get3A_286, %mul3A_288 : vector<16xi32>
      %add3A_290 = vector.broadcast %add3A_147 : i32 to vector<16xi32>
      %add3A_291 = arith.addi %mul3A_289, %add3A_290 : vector<16xi32>
      %swap3A = arith.index_cast %scan3A_284 : i32 to index
      %swap3A_292 = arith.constant 0 : index
      %swap3A_293 = tpu.vector_load %arg8[%swap3A, %swap3A_292] {strides = array<i32>} : memref<250x80xi32, #tpu.memory_space<vmem>>, vector<16xi32>,
      tpu.vector_store %arg8[%swap3A, %swap3A_292], %add3A_291 {strides = array<i32>} : memref<250x80xi32, #tpu.memory_space<vmem>>, vector<16xi32>,
      %get3A_294 = arith.index_cast %scan3A_284 : i32 to index
      %get3A_295 = arith.constant 16 : index
      %get3A_296 = tpu.vector_load %arg6[%get3A_294, %get3A_295] {strides = array<i32>} : memref<250x80xi32, #tpu.memory_space<vmem>>, vector<16xi32>,
      %mul3A_297 = arith.constant 4 : i32
      %mul3A_298 = vector.broadcast %mul3A_297 : i32 to vector<16xi32>
      %mul3A_299 = arith.muli %get3A_296, %mul3A_298 : vector<16xi32>
      %add3A_300 = vector.broadcast %add3A_147 : i32 to vector<16xi32>
      %add3A_301 = arith.addi %mul3A_299, %add3A_300 : vector<16xi32>
      %swap3A_302 = arith.index_cast %scan3A_284 : i32 to index
      %swap3A_303 = arith.constant 16 : index
      %swap3A_304 = tpu.vector_load %arg8[%swap3A_302, %swap3A_303] {strides = array<i32>} : memref<250x80xi32, #tpu.memory_space<vmem>>, vector<16xi32>,
      tpu.vector_store %arg8[%swap3A_302, %swap3A_303], %add3A_301 {strides = array<i32>} : memref<250x80xi32, #tpu.memory_space<vmem>>, vector<16xi32>,
      %get3A_305 = arith.index_cast %scan3A_284 : i32 to index
      %get3A_306 = arith.constant 32 : index
      %get3A_307 = tpu.vector_load %arg6[%get3A_305, %get3A_306] {strides = array<i32>} : memref<250x80xi32, #tpu.memory_space<vmem>>, vector<16xi32>,
      %mul3A_308 = arith.constant 4 : i32
      %mul3A_309 = vector.broadcast %mul3A_308 : i32 to vector<16xi32>
      %mul3A_310 = arith.muli %get3A_307, %mul3A_309 : vector<16xi32>
      %add3A_311 = vector.broadcast %add3A_147 : i32 to vector<16xi32>
      %add3A_312 = arith.addi %mul3A_310, %add3A_311 : vector<16xi32>
      %swap3A_313 = arith.index_cast %scan3A_284 : i32 to index
      %swap3A_314 = arith.constant 32 : index
      %swap3A_315 = tpu.vector_load %arg8[%swap3A_313, %swap3A_314] {strides = array<i32>} : memref<250x80xi32, #tpu.memory_space<vmem>>, vector<16xi32>,
      tpu.vector_store %arg8[%swap3A_313, %swap3A_314], %add3A_312 {strides = array<i32>} : memref<250x80xi32, #tpu.memory_space<vmem>>, vector<16xi32>,
      %get3A_316 = arith.index_cast %scan3A_284 : i32 to index
      %get3A_317 = arith.constant 48 : index
      %get3A_318 = tpu.vector_load %arg6[%get3A_316, %get3A_317] {strides = array<i32>} : memref<250x80xi32, #tpu.memory_space<vmem>>, vector<16xi32>,
      %mul3A_319 = arith.constant 4 : i32
      %mul3A_320 = vector.broadcast %mul3A_319 : i32 to vector<16xi32>
      %mul3A_321 = arith.muli %get3A_318, %mul3A_320 : vector<16xi32>
      %add3A_322 = vector.broadcast %add3A_147 : i32 to vector<16xi32>
      %add3A_323 = arith.addi %mul3A_321, %add3A_322 : vector<16xi32>
      %swap3A_324 = arith.index_cast %scan3A_284 : i32 to index
      %swap3A_325 = arith.constant 48 : index
      %swap3A_326 = tpu.vector_load %arg8[%swap3A_324, %swap3A_325] {strides = array<i32>} : memref<250x80xi32, #tpu.memory_space<vmem>>, vector<16xi32>,
      tpu.vector_store %arg8[%swap3A_324, %swap3A_325], %add3A_323 {strides = array<i32>} : memref<250x80xi32, #tpu.memory_space<vmem>>, vector<16xi32>,
      %get3A_327 = arith.index_cast %scan3A_284 : i32 to index
      %get3A_328 = arith.constant 64 : index
      %get3A_329 = tpu.vector_load %arg6[%get3A_327, %get3A_328] {strides = array<i32>} : memref<250x80xi32, #tpu.memory_space<vmem>>, vector<16xi32>,
      %mul3A_330 = arith.constant 4 : i32
      %mul3A_331 = vector.broadcast %mul3A_330 : i32 to vector<16xi32>
      %mul3A_332 = arith.muli %get3A_329, %mul3A_331 : vector<16xi32>
      %add3A_333 = vector.broadcast %add3A_147 : i32 to vector<16xi32>
      %add3A_334 = arith.addi %mul3A_332, %add3A_333 : vector<16xi32>
      %swap3A_335 = arith.index_cast %scan3A_284 : i32 to index
      %swap3A_336 = arith.constant 64 : index
      %swap3A_337 = tpu.vector_load %arg8[%swap3A_335, %swap3A_336] {strides = array<i32>} : memref<250x80xi32, #tpu.memory_space<vmem>>, vector<16xi32>,
      tpu.vector_store %arg8[%swap3A_335, %swap3A_336], %add3A_334 {strides = array<i32>} : memref<250x80xi32, #tpu.memory_space<vmem>>, vector<16xi32>,
    }
    %scan3A_153 = arith.constant 250 : i32
    "tpu.region"() ({
      %run_scoped3A = tpu.sem_alloc : memref<!tpu.dma_semaphore, #tpu.memory_space<semaphore_mem>>
      %dma_start3A_284 = arith.constant 0 : i32
      %dma_start3A_285 = tpu.memref_slice %arg11[%mul3A_0, %dma_start3A_284] : memref<10240x32xf32, #tpu.memory_space<vmem_shared>> -> memref<640x32xf32, #tpu.memory_space<vmem_shared>>
      %dma_start3A_286 = arith.constant 0 : i32
      %dma_start3A_287 = tpu.memref_slice %arg11[%mul3A_0, %dma_start3A_286] : memref<10240x32xf32, #tpu.memory_space<vmem_shared>> -> memref<640x32xf32, #tpu.memory_space<vmem_shared>>
      tpu.enqueue_dma source(%arg10 : memref<640x32xf32, #tpu.memory_space<vmem>>) target(%dma_start3A_287 : memref<640x32xf32, #tpu.memory_space<vmem_shared>>) target_semaphore(%run_scoped3A : memref<!tpu.dma_semaphore, #tpu.memory_space<semaphore_mem>>)
      %dma_wait3A = arith.constant 0 : i32
      %dma_wait3A_288 = tpu.memref_slice %arg11[%mul3A_0, %dma_wait3A] : memref<10240x32xf32, #tpu.memory_space<vmem_shared>> -> memref<640x32xf32, #tpu.memory_space<vmem_shared>>
      %dma_wait3A_289 = arith.constant 0 : i32
      %dma_wait3A_290 = tpu.memref_slice %arg11[%mul3A_0, %dma_wait3A_289] : memref<10240x32xf32, #tpu.memory_space<vmem_shared>> -> memref<640x32xf32, #tpu.memory_space<vmem_shared>>
      tpu.wait_dma2 semaphore(%run_scoped3A : memref<!tpu.dma_semaphore, #tpu.memory_space<semaphore_mem>>) src(%arg10 : memref<640x32xf32, #tpu.memory_space<vmem>>) dst(%dma_wait3A_290 : memref<640x32xf32, #tpu.memory_space<vmem_shared>>)
      tpu.yield
    }) : () -> ()
    %barrier3A_154 = arith.constant 0 : index
    tpu.barrier barrier_id(%barrier3A_154)
    %dma_start3A_155 = arith.constant 0 : i32
    %dma_start3A_156 = arith.constant 0 : i32
    %dma_start3A_157 = arith.constant 0 : i32
    %dma_start3A_158 = arith.constant 0 : i32
    %dma_start3A_159 = tpu.memref_slice %arg9[%dma_start3A_156, %dma_start3A_157, %dma_start3A_158] : memref<10x80x32xf32, #tpu.memory_space<vmem>> -> memref<1x80x32xf32, #tpu.memory_space<vmem>>
    %dma_start3A_160 = tpu.memref_squeeze %dma_start3A_159 : memref<1x80x32xf32, #tpu.memory_space<vmem>> -> memref<80x32xf32, #tpu.memory_space<vmem>>
    %dma_start3A_161 = arith.constant 0 : i32
    %dma_start3A_162 = tpu.memref_slice %arg8[%dma_start3A_155, %dma_start3A_161] : memref<250x80xi32, #tpu.memory_space<vmem>> -> memref<1x80xi32, #tpu.memory_space<vmem>>
    %dma_start3A_163 = tpu.memref_squeeze %dma_start3A_162 : memref<1x80xi32, #tpu.memory_space<vmem>> -> memref<80xi32, #tpu.memory_space<vmem>>
    %dma_start3A_164 = arith.constant 0 : i32
    %dma_start3A_165 = arith.constant 0 : i32
    %dma_start3A_166 = tpu.memref_slice %arg2[%dma_start3A_164, %dma_start3A_165] : memref<40000x32xf32, #tpu.memory_space<hbm>> -> memref<40000x32xf32, #tpu.memory_space<hbm>>
    tpu.enqueue_indirect_dma source(%dma_start3A_166 : memref<40000x32xf32, #tpu.memory_space<hbm>>) target(%dma_start3A_160 : memref<80x32xf32, #tpu.memory_space<vmem>>) offsets(%dma_start3A_163 : memref<80xi32, #tpu.memory_space<vmem>>) semaphore(%arg12 : memref<!tpu.dma_semaphore, #tpu.memory_space<semaphore_mem>>)
    %dma_start3A_167 = arith.constant 1 : i32
    %dma_start3A_168 = arith.constant 1 : i32
    %dma_start3A_169 = arith.constant 0 : i32
    %dma_start3A_170 = arith.constant 0 : i32
    %dma_start3A_171 = tpu.memref_slice %arg9[%dma_start3A_168, %dma_start3A_169, %dma_start3A_170] : memref<10x80x32xf32, #tpu.memory_space<vmem>> -> memref<1x80x32xf32, #tpu.memory_space<vmem>>
    %dma_start3A_172 = tpu.memref_squeeze %dma_start3A_171 : memref<1x80x32xf32, #tpu.memory_space<vmem>> -> memref<80x32xf32, #tpu.memory_space<vmem>>
    %dma_start3A_173 = arith.constant 0 : i32
    %dma_start3A_174 = tpu.memref_slice %arg8[%dma_start3A_167, %dma_start3A_173] : memref<250x80xi32, #tpu.memory_space<vmem>> -> memref<1x80xi32, #tpu.memory_space<vmem>>
    %dma_start3A_175 = tpu.memref_squeeze %dma_start3A_174 : memref<1x80xi32, #tpu.memory_space<vmem>> -> memref<80xi32, #tpu.memory_space<vmem>>
    %dma_start3A_176 = arith.constant 0 : i32
    %dma_start3A_177 = arith.constant 0 : i32
    %dma_start3A_178 = tpu.memref_slice %arg2[%dma_start3A_176, %dma_start3A_177] : memref<40000x32xf32, #tpu.memory_space<hbm>> -> memref<40000x32xf32, #tpu.memory_space<hbm>>
    tpu.enqueue_indirect_dma source(%dma_start3A_178 : memref<40000x32xf32, #tpu.memory_space<hbm>>) target(%dma_start3A_172 : memref<80x32xf32, #tpu.memory_space<vmem>>) offsets(%dma_start3A_175 : memref<80xi32, #tpu.memory_space<vmem>>) semaphore(%arg13 : memref<!tpu.dma_semaphore, #tpu.memory_space<semaphore_mem>>)
    %dma_start3A_179 = arith.constant 2 : i32
    %dma_start3A_180 = arith.constant 2 : i32
    %dma_start3A_181 = arith.constant 0 : i32
    %dma_start3A_182 = arith.constant 0 : i32
    %dma_start3A_183 = tpu.memref_slice %arg9[%dma_start3A_180, %dma_start3A_181, %dma_start3A_182] : memref<10x80x32xf32, #tpu.memory_space<vmem>> -> memref<1x80x32xf32, #tpu.memory_space<vmem>>
    %dma_start3A_184 = tpu.memref_squeeze %dma_start3A_183 : memref<1x80x32xf32, #tpu.memory_space<vmem>> -> memref<80x32xf32, #tpu.memory_space<vmem>>
    %dma_start3A_185 = arith.constant 0 : i32
    %dma_start3A_186 = tpu.memref_slice %arg8[%dma_start3A_179, %dma_start3A_185] : memref<250x80xi32, #tpu.memory_space<vmem>> -> memref<1x80xi32, #tpu.memory_space<vmem>>
    %dma_start3A_187 = tpu.memref_squeeze %dma_start3A_186 : memref<1x80xi32, #tpu.memory_space<vmem>> -> memref<80xi32, #tpu.memory_space<vmem>>
    %dma_start3A_188 = arith.constant 0 : i32
    %dma_start3A_189 = arith.constant 0 : i32
    %dma_start3A_190 = tpu.memref_slice %arg2[%dma_start3A_188, %dma_start3A_189] : memref<40000x32xf32, #tpu.memory_space<hbm>> -> memref<40000x32xf32, #tpu.memory_space<hbm>>
    tpu.enqueue_indirect_dma source(%dma_start3A_190 : memref<40000x32xf32, #tpu.memory_space<hbm>>) target(%dma_start3A_184 : memref<80x32xf32, #tpu.memory_space<vmem>>) offsets(%dma_start3A_187 : memref<80xi32, #tpu.memory_space<vmem>>) semaphore(%arg14 : memref<!tpu.dma_semaphore, #tpu.memory_space<semaphore_mem>>)
    %dma_start3A_191 = arith.constant 3 : i32
    %dma_start3A_192 = arith.constant 3 : i32
    %dma_start3A_193 = arith.constant 0 : i32
    %dma_start3A_194 = arith.constant 0 : i32
    %dma_start3A_195 = tpu.memref_slice %arg9[%dma_start3A_192, %dma_start3A_193, %dma_start3A_194] : memref<10x80x32xf32, #tpu.memory_space<vmem>> -> memref<1x80x32xf32, #tpu.memory_space<vmem>>
    %dma_start3A_196 = tpu.memref_squeeze %dma_start3A_195 : memref<1x80x32xf32, #tpu.memory_space<vmem>> -> memref<80x32xf32, #tpu.memory_space<vmem>>
    %dma_start3A_197 = arith.constant 0 : i32
    %dma_start3A_198 = tpu.memref_slice %arg8[%dma_start3A_191, %dma_start3A_197] : memref<250x80xi32, #tpu.memory_space<vmem>> -> memref<1x80xi32, #tpu.memory_space<vmem>>
    %dma_start3A_199 = tpu.memref_squeeze %dma_start3A_198 : memref<1x80xi32, #tpu.memory_space<vmem>> -> memref<80xi32, #tpu.memory_space<vmem>>
    %dma_start3A_200 = arith.constant 0 : i32
    %dma_start3A_201 = arith.constant 0 : i32
    %dma_start3A_202 = tpu.memref_slice %arg2[%dma_start3A_200, %dma_start3A_201] : memref<40000x32xf32, #tpu.memory_space<hbm>> -> memref<40000x32xf32, #tpu.memory_space<hbm>>
    tpu.enqueue_indirect_dma source(%dma_start3A_202 : memref<40000x32xf32, #tpu.memory_space<hbm>>) target(%dma_start3A_196 : memref<80x32xf32, #tpu.memory_space<vmem>>) offsets(%dma_start3A_199 : memref<80xi32, #tpu.memory_space<vmem>>) semaphore(%arg15 : memref<!tpu.dma_semaphore, #tpu.memory_space<semaphore_mem>>)
    %dma_start3A_203 = arith.constant 4 : i32
    %dma_start3A_204 = arith.constant 4 : i32
    %dma_start3A_205 = arith.constant 0 : i32
    %dma_start3A_206 = arith.constant 0 : i32
    %dma_start3A_207 = tpu.memref_slice %arg9[%dma_start3A_204, %dma_start3A_205, %dma_start3A_206] : memref<10x80x32xf32, #tpu.memory_space<vmem>> -> memref<1x80x32xf32, #tpu.memory_space<vmem>>
    %dma_start3A_208 = tpu.memref_squeeze %dma_start3A_207 : memref<1x80x32xf32, #tpu.memory_space<vmem>> -> memref<80x32xf32, #tpu.memory_space<vmem>>
    %dma_start3A_209 = arith.constant 0 : i32
    %dma_start3A_210 = tpu.memref_slice %arg8[%dma_start3A_203, %dma_start3A_209] : memref<250x80xi32, #tpu.memory_space<vmem>> -> memref<1x80xi32, #tpu.memory_space<vmem>>
    %dma_start3A_211 = tpu.memref_squeeze %dma_start3A_210 : memref<1x80xi32, #tpu.memory_space<vmem>> -> memref<80xi32, #tpu.memory_space<vmem>>
    %dma_start3A_212 = arith.constant 0 : i32
    %dma_start3A_213 = arith.constant 0 : i32
    %dma_start3A_214 = tpu.memref_slice %arg2[%dma_start3A_212, %dma_start3A_213] : memref<40000x32xf32, #tpu.memory_space<hbm>> -> memref<40000x32xf32, #tpu.memory_space<hbm>>
    tpu.enqueue_indirect_dma source(%dma_start3A_214 : memref<40000x32xf32, #tpu.memory_space<hbm>>) target(%dma_start3A_208 : memref<80x32xf32, #tpu.memory_space<vmem>>) offsets(%dma_start3A_211 : memref<80xi32, #tpu.memory_space<vmem>>) semaphore(%arg16 : memref<!tpu.dma_semaphore, #tpu.memory_space<semaphore_mem>>)
    %dma_start3A_215 = arith.constant 5 : i32
    %dma_start3A_216 = arith.constant 5 : i32
    %dma_start3A_217 = arith.constant 0 : i32
    %dma_start3A_218 = arith.constant 0 : i32
    %dma_start3A_219 = tpu.memref_slice %arg9[%dma_start3A_216, %dma_start3A_217, %dma_start3A_218] : memref<10x80x32xf32, #tpu.memory_space<vmem>> -> memref<1x80x32xf32, #tpu.memory_space<vmem>>
    %dma_start3A_220 = tpu.memref_squeeze %dma_start3A_219 : memref<1x80x32xf32, #tpu.memory_space<vmem>> -> memref<80x32xf32, #tpu.memory_space<vmem>>
    %dma_start3A_221 = arith.constant 0 : i32
    %dma_start3A_222 = tpu.memref_slice %arg8[%dma_start3A_215, %dma_start3A_221] : memref<250x80xi32, #tpu.memory_space<vmem>> -> memref<1x80xi32, #tpu.memory_space<vmem>>
    %dma_start3A_223 = tpu.memref_squeeze %dma_start3A_222 : memref<1x80xi32, #tpu.memory_space<vmem>> -> memref<80xi32, #tpu.memory_space<vmem>>
    %dma_start3A_224 = arith.constant 0 : i32
    %dma_start3A_225 = arith.constant 0 : i32
    %dma_start3A_226 = tpu.memref_slice %arg2[%dma_start3A_224, %dma_start3A_225] : memref<40000x32xf32, #tpu.memory_space<hbm>> -> memref<40000x32xf32, #tpu.memory_space<hbm>>
    tpu.enqueue_indirect_dma source(%dma_start3A_226 : memref<40000x32xf32, #tpu.memory_space<hbm>>) target(%dma_start3A_220 : memref<80x32xf32, #tpu.memory_space<vmem>>) offsets(%dma_start3A_223 : memref<80xi32, #tpu.memory_space<vmem>>) semaphore(%arg17 : memref<!tpu.dma_semaphore, #tpu.memory_space<semaphore_mem>>)
    %dma_start3A_227 = arith.constant 6 : i32
    %dma_start3A_228 = arith.constant 6 : i32
    %dma_start3A_229 = arith.constant 0 : i32
    %dma_start3A_230 = arith.constant 0 : i32
    %dma_start3A_231 = tpu.memref_slice %arg9[%dma_start3A_228, %dma_start3A_229, %dma_start3A_230] : memref<10x80x32xf32, #tpu.memory_space<vmem>> -> memref<1x80x32xf32, #tpu.memory_space<vmem>>
    %dma_start3A_232 = tpu.memref_squeeze %dma_start3A_231 : memref<1x80x32xf32, #tpu.memory_space<vmem>> -> memref<80x32xf32, #tpu.memory_space<vmem>>
    %dma_start3A_233 = arith.constant 0 : i32
    %dma_start3A_234 = tpu.memref_slice %arg8[%dma_start3A_227, %dma_start3A_233] : memref<250x80xi32, #tpu.memory_space<vmem>> -> memref<1x80xi32, #tpu.memory_space<vmem>>
    %dma_start3A_235 = tpu.memref_squeeze %dma_start3A_234 : memref<1x80xi32, #tpu.memory_space<vmem>> -> memref<80xi32, #tpu.memory_space<vmem>>
    %dma_start3A_236 = arith.constant 0 : i32
    %dma_start3A_237 = arith.constant 0 : i32
    %dma_start3A_238 = tpu.memref_slice %arg2[%dma_start3A_236, %dma_start3A_237] : memref<40000x32xf32, #tpu.memory_space<hbm>> -> memref<40000x32xf32, #tpu.memory_space<hbm>>
    tpu.enqueue_indirect_dma source(%dma_start3A_238 : memref<40000x32xf32, #tpu.memory_space<hbm>>) target(%dma_start3A_232 : memref<80x32xf32, #tpu.memory_space<vmem>>) offsets(%dma_start3A_235 : memref<80xi32, #tpu.memory_space<vmem>>) semaphore(%arg18 : memref<!tpu.dma_semaphore, #tpu.memory_space<semaphore_mem>>)
    %dma_start3A_239 = arith.constant 7 : i32
    %dma_start3A_240 = arith.constant 7 : i32
    %dma_start3A_241 = arith.constant 0 : i32
    %dma_start3A_242 = arith.constant 0 : i32
    %dma_start3A_243 = tpu.memref_slice %arg9[%dma_start3A_240, %dma_start3A_241, %dma_start3A_242] : memref<10x80x32xf32, #tpu.memory_space<vmem>> -> memref<1x80x32xf32, #tpu.memory_space<vmem>>
    %dma_start3A_244 = tpu.memref_squeeze %dma_start3A_243 : memref<1x80x32xf32, #tpu.memory_space<vmem>> -> memref<80x32xf32, #tpu.memory_space<vmem>>
    %dma_start3A_245 = arith.constant 0 : i32
    %dma_start3A_246 = tpu.memref_slice %arg8[%dma_start3A_239, %dma_start3A_245] : memref<250x80xi32, #tpu.memory_space<vmem>> -> memref<1x80xi32, #tpu.memory_space<vmem>>
    %dma_start3A_247 = tpu.memref_squeeze %dma_start3A_246 : memref<1x80xi32, #tpu.memory_space<vmem>> -> memref<80xi32, #tpu.memory_space<vmem>>
    %dma_start3A_248 = arith.constant 0 : i32
    %dma_start3A_249 = arith.constant 0 : i32
    %dma_start3A_250 = tpu.memref_slice %arg2[%dma_start3A_248, %dma_start3A_249] : memref<40000x32xf32, #tpu.memory_space<hbm>> -> memref<40000x32xf32, #tpu.memory_space<hbm>>
    tpu.enqueue_indirect_dma source(%dma_start3A_250 : memref<40000x32xf32, #tpu.memory_space<hbm>>) target(%dma_start3A_244 : memref<80x32xf32, #tpu.memory_space<vmem>>) offsets(%dma_start3A_247 : memref<80xi32, #tpu.memory_space<vmem>>) semaphore(%arg19 : memref<!tpu.dma_semaphore, #tpu.memory_space<semaphore_mem>>)
    %dma_start3A_251 = arith.constant 8 : i32
    %dma_start3A_252 = arith.constant 8 : i32
    %dma_start3A_253 = arith.constant 0 : i32
    %dma_start3A_254 = arith.constant 0 : i32
    %dma_start3A_255 = tpu.memref_slice %arg9[%dma_start3A_252, %dma_start3A_253, %dma_start3A_254] : memref<10x80x32xf32, #tpu.memory_space<vmem>> -> memref<1x80x32xf32, #tpu.memory_space<vmem>>
    %dma_start3A_256 = tpu.memref_squeeze %dma_start3A_255 : memref<1x80x32xf32, #tpu.memory_space<vmem>> -> memref<80x32xf32, #tpu.memory_space<vmem>>
    %dma_start3A_257 = arith.constant 0 : i32
    %dma_start3A_258 = tpu.memref_slice %arg8[%dma_start3A_251, %dma_start3A_257] : memref<250x80xi32, #tpu.memory_space<vmem>> -> memref<1x80xi32, #tpu.memory_space<vmem>>
    %dma_start3A_259 = tpu.memref_squeeze %dma_start3A_258 : memref<1x80xi32, #tpu.memory_space<vmem>> -> memref<80xi32, #tpu.memory_space<vmem>>
    %dma_start3A_260 = arith.constant 0 : i32
    %dma_start3A_261 = arith.constant 0 : i32
    %dma_start3A_262 = tpu.memref_slice %arg2[%dma_start3A_260, %dma_start3A_261] : memref<40000x32xf32, #tpu.memory_space<hbm>> -> memref<40000x32xf32, #tpu.memory_space<hbm>>
    tpu.enqueue_indirect_dma source(%dma_start3A_262 : memref<40000x32xf32, #tpu.memory_space<hbm>>) target(%dma_start3A_256 : memref<80x32xf32, #tpu.memory_space<vmem>>) offsets(%dma_start3A_259 : memref<80xi32, #tpu.memory_space<vmem>>) semaphore(%arg20 : memref<!tpu.dma_semaphore, #tpu.memory_space<semaphore_mem>>)
    %dma_start3A_263 = arith.constant 9 : i32
    %dma_start3A_264 = arith.constant 9 : i32
    %dma_start3A_265 = arith.constant 0 : i32
    %dma_start3A_266 = arith.constant 0 : i32
    %dma_start3A_267 = tpu.memref_slice %arg9[%dma_start3A_264, %dma_start3A_265, %dma_start3A_266] : memref<10x80x32xf32, #tpu.memory_space<vmem>> -> memref<1x80x32xf32, #tpu.memory_space<vmem>>
    %dma_start3A_268 = tpu.memref_squeeze %dma_start3A_267 : memref<1x80x32xf32, #tpu.memory_space<vmem>> -> memref<80x32xf32, #tpu.memory_space<vmem>>
    %dma_start3A_269 = arith.constant 0 : i32
    %dma_start3A_270 = tpu.memref_slice %arg8[%dma_start3A_263, %dma_start3A_269] : memref<250x80xi32, #tpu.memory_space<vmem>> -> memref<1x80xi32, #tpu.memory_space<vmem>>
    %dma_start3A_271 = tpu.memref_squeeze %dma_start3A_270 : memref<1x80xi32, #tpu.memory_space<vmem>> -> memref<80xi32, #tpu.memory_space<vmem>>
    %dma_start3A_272 = arith.constant 0 : i32
    %dma_start3A_273 = arith.constant 0 : i32
    %dma_start3A_274 = tpu.memref_slice %arg2[%dma_start3A_272, %dma_start3A_273] : memref<40000x32xf32, #tpu.memory_space<hbm>> -> memref<40000x32xf32, #tpu.memory_space<hbm>>
    tpu.enqueue_indirect_dma source(%dma_start3A_274 : memref<40000x32xf32, #tpu.memory_space<hbm>>) target(%dma_start3A_268 : memref<80x32xf32, #tpu.memory_space<vmem>>) offsets(%dma_start3A_271 : memref<80xi32, #tpu.memory_space<vmem>>) semaphore(%arg21 : memref<!tpu.dma_semaphore, #tpu.memory_space<semaphore_mem>>)
    %scan3A_275 = arith.constant 0 : i32
    %scan3A_276 = arith.constant 0 : i32
    %scan3A_277 = arith.constant 25 : i32
    %scan3A_278 = arith.addi %scan3A_276, %scan3A_277 : i32
    %scan3A_279 = arith.constant 1 : i32
    scf.for %scan3A_284 = %scan3A_276 to %scan3A_278 step %scan3A_279  : i32 {
      %mul3A_285 = arith.constant 10 : i32
      %mul3A_286 = arith.muli %scan3A_284, %mul3A_285 : i32
      %add3A_287 = arith.constant 0 : i32
      %add3A_288 = arith.addi %mul3A_286, %add3A_287 : i32
      %dma_wait3A = arith.constant 0 : i32
      %dma_wait3A_289 = arith.constant 0 : i32
      %dma_wait3A_290 = arith.constant 0 : i32
      %dma_wait3A_291 = tpu.memref_slice %arg9[%dma_wait3A, %dma_wait3A_289, %dma_wait3A_290] : memref<10x80x32xf32, #tpu.memory_space<vmem>> -> memref<1x80x32xf32, #tpu.memory_space<vmem>>
      %dma_wait3A_292 = tpu.memref_squeeze %dma_wait3A_291 : memref<1x80x32xf32, #tpu.memory_space<vmem>> -> memref<80x32xf32, #tpu.memory_space<vmem>>
      %dma_wait3A_293 = arith.constant 0 : i32
      %dma_wait3A_294 = arith.constant 0 : i32
      %dma_wait3A_295 = tpu.memref_slice %arg2[%dma_wait3A_293, %dma_wait3A_294] : memref<40000x32xf32, #tpu.memory_space<hbm>> -> memref<80x32xf32, #tpu.memory_space<hbm>>
      %dma_wait3A_296 = arith.constant 0 : i32
      %dma_wait3A_297 = arith.constant 0 : i32
      %dma_wait3A_298 = tpu.memref_slice %arg9[%dma_wait3A, %dma_wait3A_296, %dma_wait3A_297] : memref<10x80x32xf32, #tpu.memory_space<vmem>> -> memref<1x80x32xf32, #tpu.memory_space<vmem>>
      %dma_wait3A_299 = tpu.memref_squeeze %dma_wait3A_298 : memref<1x80x32xf32, #tpu.memory_space<vmem>> -> memref<80x32xf32, #tpu.memory_space<vmem>>
      %dma_wait3A_300 = arith.constant 0 : i32
      %dma_wait3A_301 = arith.constant 0 : i32
      %dma_wait3A_302 = tpu.memref_slice %arg2[%dma_wait3A_300, %dma_wait3A_301] : memref<40000x32xf32, #tpu.memory_space<hbm>> -> memref<80x32xf32, #tpu.memory_space<hbm>>
      tpu.wait_dma2 semaphore(%arg12 : memref<!tpu.dma_semaphore, #tpu.memory_space<semaphore_mem>>) src(%dma_wait3A_302 : memref<80x32xf32, #tpu.memory_space<hbm>>) dst(%dma_wait3A_299 : memref<80x32xf32, #tpu.memory_space<vmem>>)
      %run_scoped3A = arith.constant 0 : i32
      "tpu.region"() ({
        %run_scoped3A_550 = tpu.sem_alloc : memref<!tpu.dma_semaphore, #tpu.memory_space<semaphore_mem>>
        %dma_start3A_551 = arith.constant 0 : i32
        %dma_start3A_552 = arith.constant 0 : i32
        %dma_start3A_553 = tpu.memref_slice %arg9[%run_scoped3A, %dma_start3A_551, %dma_start3A_552] : memref<10x80x32xf32, #tpu.memory_space<vmem>> -> memref<1x80x32xf32, #tpu.memory_space<vmem>>
        %dma_start3A_554 = tpu.memref_squeeze %dma_start3A_553 : memref<1x80x32xf32, #tpu.memory_space<vmem>> -> memref<80x32xf32, #tpu.memory_space<vmem>>
        %dma_start3A_555 = arith.constant 0 : i32
        %dma_start3A_556 = tpu.memref_slice %arg7[%add3A_288, %dma_start3A_555] : memref<250x80xi32, #tpu.memory_space<vmem>> -> memref<1x80xi32, #tpu.memory_space<vmem>>
        %dma_start3A_557 = tpu.memref_squeeze %dma_start3A_556 : memref<1x80xi32, #tpu.memory_space<vmem>> -> memref<80xi32, #tpu.memory_space<vmem>>
        %dma_start3A_558 = arith.constant 0 : i32
        %dma_start3A_559 = arith.constant 0 : i32
        %dma_start3A_560 = tpu.memref_slice %arg11[%dma_start3A_558, %dma_start3A_559] : memref<10240x32xf32, #tpu.memory_space<vmem_shared>> -> memref<10240x32xf32, #tpu.memory_space<vmem_shared>>
        tpu.enqueue_indirect_dma source(%dma_start3A_554 : memref<80x32xf32, #tpu.memory_space<vmem>>) target(%dma_start3A_560 : memref<10240x32xf32, #tpu.memory_space<vmem_shared>>) offsets(%dma_start3A_557 : memref<80xi32, #tpu.memory_space<vmem>>) semaphore(%run_scoped3A_550 : memref<!tpu.dma_semaphore, #tpu.memory_space<semaphore_mem>>) {add = true}
        %dma_wait3A_561 = arith.constant 0 : i32
        %dma_wait3A_562 = arith.constant 0 : i32
        %dma_wait3A_563 = tpu.memref_slice %arg9[%run_scoped3A, %dma_wait3A_561, %dma_wait3A_562] : memref<10x80x32xf32, #tpu.memory_space<vmem>> -> memref<1x80x32xf32, #tpu.memory_space<vmem>>
        %dma_wait3A_564 = tpu.memref_squeeze %dma_wait3A_563 : memref<1x80x32xf32, #tpu.memory_space<vmem>> -> memref<80x32xf32, #tpu.memory_space<vmem>>
        %dma_wait3A_565 = arith.constant 0 : i32
        %dma_wait3A_566 = tpu.memref_slice %arg7[%add3A_288, %dma_wait3A_565] : memref<250x80xi32, #tpu.memory_space<vmem>> -> memref<1x80xi32, #tpu.memory_space<vmem>>
        %dma_wait3A_567 = tpu.memref_squeeze %dma_wait3A_566 : memref<1x80xi32, #tpu.memory_space<vmem>> -> memref<80xi32, #tpu.memory_space<vmem>>
        %dma_wait3A_568 = arith.constant 0 : i32
        %dma_wait3A_569 = arith.constant 0 : i32
        %dma_wait3A_570 = tpu.memref_slice %arg11[%dma_wait3A_568, %dma_wait3A_569] : memref<10240x32xf32, #tpu.memory_space<vmem_shared>> -> memref<10240x32xf32, #tpu.memory_space<vmem_shared>>
        tpu.wait_indirect_dma semaphore(%run_scoped3A_550 : memref<!tpu.dma_semaphore, #tpu.memory_space<semaphore_mem>>) src(%dma_wait3A_564 : memref<80x32xf32, #tpu.memory_space<vmem>>) dst(%dma_wait3A_570 : memref<10240x32xf32, #tpu.memory_space<vmem_shared>>)
        tpu.yield
      }) : () -> ()
      %add3A_303 = arith.constant 10 : i32
      %add3A_304 = arith.addi %add3A_288, %add3A_303 : i32
      %lt3A = arith.constant 250 : i32
      %lt3A_305 = arith.cmpi slt, %add3A_304, %lt3A : i32
      %convert_element_type3A = arith.extui %lt3A_305 : i1 to i32
      %cond3A = arith.constant 0 : i32
      %cond3A_306 = arith.cmpi ne, %convert_element_type3A, %cond3A : i32
      scf.if %cond3A_306 {
        %add3A_550 = arith.constant 10 : i32
        %add3A_551 = arith.addi %add3A_288, %add3A_550 : i32
        %dma_start3A_552 = arith.constant 0 : i32
        %dma_start3A_553 = arith.constant 0 : i32
        %dma_start3A_554 = arith.constant 0 : i32
        %dma_start3A_555 = tpu.memref_slice %arg9[%dma_start3A_552, %dma_start3A_553, %dma_start3A_554] : memref<10x80x32xf32, #tpu.memory_space<vmem>> -> memref<1x80x32xf32, #tpu.memory_space<vmem>>
        %dma_start3A_556 = tpu.memref_squeeze %dma_start3A_555 : memref<1x80x32xf32, #tpu.memory_space<vmem>> -> memref<80x32xf32, #tpu.memory_space<vmem>>
        %dma_start3A_557 = arith.constant 0 : i32
        %dma_start3A_558 = tpu.memref_slice %arg8[%add3A_551, %dma_start3A_557] : memref<250x80xi32, #tpu.memory_space<vmem>> -> memref<1x80xi32, #tpu.memory_space<vmem>>
        %dma_start3A_559 = tpu.memref_squeeze %dma_start3A_558 : memref<1x80xi32, #tpu.memory_space<vmem>> -> memref<80xi32, #tpu.memory_space<vmem>>
        %dma_start3A_560 = arith.constant 0 : i32
        %dma_start3A_561 = arith.constant 0 : i32
        %dma_start3A_562 = tpu.memref_slice %arg2[%dma_start3A_560, %dma_start3A_561] : memref<40000x32xf32, #tpu.memory_space<hbm>> -> memref<40000x32xf32, #tpu.memory_space<hbm>>
        tpu.enqueue_indirect_dma source(%dma_start3A_562 : memref<40000x32xf32, #tpu.memory_space<hbm>>) target(%dma_start3A_556 : memref<80x32xf32, #tpu.memory_space<vmem>>) offsets(%dma_start3A_559 : memref<80xi32, #tpu.memory_space<vmem>>) semaphore(%arg12 : memref<!tpu.dma_semaphore, #tpu.memory_space<semaphore_mem>>)
      } else {
      }
      %mul3A_307 = arith.constant 10 : i32
      %mul3A_308 = arith.muli %scan3A_284, %mul3A_307 : i32
      %add3A_309 = arith.constant 1 : i32
      %add3A_310 = arith.addi %mul3A_308, %add3A_309 : i32
      %dma_wait3A_311 = arith.constant 1 : i32
      %dma_wait3A_312 = arith.constant 0 : i32
      %dma_wait3A_313 = arith.constant 0 : i32
      %dma_wait3A_314 = tpu.memref_slice %arg9[%dma_wait3A_311, %dma_wait3A_312, %dma_wait3A_313] : memref<10x80x32xf32, #tpu.memory_space<vmem>> -> memref<1x80x32xf32, #tpu.memory_space<vmem>>
      %dma_wait3A_315 = tpu.memref_squeeze %dma_wait3A_314 : memref<1x80x32xf32, #tpu.memory_space<vmem>> -> memref<80x32xf32, #tpu.memory_space<vmem>>
      %dma_wait3A_316 = arith.constant 0 : i32
      %dma_wait3A_317 = arith.constant 0 : i32
      %dma_wait3A_318 = tpu.memref_slice %arg2[%dma_wait3A_316, %dma_wait3A_317] : memref<40000x32xf32, #tpu.memory_space<hbm>> -> memref<80x32xf32, #tpu.memory_space<hbm>>
      %dma_wait3A_319 = arith.constant 0 : i32
      %dma_wait3A_320 = arith.constant 0 : i32
      %dma_wait3A_321 = tpu.memref_slice %arg9[%dma_wait3A_311, %dma_wait3A_319, %dma_wait3A_320] : memref<10x80x32xf32, #tpu.memory_space<vmem>> -> memref<1x80x32xf32, #tpu.memory_space<vmem>>
      %dma_wait3A_322 = tpu.memref_squeeze %dma_wait3A_321 : memref<1x80x32xf32, #tpu.memory_space<vmem>> -> memref<80x32xf32, #tpu.memory_space<vmem>>
      %dma_wait3A_323 = arith.constant 0 : i32
      %dma_wait3A_324 = arith.constant 0 : i32
      %dma_wait3A_325 = tpu.memref_slice %arg2[%dma_wait3A_323, %dma_wait3A_324] : memref<40000x32xf32, #tpu.memory_space<hbm>> -> memref<80x32xf32, #tpu.memory_space<hbm>>
      tpu.wait_dma2 semaphore(%arg13 : memref<!tpu.dma_semaphore, #tpu.memory_space<semaphore_mem>>) src(%dma_wait3A_325 : memref<80x32xf32, #tpu.memory_space<hbm>>) dst(%dma_wait3A_322 : memref<80x32xf32, #tpu.memory_space<vmem>>)
      %run_scoped3A_326 = arith.constant 1 : i32
      "tpu.region"() ({
        %run_scoped3A_550 = tpu.sem_alloc : memref<!tpu.dma_semaphore, #tpu.memory_space<semaphore_mem>>
        %dma_start3A_551 = arith.constant 0 : i32
        %dma_start3A_552 = arith.constant 0 : i32
        %dma_start3A_553 = tpu.memref_slice %arg9[%run_scoped3A_326, %dma_start3A_551, %dma_start3A_552] : memref<10x80x32xf32, #tpu.memory_space<vmem>> -> memref<1x80x32xf32, #tpu.memory_space<vmem>>
        %dma_start3A_554 = tpu.memref_squeeze %dma_start3A_553 : memref<1x80x32xf32, #tpu.memory_space<vmem>> -> memref<80x32xf32, #tpu.memory_space<vmem>>
        %dma_start3A_555 = arith.constant 0 : i32
        %dma_start3A_556 = tpu.memref_slice %arg7[%add3A_310, %dma_start3A_555] : memref<250x80xi32, #tpu.memory_space<vmem>> -> memref<1x80xi32, #tpu.memory_space<vmem>>
        %dma_start3A_557 = tpu.memref_squeeze %dma_start3A_556 : memref<1x80xi32, #tpu.memory_space<vmem>> -> memref<80xi32, #tpu.memory_space<vmem>>
        %dma_start3A_558 = arith.constant 0 : i32
        %dma_start3A_559 = arith.constant 0 : i32
        %dma_start3A_560 = tpu.memref_slice %arg11[%dma_start3A_558, %dma_start3A_559] : memref<10240x32xf32, #tpu.memory_space<vmem_shared>> -> memref<10240x32xf32, #tpu.memory_space<vmem_shared>>
        tpu.enqueue_indirect_dma source(%dma_start3A_554 : memref<80x32xf32, #tpu.memory_space<vmem>>) target(%dma_start3A_560 : memref<10240x32xf32, #tpu.memory_space<vmem_shared>>) offsets(%dma_start3A_557 : memref<80xi32, #tpu.memory_space<vmem>>) semaphore(%run_scoped3A_550 : memref<!tpu.dma_semaphore, #tpu.memory_space<semaphore_mem>>) {add = true}
        %dma_wait3A_561 = arith.constant 0 : i32
        %dma_wait3A_562 = arith.constant 0 : i32
        %dma_wait3A_563 = tpu.memref_slice %arg9[%run_scoped3A_326, %dma_wait3A_561, %dma_wait3A_562] : memref<10x80x32xf32, #tpu.memory_space<vmem>> -> memref<1x80x32xf32, #tpu.memory_space<vmem>>
        %dma_wait3A_564 = tpu.memref_squeeze %dma_wait3A_563 : memref<1x80x32xf32, #tpu.memory_space<vmem>> -> memref<80x32xf32, #tpu.memory_space<vmem>>
        %dma_wait3A_565 = arith.constant 0 : i32
        %dma_wait3A_566 = tpu.memref_slice %arg7[%add3A_310, %dma_wait3A_565] : memref<250x80xi32, #tpu.memory_space<vmem>> -> memref<1x80xi32, #tpu.memory_space<vmem>>
        %dma_wait3A_567 = tpu.memref_squeeze %dma_wait3A_566 : memref<1x80xi32, #tpu.memory_space<vmem>> -> memref<80xi32, #tpu.memory_space<vmem>>
        %dma_wait3A_568 = arith.constant 0 : i32
        %dma_wait3A_569 = arith.constant 0 : i32
        %dma_wait3A_570 = tpu.memref_slice %arg11[%dma_wait3A_568, %dma_wait3A_569] : memref<10240x32xf32, #tpu.memory_space<vmem_shared>> -> memref<10240x32xf32, #tpu.memory_space<vmem_shared>>
        tpu.wait_indirect_dma semaphore(%run_scoped3A_550 : memref<!tpu.dma_semaphore, #tpu.memory_space<semaphore_mem>>) src(%dma_wait3A_564 : memref<80x32xf32, #tpu.memory_space<vmem>>) dst(%dma_wait3A_570 : memref<10240x32xf32, #tpu.memory_space<vmem_shared>>)
        tpu.yield
      }) : () -> ()
      %add3A_327 = arith.constant 10 : i32
      %add3A_328 = arith.addi %add3A_310, %add3A_327 : i32
      %lt3A_329 = arith.constant 250 : i32
      %lt3A_330 = arith.cmpi slt, %add3A_328, %lt3A_329 : i32
      %convert_element_type3A_331 = arith.extui %lt3A_330 : i1 to i32
      %cond3A_332 = arith.constant 0 : i32
      %cond3A_333 = arith.cmpi ne, %convert_element_type3A_331, %cond3A_332 : i32
      scf.if %cond3A_333 {
        %add3A_550 = arith.constant 10 : i32
        %add3A_551 = arith.addi %add3A_310, %add3A_550 : i32
        %dma_start3A_552 = arith.constant 1 : i32
        %dma_start3A_553 = arith.constant 0 : i32
        %dma_start3A_554 = arith.constant 0 : i32
        %dma_start3A_555 = tpu.memref_slice %arg9[%dma_start3A_552, %dma_start3A_553, %dma_start3A_554] : memref<10x80x32xf32, #tpu.memory_space<vmem>> -> memref<1x80x32xf32, #tpu.memory_space<vmem>>
        %dma_start3A_556 = tpu.memref_squeeze %dma_start3A_555 : memref<1x80x32xf32, #tpu.memory_space<vmem>> -> memref<80x32xf32, #tpu.memory_space<vmem>>
        %dma_start3A_557 = arith.constant 0 : i32
        %dma_start3A_558 = tpu.memref_slice %arg8[%add3A_551, %dma_start3A_557] : memref<250x80xi32, #tpu.memory_space<vmem>> -> memref<1x80xi32, #tpu.memory_space<vmem>>
        %dma_start3A_559 = tpu.memref_squeeze %dma_start3A_558 : memref<1x80xi32, #tpu.memory_space<vmem>> -> memref<80xi32, #tpu.memory_space<vmem>>
        %dma_start3A_560 = arith.constant 0 : i32
        %dma_start3A_561 = arith.constant 0 : i32
        %dma_start3A_562 = tpu.memref_slice %arg2[%dma_start3A_560, %dma_start3A_561] : memref<40000x32xf32, #tpu.memory_space<hbm>> -> memref<40000x32xf32, #tpu.memory_space<hbm>>
        tpu.enqueue_indirect_dma source(%dma_start3A_562 : memref<40000x32xf32, #tpu.memory_space<hbm>>) target(%dma_start3A_556 : memref<80x32xf32, #tpu.memory_space<vmem>>) offsets(%dma_start3A_559 : memref<80xi32, #tpu.memory_space<vmem>>) semaphore(%arg13 : memref<!tpu.dma_semaphore, #tpu.memory_space<semaphore_mem>>)
      } else {
      }
      %mul3A_334 = arith.constant 10 : i32
      %mul3A_335 = arith.muli %scan3A_284, %mul3A_334 : i32
      %add3A_336 = arith.constant 2 : i32
      %add3A_337 = arith.addi %mul3A_335, %add3A_336 : i32
      %dma_wait3A_338 = arith.constant 2 : i32
      %dma_wait3A_339 = arith.constant 0 : i32
      %dma_wait3A_340 = arith.constant 0 : i32
      %dma_wait3A_341 = tpu.memref_slice %arg9[%dma_wait3A_338, %dma_wait3A_339, %dma_wait3A_340] : memref<10x80x32xf32, #tpu.memory_space<vmem>> -> memref<1x80x32xf32, #tpu.memory_space<vmem>>
      %dma_wait3A_342 = tpu.memref_squeeze %dma_wait3A_341 : memref<1x80x32xf32, #tpu.memory_space<vmem>> -> memref<80x32xf32, #tpu.memory_space<vmem>>
      %dma_wait3A_343 = arith.constant 0 : i32
      %dma_wait3A_344 = arith.constant 0 : i32
      %dma_wait3A_345 = tpu.memref_slice %arg2[%dma_wait3A_343, %dma_wait3A_344] : memref<40000x32xf32, #tpu.memory_space<hbm>> -> memref<80x32xf32, #tpu.memory_space<hbm>>
      %dma_wait3A_346 = arith.constant 0 : i32
      %dma_wait3A_347 = arith.constant 0 : i32
      %dma_wait3A_348 = tpu.memref_slice %arg9[%dma_wait3A_338, %dma_wait3A_346, %dma_wait3A_347] : memref<10x80x32xf32, #tpu.memory_space<vmem>> -> memref<1x80x32xf32, #tpu.memory_space<vmem>>
      %dma_wait3A_349 = tpu.memref_squeeze %dma_wait3A_348 : memref<1x80x32xf32, #tpu.memory_space<vmem>> -> memref<80x32xf32, #tpu.memory_space<vmem>>
      %dma_wait3A_350 = arith.constant 0 : i32
      %dma_wait3A_351 = arith.constant 0 : i32
      %dma_wait3A_352 = tpu.memref_slice %arg2[%dma_wait3A_350, %dma_wait3A_351] : memref<40000x32xf32, #tpu.memory_space<hbm>> -> memref<80x32xf32, #tpu.memory_space<hbm>>
      tpu.wait_dma2 semaphore(%arg14 : memref<!tpu.dma_semaphore, #tpu.memory_space<semaphore_mem>>) src(%dma_wait3A_352 : memref<80x32xf32, #tpu.memory_space<hbm>>) dst(%dma_wait3A_349 : memref<80x32xf32, #tpu.memory_space<vmem>>)
      %run_scoped3A_353 = arith.constant 2 : i32
      "tpu.region"() ({
        %run_scoped3A_550 = tpu.sem_alloc : memref<!tpu.dma_semaphore, #tpu.memory_space<semaphore_mem>>
        %dma_start3A_551 = arith.constant 0 : i32
        %dma_start3A_552 = arith.constant 0 : i32
        %dma_start3A_553 = tpu.memref_slice %arg9[%run_scoped3A_353, %dma_start3A_551, %dma_start3A_552] : memref<10x80x32xf32, #tpu.memory_space<vmem>> -> memref<1x80x32xf32, #tpu.memory_space<vmem>>
        %dma_start3A_554 = tpu.memref_squeeze %dma_start3A_553 : memref<1x80x32xf32, #tpu.memory_space<vmem>> -> memref<80x32xf32, #tpu.memory_space<vmem>>
        %dma_start3A_555 = arith.constant 0 : i32
        %dma_start3A_556 = tpu.memref_slice %arg7[%add3A_337, %dma_start3A_555] : memref<250x80xi32, #tpu.memory_space<vmem>> -> memref<1x80xi32, #tpu.memory_space<vmem>>
        %dma_start3A_557 = tpu.memref_squeeze %dma_start3A_556 : memref<1x80xi32, #tpu.memory_space<vmem>> -> memref<80xi32, #tpu.memory_space<vmem>>
        %dma_start3A_558 = arith.constant 0 : i32
        %dma_start3A_559 = arith.constant 0 : i32
        %dma_start3A_560 = tpu.memref_slice %arg11[%dma_start3A_558, %dma_start3A_559] : memref<10240x32xf32, #tpu.memory_space<vmem_shared>> -> memref<10240x32xf32, #tpu.memory_space<vmem_shared>>
        tpu.enqueue_indirect_dma source(%dma_start3A_554 : memref<80x32xf32, #tpu.memory_space<vmem>>) target(%dma_start3A_560 : memref<10240x32xf32, #tpu.memory_space<vmem_shared>>) offsets(%dma_start3A_557 : memref<80xi32, #tpu.memory_space<vmem>>) semaphore(%run_scoped3A_550 : memref<!tpu.dma_semaphore, #tpu.memory_space<semaphore_mem>>) {add = true}
        %dma_wait3A_561 = arith.constant 0 : i32
        %dma_wait3A_562 = arith.constant 0 : i32
        %dma_wait3A_563 = tpu.memref_slice %arg9[%run_scoped3A_353, %dma_wait3A_561, %dma_wait3A_562] : memref<10x80x32xf32, #tpu.memory_space<vmem>> -> memref<1x80x32xf32, #tpu.memory_space<vmem>>
        %dma_wait3A_564 = tpu.memref_squeeze %dma_wait3A_563 : memref<1x80x32xf32, #tpu.memory_space<vmem>> -> memref<80x32xf32, #tpu.memory_space<vmem>>
        %dma_wait3A_565 = arith.constant 0 : i32
        %dma_wait3A_566 = tpu.memref_slice %arg7[%add3A_337, %dma_wait3A_565] : memref<250x80xi32, #tpu.memory_space<vmem>> -> memref<1x80xi32, #tpu.memory_space<vmem>>
        %dma_wait3A_567 = tpu.memref_squeeze %dma_wait3A_566 : memref<1x80xi32, #tpu.memory_space<vmem>> -> memref<80xi32, #tpu.memory_space<vmem>>
        %dma_wait3A_568 = arith.constant 0 : i32
        %dma_wait3A_569 = arith.constant 0 : i32
        %dma_wait3A_570 = tpu.memref_slice %arg11[%dma_wait3A_568, %dma_wait3A_569] : memref<10240x32xf32, #tpu.memory_space<vmem_shared>> -> memref<10240x32xf32, #tpu.memory_space<vmem_shared>>
        tpu.wait_indirect_dma semaphore(%run_scoped3A_550 : memref<!tpu.dma_semaphore, #tpu.memory_space<semaphore_mem>>) src(%dma_wait3A_564 : memref<80x32xf32, #tpu.memory_space<vmem>>) dst(%dma_wait3A_570 : memref<10240x32xf32, #tpu.memory_space<vmem_shared>>)
        tpu.yield
      }) : () -> ()
      %add3A_354 = arith.constant 10 : i32
      %add3A_355 = arith.addi %add3A_337, %add3A_354 : i32
      %lt3A_356 = arith.constant 250 : i32
      %lt3A_357 = arith.cmpi slt, %add3A_355, %lt3A_356 : i32
      %convert_element_type3A_358 = arith.extui %lt3A_357 : i1 to i32
      %cond3A_359 = arith.constant 0 : i32
      %cond3A_360 = arith.cmpi ne, %convert_element_type3A_358, %cond3A_359 : i32
      scf.if %cond3A_360 {
        %add3A_550 = arith.constant 10 : i32
        %add3A_551 = arith.addi %add3A_337, %add3A_550 : i32
        %dma_start3A_552 = arith.constant 2 : i32
        %dma_start3A_553 = arith.constant 0 : i32
        %dma_start3A_554 = arith.constant 0 : i32
        %dma_start3A_555 = tpu.memref_slice %arg9[%dma_start3A_552, %dma_start3A_553, %dma_start3A_554] : memref<10x80x32xf32, #tpu.memory_space<vmem>> -> memref<1x80x32xf32, #tpu.memory_space<vmem>>
        %dma_start3A_556 = tpu.memref_squeeze %dma_start3A_555 : memref<1x80x32xf32, #tpu.memory_space<vmem>> -> memref<80x32xf32, #tpu.memory_space<vmem>>
        %dma_start3A_557 = arith.constant 0 : i32
        %dma_start3A_558 = tpu.memref_slice %arg8[%add3A_551, %dma_start3A_557] : memref<250x80xi32, #tpu.memory_space<vmem>> -> memref<1x80xi32, #tpu.memory_space<vmem>>
        %dma_start3A_559 = tpu.memref_squeeze %dma_start3A_558 : memref<1x80xi32, #tpu.memory_space<vmem>> -> memref<80xi32, #tpu.memory_space<vmem>>
        %dma_start3A_560 = arith.constant 0 : i32
        %dma_start3A_561 = arith.constant 0 : i32
        %dma_start3A_562 = tpu.memref_slice %arg2[%dma_start3A_560, %dma_start3A_561] : memref<40000x32xf32, #tpu.memory_space<hbm>> -> memref<40000x32xf32, #tpu.memory_space<hbm>>
        tpu.enqueue_indirect_dma source(%dma_start3A_562 : memref<40000x32xf32, #tpu.memory_space<hbm>>) target(%dma_start3A_556 : memref<80x32xf32, #tpu.memory_space<vmem>>) offsets(%dma_start3A_559 : memref<80xi32, #tpu.memory_space<vmem>>) semaphore(%arg14 : memref<!tpu.dma_semaphore, #tpu.memory_space<semaphore_mem>>)
      } else {
      }
      %mul3A_361 = arith.constant 10 : i32
      %mul3A_362 = arith.muli %scan3A_284, %mul3A_361 : i32
      %add3A_363 = arith.constant 3 : i32
      %add3A_364 = arith.addi %mul3A_362, %add3A_363 : i32
      %dma_wait3A_365 = arith.constant 3 : i32
      %dma_wait3A_366 = arith.constant 0 : i32
      %dma_wait3A_367 = arith.constant 0 : i32
      %dma_wait3A_368 = tpu.memref_slice %arg9[%dma_wait3A_365, %dma_wait3A_366, %dma_wait3A_367] : memref<10x80x32xf32, #tpu.memory_space<vmem>> -> memref<1x80x32xf32, #tpu.memory_space<vmem>>
      %dma_wait3A_369 = tpu.memref_squeeze %dma_wait3A_368 : memref<1x80x32xf32, #tpu.memory_space<vmem>> -> memref<80x32xf32, #tpu.memory_space<vmem>>
      %dma_wait3A_370 = arith.constant 0 : i32
      %dma_wait3A_371 = arith.constant 0 : i32
      %dma_wait3A_372 = tpu.memref_slice %arg2[%dma_wait3A_370, %dma_wait3A_371] : memref<40000x32xf32, #tpu.memory_space<hbm>> -> memref<80x32xf32, #tpu.memory_space<hbm>>
      %dma_wait3A_373 = arith.constant 0 : i32
      %dma_wait3A_374 = arith.constant 0 : i32
      %dma_wait3A_375 = tpu.memref_slice %arg9[%dma_wait3A_365, %dma_wait3A_373, %dma_wait3A_374] : memref<10x80x32xf32, #tpu.memory_space<vmem>> -> memref<1x80x32xf32, #tpu.memory_space<vmem>>
      %dma_wait3A_376 = tpu.memref_squeeze %dma_wait3A_375 : memref<1x80x32xf32, #tpu.memory_space<vmem>> -> memref<80x32xf32, #tpu.memory_space<vmem>>
      %dma_wait3A_377 = arith.constant 0 : i32
      %dma_wait3A_378 = arith.constant 0 : i32
      %dma_wait3A_379 = tpu.memref_slice %arg2[%dma_wait3A_377, %dma_wait3A_378] : memref<40000x32xf32, #tpu.memory_space<hbm>> -> memref<80x32xf32, #tpu.memory_space<hbm>>
      tpu.wait_dma2 semaphore(%arg15 : memref<!tpu.dma_semaphore, #tpu.memory_space<semaphore_mem>>) src(%dma_wait3A_379 : memref<80x32xf32, #tpu.memory_space<hbm>>) dst(%dma_wait3A_376 : memref<80x32xf32, #tpu.memory_space<vmem>>)
      %run_scoped3A_380 = arith.constant 3 : i32
      "tpu.region"() ({
        %run_scoped3A_550 = tpu.sem_alloc : memref<!tpu.dma_semaphore, #tpu.memory_space<semaphore_mem>>
        %dma_start3A_551 = arith.constant 0 : i32
        %dma_start3A_552 = arith.constant 0 : i32
        %dma_start3A_553 = tpu.memref_slice %arg9[%run_scoped3A_380, %dma_start3A_551, %dma_start3A_552] : memref<10x80x32xf32, #tpu.memory_space<vmem>> -> memref<1x80x32xf32, #tpu.memory_space<vmem>>
        %dma_start3A_554 = tpu.memref_squeeze %dma_start3A_553 : memref<1x80x32xf32, #tpu.memory_space<vmem>> -> memref<80x32xf32, #tpu.memory_space<vmem>>
        %dma_start3A_555 = arith.constant 0 : i32
        %dma_start3A_556 = tpu.memref_slice %arg7[%add3A_364, %dma_start3A_555] : memref<250x80xi32, #tpu.memory_space<vmem>> -> memref<1x80xi32, #tpu.memory_space<vmem>>
        %dma_start3A_557 = tpu.memref_squeeze %dma_start3A_556 : memref<1x80xi32, #tpu.memory_space<vmem>> -> memref<80xi32, #tpu.memory_space<vmem>>
        %dma_start3A_558 = arith.constant 0 : i32
        %dma_start3A_559 = arith.constant 0 : i32
        %dma_start3A_560 = tpu.memref_slice %arg11[%dma_start3A_558, %dma_start3A_559] : memref<10240x32xf32, #tpu.memory_space<vmem_shared>> -> memref<10240x32xf32, #tpu.memory_space<vmem_shared>>
        tpu.enqueue_indirect_dma source(%dma_start3A_554 : memref<80x32xf32, #tpu.memory_space<vmem>>) target(%dma_start3A_560 : memref<10240x32xf32, #tpu.memory_space<vmem_shared>>) offsets(%dma_start3A_557 : memref<80xi32, #tpu.memory_space<vmem>>) semaphore(%run_scoped3A_550 : memref<!tpu.dma_semaphore, #tpu.memory_space<semaphore_mem>>) {add = true}
        %dma_wait3A_561 = arith.constant 0 : i32
        %dma_wait3A_562 = arith.constant 0 : i32
        %dma_wait3A_563 = tpu.memref_slice %arg9[%run_scoped3A_380, %dma_wait3A_561, %dma_wait3A_562] : memref<10x80x32xf32, #tpu.memory_space<vmem>> -> memref<1x80x32xf32, #tpu.memory_space<vmem>>
        %dma_wait3A_564 = tpu.memref_squeeze %dma_wait3A_563 : memref<1x80x32xf32, #tpu.memory_space<vmem>> -> memref<80x32xf32, #tpu.memory_space<vmem>>
        %dma_wait3A_565 = arith.constant 0 : i32
        %dma_wait3A_566 = tpu.memref_slice %arg7[%add3A_364, %dma_wait3A_565] : memref<250x80xi32, #tpu.memory_space<vmem>> -> memref<1x80xi32, #tpu.memory_space<vmem>>
        %dma_wait3A_567 = tpu.memref_squeeze %dma_wait3A_566 : memref<1x80xi32, #tpu.memory_space<vmem>> -> memref<80xi32, #tpu.memory_space<vmem>>
        %dma_wait3A_568 = arith.constant 0 : i32
        %dma_wait3A_569 = arith.constant 0 : i32
        %dma_wait3A_570 = tpu.memref_slice %arg11[%dma_wait3A_568, %dma_wait3A_569] : memref<10240x32xf32, #tpu.memory_space<vmem_shared>> -> memref<10240x32xf32, #tpu.memory_space<vmem_shared>>
        tpu.wait_indirect_dma semaphore(%run_scoped3A_550 : memref<!tpu.dma_semaphore, #tpu.memory_space<semaphore_mem>>) src(%dma_wait3A_564 : memref<80x32xf32, #tpu.memory_space<vmem>>) dst(%dma_wait3A_570 : memref<10240x32xf32, #tpu.memory_space<vmem_shared>>)
        tpu.yield
      }) : () -> ()
      %add3A_381 = arith.constant 10 : i32
      %add3A_382 = arith.addi %add3A_364, %add3A_381 : i32
      %lt3A_383 = arith.constant 250 : i32
      %lt3A_384 = arith.cmpi slt, %add3A_382, %lt3A_383 : i32
      %convert_element_type3A_385 = arith.extui %lt3A_384 : i1 to i32
      %cond3A_386 = arith.constant 0 : i32
      %cond3A_387 = arith.cmpi ne, %convert_element_type3A_385, %cond3A_386 : i32
      scf.if %cond3A_387 {
        %add3A_550 = arith.constant 10 : i32
        %add3A_551 = arith.addi %add3A_364, %add3A_550 : i32
        %dma_start3A_552 = arith.constant 3 : i32
        %dma_start3A_553 = arith.constant 0 : i32
        %dma_start3A_554 = arith.constant 0 : i32
        %dma_start3A_555 = tpu.memref_slice %arg9[%dma_start3A_552, %dma_start3A_553, %dma_start3A_554] : memref<10x80x32xf32, #tpu.memory_space<vmem>> -> memref<1x80x32xf32, #tpu.memory_space<vmem>>
        %dma_start3A_556 = tpu.memref_squeeze %dma_start3A_555 : memref<1x80x32xf32, #tpu.memory_space<vmem>> -> memref<80x32xf32, #tpu.memory_space<vmem>>
        %dma_start3A_557 = arith.constant 0 : i32
        %dma_start3A_558 = tpu.memref_slice %arg8[%add3A_551, %dma_start3A_557] : memref<250x80xi32, #tpu.memory_space<vmem>> -> memref<1x80xi32, #tpu.memory_space<vmem>>
        %dma_start3A_559 = tpu.memref_squeeze %dma_start3A_558 : memref<1x80xi32, #tpu.memory_space<vmem>> -> memref<80xi32, #tpu.memory_space<vmem>>
        %dma_start3A_560 = arith.constant 0 : i32
        %dma_start3A_561 = arith.constant 0 : i32
        %dma_start3A_562 = tpu.memref_slice %arg2[%dma_start3A_560, %dma_start3A_561] : memref<40000x32xf32, #tpu.memory_space<hbm>> -> memref<40000x32xf32, #tpu.memory_space<hbm>>
        tpu.enqueue_indirect_dma source(%dma_start3A_562 : memref<40000x32xf32, #tpu.memory_space<hbm>>) target(%dma_start3A_556 : memref<80x32xf32, #tpu.memory_space<vmem>>) offsets(%dma_start3A_559 : memref<80xi32, #tpu.memory_space<vmem>>) semaphore(%arg15 : memref<!tpu.dma_semaphore, #tpu.memory_space<semaphore_mem>>)
      } else {
      }
      %mul3A_388 = arith.constant 10 : i32
      %mul3A_389 = arith.muli %scan3A_284, %mul3A_388 : i32
      %add3A_390 = arith.constant 4 : i32
      %add3A_391 = arith.addi %mul3A_389, %add3A_390 : i32
      %dma_wait3A_392 = arith.constant 4 : i32
      %dma_wait3A_393 = arith.constant 0 : i32
      %dma_wait3A_394 = arith.constant 0 : i32
      %dma_wait3A_395 = tpu.memref_slice %arg9[%dma_wait3A_392, %dma_wait3A_393, %dma_wait3A_394] : memref<10x80x32xf32, #tpu.memory_space<vmem>> -> memref<1x80x32xf32, #tpu.memory_space<vmem>>
      %dma_wait3A_396 = tpu.memref_squeeze %dma_wait3A_395 : memref<1x80x32xf32, #tpu.memory_space<vmem>> -> memref<80x32xf32, #tpu.memory_space<vmem>>
      %dma_wait3A_397 = arith.constant 0 : i32
      %dma_wait3A_398 = arith.constant 0 : i32
      %dma_wait3A_399 = tpu.memref_slice %arg2[%dma_wait3A_397, %dma_wait3A_398] : memref<40000x32xf32, #tpu.memory_space<hbm>> -> memref<80x32xf32, #tpu.memory_space<hbm>>
      %dma_wait3A_400 = arith.constant 0 : i32
      %dma_wait3A_401 = arith.constant 0 : i32
      %dma_wait3A_402 = tpu.memref_slice %arg9[%dma_wait3A_392, %dma_wait3A_400, %dma_wait3A_401] : memref<10x80x32xf32, #tpu.memory_space<vmem>> -> memref<1x80x32xf32, #tpu.memory_space<vmem>>
      %dma_wait3A_403 = tpu.memref_squeeze %dma_wait3A_402 : memref<1x80x32xf32, #tpu.memory_space<vmem>> -> memref<80x32xf32, #tpu.memory_space<vmem>>
      %dma_wait3A_404 = arith.constant 0 : i32
      %dma_wait3A_405 = arith.constant 0 : i32
      %dma_wait3A_406 = tpu.memref_slice %arg2[%dma_wait3A_404, %dma_wait3A_405] : memref<40000x32xf32, #tpu.memory_space<hbm>> -> memref<80x32xf32, #tpu.memory_space<hbm>>
      tpu.wait_dma2 semaphore(%arg16 : memref<!tpu.dma_semaphore, #tpu.memory_space<semaphore_mem>>) src(%dma_wait3A_406 : memref<80x32xf32, #tpu.memory_space<hbm>>) dst(%dma_wait3A_403 : memref<80x32xf32, #tpu.memory_space<vmem>>)
      %run_scoped3A_407 = arith.constant 4 : i32
      "tpu.region"() ({
        %run_scoped3A_550 = tpu.sem_alloc : memref<!tpu.dma_semaphore, #tpu.memory_space<semaphore_mem>>
        %dma_start3A_551 = arith.constant 0 : i32
        %dma_start3A_552 = arith.constant 0 : i32
        %dma_start3A_553 = tpu.memref_slice %arg9[%run_scoped3A_407, %dma_start3A_551, %dma_start3A_552] : memref<10x80x32xf32, #tpu.memory_space<vmem>> -> memref<1x80x32xf32, #tpu.memory_space<vmem>>
        %dma_start3A_554 = tpu.memref_squeeze %dma_start3A_553 : memref<1x80x32xf32, #tpu.memory_space<vmem>> -> memref<80x32xf32, #tpu.memory_space<vmem>>
        %dma_start3A_555 = arith.constant 0 : i32
        %dma_start3A_556 = tpu.memref_slice %arg7[%add3A_391, %dma_start3A_555] : memref<250x80xi32, #tpu.memory_space<vmem>> -> memref<1x80xi32, #tpu.memory_space<vmem>>
        %dma_start3A_557 = tpu.memref_squeeze %dma_start3A_556 : memref<1x80xi32, #tpu.memory_space<vmem>> -> memref<80xi32, #tpu.memory_space<vmem>>
        %dma_start3A_558 = arith.constant 0 : i32
        %dma_start3A_559 = arith.constant 0 : i32
        %dma_start3A_560 = tpu.memref_slice %arg11[%dma_start3A_558, %dma_start3A_559] : memref<10240x32xf32, #tpu.memory_space<vmem_shared>> -> memref<10240x32xf32, #tpu.memory_space<vmem_shared>>
        tpu.enqueue_indirect_dma source(%dma_start3A_554 : memref<80x32xf32, #tpu.memory_space<vmem>>) target(%dma_start3A_560 : memref<10240x32xf32, #tpu.memory_space<vmem_shared>>) offsets(%dma_start3A_557 : memref<80xi32, #tpu.memory_space<vmem>>) semaphore(%run_scoped3A_550 : memref<!tpu.dma_semaphore, #tpu.memory_space<semaphore_mem>>) {add = true}
        %dma_wait3A_561 = arith.constant 0 : i32
        %dma_wait3A_562 = arith.constant 0 : i32
        %dma_wait3A_563 = tpu.memref_slice %arg9[%run_scoped3A_407, %dma_wait3A_561, %dma_wait3A_562] : memref<10x80x32xf32, #tpu.memory_space<vmem>> -> memref<1x80x32xf32, #tpu.memory_space<vmem>>
        %dma_wait3A_564 = tpu.memref_squeeze %dma_wait3A_563 : memref<1x80x32xf32, #tpu.memory_space<vmem>> -> memref<80x32xf32, #tpu.memory_space<vmem>>
        %dma_wait3A_565 = arith.constant 0 : i32
        %dma_wait3A_566 = tpu.memref_slice %arg7[%add3A_391, %dma_wait3A_565] : memref<250x80xi32, #tpu.memory_space<vmem>> -> memref<1x80xi32, #tpu.memory_space<vmem>>
        %dma_wait3A_567 = tpu.memref_squeeze %dma_wait3A_566 : memref<1x80xi32, #tpu.memory_space<vmem>> -> memref<80xi32, #tpu.memory_space<vmem>>
        %dma_wait3A_568 = arith.constant 0 : i32
        %dma_wait3A_569 = arith.constant 0 : i32
        %dma_wait3A_570 = tpu.memref_slice %arg11[%dma_wait3A_568, %dma_wait3A_569] : memref<10240x32xf32, #tpu.memory_space<vmem_shared>> -> memref<10240x32xf32, #tpu.memory_space<vmem_shared>>
        tpu.wait_indirect_dma semaphore(%run_scoped3A_550 : memref<!tpu.dma_semaphore, #tpu.memory_space<semaphore_mem>>) src(%dma_wait3A_564 : memref<80x32xf32, #tpu.memory_space<vmem>>) dst(%dma_wait3A_570 : memref<10240x32xf32, #tpu.memory_space<vmem_shared>>)
        tpu.yield
      }) : () -> ()
      %add3A_408 = arith.constant 10 : i32
      %add3A_409 = arith.addi %add3A_391, %add3A_408 : i32
      %lt3A_410 = arith.constant 250 : i32
      %lt3A_411 = arith.cmpi slt, %add3A_409, %lt3A_410 : i32
      %convert_element_type3A_412 = arith.extui %lt3A_411 : i1 to i32
      %cond3A_413 = arith.constant 0 : i32
      %cond3A_414 = arith.cmpi ne, %convert_element_type3A_412, %cond3A_413 : i32
      scf.if %cond3A_414 {
        %add3A_550 = arith.constant 10 : i32
        %add3A_551 = arith.addi %add3A_391, %add3A_550 : i32
        %dma_start3A_552 = arith.constant 4 : i32
        %dma_start3A_553 = arith.constant 0 : i32
        %dma_start3A_554 = arith.constant 0 : i32
        %dma_start3A_555 = tpu.memref_slice %arg9[%dma_start3A_552, %dma_start3A_553, %dma_start3A_554] : memref<10x80x32xf32, #tpu.memory_space<vmem>> -> memref<1x80x32xf32, #tpu.memory_space<vmem>>
        %dma_start3A_556 = tpu.memref_squeeze %dma_start3A_555 : memref<1x80x32xf32, #tpu.memory_space<vmem>> -> memref<80x32xf32, #tpu.memory_space<vmem>>
        %dma_start3A_557 = arith.constant 0 : i32
        %dma_start3A_558 = tpu.memref_slice %arg8[%add3A_551, %dma_start3A_557] : memref<250x80xi32, #tpu.memory_space<vmem>> -> memref<1x80xi32, #tpu.memory_space<vmem>>
        %dma_start3A_559 = tpu.memref_squeeze %dma_start3A_558 : memref<1x80xi32, #tpu.memory_space<vmem>> -> memref<80xi32, #tpu.memory_space<vmem>>
        %dma_start3A_560 = arith.constant 0 : i32
        %dma_start3A_561 = arith.constant 0 : i32
        %dma_start3A_562 = tpu.memref_slice %arg2[%dma_start3A_560, %dma_start3A_561] : memref<40000x32xf32, #tpu.memory_space<hbm>> -> memref<40000x32xf32, #tpu.memory_space<hbm>>
        tpu.enqueue_indirect_dma source(%dma_start3A_562 : memref<40000x32xf32, #tpu.memory_space<hbm>>) target(%dma_start3A_556 : memref<80x32xf32, #tpu.memory_space<vmem>>) offsets(%dma_start3A_559 : memref<80xi32, #tpu.memory_space<vmem>>) semaphore(%arg16 : memref<!tpu.dma_semaphore, #tpu.memory_space<semaphore_mem>>)
      } else {
      }
      %mul3A_415 = arith.constant 10 : i32
      %mul3A_416 = arith.muli %scan3A_284, %mul3A_415 : i32
      %add3A_417 = arith.constant 5 : i32
      %add3A_418 = arith.addi %mul3A_416, %add3A_417 : i32
      %dma_wait3A_419 = arith.constant 5 : i32
      %dma_wait3A_420 = arith.constant 0 : i32
      %dma_wait3A_421 = arith.constant 0 : i32
      %dma_wait3A_422 = tpu.memref_slice %arg9[%dma_wait3A_419, %dma_wait3A_420, %dma_wait3A_421] : memref<10x80x32xf32, #tpu.memory_space<vmem>> -> memref<1x80x32xf32, #tpu.memory_space<vmem>>
      %dma_wait3A_423 = tpu.memref_squeeze %dma_wait3A_422 : memref<1x80x32xf32, #tpu.memory_space<vmem>> -> memref<80x32xf32, #tpu.memory_space<vmem>>
      %dma_wait3A_424 = arith.constant 0 : i32
      %dma_wait3A_425 = arith.constant 0 : i32
      %dma_wait3A_426 = tpu.memref_slice %arg2[%dma_wait3A_424, %dma_wait3A_425] : memref<40000x32xf32, #tpu.memory_space<hbm>> -> memref<80x32xf32, #tpu.memory_space<hbm>>
      %dma_wait3A_427 = arith.constant 0 : i32
      %dma_wait3A_428 = arith.constant 0 : i32
      %dma_wait3A_429 = tpu.memref_slice %arg9[%dma_wait3A_419, %dma_wait3A_427, %dma_wait3A_428] : memref<10x80x32xf32, #tpu.memory_space<vmem>> -> memref<1x80x32xf32, #tpu.memory_space<vmem>>
      %dma_wait3A_430 = tpu.memref_squeeze %dma_wait3A_429 : memref<1x80x32xf32, #tpu.memory_space<vmem>> -> memref<80x32xf32, #tpu.memory_space<vmem>>
      %dma_wait3A_431 = arith.constant 0 : i32
      %dma_wait3A_432 = arith.constant 0 : i32
      %dma_wait3A_433 = tpu.memref_slice %arg2[%dma_wait3A_431, %dma_wait3A_432] : memref<40000x32xf32, #tpu.memory_space<hbm>> -> memref<80x32xf32, #tpu.memory_space<hbm>>
      tpu.wait_dma2 semaphore(%arg17 : memref<!tpu.dma_semaphore, #tpu.memory_space<semaphore_mem>>) src(%dma_wait3A_433 : memref<80x32xf32, #tpu.memory_space<hbm>>) dst(%dma_wait3A_430 : memref<80x32xf32, #tpu.memory_space<vmem>>)
      %run_scoped3A_434 = arith.constant 5 : i32
      "tpu.region"() ({
        %run_scoped3A_550 = tpu.sem_alloc : memref<!tpu.dma_semaphore, #tpu.memory_space<semaphore_mem>>
        %dma_start3A_551 = arith.constant 0 : i32
        %dma_start3A_552 = arith.constant 0 : i32
        %dma_start3A_553 = tpu.memref_slice %arg9[%run_scoped3A_434, %dma_start3A_551, %dma_start3A_552] : memref<10x80x32xf32, #tpu.memory_space<vmem>> -> memref<1x80x32xf32, #tpu.memory_space<vmem>>
        %dma_start3A_554 = tpu.memref_squeeze %dma_start3A_553 : memref<1x80x32xf32, #tpu.memory_space<vmem>> -> memref<80x32xf32, #tpu.memory_space<vmem>>
        %dma_start3A_555 = arith.constant 0 : i32
        %dma_start3A_556 = tpu.memref_slice %arg7[%add3A_418, %dma_start3A_555] : memref<250x80xi32, #tpu.memory_space<vmem>> -> memref<1x80xi32, #tpu.memory_space<vmem>>
        %dma_start3A_557 = tpu.memref_squeeze %dma_start3A_556 : memref<1x80xi32, #tpu.memory_space<vmem>> -> memref<80xi32, #tpu.memory_space<vmem>>
        %dma_start3A_558 = arith.constant 0 : i32
        %dma_start3A_559 = arith.constant 0 : i32
        %dma_start3A_560 = tpu.memref_slice %arg11[%dma_start3A_558, %dma_start3A_559] : memref<10240x32xf32, #tpu.memory_space<vmem_shared>> -> memref<10240x32xf32, #tpu.memory_space<vmem_shared>>
        tpu.enqueue_indirect_dma source(%dma_start3A_554 : memref<80x32xf32, #tpu.memory_space<vmem>>) target(%dma_start3A_560 : memref<10240x32xf32, #tpu.memory_space<vmem_shared>>) offsets(%dma_start3A_557 : memref<80xi32, #tpu.memory_space<vmem>>) semaphore(%run_scoped3A_550 : memref<!tpu.dma_semaphore, #tpu.memory_space<semaphore_mem>>) {add = true}
        %dma_wait3A_561 = arith.constant 0 : i32
        %dma_wait3A_562 = arith.constant 0 : i32
        %dma_wait3A_563 = tpu.memref_slice %arg9[%run_scoped3A_434, %dma_wait3A_561, %dma_wait3A_562] : memref<10x80x32xf32, #tpu.memory_space<vmem>> -> memref<1x80x32xf32, #tpu.memory_space<vmem>>
        %dma_wait3A_564 = tpu.memref_squeeze %dma_wait3A_563 : memref<1x80x32xf32, #tpu.memory_space<vmem>> -> memref<80x32xf32, #tpu.memory_space<vmem>>
        %dma_wait3A_565 = arith.constant 0 : i32
        %dma_wait3A_566 = tpu.memref_slice %arg7[%add3A_418, %dma_wait3A_565] : memref<250x80xi32, #tpu.memory_space<vmem>> -> memref<1x80xi32, #tpu.memory_space<vmem>>
        %dma_wait3A_567 = tpu.memref_squeeze %dma_wait3A_566 : memref<1x80xi32, #tpu.memory_space<vmem>> -> memref<80xi32, #tpu.memory_space<vmem>>
        %dma_wait3A_568 = arith.constant 0 : i32
        %dma_wait3A_569 = arith.constant 0 : i32
        %dma_wait3A_570 = tpu.memref_slice %arg11[%dma_wait3A_568, %dma_wait3A_569] : memref<10240x32xf32, #tpu.memory_space<vmem_shared>> -> memref<10240x32xf32, #tpu.memory_space<vmem_shared>>
        tpu.wait_indirect_dma semaphore(%run_scoped3A_550 : memref<!tpu.dma_semaphore, #tpu.memory_space<semaphore_mem>>) src(%dma_wait3A_564 : memref<80x32xf32, #tpu.memory_space<vmem>>) dst(%dma_wait3A_570 : memref<10240x32xf32, #tpu.memory_space<vmem_shared>>)
        tpu.yield
      }) : () -> ()
      %add3A_435 = arith.constant 10 : i32
      %add3A_436 = arith.addi %add3A_418, %add3A_435 : i32
      %lt3A_437 = arith.constant 250 : i32
      %lt3A_438 = arith.cmpi slt, %add3A_436, %lt3A_437 : i32
      %convert_element_type3A_439 = arith.extui %lt3A_438 : i1 to i32
      %cond3A_440 = arith.constant 0 : i32
      %cond3A_441 = arith.cmpi ne, %convert_element_type3A_439, %cond3A_440 : i32
      scf.if %cond3A_441 {
        %add3A_550 = arith.constant 10 : i32
        %add3A_551 = arith.addi %add3A_418, %add3A_550 : i32
        %dma_start3A_552 = arith.constant 5 : i32
        %dma_start3A_553 = arith.constant 0 : i32
        %dma_start3A_554 = arith.constant 0 : i32
        %dma_start3A_555 = tpu.memref_slice %arg9[%dma_start3A_552, %dma_start3A_553, %dma_start3A_554] : memref<10x80x32xf32, #tpu.memory_space<vmem>> -> memref<1x80x32xf32, #tpu.memory_space<vmem>>
        %dma_start3A_556 = tpu.memref_squeeze %dma_start3A_555 : memref<1x80x32xf32, #tpu.memory_space<vmem>> -> memref<80x32xf32, #tpu.memory_space<vmem>>
        %dma_start3A_557 = arith.constant 0 : i32
        %dma_start3A_558 = tpu.memref_slice %arg8[%add3A_551, %dma_start3A_557] : memref<250x80xi32, #tpu.memory_space<vmem>> -> memref<1x80xi32, #tpu.memory_space<vmem>>
        %dma_start3A_559 = tpu.memref_squeeze %dma_start3A_558 : memref<1x80xi32, #tpu.memory_space<vmem>> -> memref<80xi32, #tpu.memory_space<vmem>>
        %dma_start3A_560 = arith.constant 0 : i32
        %dma_start3A_561 = arith.constant 0 : i32
        %dma_start3A_562 = tpu.memref_slice %arg2[%dma_start3A_560, %dma_start3A_561] : memref<40000x32xf32, #tpu.memory_space<hbm>> -> memref<40000x32xf32, #tpu.memory_space<hbm>>
        tpu.enqueue_indirect_dma source(%dma_start3A_562 : memref<40000x32xf32, #tpu.memory_space<hbm>>) target(%dma_start3A_556 : memref<80x32xf32, #tpu.memory_space<vmem>>) offsets(%dma_start3A_559 : memref<80xi32, #tpu.memory_space<vmem>>) semaphore(%arg17 : memref<!tpu.dma_semaphore, #tpu.memory_space<semaphore_mem>>)
      } else {
      }
      %mul3A_442 = arith.constant 10 : i32
      %mul3A_443 = arith.muli %scan3A_284, %mul3A_442 : i32
      %add3A_444 = arith.constant 6 : i32
      %add3A_445 = arith.addi %mul3A_443, %add3A_444 : i32
      %dma_wait3A_446 = arith.constant 6 : i32
      %dma_wait3A_447 = arith.constant 0 : i32
      %dma_wait3A_448 = arith.constant 0 : i32
      %dma_wait3A_449 = tpu.memref_slice %arg9[%dma_wait3A_446, %dma_wait3A_447, %dma_wait3A_448] : memref<10x80x32xf32, #tpu.memory_space<vmem>> -> memref<1x80x32xf32, #tpu.memory_space<vmem>>
      %dma_wait3A_450 = tpu.memref_squeeze %dma_wait3A_449 : memref<1x80x32xf32, #tpu.memory_space<vmem>> -> memref<80x32xf32, #tpu.memory_space<vmem>>
      %dma_wait3A_451 = arith.constant 0 : i32
      %dma_wait3A_452 = arith.constant 0 : i32
      %dma_wait3A_453 = tpu.memref_slice %arg2[%dma_wait3A_451, %dma_wait3A_452] : memref<40000x32xf32, #tpu.memory_space<hbm>> -> memref<80x32xf32, #tpu.memory_space<hbm>>
      %dma_wait3A_454 = arith.constant 0 : i32
      %dma_wait3A_455 = arith.constant 0 : i32
      %dma_wait3A_456 = tpu.memref_slice %arg9[%dma_wait3A_446, %dma_wait3A_454, %dma_wait3A_455] : memref<10x80x32xf32, #tpu.memory_space<vmem>> -> memref<1x80x32xf32, #tpu.memory_space<vmem>>
      %dma_wait3A_457 = tpu.memref_squeeze %dma_wait3A_456 : memref<1x80x32xf32, #tpu.memory_space<vmem>> -> memref<80x32xf32, #tpu.memory_space<vmem>>
      %dma_wait3A_458 = arith.constant 0 : i32
      %dma_wait3A_459 = arith.constant 0 : i32
      %dma_wait3A_460 = tpu.memref_slice %arg2[%dma_wait3A_458, %dma_wait3A_459] : memref<40000x32xf32, #tpu.memory_space<hbm>> -> memref<80x32xf32, #tpu.memory_space<hbm>>
      tpu.wait_dma2 semaphore(%arg18 : memref<!tpu.dma_semaphore, #tpu.memory_space<semaphore_mem>>) src(%dma_wait3A_460 : memref<80x32xf32, #tpu.memory_space<hbm>>) dst(%dma_wait3A_457 : memref<80x32xf32, #tpu.memory_space<vmem>>)
      %run_scoped3A_461 = arith.constant 6 : i32
      "tpu.region"() ({
        %run_scoped3A_550 = tpu.sem_alloc : memref<!tpu.dma_semaphore, #tpu.memory_space<semaphore_mem>>
        %dma_start3A_551 = arith.constant 0 : i32
        %dma_start3A_552 = arith.constant 0 : i32
        %dma_start3A_553 = tpu.memref_slice %arg9[%run_scoped3A_461, %dma_start3A_551, %dma_start3A_552] : memref<10x80x32xf32, #tpu.memory_space<vmem>> -> memref<1x80x32xf32, #tpu.memory_space<vmem>>
        %dma_start3A_554 = tpu.memref_squeeze %dma_start3A_553 : memref<1x80x32xf32, #tpu.memory_space<vmem>> -> memref<80x32xf32, #tpu.memory_space<vmem>>
        %dma_start3A_555 = arith.constant 0 : i32
        %dma_start3A_556 = tpu.memref_slice %arg7[%add3A_445, %dma_start3A_555] : memref<250x80xi32, #tpu.memory_space<vmem>> -> memref<1x80xi32, #tpu.memory_space<vmem>>
        %dma_start3A_557 = tpu.memref_squeeze %dma_start3A_556 : memref<1x80xi32, #tpu.memory_space<vmem>> -> memref<80xi32, #tpu.memory_space<vmem>>
        %dma_start3A_558 = arith.constant 0 : i32
        %dma_start3A_559 = arith.constant 0 : i32
        %dma_start3A_560 = tpu.memref_slice %arg11[%dma_start3A_558, %dma_start3A_559] : memref<10240x32xf32, #tpu.memory_space<vmem_shared>> -> memref<10240x32xf32, #tpu.memory_space<vmem_shared>>
        tpu.enqueue_indirect_dma source(%dma_start3A_554 : memref<80x32xf32, #tpu.memory_space<vmem>>) target(%dma_start3A_560 : memref<10240x32xf32, #tpu.memory_space<vmem_shared>>) offsets(%dma_start3A_557 : memref<80xi32, #tpu.memory_space<vmem>>) semaphore(%run_scoped3A_550 : memref<!tpu.dma_semaphore, #tpu.memory_space<semaphore_mem>>) {add = true}
        %dma_wait3A_561 = arith.constant 0 : i32
        %dma_wait3A_562 = arith.constant 0 : i32
        %dma_wait3A_563 = tpu.memref_slice %arg9[%run_scoped3A_461, %dma_wait3A_561, %dma_wait3A_562] : memref<10x80x32xf32, #tpu.memory_space<vmem>> -> memref<1x80x32xf32, #tpu.memory_space<vmem>>
        %dma_wait3A_564 = tpu.memref_squeeze %dma_wait3A_563 : memref<1x80x32xf32, #tpu.memory_space<vmem>> -> memref<80x32xf32, #tpu.memory_space<vmem>>
        %dma_wait3A_565 = arith.constant 0 : i32
        %dma_wait3A_566 = tpu.memref_slice %arg7[%add3A_445, %dma_wait3A_565] : memref<250x80xi32, #tpu.memory_space<vmem>> -> memref<1x80xi32, #tpu.memory_space<vmem>>
        %dma_wait3A_567 = tpu.memref_squeeze %dma_wait3A_566 : memref<1x80xi32, #tpu.memory_space<vmem>> -> memref<80xi32, #tpu.memory_space<vmem>>
        %dma_wait3A_568 = arith.constant 0 : i32
        %dma_wait3A_569 = arith.constant 0 : i32
        %dma_wait3A_570 = tpu.memref_slice %arg11[%dma_wait3A_568, %dma_wait3A_569] : memref<10240x32xf32, #tpu.memory_space<vmem_shared>> -> memref<10240x32xf32, #tpu.memory_space<vmem_shared>>
        tpu.wait_indirect_dma semaphore(%run_scoped3A_550 : memref<!tpu.dma_semaphore, #tpu.memory_space<semaphore_mem>>) src(%dma_wait3A_564 : memref<80x32xf32, #tpu.memory_space<vmem>>) dst(%dma_wait3A_570 : memref<10240x32xf32, #tpu.memory_space<vmem_shared>>)
        tpu.yield
      }) : () -> ()
      %add3A_462 = arith.constant 10 : i32
      %add3A_463 = arith.addi %add3A_445, %add3A_462 : i32
      %lt3A_464 = arith.constant 250 : i32
      %lt3A_465 = arith.cmpi slt, %add3A_463, %lt3A_464 : i32
      %convert_element_type3A_466 = arith.extui %lt3A_465 : i1 to i32
      %cond3A_467 = arith.constant 0 : i32
      %cond3A_468 = arith.cmpi ne, %convert_element_type3A_466, %cond3A_467 : i32
      scf.if %cond3A_468 {
        %add3A_550 = arith.constant 10 : i32
        %add3A_551 = arith.addi %add3A_445, %add3A_550 : i32
        %dma_start3A_552 = arith.constant 6 : i32
        %dma_start3A_553 = arith.constant 0 : i32
        %dma_start3A_554 = arith.constant 0 : i32
        %dma_start3A_555 = tpu.memref_slice %arg9[%dma_start3A_552, %dma_start3A_553, %dma_start3A_554] : memref<10x80x32xf32, #tpu.memory_space<vmem>> -> memref<1x80x32xf32, #tpu.memory_space<vmem>>
        %dma_start3A_556 = tpu.memref_squeeze %dma_start3A_555 : memref<1x80x32xf32, #tpu.memory_space<vmem>> -> memref<80x32xf32, #tpu.memory_space<vmem>>
        %dma_start3A_557 = arith.constant 0 : i32
        %dma_start3A_558 = tpu.memref_slice %arg8[%add3A_551, %dma_start3A_557] : memref<250x80xi32, #tpu.memory_space<vmem>> -> memref<1x80xi32, #tpu.memory_space<vmem>>
        %dma_start3A_559 = tpu.memref_squeeze %dma_start3A_558 : memref<1x80xi32, #tpu.memory_space<vmem>> -> memref<80xi32, #tpu.memory_space<vmem>>
        %dma_start3A_560 = arith.constant 0 : i32
        %dma_start3A_561 = arith.constant 0 : i32
        %dma_start3A_562 = tpu.memref_slice %arg2[%dma_start3A_560, %dma_start3A_561] : memref<40000x32xf32, #tpu.memory_space<hbm>> -> memref<40000x32xf32, #tpu.memory_space<hbm>>
        tpu.enqueue_indirect_dma source(%dma_start3A_562 : memref<40000x32xf32, #tpu.memory_space<hbm>>) target(%dma_start3A_556 : memref<80x32xf32, #tpu.memory_space<vmem>>) offsets(%dma_start3A_559 : memref<80xi32, #tpu.memory_space<vmem>>) semaphore(%arg18 : memref<!tpu.dma_semaphore, #tpu.memory_space<semaphore_mem>>)
      } else {
      }
      %mul3A_469 = arith.constant 10 : i32
      %mul3A_470 = arith.muli %scan3A_284, %mul3A_469 : i32
      %add3A_471 = arith.constant 7 : i32
      %add3A_472 = arith.addi %mul3A_470, %add3A_471 : i32
      %dma_wait3A_473 = arith.constant 7 : i32
      %dma_wait3A_474 = arith.constant 0 : i32
      %dma_wait3A_475 = arith.constant 0 : i32
      %dma_wait3A_476 = tpu.memref_slice %arg9[%dma_wait3A_473, %dma_wait3A_474, %dma_wait3A_475] : memref<10x80x32xf32, #tpu.memory_space<vmem>> -> memref<1x80x32xf32, #tpu.memory_space<vmem>>
      %dma_wait3A_477 = tpu.memref_squeeze %dma_wait3A_476 : memref<1x80x32xf32, #tpu.memory_space<vmem>> -> memref<80x32xf32, #tpu.memory_space<vmem>>
      %dma_wait3A_478 = arith.constant 0 : i32
      %dma_wait3A_479 = arith.constant 0 : i32
      %dma_wait3A_480 = tpu.memref_slice %arg2[%dma_wait3A_478, %dma_wait3A_479] : memref<40000x32xf32, #tpu.memory_space<hbm>> -> memref<80x32xf32, #tpu.memory_space<hbm>>
      %dma_wait3A_481 = arith.constant 0 : i32
      %dma_wait3A_482 = arith.constant 0 : i32
      %dma_wait3A_483 = tpu.memref_slice %arg9[%dma_wait3A_473, %dma_wait3A_481, %dma_wait3A_482] : memref<10x80x32xf32, #tpu.memory_space<vmem>> -> memref<1x80x32xf32, #tpu.memory_space<vmem>>
      %dma_wait3A_484 = tpu.memref_squeeze %dma_wait3A_483 : memref<1x80x32xf32, #tpu.memory_space<vmem>> -> memref<80x32xf32, #tpu.memory_space<vmem>>
      %dma_wait3A_485 = arith.constant 0 : i32
      %dma_wait3A_486 = arith.constant 0 : i32
      %dma_wait3A_487 = tpu.memref_slice %arg2[%dma_wait3A_485, %dma_wait3A_486] : memref<40000x32xf32, #tpu.memory_space<hbm>> -> memref<80x32xf32, #tpu.memory_space<hbm>>
      tpu.wait_dma2 semaphore(%arg19 : memref<!tpu.dma_semaphore, #tpu.memory_space<semaphore_mem>>) src(%dma_wait3A_487 : memref<80x32xf32, #tpu.memory_space<hbm>>) dst(%dma_wait3A_484 : memref<80x32xf32, #tpu.memory_space<vmem>>)
      %run_scoped3A_488 = arith.constant 7 : i32
      "tpu.region"() ({
        %run_scoped3A_550 = tpu.sem_alloc : memref<!tpu.dma_semaphore, #tpu.memory_space<semaphore_mem>>
        %dma_start3A_551 = arith.constant 0 : i32
        %dma_start3A_552 = arith.constant 0 : i32
        %dma_start3A_553 = tpu.memref_slice %arg9[%run_scoped3A_488, %dma_start3A_551, %dma_start3A_552] : memref<10x80x32xf32, #tpu.memory_space<vmem>> -> memref<1x80x32xf32, #tpu.memory_space<vmem>>
        %dma_start3A_554 = tpu.memref_squeeze %dma_start3A_553 : memref<1x80x32xf32, #tpu.memory_space<vmem>> -> memref<80x32xf32, #tpu.memory_space<vmem>>
        %dma_start3A_555 = arith.constant 0 : i32
        %dma_start3A_556 = tpu.memref_slice %arg7[%add3A_472, %dma_start3A_555] : memref<250x80xi32, #tpu.memory_space<vmem>> -> memref<1x80xi32, #tpu.memory_space<vmem>>
        %dma_start3A_557 = tpu.memref_squeeze %dma_start3A_556 : memref<1x80xi32, #tpu.memory_space<vmem>> -> memref<80xi32, #tpu.memory_space<vmem>>
        %dma_start3A_558 = arith.constant 0 : i32
        %dma_start3A_559 = arith.constant 0 : i32
        %dma_start3A_560 = tpu.memref_slice %arg11[%dma_start3A_558, %dma_start3A_559] : memref<10240x32xf32, #tpu.memory_space<vmem_shared>> -> memref<10240x32xf32, #tpu.memory_space<vmem_shared>>
        tpu.enqueue_indirect_dma source(%dma_start3A_554 : memref<80x32xf32, #tpu.memory_space<vmem>>) target(%dma_start3A_560 : memref<10240x32xf32, #tpu.memory_space<vmem_shared>>) offsets(%dma_start3A_557 : memref<80xi32, #tpu.memory_space<vmem>>) semaphore(%run_scoped3A_550 : memref<!tpu.dma_semaphore, #tpu.memory_space<semaphore_mem>>) {add = true}
        %dma_wait3A_561 = arith.constant 0 : i32
        %dma_wait3A_562 = arith.constant 0 : i32
        %dma_wait3A_563 = tpu.memref_slice %arg9[%run_scoped3A_488, %dma_wait3A_561, %dma_wait3A_562] : memref<10x80x32xf32, #tpu.memory_space<vmem>> -> memref<1x80x32xf32, #tpu.memory_space<vmem>>
        %dma_wait3A_564 = tpu.memref_squeeze %dma_wait3A_563 : memref<1x80x32xf32, #tpu.memory_space<vmem>> -> memref<80x32xf32, #tpu.memory_space<vmem>>
        %dma_wait3A_565 = arith.constant 0 : i32
        %dma_wait3A_566 = tpu.memref_slice %arg7[%add3A_472, %dma_wait3A_565] : memref<250x80xi32, #tpu.memory_space<vmem>> -> memref<1x80xi32, #tpu.memory_space<vmem>>
        %dma_wait3A_567 = tpu.memref_squeeze %dma_wait3A_566 : memref<1x80xi32, #tpu.memory_space<vmem>> -> memref<80xi32, #tpu.memory_space<vmem>>
        %dma_wait3A_568 = arith.constant 0 : i32
        %dma_wait3A_569 = arith.constant 0 : i32
        %dma_wait3A_570 = tpu.memref_slice %arg11[%dma_wait3A_568, %dma_wait3A_569] : memref<10240x32xf32, #tpu.memory_space<vmem_shared>> -> memref<10240x32xf32, #tpu.memory_space<vmem_shared>>
        tpu.wait_indirect_dma semaphore(%run_scoped3A_550 : memref<!tpu.dma_semaphore, #tpu.memory_space<semaphore_mem>>) src(%dma_wait3A_564 : memref<80x32xf32, #tpu.memory_space<vmem>>) dst(%dma_wait3A_570 : memref<10240x32xf32, #tpu.memory_space<vmem_shared>>)
        tpu.yield
      }) : () -> ()
      %add3A_489 = arith.constant 10 : i32
      %add3A_490 = arith.addi %add3A_472, %add3A_489 : i32
      %lt3A_491 = arith.constant 250 : i32
      %lt3A_492 = arith.cmpi slt, %add3A_490, %lt3A_491 : i32
      %convert_element_type3A_493 = arith.extui %lt3A_492 : i1 to i32
      %cond3A_494 = arith.constant 0 : i32
      %cond3A_495 = arith.cmpi ne, %convert_element_type3A_493, %cond3A_494 : i32
      scf.if %cond3A_495 {
        %add3A_550 = arith.constant 10 : i32
        %add3A_551 = arith.addi %add3A_472, %add3A_550 : i32
        %dma_start3A_552 = arith.constant 7 : i32
        %dma_start3A_553 = arith.constant 0 : i32
        %dma_start3A_554 = arith.constant 0 : i32
        %dma_start3A_555 = tpu.memref_slice %arg9[%dma_start3A_552, %dma_start3A_553, %dma_start3A_554] : memref<10x80x32xf32, #tpu.memory_space<vmem>> -> memref<1x80x32xf32, #tpu.memory_space<vmem>>
        %dma_start3A_556 = tpu.memref_squeeze %dma_start3A_555 : memref<1x80x32xf32, #tpu.memory_space<vmem>> -> memref<80x32xf32, #tpu.memory_space<vmem>>
        %dma_start3A_557 = arith.constant 0 : i32
        %dma_start3A_558 = tpu.memref_slice %arg8[%add3A_551, %dma_start3A_557] : memref<250x80xi32, #tpu.memory_space<vmem>> -> memref<1x80xi32, #tpu.memory_space<vmem>>
        %dma_start3A_559 = tpu.memref_squeeze %dma_start3A_558 : memref<1x80xi32, #tpu.memory_space<vmem>> -> memref<80xi32, #tpu.memory_space<vmem>>
        %dma_start3A_560 = arith.constant 0 : i32
        %dma_start3A_561 = arith.constant 0 : i32
        %dma_start3A_562 = tpu.memref_slice %arg2[%dma_start3A_560, %dma_start3A_561] : memref<40000x32xf32, #tpu.memory_space<hbm>> -> memref<40000x32xf32, #tpu.memory_space<hbm>>
        tpu.enqueue_indirect_dma source(%dma_start3A_562 : memref<40000x32xf32, #tpu.memory_space<hbm>>) target(%dma_start3A_556 : memref<80x32xf32, #tpu.memory_space<vmem>>) offsets(%dma_start3A_559 : memref<80xi32, #tpu.memory_space<vmem>>) semaphore(%arg19 : memref<!tpu.dma_semaphore, #tpu.memory_space<semaphore_mem>>)
      } else {
      }
      %mul3A_496 = arith.constant 10 : i32
      %mul3A_497 = arith.muli %scan3A_284, %mul3A_496 : i32
      %add3A_498 = arith.constant 8 : i32
      %add3A_499 = arith.addi %mul3A_497, %add3A_498 : i32
      %dma_wait3A_500 = arith.constant 8 : i32
      %dma_wait3A_501 = arith.constant 0 : i32
      %dma_wait3A_502 = arith.constant 0 : i32
      %dma_wait3A_503 = tpu.memref_slice %arg9[%dma_wait3A_500, %dma_wait3A_501, %dma_wait3A_502] : memref<10x80x32xf32, #tpu.memory_space<vmem>> -> memref<1x80x32xf32, #tpu.memory_space<vmem>>
      %dma_wait3A_504 = tpu.memref_squeeze %dma_wait3A_503 : memref<1x80x32xf32, #tpu.memory_space<vmem>> -> memref<80x32xf32, #tpu.memory_space<vmem>>
      %dma_wait3A_505 = arith.constant 0 : i32
      %dma_wait3A_506 = arith.constant 0 : i32
      %dma_wait3A_507 = tpu.memref_slice %arg2[%dma_wait3A_505, %dma_wait3A_506] : memref<40000x32xf32, #tpu.memory_space<hbm>> -> memref<80x32xf32, #tpu.memory_space<hbm>>
      %dma_wait3A_508 = arith.constant 0 : i32
      %dma_wait3A_509 = arith.constant 0 : i32
      %dma_wait3A_510 = tpu.memref_slice %arg9[%dma_wait3A_500, %dma_wait3A_508, %dma_wait3A_509] : memref<10x80x32xf32, #tpu.memory_space<vmem>> -> memref<1x80x32xf32, #tpu.memory_space<vmem>>
      %dma_wait3A_511 = tpu.memref_squeeze %dma_wait3A_510 : memref<1x80x32xf32, #tpu.memory_space<vmem>> -> memref<80x32xf32, #tpu.memory_space<vmem>>
      %dma_wait3A_512 = arith.constant 0 : i32
      %dma_wait3A_513 = arith.constant 0 : i32
      %dma_wait3A_514 = tpu.memref_slice %arg2[%dma_wait3A_512, %dma_wait3A_513] : memref<40000x32xf32, #tpu.memory_space<hbm>> -> memref<80x32xf32, #tpu.memory_space<hbm>>
      tpu.wait_dma2 semaphore(%arg20 : memref<!tpu.dma_semaphore, #tpu.memory_space<semaphore_mem>>) src(%dma_wait3A_514 : memref<80x32xf32, #tpu.memory_space<hbm>>) dst(%dma_wait3A_511 : memref<80x32xf32, #tpu.memory_space<vmem>>)
      %run_scoped3A_515 = arith.constant 8 : i32
      "tpu.region"() ({
        %run_scoped3A_550 = tpu.sem_alloc : memref<!tpu.dma_semaphore, #tpu.memory_space<semaphore_mem>>
        %dma_start3A_551 = arith.constant 0 : i32
        %dma_start3A_552 = arith.constant 0 : i32
        %dma_start3A_553 = tpu.memref_slice %arg9[%run_scoped3A_515, %dma_start3A_551, %dma_start3A_552] : memref<10x80x32xf32, #tpu.memory_space<vmem>> -> memref<1x80x32xf32, #tpu.memory_space<vmem>>
        %dma_start3A_554 = tpu.memref_squeeze %dma_start3A_553 : memref<1x80x32xf32, #tpu.memory_space<vmem>> -> memref<80x32xf32, #tpu.memory_space<vmem>>
        %dma_start3A_555 = arith.constant 0 : i32
        %dma_start3A_556 = tpu.memref_slice %arg7[%add3A_499, %dma_start3A_555] : memref<250x80xi32, #tpu.memory_space<vmem>> -> memref<1x80xi32, #tpu.memory_space<vmem>>
        %dma_start3A_557 = tpu.memref_squeeze %dma_start3A_556 : memref<1x80xi32, #tpu.memory_space<vmem>> -> memref<80xi32, #tpu.memory_space<vmem>>
        %dma_start3A_558 = arith.constant 0 : i32
        %dma_start3A_559 = arith.constant 0 : i32
        %dma_start3A_560 = tpu.memref_slice %arg11[%dma_start3A_558, %dma_start3A_559] : memref<10240x32xf32, #tpu.memory_space<vmem_shared>> -> memref<10240x32xf32, #tpu.memory_space<vmem_shared>>
        tpu.enqueue_indirect_dma source(%dma_start3A_554 : memref<80x32xf32, #tpu.memory_space<vmem>>) target(%dma_start3A_560 : memref<10240x32xf32, #tpu.memory_space<vmem_shared>>) offsets(%dma_start3A_557 : memref<80xi32, #tpu.memory_space<vmem>>) semaphore(%run_scoped3A_550 : memref<!tpu.dma_semaphore, #tpu.memory_space<semaphore_mem>>) {add = true}
        %dma_wait3A_561 = arith.constant 0 : i32
        %dma_wait3A_562 = arith.constant 0 : i32
        %dma_wait3A_563 = tpu.memref_slice %arg9[%run_scoped3A_515, %dma_wait3A_561, %dma_wait3A_562] : memref<10x80x32xf32, #tpu.memory_space<vmem>> -> memref<1x80x32xf32, #tpu.memory_space<vmem>>
        %dma_wait3A_564 = tpu.memref_squeeze %dma_wait3A_563 : memref<1x80x32xf32, #tpu.memory_space<vmem>> -> memref<80x32xf32, #tpu.memory_space<vmem>>
        %dma_wait3A_565 = arith.constant 0 : i32
        %dma_wait3A_566 = tpu.memref_slice %arg7[%add3A_499, %dma_wait3A_565] : memref<250x80xi32, #tpu.memory_space<vmem>> -> memref<1x80xi32, #tpu.memory_space<vmem>>
        %dma_wait3A_567 = tpu.memref_squeeze %dma_wait3A_566 : memref<1x80xi32, #tpu.memory_space<vmem>> -> memref<80xi32, #tpu.memory_space<vmem>>
        %dma_wait3A_568 = arith.constant 0 : i32
        %dma_wait3A_569 = arith.constant 0 : i32
        %dma_wait3A_570 = tpu.memref_slice %arg11[%dma_wait3A_568, %dma_wait3A_569] : memref<10240x32xf32, #tpu.memory_space<vmem_shared>> -> memref<10240x32xf32, #tpu.memory_space<vmem_shared>>
        tpu.wait_indirect_dma semaphore(%run_scoped3A_550 : memref<!tpu.dma_semaphore, #tpu.memory_space<semaphore_mem>>) src(%dma_wait3A_564 : memref<80x32xf32, #tpu.memory_space<vmem>>) dst(%dma_wait3A_570 : memref<10240x32xf32, #tpu.memory_space<vmem_shared>>)
        tpu.yield
      }) : () -> ()
      %add3A_516 = arith.constant 10 : i32
      %add3A_517 = arith.addi %add3A_499, %add3A_516 : i32
      %lt3A_518 = arith.constant 250 : i32
      %lt3A_519 = arith.cmpi slt, %add3A_517, %lt3A_518 : i32
      %convert_element_type3A_520 = arith.extui %lt3A_519 : i1 to i32
      %cond3A_521 = arith.constant 0 : i32
      %cond3A_522 = arith.cmpi ne, %convert_element_type3A_520, %cond3A_521 : i32
      scf.if %cond3A_522 {
        %add3A_550 = arith.constant 10 : i32
        %add3A_551 = arith.addi %add3A_499, %add3A_550 : i32
        %dma_start3A_552 = arith.constant 8 : i32
        %dma_start3A_553 = arith.constant 0 : i32
        %dma_start3A_554 = arith.constant 0 : i32
        %dma_start3A_555 = tpu.memref_slice %arg9[%dma_start3A_552, %dma_start3A_553, %dma_start3A_554] : memref<10x80x32xf32, #tpu.memory_space<vmem>> -> memref<1x80x32xf32, #tpu.memory_space<vmem>>
        %dma_start3A_556 = tpu.memref_squeeze %dma_start3A_555 : memref<1x80x32xf32, #tpu.memory_space<vmem>> -> memref<80x32xf32, #tpu.memory_space<vmem>>
        %dma_start3A_557 = arith.constant 0 : i32
        %dma_start3A_558 = tpu.memref_slice %arg8[%add3A_551, %dma_start3A_557] : memref<250x80xi32, #tpu.memory_space<vmem>> -> memref<1x80xi32, #tpu.memory_space<vmem>>
        %dma_start3A_559 = tpu.memref_squeeze %dma_start3A_558 : memref<1x80xi32, #tpu.memory_space<vmem>> -> memref<80xi32, #tpu.memory_space<vmem>>
        %dma_start3A_560 = arith.constant 0 : i32
        %dma_start3A_561 = arith.constant 0 : i32
        %dma_start3A_562 = tpu.memref_slice %arg2[%dma_start3A_560, %dma_start3A_561] : memref<40000x32xf32, #tpu.memory_space<hbm>> -> memref<40000x32xf32, #tpu.memory_space<hbm>>
        tpu.enqueue_indirect_dma source(%dma_start3A_562 : memref<40000x32xf32, #tpu.memory_space<hbm>>) target(%dma_start3A_556 : memref<80x32xf32, #tpu.memory_space<vmem>>) offsets(%dma_start3A_559 : memref<80xi32, #tpu.memory_space<vmem>>) semaphore(%arg20 : memref<!tpu.dma_semaphore, #tpu.memory_space<semaphore_mem>>)
      } else {
      }
      %mul3A_523 = arith.constant 10 : i32
      %mul3A_524 = arith.muli %scan3A_284, %mul3A_523 : i32
      %add3A_525 = arith.constant 9 : i32
      %add3A_526 = arith.addi %mul3A_524, %add3A_525 : i32
      %dma_wait3A_527 = arith.constant 9 : i32
      %dma_wait3A_528 = arith.constant 0 : i32
      %dma_wait3A_529 = arith.constant 0 : i32
      %dma_wait3A_530 = tpu.memref_slice %arg9[%dma_wait3A_527, %dma_wait3A_528, %dma_wait3A_529] : memref<10x80x32xf32, #tpu.memory_space<vmem>> -> memref<1x80x32xf32, #tpu.memory_space<vmem>>
      %dma_wait3A_531 = tpu.memref_squeeze %dma_wait3A_530 : memref<1x80x32xf32, #tpu.memory_space<vmem>> -> memref<80x32xf32, #tpu.memory_space<vmem>>
      %dma_wait3A_532 = arith.constant 0 : i32
      %dma_wait3A_533 = arith.constant 0 : i32
      %dma_wait3A_534 = tpu.memref_slice %arg2[%dma_wait3A_532, %dma_wait3A_533] : memref<40000x32xf32, #tpu.memory_space<hbm>> -> memref<80x32xf32, #tpu.memory_space<hbm>>
      %dma_wait3A_535 = arith.constant 0 : i32
      %dma_wait3A_536 = arith.constant 0 : i32
      %dma_wait3A_537 = tpu.memref_slice %arg9[%dma_wait3A_527, %dma_wait3A_535, %dma_wait3A_536] : memref<10x80x32xf32, #tpu.memory_space<vmem>> -> memref<1x80x32xf32, #tpu.memory_space<vmem>>
      %dma_wait3A_538 = tpu.memref_squeeze %dma_wait3A_537 : memref<1x80x32xf32, #tpu.memory_space<vmem>> -> memref<80x32xf32, #tpu.memory_space<vmem>>
      %dma_wait3A_539 = arith.constant 0 : i32
      %dma_wait3A_540 = arith.constant 0 : i32
      %dma_wait3A_541 = tpu.memref_slice %arg2[%dma_wait3A_539, %dma_wait3A_540] : memref<40000x32xf32, #tpu.memory_space<hbm>> -> memref<80x32xf32, #tpu.memory_space<hbm>>
      tpu.wait_dma2 semaphore(%arg21 : memref<!tpu.dma_semaphore, #tpu.memory_space<semaphore_mem>>) src(%dma_wait3A_541 : memref<80x32xf32, #tpu.memory_space<hbm>>) dst(%dma_wait3A_538 : memref<80x32xf32, #tpu.memory_space<vmem>>)
      %run_scoped3A_542 = arith.constant 9 : i32
      "tpu.region"() ({
        %run_scoped3A_550 = tpu.sem_alloc : memref<!tpu.dma_semaphore, #tpu.memory_space<semaphore_mem>>
        %dma_start3A_551 = arith.constant 0 : i32
        %dma_start3A_552 = arith.constant 0 : i32
        %dma_start3A_553 = tpu.memref_slice %arg9[%run_scoped3A_542, %dma_start3A_551, %dma_start3A_552] : memref<10x80x32xf32, #tpu.memory_space<vmem>> -> memref<1x80x32xf32, #tpu.memory_space<vmem>>
        %dma_start3A_554 = tpu.memref_squeeze %dma_start3A_553 : memref<1x80x32xf32, #tpu.memory_space<vmem>> -> memref<80x32xf32, #tpu.memory_space<vmem>>
        %dma_start3A_555 = arith.constant 0 : i32
        %dma_start3A_556 = tpu.memref_slice %arg7[%add3A_526, %dma_start3A_555] : memref<250x80xi32, #tpu.memory_space<vmem>> -> memref<1x80xi32, #tpu.memory_space<vmem>>
        %dma_start3A_557 = tpu.memref_squeeze %dma_start3A_556 : memref<1x80xi32, #tpu.memory_space<vmem>> -> memref<80xi32, #tpu.memory_space<vmem>>
        %dma_start3A_558 = arith.constant 0 : i32
        %dma_start3A_559 = arith.constant 0 : i32
        %dma_start3A_560 = tpu.memref_slice %arg11[%dma_start3A_558, %dma_start3A_559] : memref<10240x32xf32, #tpu.memory_space<vmem_shared>> -> memref<10240x32xf32, #tpu.memory_space<vmem_shared>>
        tpu.enqueue_indirect_dma source(%dma_start3A_554 : memref<80x32xf32, #tpu.memory_space<vmem>>) target(%dma_start3A_560 : memref<10240x32xf32, #tpu.memory_space<vmem_shared>>) offsets(%dma_start3A_557 : memref<80xi32, #tpu.memory_space<vmem>>) semaphore(%run_scoped3A_550 : memref<!tpu.dma_semaphore, #tpu.memory_space<semaphore_mem>>) {add = true}
        %dma_wait3A_561 = arith.constant 0 : i32
        %dma_wait3A_562 = arith.constant 0 : i32
        %dma_wait3A_563 = tpu.memref_slice %arg9[%run_scoped3A_542, %dma_wait3A_561, %dma_wait3A_562] : memref<10x80x32xf32, #tpu.memory_space<vmem>> -> memref<1x80x32xf32, #tpu.memory_space<vmem>>
        %dma_wait3A_564 = tpu.memref_squeeze %dma_wait3A_563 : memref<1x80x32xf32, #tpu.memory_space<vmem>> -> memref<80x32xf32, #tpu.memory_space<vmem>>
        %dma_wait3A_565 = arith.constant 0 : i32
        %dma_wait3A_566 = tpu.memref_slice %arg7[%add3A_526, %dma_wait3A_565] : memref<250x80xi32, #tpu.memory_space<vmem>> -> memref<1x80xi32, #tpu.memory_space<vmem>>
        %dma_wait3A_567 = tpu.memref_squeeze %dma_wait3A_566 : memref<1x80xi32, #tpu.memory_space<vmem>> -> memref<80xi32, #tpu.memory_space<vmem>>
        %dma_wait3A_568 = arith.constant 0 : i32
        %dma_wait3A_569 = arith.constant 0 : i32
        %dma_wait3A_570 = tpu.memref_slice %arg11[%dma_wait3A_568, %dma_wait3A_569] : memref<10240x32xf32, #tpu.memory_space<vmem_shared>> -> memref<10240x32xf32, #tpu.memory_space<vmem_shared>>
        tpu.wait_indirect_dma semaphore(%run_scoped3A_550 : memref<!tpu.dma_semaphore, #tpu.memory_space<semaphore_mem>>) src(%dma_wait3A_564 : memref<80x32xf32, #tpu.memory_space<vmem>>) dst(%dma_wait3A_570 : memref<10240x32xf32, #tpu.memory_space<vmem_shared>>)
        tpu.yield
      }) : () -> ()
      %add3A_543 = arith.constant 10 : i32
      %add3A_544 = arith.addi %add3A_526, %add3A_543 : i32
      %lt3A_545 = arith.constant 250 : i32
      %lt3A_546 = arith.cmpi slt, %add3A_544, %lt3A_545 : i32
      %convert_element_type3A_547 = arith.extui %lt3A_546 : i1 to i32
      %cond3A_548 = arith.constant 0 : i32
      %cond3A_549 = arith.cmpi ne, %convert_element_type3A_547, %cond3A_548 : i32
      scf.if %cond3A_549 {
        %add3A_550 = arith.constant 10 : i32
        %add3A_551 = arith.addi %add3A_526, %add3A_550 : i32
        %dma_start3A_552 = arith.constant 9 : i32
        %dma_start3A_553 = arith.constant 0 : i32
        %dma_start3A_554 = arith.constant 0 : i32
        %dma_start3A_555 = tpu.memref_slice %arg9[%dma_start3A_552, %dma_start3A_553, %dma_start3A_554] : memref<10x80x32xf32, #tpu.memory_space<vmem>> -> memref<1x80x32xf32, #tpu.memory_space<vmem>>
        %dma_start3A_556 = tpu.memref_squeeze %dma_start3A_555 : memref<1x80x32xf32, #tpu.memory_space<vmem>> -> memref<80x32xf32, #tpu.memory_space<vmem>>
        %dma_start3A_557 = arith.constant 0 : i32
        %dma_start3A_558 = tpu.memref_slice %arg8[%add3A_551, %dma_start3A_557] : memref<250x80xi32, #tpu.memory_space<vmem>> -> memref<1x80xi32, #tpu.memory_space<vmem>>
        %dma_start3A_559 = tpu.memref_squeeze %dma_start3A_558 : memref<1x80xi32, #tpu.memory_space<vmem>> -> memref<80xi32, #tpu.memory_space<vmem>>
        %dma_start3A_560 = arith.constant 0 : i32
        %dma_start3A_561 = arith.constant 0 : i32
        %dma_start3A_562 = tpu.memref_slice %arg2[%dma_start3A_560, %dma_start3A_561] : memref<40000x32xf32, #tpu.memory_space<hbm>> -> memref<40000x32xf32, #tpu.memory_space<hbm>>
        tpu.enqueue_indirect_dma source(%dma_start3A_562 : memref<40000x32xf32, #tpu.memory_space<hbm>>) target(%dma_start3A_556 : memref<80x32xf32, #tpu.memory_space<vmem>>) offsets(%dma_start3A_559 : memref<80xi32, #tpu.memory_space<vmem>>) semaphore(%arg21 : memref<!tpu.dma_semaphore, #tpu.memory_space<semaphore_mem>>)
      } else {
      }
    }
    %scan3A_280 = arith.constant 25 : i32
    %barrier3A_281 = arith.constant 0 : index
    tpu.barrier barrier_id(%barrier3A_281)
    %mul3A_282 = arith.constant 32 : i32
    %mul3A_283 = arith.muli %add3A_147, %mul3A_282 : i32
    "tpu.region"() ({
      %run_scoped3A = tpu.sem_alloc : memref<!tpu.dma_semaphore, #tpu.memory_space<semaphore_mem>>
      %dma_start3A_284 = tpu.memref_slice %arg5[%mul3A_0, %mul3A_283] : memref<10240x128xf32, #tpu.memory_space<hbm>> -> memref<640x32xf32, #tpu.memory_space<hbm>>
      %dma_start3A_285 = arith.constant 0 : i32
      %dma_start3A_286 = tpu.memref_slice %arg11[%mul3A_0, %dma_start3A_285] : memref<10240x32xf32, #tpu.memory_space<vmem_shared>> -> memref<640x32xf32, #tpu.memory_space<vmem_shared>>
      tpu.enqueue_dma source(%dma_start3A_286 : memref<640x32xf32, #tpu.memory_space<vmem_shared>>) target(%dma_start3A_284 : memref<640x32xf32, #tpu.memory_space<hbm>>) target_semaphore(%run_scoped3A : memref<!tpu.dma_semaphore, #tpu.memory_space<semaphore_mem>>)
      %dma_wait3A = tpu.memref_slice %arg5[%mul3A_0, %mul3A_283] : memref<10240x128xf32, #tpu.memory_space<hbm>> -> memref<640x32xf32, #tpu.memory_space<hbm>>
      %dma_wait3A_287 = arith.constant 0 : i32
      %dma_wait3A_288 = tpu.memref_slice %arg11[%mul3A_0, %dma_wait3A_287] : memref<10240x32xf32, #tpu.memory_space<vmem_shared>> -> memref<640x32xf32, #tpu.memory_space<vmem_shared>>
      tpu.wait_dma2 semaphore(%run_scoped3A : memref<!tpu.dma_semaphore, #tpu.memory_space<semaphore_mem>>) src(%dma_wait3A_288 : memref<640x32xf32, #tpu.memory_space<vmem_shared>>) dst(%dma_wait3A : memref<640x32xf32, #tpu.memory_space<hbm>>)
      tpu.yield
    }) : () -> ()
    return
  }
}

#map = affine_map<(d0, d1) -> (0, 0)>
#map1 = affine_map<(d0, d1) -> (0, 0, 0)>
module attributes {stable_mosaic.version = 14 : i64} {
  func.func @sage_sc_agg_g1(%arg0: i32, %arg1: i32, %arg2: memref<40000x32xf32, #tpu.memory_space<hbm>>, %arg3: memref<16x250x80xi32, #tpu.memory_space<hbm>>, %arg4: memref<16x250x80xi32, #tpu.memory_space<hbm>>, %arg5: memref<10240x128xf32, #tpu.memory_space<hbm>>, %arg6: memref<250x80xi32, #tpu.memory_space<vmem>>, %arg7: memref<250x80xi32, #tpu.memory_space<vmem>>, %arg8: memref<250x80xi32, #tpu.memory_space<vmem>>, %arg9: memref<10x80x32xf32, #tpu.memory_space<vmem>>, %arg10: memref<640x32xf32, #tpu.memory_space<vmem>>, %arg11: memref<10240x32xf32, #tpu.memory_space<vmem_shared>>, %arg12: memref<!tpu.dma_semaphore, #tpu.memory_space<semaphore_mem>>, %arg13: memref<!tpu.dma_semaphore, #tpu.memory_space<semaphore_mem>>, %arg14: memref<!tpu.dma_semaphore, #tpu.memory_space<semaphore_mem>>, %arg15: memref<!tpu.dma_semaphore, #tpu.memory_space<semaphore_mem>>, %arg16: memref<!tpu.dma_semaphore, #tpu.memory_space<semaphore_mem>>, %arg17: memref<!tpu.dma_semaphore, #tpu.memory_space<semaphore_mem>>, %arg18: memref<!tpu.dma_semaphore, #tpu.memory_space<semaphore_mem>>, %arg19: memref<!tpu.dma_semaphore, #tpu.memory_space<semaphore_mem>>, %arg20: memref<!tpu.dma_semaphore, #tpu.memory_space<semaphore_mem>>, %arg21: memref<!tpu.dma_semaphore, #tpu.memory_space<semaphore_mem>>) attributes {dimension_semantics = [#tpu.dimension_semantics<core_parallel>, #tpu.dimension_semantics<subcore_parallel>], iteration_bounds = array<i64: 2, 16>, scalar_prefetch = 0 : i64, scratch_operands = 16 : i64, tpu.core_type = #tpu.core_type<sc_vector_subcore>, window_params = [{transform_indices = #map}, {transform_indices = #map1}, {transform_indices = #map1}, {transform_indices = #map}]} {
    %mul3A = arith.constant 640 : i32
    %mul3A_0 = arith.muli %arg1, %mul3A : i32
    "tpu.region"() ({
      %run_scoped3A = tpu.sem_alloc : memref<!tpu.dma_semaphore, #tpu.memory_space<semaphore_mem>>
      %dma_start3A_144 = arith.constant 0 : i32
      %dma_start3A_145 = arith.constant 0 : i32
      %dma_start3A_146 = tpu.memref_slice %arg3[%arg1, %dma_start3A_144, %dma_start3A_145] : memref<16x250x80xi32, #tpu.memory_space<hbm>> -> memref<1x250x80xi32, #tpu.memory_space<hbm>>
      %dma_start3A_147 = tpu.memref_squeeze %dma_start3A_146 : memref<1x250x80xi32, #tpu.memory_space<hbm>> -> memref<250x80xi32, #tpu.memory_space<hbm>>
      %dma_start3A_148 = arith.constant 0 : i32
      %dma_start3A_149 = arith.constant 0 : i32
      %dma_start3A_150 = tpu.memref_slice %arg3[%arg1, %dma_start3A_148, %dma_start3A_149] : memref<16x250x80xi32, #tpu.memory_space<hbm>> -> memref<1x250x80xi32, #tpu.memory_space<hbm>>
      %dma_start3A_151 = tpu.memref_squeeze %dma_start3A_150 : memref<1x250x80xi32, #tpu.memory_space<hbm>> -> memref<250x80xi32, #tpu.memory_space<hbm>>
      tpu.enqueue_dma source(%dma_start3A_151 : memref<250x80xi32, #tpu.memory_space<hbm>>) target(%arg6 : memref<250x80xi32, #tpu.memory_space<vmem>>) target_semaphore(%run_scoped3A : memref<!tpu.dma_semaphore, #tpu.memory_space<semaphore_mem>>)
      %dma_wait3A = arith.constant 0 : i32
      %dma_wait3A_152 = arith.constant 0 : i32
      %dma_wait3A_153 = tpu.memref_slice %arg3[%arg1, %dma_wait3A, %dma_wait3A_152] : memref<16x250x80xi32, #tpu.memory_space<hbm>> -> memref<1x250x80xi32, #tpu.memory_space<hbm>>
      %dma_wait3A_154 = tpu.memref_squeeze %dma_wait3A_153 : memref<1x250x80xi32, #tpu.memory_space<hbm>> -> memref<250x80xi32, #tpu.memory_space<hbm>>
      %dma_wait3A_155 = arith.constant 0 : i32
      %dma_wait3A_156 = arith.constant 0 : i32
      %dma_wait3A_157 = tpu.memref_slice %arg3[%arg1, %dma_wait3A_155, %dma_wait3A_156] : memref<16x250x80xi32, #tpu.memory_space<hbm>> -> memref<1x250x80xi32, #tpu.memory_space<hbm>>
      %dma_wait3A_158 = tpu.memref_squeeze %dma_wait3A_157 : memref<1x250x80xi32, #tpu.memory_space<hbm>> -> memref<250x80xi32, #tpu.memory_space<hbm>>
      tpu.wait_dma2 semaphore(%run_scoped3A : memref<!tpu.dma_semaphore, #tpu.memory_space<semaphore_mem>>) src(%dma_wait3A_158 : memref<250x80xi32, #tpu.memory_space<hbm>>) dst(%arg6 : memref<250x80xi32, #tpu.memory_space<vmem>>)
      tpu.yield
    }) : () -> ()
    "tpu.region"() ({
      %run_scoped3A = tpu.sem_alloc : memref<!tpu.dma_semaphore, #tpu.memory_space<semaphore_mem>>
      %dma_start3A_144 = arith.constant 0 : i32
      %dma_start3A_145 = arith.constant 0 : i32
      %dma_start3A_146 = tpu.memref_slice %arg4[%arg1, %dma_start3A_144, %dma_start3A_145] : memref<16x250x80xi32, #tpu.memory_space<hbm>> -> memref<1x250x80xi32, #tpu.memory_space<hbm>>
      %dma_start3A_147 = tpu.memref_squeeze %dma_start3A_146 : memref<1x250x80xi32, #tpu.memory_space<hbm>> -> memref<250x80xi32, #tpu.memory_space<hbm>>
      %dma_start3A_148 = arith.constant 0 : i32
      %dma_start3A_149 = arith.constant 0 : i32
      %dma_start3A_150 = tpu.memref_slice %arg4[%arg1, %dma_start3A_148, %dma_start3A_149] : memref<16x250x80xi32, #tpu.memory_space<hbm>> -> memref<1x250x80xi32, #tpu.memory_space<hbm>>
      %dma_start3A_151 = tpu.memref_squeeze %dma_start3A_150 : memref<1x250x80xi32, #tpu.memory_space<hbm>> -> memref<250x80xi32, #tpu.memory_space<hbm>>
      tpu.enqueue_dma source(%dma_start3A_151 : memref<250x80xi32, #tpu.memory_space<hbm>>) target(%arg7 : memref<250x80xi32, #tpu.memory_space<vmem>>) target_semaphore(%run_scoped3A : memref<!tpu.dma_semaphore, #tpu.memory_space<semaphore_mem>>)
      %dma_wait3A = arith.constant 0 : i32
      %dma_wait3A_152 = arith.constant 0 : i32
      %dma_wait3A_153 = tpu.memref_slice %arg4[%arg1, %dma_wait3A, %dma_wait3A_152] : memref<16x250x80xi32, #tpu.memory_space<hbm>> -> memref<1x250x80xi32, #tpu.memory_space<hbm>>
      %dma_wait3A_154 = tpu.memref_squeeze %dma_wait3A_153 : memref<1x250x80xi32, #tpu.memory_space<hbm>> -> memref<250x80xi32, #tpu.memory_space<hbm>>
      %dma_wait3A_155 = arith.constant 0 : i32
      %dma_wait3A_156 = arith.constant 0 : i32
      %dma_wait3A_157 = tpu.memref_slice %arg4[%arg1, %dma_wait3A_155, %dma_wait3A_156] : memref<16x250x80xi32, #tpu.memory_space<hbm>> -> memref<1x250x80xi32, #tpu.memory_space<hbm>>
      %dma_wait3A_158 = tpu.memref_squeeze %dma_wait3A_157 : memref<1x250x80xi32, #tpu.memory_space<hbm>> -> memref<250x80xi32, #tpu.memory_space<hbm>>
      tpu.wait_dma2 semaphore(%run_scoped3A : memref<!tpu.dma_semaphore, #tpu.memory_space<semaphore_mem>>) src(%dma_wait3A_158 : memref<250x80xi32, #tpu.memory_space<hbm>>) dst(%arg7 : memref<250x80xi32, #tpu.memory_space<vmem>>)
      tpu.yield
    }) : () -> ()
    %broadcast_in_dim3A = arith.constant 0.000000e+00 : f32
    %broadcast_in_dim3A_1 = vector.broadcast %broadcast_in_dim3A : f32 to vector<16xf32>
    %scan3A = arith.constant 0 : i32
    %scan3A_2 = arith.constant 0 : i32
    %scan3A_3 = arith.constant 640 : i32
    %scan3A_4 = arith.addi %scan3A_2, %scan3A_3 : i32
    %scan3A_5 = arith.constant 1 : i32
    scf.for %scan3A_144 = %scan3A_2 to %scan3A_4 step %scan3A_5  : i32 {
      %swap3A = arith.index_cast %scan3A_144 : i32 to index
      %swap3A_145 = arith.constant 0 : index
      %swap3A_146 = tpu.vector_load %arg10[%swap3A, %swap3A_145] {strides = array<i32>} : memref<640x32xf32, #tpu.memory_space<vmem>>, vector<16xf32>,
      tpu.vector_store %arg10[%swap3A, %swap3A_145], %broadcast_in_dim3A_1 {strides = array<i32>} : memref<640x32xf32, #tpu.memory_space<vmem>>, vector<16xf32>,
      %swap3A_147 = arith.index_cast %scan3A_144 : i32 to index
      %swap3A_148 = arith.constant 16 : index
      %swap3A_149 = tpu.vector_load %arg10[%swap3A_147, %swap3A_148] {strides = array<i32>} : memref<640x32xf32, #tpu.memory_space<vmem>>, vector<16xf32>,
      tpu.vector_store %arg10[%swap3A_147, %swap3A_148], %broadcast_in_dim3A_1 {strides = array<i32>} : memref<640x32xf32, #tpu.memory_space<vmem>>, vector<16xf32>,
    }
    %scan3A_6 = arith.constant 640 : i32
    %mul3A_7 = arith.constant 1 : i32
    %mul3A_8 = arith.muli %arg0, %mul3A_7 : i32
    %add3A = arith.constant 0 : i32
    %add3A_9 = arith.addi %mul3A_8, %add3A : i32
    %scan3A_10 = arith.constant 0 : i32
    %scan3A_11 = arith.constant 0 : i32
    %scan3A_12 = arith.constant 250 : i32
    %scan3A_13 = arith.addi %scan3A_11, %scan3A_12 : i32
    %scan3A_14 = arith.constant 1 : i32
    scf.for %scan3A_144 = %scan3A_11 to %scan3A_13 step %scan3A_14  : i32 {
      %get3A = arith.index_cast %scan3A_144 : i32 to index
      %get3A_145 = arith.constant 0 : index
      %get3A_146 = tpu.vector_load %arg6[%get3A, %get3A_145] {strides = array<i32>} : memref<250x80xi32, #tpu.memory_space<vmem>>, vector<16xi32>,
      %mul3A_147 = arith.constant 4 : i32
      %mul3A_148 = vector.broadcast %mul3A_147 : i32 to vector<16xi32>
      %mul3A_149 = arith.muli %get3A_146, %mul3A_148 : vector<16xi32>
      %add3A_150 = vector.broadcast %add3A_9 : i32 to vector<16xi32>
      %add3A_151 = arith.addi %mul3A_149, %add3A_150 : vector<16xi32>
      %swap3A = arith.index_cast %scan3A_144 : i32 to index
      %swap3A_152 = arith.constant 0 : index
      %swap3A_153 = tpu.vector_load %arg8[%swap3A, %swap3A_152] {strides = array<i32>} : memref<250x80xi32, #tpu.memory_space<vmem>>, vector<16xi32>,
      tpu.vector_store %arg8[%swap3A, %swap3A_152], %add3A_151 {strides = array<i32>} : memref<250x80xi32, #tpu.memory_space<vmem>>, vector<16xi32>,
      %get3A_154 = arith.index_cast %scan3A_144 : i32 to index
      %get3A_155 = arith.constant 16 : index
      %get3A_156 = tpu.vector_load %arg6[%get3A_154, %get3A_155] {strides = array<i32>} : memref<250x80xi32, #tpu.memory_space<vmem>>, vector<16xi32>,
      %mul3A_157 = arith.constant 4 : i32
      %mul3A_158 = vector.broadcast %mul3A_157 : i32 to vector<16xi32>
      %mul3A_159 = arith.muli %get3A_156, %mul3A_158 : vector<16xi32>
      %add3A_160 = vector.broadcast %add3A_9 : i32 to vector<16xi32>
      %add3A_161 = arith.addi %mul3A_159, %add3A_160 : vector<16xi32>
      %swap3A_162 = arith.index_cast %scan3A_144 : i32 to index
      %swap3A_163 = arith.constant 16 : index
      %swap3A_164 = tpu.vector_load %arg8[%swap3A_162, %swap3A_163] {strides = array<i32>} : memref<250x80xi32, #tpu.memory_space<vmem>>, vector<16xi32>,
      tpu.vector_store %arg8[%swap3A_162, %swap3A_163], %add3A_161 {strides = array<i32>} : memref<250x80xi32, #tpu.memory_space<vmem>>, vector<16xi32>,
      %get3A_165 = arith.index_cast %scan3A_144 : i32 to index
      %get3A_166 = arith.constant 32 : index
      %get3A_167 = tpu.vector_load %arg6[%get3A_165, %get3A_166] {strides = array<i32>} : memref<250x80xi32, #tpu.memory_space<vmem>>, vector<16xi32>,
      %mul3A_168 = arith.constant 4 : i32
      %mul3A_169 = vector.broadcast %mul3A_168 : i32 to vector<16xi32>
      %mul3A_170 = arith.muli %get3A_167, %mul3A_169 : vector<16xi32>
      %add3A_171 = vector.broadcast %add3A_9 : i32 to vector<16xi32>
      %add3A_172 = arith.addi %mul3A_170, %add3A_171 : vector<16xi32>
      %swap3A_173 = arith.index_cast %scan3A_144 : i32 to index
      %swap3A_174 = arith.constant 32 : index
      %swap3A_175 = tpu.vector_load %arg8[%swap3A_173, %swap3A_174] {strides = array<i32>} : memref<250x80xi32, #tpu.memory_space<vmem>>, vector<16xi32>,
      tpu.vector_store %arg8[%swap3A_173, %swap3A_174], %add3A_172 {strides = array<i32>} : memref<250x80xi32, #tpu.memory_space<vmem>>, vector<16xi32>,
      %get3A_176 = arith.index_cast %scan3A_144 : i32 to index
      %get3A_177 = arith.constant 48 : index
      %get3A_178 = tpu.vector_load %arg6[%get3A_176, %get3A_177] {strides = array<i32>} : memref<250x80xi32, #tpu.memory_space<vmem>>, vector<16xi32>,
      %mul3A_179 = arith.constant 4 : i32
      %mul3A_180 = vector.broadcast %mul3A_179 : i32 to vector<16xi32>
      %mul3A_181 = arith.muli %get3A_178, %mul3A_180 : vector<16xi32>
      %add3A_182 = vector.broadcast %add3A_9 : i32 to vector<16xi32>
      %add3A_183 = arith.addi %mul3A_181, %add3A_182 : vector<16xi32>
      %swap3A_184 = arith.index_cast %scan3A_144 : i32 to index
      %swap3A_185 = arith.constant 48 : index
      %swap3A_186 = tpu.vector_load %arg8[%swap3A_184, %swap3A_185] {strides = array<i32>} : memref<250x80xi32, #tpu.memory_space<vmem>>, vector<16xi32>,
      tpu.vector_store %arg8[%swap3A_184, %swap3A_185], %add3A_183 {strides = array<i32>} : memref<250x80xi32, #tpu.memory_space<vmem>>, vector<16xi32>,
      %get3A_187 = arith.index_cast %scan3A_144 : i32 to index
      %get3A_188 = arith.constant 64 : index
      %get3A_189 = tpu.vector_load %arg6[%get3A_187, %get3A_188] {strides = array<i32>} : memref<250x80xi32, #tpu.memory_space<vmem>>, vector<16xi32>,
      %mul3A_190 = arith.constant 4 : i32
      %mul3A_191 = vector.broadcast %mul3A_190 : i32 to vector<16xi32>
      %mul3A_192 = arith.muli %get3A_189, %mul3A_191 : vector<16xi32>
      %add3A_193 = vector.broadcast %add3A_9 : i32 to vector<16xi32>
      %add3A_194 = arith.addi %mul3A_192, %add3A_193 : vector<16xi32>
      %swap3A_195 = arith.index_cast %scan3A_144 : i32 to index
      %swap3A_196 = arith.constant 64 : index
      %swap3A_197 = tpu.vector_load %arg8[%swap3A_195, %swap3A_196] {strides = array<i32>} : memref<250x80xi32, #tpu.memory_space<vmem>>, vector<16xi32>,
      tpu.vector_store %arg8[%swap3A_195, %swap3A_196], %add3A_194 {strides = array<i32>} : memref<250x80xi32, #tpu.memory_space<vmem>>, vector<16xi32>,
    }
    %scan3A_15 = arith.constant 250 : i32
    "tpu.region"() ({
      %run_scoped3A = tpu.sem_alloc : memref<!tpu.dma_semaphore, #tpu.memory_space<semaphore_mem>>
      %dma_start3A_144 = arith.constant 0 : i32
      %dma_start3A_145 = tpu.memref_slice %arg11[%mul3A_0, %dma_start3A_144] : memref<10240x32xf32, #tpu.memory_space<vmem_shared>> -> memref<640x32xf32, #tpu.memory_space<vmem_shared>>
      %dma_start3A_146 = arith.constant 0 : i32
      %dma_start3A_147 = tpu.memref_slice %arg11[%mul3A_0, %dma_start3A_146] : memref<10240x32xf32, #tpu.memory_space<vmem_shared>> -> memref<640x32xf32, #tpu.memory_space<vmem_shared>>
      tpu.enqueue_dma source(%arg10 : memref<640x32xf32, #tpu.memory_space<vmem>>) target(%dma_start3A_147 : memref<640x32xf32, #tpu.memory_space<vmem_shared>>) target_semaphore(%run_scoped3A : memref<!tpu.dma_semaphore, #tpu.memory_space<semaphore_mem>>)
      %dma_wait3A = arith.constant 0 : i32
      %dma_wait3A_148 = tpu.memref_slice %arg11[%mul3A_0, %dma_wait3A] : memref<10240x32xf32, #tpu.memory_space<vmem_shared>> -> memref<640x32xf32, #tpu.memory_space<vmem_shared>>
      %dma_wait3A_149 = arith.constant 0 : i32
      %dma_wait3A_150 = tpu.memref_slice %arg11[%mul3A_0, %dma_wait3A_149] : memref<10240x32xf32, #tpu.memory_space<vmem_shared>> -> memref<640x32xf32, #tpu.memory_space<vmem_shared>>
      tpu.wait_dma2 semaphore(%run_scoped3A : memref<!tpu.dma_semaphore, #tpu.memory_space<semaphore_mem>>) src(%arg10 : memref<640x32xf32, #tpu.memory_space<vmem>>) dst(%dma_wait3A_150 : memref<640x32xf32, #tpu.memory_space<vmem_shared>>)
      tpu.yield
    }) : () -> ()
    %barrier3A = arith.constant 0 : index
    tpu.barrier barrier_id(%barrier3A)
    %dma_start3A = arith.constant 0 : i32
    %dma_start3A_16 = arith.constant 0 : i32
    %dma_start3A_17 = arith.constant 0 : i32
    %dma_start3A_18 = arith.constant 0 : i32
    %dma_start3A_19 = tpu.memref_slice %arg9[%dma_start3A_16, %dma_start3A_17, %dma_start3A_18] : memref<10x80x32xf32, #tpu.memory_space<vmem>> -> memref<1x80x32xf32, #tpu.memory_space<vmem>>
    %dma_start3A_20 = tpu.memref_squeeze %dma_start3A_19 : memref<1x80x32xf32, #tpu.memory_space<vmem>> -> memref<80x32xf32, #tpu.memory_space<vmem>>
    %dma_start3A_21 = arith.constant 0 : i32
    %dma_start3A_22 = tpu.memref_slice %arg8[%dma_start3A, %dma_start3A_21] : memref<250x80xi32, #tpu.memory_space<vmem>> -> memref<1x80xi32, #tpu.memory_space<vmem>>
    %dma_start3A_23 = tpu.memref_squeeze %dma_start3A_22 : memref<1x80xi32, #tpu.memory_space<vmem>> -> memref<80xi32, #tpu.memory_space<vmem>>
    %dma_start3A_24 = arith.constant 0 : i32
    %dma_start3A_25 = arith.constant 0 : i32
    %dma_start3A_26 = tpu.memref_slice %arg2[%dma_start3A_24, %dma_start3A_25] : memref<40000x32xf32, #tpu.memory_space<hbm>> -> memref<40000x32xf32, #tpu.memory_space<hbm>>
    tpu.enqueue_indirect_dma source(%dma_start3A_26 : memref<40000x32xf32, #tpu.memory_space<hbm>>) target(%dma_start3A_20 : memref<80x32xf32, #tpu.memory_space<vmem>>) offsets(%dma_start3A_23 : memref<80xi32, #tpu.memory_space<vmem>>) semaphore(%arg12 : memref<!tpu.dma_semaphore, #tpu.memory_space<semaphore_mem>>)
    %dma_start3A_27 = arith.constant 1 : i32
    %dma_start3A_28 = arith.constant 1 : i32
    %dma_start3A_29 = arith.constant 0 : i32
    %dma_start3A_30 = arith.constant 0 : i32
    %dma_start3A_31 = tpu.memref_slice %arg9[%dma_start3A_28, %dma_start3A_29, %dma_start3A_30] : memref<10x80x32xf32, #tpu.memory_space<vmem>> -> memref<1x80x32xf32, #tpu.memory_space<vmem>>
    %dma_start3A_32 = tpu.memref_squeeze %dma_start3A_31 : memref<1x80x32xf32, #tpu.memory_space<vmem>> -> memref<80x32xf32, #tpu.memory_space<vmem>>
    %dma_start3A_33 = arith.constant 0 : i32
    %dma_start3A_34 = tpu.memref_slice %arg8[%dma_start3A_27, %dma_start3A_33] : memref<250x80xi32, #tpu.memory_space<vmem>> -> memref<1x80xi32, #tpu.memory_space<vmem>>
    %dma_start3A_35 = tpu.memref_squeeze %dma_start3A_34 : memref<1x80xi32, #tpu.memory_space<vmem>> -> memref<80xi32, #tpu.memory_space<vmem>>
    %dma_start3A_36 = arith.constant 0 : i32
    %dma_start3A_37 = arith.constant 0 : i32
    %dma_start3A_38 = tpu.memref_slice %arg2[%dma_start3A_36, %dma_start3A_37] : memref<40000x32xf32, #tpu.memory_space<hbm>> -> memref<40000x32xf32, #tpu.memory_space<hbm>>
    tpu.enqueue_indirect_dma source(%dma_start3A_38 : memref<40000x32xf32, #tpu.memory_space<hbm>>) target(%dma_start3A_32 : memref<80x32xf32, #tpu.memory_space<vmem>>) offsets(%dma_start3A_35 : memref<80xi32, #tpu.memory_space<vmem>>) semaphore(%arg13 : memref<!tpu.dma_semaphore, #tpu.memory_space<semaphore_mem>>)
    %dma_start3A_39 = arith.constant 2 : i32
    %dma_start3A_40 = arith.constant 2 : i32
    %dma_start3A_41 = arith.constant 0 : i32
    %dma_start3A_42 = arith.constant 0 : i32
    %dma_start3A_43 = tpu.memref_slice %arg9[%dma_start3A_40, %dma_start3A_41, %dma_start3A_42] : memref<10x80x32xf32, #tpu.memory_space<vmem>> -> memref<1x80x32xf32, #tpu.memory_space<vmem>>
    %dma_start3A_44 = tpu.memref_squeeze %dma_start3A_43 : memref<1x80x32xf32, #tpu.memory_space<vmem>> -> memref<80x32xf32, #tpu.memory_space<vmem>>
    %dma_start3A_45 = arith.constant 0 : i32
    %dma_start3A_46 = tpu.memref_slice %arg8[%dma_start3A_39, %dma_start3A_45] : memref<250x80xi32, #tpu.memory_space<vmem>> -> memref<1x80xi32, #tpu.memory_space<vmem>>
    %dma_start3A_47 = tpu.memref_squeeze %dma_start3A_46 : memref<1x80xi32, #tpu.memory_space<vmem>> -> memref<80xi32, #tpu.memory_space<vmem>>
    %dma_start3A_48 = arith.constant 0 : i32
    %dma_start3A_49 = arith.constant 0 : i32
    %dma_start3A_50 = tpu.memref_slice %arg2[%dma_start3A_48, %dma_start3A_49] : memref<40000x32xf32, #tpu.memory_space<hbm>> -> memref<40000x32xf32, #tpu.memory_space<hbm>>
    tpu.enqueue_indirect_dma source(%dma_start3A_50 : memref<40000x32xf32, #tpu.memory_space<hbm>>) target(%dma_start3A_44 : memref<80x32xf32, #tpu.memory_space<vmem>>) offsets(%dma_start3A_47 : memref<80xi32, #tpu.memory_space<vmem>>) semaphore(%arg14 : memref<!tpu.dma_semaphore, #tpu.memory_space<semaphore_mem>>)
    %dma_start3A_51 = arith.constant 3 : i32
    %dma_start3A_52 = arith.constant 3 : i32
    %dma_start3A_53 = arith.constant 0 : i32
    %dma_start3A_54 = arith.constant 0 : i32
    %dma_start3A_55 = tpu.memref_slice %arg9[%dma_start3A_52, %dma_start3A_53, %dma_start3A_54] : memref<10x80x32xf32, #tpu.memory_space<vmem>> -> memref<1x80x32xf32, #tpu.memory_space<vmem>>
    %dma_start3A_56 = tpu.memref_squeeze %dma_start3A_55 : memref<1x80x32xf32, #tpu.memory_space<vmem>> -> memref<80x32xf32, #tpu.memory_space<vmem>>
    %dma_start3A_57 = arith.constant 0 : i32
    %dma_start3A_58 = tpu.memref_slice %arg8[%dma_start3A_51, %dma_start3A_57] : memref<250x80xi32, #tpu.memory_space<vmem>> -> memref<1x80xi32, #tpu.memory_space<vmem>>
    %dma_start3A_59 = tpu.memref_squeeze %dma_start3A_58 : memref<1x80xi32, #tpu.memory_space<vmem>> -> memref<80xi32, #tpu.memory_space<vmem>>
    %dma_start3A_60 = arith.constant 0 : i32
    %dma_start3A_61 = arith.constant 0 : i32
    %dma_start3A_62 = tpu.memref_slice %arg2[%dma_start3A_60, %dma_start3A_61] : memref<40000x32xf32, #tpu.memory_space<hbm>> -> memref<40000x32xf32, #tpu.memory_space<hbm>>
    tpu.enqueue_indirect_dma source(%dma_start3A_62 : memref<40000x32xf32, #tpu.memory_space<hbm>>) target(%dma_start3A_56 : memref<80x32xf32, #tpu.memory_space<vmem>>) offsets(%dma_start3A_59 : memref<80xi32, #tpu.memory_space<vmem>>) semaphore(%arg15 : memref<!tpu.dma_semaphore, #tpu.memory_space<semaphore_mem>>)
    %dma_start3A_63 = arith.constant 4 : i32
    %dma_start3A_64 = arith.constant 4 : i32
    %dma_start3A_65 = arith.constant 0 : i32
    %dma_start3A_66 = arith.constant 0 : i32
    %dma_start3A_67 = tpu.memref_slice %arg9[%dma_start3A_64, %dma_start3A_65, %dma_start3A_66] : memref<10x80x32xf32, #tpu.memory_space<vmem>> -> memref<1x80x32xf32, #tpu.memory_space<vmem>>
    %dma_start3A_68 = tpu.memref_squeeze %dma_start3A_67 : memref<1x80x32xf32, #tpu.memory_space<vmem>> -> memref<80x32xf32, #tpu.memory_space<vmem>>
    %dma_start3A_69 = arith.constant 0 : i32
    %dma_start3A_70 = tpu.memref_slice %arg8[%dma_start3A_63, %dma_start3A_69] : memref<250x80xi32, #tpu.memory_space<vmem>> -> memref<1x80xi32, #tpu.memory_space<vmem>>
    %dma_start3A_71 = tpu.memref_squeeze %dma_start3A_70 : memref<1x80xi32, #tpu.memory_space<vmem>> -> memref<80xi32, #tpu.memory_space<vmem>>
    %dma_start3A_72 = arith.constant 0 : i32
    %dma_start3A_73 = arith.constant 0 : i32
    %dma_start3A_74 = tpu.memref_slice %arg2[%dma_start3A_72, %dma_start3A_73] : memref<40000x32xf32, #tpu.memory_space<hbm>> -> memref<40000x32xf32, #tpu.memory_space<hbm>>
    tpu.enqueue_indirect_dma source(%dma_start3A_74 : memref<40000x32xf32, #tpu.memory_space<hbm>>) target(%dma_start3A_68 : memref<80x32xf32, #tpu.memory_space<vmem>>) offsets(%dma_start3A_71 : memref<80xi32, #tpu.memory_space<vmem>>) semaphore(%arg16 : memref<!tpu.dma_semaphore, #tpu.memory_space<semaphore_mem>>)
    %dma_start3A_75 = arith.constant 5 : i32
    %dma_start3A_76 = arith.constant 5 : i32
    %dma_start3A_77 = arith.constant 0 : i32
    %dma_start3A_78 = arith.constant 0 : i32
    %dma_start3A_79 = tpu.memref_slice %arg9[%dma_start3A_76, %dma_start3A_77, %dma_start3A_78] : memref<10x80x32xf32, #tpu.memory_space<vmem>> -> memref<1x80x32xf32, #tpu.memory_space<vmem>>
    %dma_start3A_80 = tpu.memref_squeeze %dma_start3A_79 : memref<1x80x32xf32, #tpu.memory_space<vmem>> -> memref<80x32xf32, #tpu.memory_space<vmem>>
    %dma_start3A_81 = arith.constant 0 : i32
    %dma_start3A_82 = tpu.memref_slice %arg8[%dma_start3A_75, %dma_start3A_81] : memref<250x80xi32, #tpu.memory_space<vmem>> -> memref<1x80xi32, #tpu.memory_space<vmem>>
    %dma_start3A_83 = tpu.memref_squeeze %dma_start3A_82 : memref<1x80xi32, #tpu.memory_space<vmem>> -> memref<80xi32, #tpu.memory_space<vmem>>
    %dma_start3A_84 = arith.constant 0 : i32
    %dma_start3A_85 = arith.constant 0 : i32
    %dma_start3A_86 = tpu.memref_slice %arg2[%dma_start3A_84, %dma_start3A_85] : memref<40000x32xf32, #tpu.memory_space<hbm>> -> memref<40000x32xf32, #tpu.memory_space<hbm>>
    tpu.enqueue_indirect_dma source(%dma_start3A_86 : memref<40000x32xf32, #tpu.memory_space<hbm>>) target(%dma_start3A_80 : memref<80x32xf32, #tpu.memory_space<vmem>>) offsets(%dma_start3A_83 : memref<80xi32, #tpu.memory_space<vmem>>) semaphore(%arg17 : memref<!tpu.dma_semaphore, #tpu.memory_space<semaphore_mem>>)
    %dma_start3A_87 = arith.constant 6 : i32
    %dma_start3A_88 = arith.constant 6 : i32
    %dma_start3A_89 = arith.constant 0 : i32
    %dma_start3A_90 = arith.constant 0 : i32
    %dma_start3A_91 = tpu.memref_slice %arg9[%dma_start3A_88, %dma_start3A_89, %dma_start3A_90] : memref<10x80x32xf32, #tpu.memory_space<vmem>> -> memref<1x80x32xf32, #tpu.memory_space<vmem>>
    %dma_start3A_92 = tpu.memref_squeeze %dma_start3A_91 : memref<1x80x32xf32, #tpu.memory_space<vmem>> -> memref<80x32xf32, #tpu.memory_space<vmem>>
    %dma_start3A_93 = arith.constant 0 : i32
    %dma_start3A_94 = tpu.memref_slice %arg8[%dma_start3A_87, %dma_start3A_93] : memref<250x80xi32, #tpu.memory_space<vmem>> -> memref<1x80xi32, #tpu.memory_space<vmem>>
    %dma_start3A_95 = tpu.memref_squeeze %dma_start3A_94 : memref<1x80xi32, #tpu.memory_space<vmem>> -> memref<80xi32, #tpu.memory_space<vmem>>
    %dma_start3A_96 = arith.constant 0 : i32
    %dma_start3A_97 = arith.constant 0 : i32
    %dma_start3A_98 = tpu.memref_slice %arg2[%dma_start3A_96, %dma_start3A_97] : memref<40000x32xf32, #tpu.memory_space<hbm>> -> memref<40000x32xf32, #tpu.memory_space<hbm>>
    tpu.enqueue_indirect_dma source(%dma_start3A_98 : memref<40000x32xf32, #tpu.memory_space<hbm>>) target(%dma_start3A_92 : memref<80x32xf32, #tpu.memory_space<vmem>>) offsets(%dma_start3A_95 : memref<80xi32, #tpu.memory_space<vmem>>) semaphore(%arg18 : memref<!tpu.dma_semaphore, #tpu.memory_space<semaphore_mem>>)
    %dma_start3A_99 = arith.constant 7 : i32
    %dma_start3A_100 = arith.constant 7 : i32
    %dma_start3A_101 = arith.constant 0 : i32
    %dma_start3A_102 = arith.constant 0 : i32
    %dma_start3A_103 = tpu.memref_slice %arg9[%dma_start3A_100, %dma_start3A_101, %dma_start3A_102] : memref<10x80x32xf32, #tpu.memory_space<vmem>> -> memref<1x80x32xf32, #tpu.memory_space<vmem>>
    %dma_start3A_104 = tpu.memref_squeeze %dma_start3A_103 : memref<1x80x32xf32, #tpu.memory_space<vmem>> -> memref<80x32xf32, #tpu.memory_space<vmem>>
    %dma_start3A_105 = arith.constant 0 : i32
    %dma_start3A_106 = tpu.memref_slice %arg8[%dma_start3A_99, %dma_start3A_105] : memref<250x80xi32, #tpu.memory_space<vmem>> -> memref<1x80xi32, #tpu.memory_space<vmem>>
    %dma_start3A_107 = tpu.memref_squeeze %dma_start3A_106 : memref<1x80xi32, #tpu.memory_space<vmem>> -> memref<80xi32, #tpu.memory_space<vmem>>
    %dma_start3A_108 = arith.constant 0 : i32
    %dma_start3A_109 = arith.constant 0 : i32
    %dma_start3A_110 = tpu.memref_slice %arg2[%dma_start3A_108, %dma_start3A_109] : memref<40000x32xf32, #tpu.memory_space<hbm>> -> memref<40000x32xf32, #tpu.memory_space<hbm>>
    tpu.enqueue_indirect_dma source(%dma_start3A_110 : memref<40000x32xf32, #tpu.memory_space<hbm>>) target(%dma_start3A_104 : memref<80x32xf32, #tpu.memory_space<vmem>>) offsets(%dma_start3A_107 : memref<80xi32, #tpu.memory_space<vmem>>) semaphore(%arg19 : memref<!tpu.dma_semaphore, #tpu.memory_space<semaphore_mem>>)
    %dma_start3A_111 = arith.constant 8 : i32
    %dma_start3A_112 = arith.constant 8 : i32
    %dma_start3A_113 = arith.constant 0 : i32
    %dma_start3A_114 = arith.constant 0 : i32
    %dma_start3A_115 = tpu.memref_slice %arg9[%dma_start3A_112, %dma_start3A_113, %dma_start3A_114] : memref<10x80x32xf32, #tpu.memory_space<vmem>> -> memref<1x80x32xf32, #tpu.memory_space<vmem>>
    %dma_start3A_116 = tpu.memref_squeeze %dma_start3A_115 : memref<1x80x32xf32, #tpu.memory_space<vmem>> -> memref<80x32xf32, #tpu.memory_space<vmem>>
    %dma_start3A_117 = arith.constant 0 : i32
    %dma_start3A_118 = tpu.memref_slice %arg8[%dma_start3A_111, %dma_start3A_117] : memref<250x80xi32, #tpu.memory_space<vmem>> -> memref<1x80xi32, #tpu.memory_space<vmem>>
    %dma_start3A_119 = tpu.memref_squeeze %dma_start3A_118 : memref<1x80xi32, #tpu.memory_space<vmem>> -> memref<80xi32, #tpu.memory_space<vmem>>
    %dma_start3A_120 = arith.constant 0 : i32
    %dma_start3A_121 = arith.constant 0 : i32
    %dma_start3A_122 = tpu.memref_slice %arg2[%dma_start3A_120, %dma_start3A_121] : memref<40000x32xf32, #tpu.memory_space<hbm>> -> memref<40000x32xf32, #tpu.memory_space<hbm>>
    tpu.enqueue_indirect_dma source(%dma_start3A_122 : memref<40000x32xf32, #tpu.memory_space<hbm>>) target(%dma_start3A_116 : memref<80x32xf32, #tpu.memory_space<vmem>>) offsets(%dma_start3A_119 : memref<80xi32, #tpu.memory_space<vmem>>) semaphore(%arg20 : memref<!tpu.dma_semaphore, #tpu.memory_space<semaphore_mem>>)
    %dma_start3A_123 = arith.constant 9 : i32
    %dma_start3A_124 = arith.constant 9 : i32
    %dma_start3A_125 = arith.constant 0 : i32
    %dma_start3A_126 = arith.constant 0 : i32
    %dma_start3A_127 = tpu.memref_slice %arg9[%dma_start3A_124, %dma_start3A_125, %dma_start3A_126] : memref<10x80x32xf32, #tpu.memory_space<vmem>> -> memref<1x80x32xf32, #tpu.memory_space<vmem>>
    %dma_start3A_128 = tpu.memref_squeeze %dma_start3A_127 : memref<1x80x32xf32, #tpu.memory_space<vmem>> -> memref<80x32xf32, #tpu.memory_space<vmem>>
    %dma_start3A_129 = arith.constant 0 : i32
    %dma_start3A_130 = tpu.memref_slice %arg8[%dma_start3A_123, %dma_start3A_129] : memref<250x80xi32, #tpu.memory_space<vmem>> -> memref<1x80xi32, #tpu.memory_space<vmem>>
    %dma_start3A_131 = tpu.memref_squeeze %dma_start3A_130 : memref<1x80xi32, #tpu.memory_space<vmem>> -> memref<80xi32, #tpu.memory_space<vmem>>
    %dma_start3A_132 = arith.constant 0 : i32
    %dma_start3A_133 = arith.constant 0 : i32
    %dma_start3A_134 = tpu.memref_slice %arg2[%dma_start3A_132, %dma_start3A_133] : memref<40000x32xf32, #tpu.memory_space<hbm>> -> memref<40000x32xf32, #tpu.memory_space<hbm>>
    tpu.enqueue_indirect_dma source(%dma_start3A_134 : memref<40000x32xf32, #tpu.memory_space<hbm>>) target(%dma_start3A_128 : memref<80x32xf32, #tpu.memory_space<vmem>>) offsets(%dma_start3A_131 : memref<80xi32, #tpu.memory_space<vmem>>) semaphore(%arg21 : memref<!tpu.dma_semaphore, #tpu.memory_space<semaphore_mem>>)
    %scan3A_135 = arith.constant 0 : i32
    %scan3A_136 = arith.constant 0 : i32
    %scan3A_137 = arith.constant 25 : i32
    %scan3A_138 = arith.addi %scan3A_136, %scan3A_137 : i32
    %scan3A_139 = arith.constant 1 : i32
    scf.for %scan3A_144 = %scan3A_136 to %scan3A_138 step %scan3A_139  : i32 {
      %mul3A_145 = arith.constant 10 : i32
      %mul3A_146 = arith.muli %scan3A_144, %mul3A_145 : i32
      %add3A_147 = arith.constant 0 : i32
      %add3A_148 = arith.addi %mul3A_146, %add3A_147 : i32
      %dma_wait3A = arith.constant 0 : i32
      %dma_wait3A_149 = arith.constant 0 : i32
      %dma_wait3A_150 = arith.constant 0 : i32
      %dma_wait3A_151 = tpu.memref_slice %arg9[%dma_wait3A, %dma_wait3A_149, %dma_wait3A_150] : memref<10x80x32xf32, #tpu.memory_space<vmem>> -> memref<1x80x32xf32, #tpu.memory_space<vmem>>
      %dma_wait3A_152 = tpu.memref_squeeze %dma_wait3A_151 : memref<1x80x32xf32, #tpu.memory_space<vmem>> -> memref<80x32xf32, #tpu.memory_space<vmem>>
      %dma_wait3A_153 = arith.constant 0 : i32
      %dma_wait3A_154 = arith.constant 0 : i32
      %dma_wait3A_155 = tpu.memref_slice %arg2[%dma_wait3A_153, %dma_wait3A_154] : memref<40000x32xf32, #tpu.memory_space<hbm>> -> memref<80x32xf32, #tpu.memory_space<hbm>>
      %dma_wait3A_156 = arith.constant 0 : i32
      %dma_wait3A_157 = arith.constant 0 : i32
      %dma_wait3A_158 = tpu.memref_slice %arg9[%dma_wait3A, %dma_wait3A_156, %dma_wait3A_157] : memref<10x80x32xf32, #tpu.memory_space<vmem>> -> memref<1x80x32xf32, #tpu.memory_space<vmem>>
      %dma_wait3A_159 = tpu.memref_squeeze %dma_wait3A_158 : memref<1x80x32xf32, #tpu.memory_space<vmem>> -> memref<80x32xf32, #tpu.memory_space<vmem>>
      %dma_wait3A_160 = arith.constant 0 : i32
      %dma_wait3A_161 = arith.constant 0 : i32
      %dma_wait3A_162 = tpu.memref_slice %arg2[%dma_wait3A_160, %dma_wait3A_161] : memref<40000x32xf32, #tpu.memory_space<hbm>> -> memref<80x32xf32, #tpu.memory_space<hbm>>
      tpu.wait_dma2 semaphore(%arg12 : memref<!tpu.dma_semaphore, #tpu.memory_space<semaphore_mem>>) src(%dma_wait3A_162 : memref<80x32xf32, #tpu.memory_space<hbm>>) dst(%dma_wait3A_159 : memref<80x32xf32, #tpu.memory_space<vmem>>)
      %run_scoped3A = arith.constant 0 : i32
      "tpu.region"() ({
        %run_scoped3A_410 = tpu.sem_alloc : memref<!tpu.dma_semaphore, #tpu.memory_space<semaphore_mem>>
        %dma_start3A_411 = arith.constant 0 : i32
        %dma_start3A_412 = arith.constant 0 : i32
        %dma_start3A_413 = tpu.memref_slice %arg9[%run_scoped3A, %dma_start3A_411, %dma_start3A_412] : memref<10x80x32xf32, #tpu.memory_space<vmem>> -> memref<1x80x32xf32, #tpu.memory_space<vmem>>
        %dma_start3A_414 = tpu.memref_squeeze %dma_start3A_413 : memref<1x80x32xf32, #tpu.memory_space<vmem>> -> memref<80x32xf32, #tpu.memory_space<vmem>>
        %dma_start3A_415 = arith.constant 0 : i32
        %dma_start3A_416 = tpu.memref_slice %arg7[%add3A_148, %dma_start3A_415] : memref<250x80xi32, #tpu.memory_space<vmem>> -> memref<1x80xi32, #tpu.memory_space<vmem>>
        %dma_start3A_417 = tpu.memref_squeeze %dma_start3A_416 : memref<1x80xi32, #tpu.memory_space<vmem>> -> memref<80xi32, #tpu.memory_space<vmem>>
        %dma_start3A_418 = arith.constant 0 : i32
        %dma_start3A_419 = arith.constant 0 : i32
        %dma_start3A_420 = tpu.memref_slice %arg11[%dma_start3A_418, %dma_start3A_419] : memref<10240x32xf32, #tpu.memory_space<vmem_shared>> -> memref<10240x32xf32, #tpu.memory_space<vmem_shared>>
        tpu.enqueue_indirect_dma source(%dma_start3A_414 : memref<80x32xf32, #tpu.memory_space<vmem>>) target(%dma_start3A_420 : memref<10240x32xf32, #tpu.memory_space<vmem_shared>>) offsets(%dma_start3A_417 : memref<80xi32, #tpu.memory_space<vmem>>) semaphore(%run_scoped3A_410 : memref<!tpu.dma_semaphore, #tpu.memory_space<semaphore_mem>>) {add = true}
        %dma_wait3A_421 = arith.constant 0 : i32
        %dma_wait3A_422 = arith.constant 0 : i32
        %dma_wait3A_423 = tpu.memref_slice %arg9[%run_scoped3A, %dma_wait3A_421, %dma_wait3A_422] : memref<10x80x32xf32, #tpu.memory_space<vmem>> -> memref<1x80x32xf32, #tpu.memory_space<vmem>>
        %dma_wait3A_424 = tpu.memref_squeeze %dma_wait3A_423 : memref<1x80x32xf32, #tpu.memory_space<vmem>> -> memref<80x32xf32, #tpu.memory_space<vmem>>
        %dma_wait3A_425 = arith.constant 0 : i32
        %dma_wait3A_426 = tpu.memref_slice %arg7[%add3A_148, %dma_wait3A_425] : memref<250x80xi32, #tpu.memory_space<vmem>> -> memref<1x80xi32, #tpu.memory_space<vmem>>
        %dma_wait3A_427 = tpu.memref_squeeze %dma_wait3A_426 : memref<1x80xi32, #tpu.memory_space<vmem>> -> memref<80xi32, #tpu.memory_space<vmem>>
        %dma_wait3A_428 = arith.constant 0 : i32
        %dma_wait3A_429 = arith.constant 0 : i32
        %dma_wait3A_430 = tpu.memref_slice %arg11[%dma_wait3A_428, %dma_wait3A_429] : memref<10240x32xf32, #tpu.memory_space<vmem_shared>> -> memref<10240x32xf32, #tpu.memory_space<vmem_shared>>
        tpu.wait_indirect_dma semaphore(%run_scoped3A_410 : memref<!tpu.dma_semaphore, #tpu.memory_space<semaphore_mem>>) src(%dma_wait3A_424 : memref<80x32xf32, #tpu.memory_space<vmem>>) dst(%dma_wait3A_430 : memref<10240x32xf32, #tpu.memory_space<vmem_shared>>)
        tpu.yield
      }) : () -> ()
      %add3A_163 = arith.constant 10 : i32
      %add3A_164 = arith.addi %add3A_148, %add3A_163 : i32
      %lt3A = arith.constant 250 : i32
      %lt3A_165 = arith.cmpi slt, %add3A_164, %lt3A : i32
      %convert_element_type3A = arith.extui %lt3A_165 : i1 to i32
      %cond3A = arith.constant 0 : i32
      %cond3A_166 = arith.cmpi ne, %convert_element_type3A, %cond3A : i32
      scf.if %cond3A_166 {
        %add3A_410 = arith.constant 10 : i32
        %add3A_411 = arith.addi %add3A_148, %add3A_410 : i32
        %dma_start3A_412 = arith.constant 0 : i32
        %dma_start3A_413 = arith.constant 0 : i32
        %dma_start3A_414 = arith.constant 0 : i32
        %dma_start3A_415 = tpu.memref_slice %arg9[%dma_start3A_412, %dma_start3A_413, %dma_start3A_414] : memref<10x80x32xf32, #tpu.memory_space<vmem>> -> memref<1x80x32xf32, #tpu.memory_space<vmem>>
        %dma_start3A_416 = tpu.memref_squeeze %dma_start3A_415 : memref<1x80x32xf32, #tpu.memory_space<vmem>> -> memref<80x32xf32, #tpu.memory_space<vmem>>
        %dma_start3A_417 = arith.constant 0 : i32
        %dma_start3A_418 = tpu.memref_slice %arg8[%add3A_411, %dma_start3A_417] : memref<250x80xi32, #tpu.memory_space<vmem>> -> memref<1x80xi32, #tpu.memory_space<vmem>>
        %dma_start3A_419 = tpu.memref_squeeze %dma_start3A_418 : memref<1x80xi32, #tpu.memory_space<vmem>> -> memref<80xi32, #tpu.memory_space<vmem>>
        %dma_start3A_420 = arith.constant 0 : i32
        %dma_start3A_421 = arith.constant 0 : i32
        %dma_start3A_422 = tpu.memref_slice %arg2[%dma_start3A_420, %dma_start3A_421] : memref<40000x32xf32, #tpu.memory_space<hbm>> -> memref<40000x32xf32, #tpu.memory_space<hbm>>
        tpu.enqueue_indirect_dma source(%dma_start3A_422 : memref<40000x32xf32, #tpu.memory_space<hbm>>) target(%dma_start3A_416 : memref<80x32xf32, #tpu.memory_space<vmem>>) offsets(%dma_start3A_419 : memref<80xi32, #tpu.memory_space<vmem>>) semaphore(%arg12 : memref<!tpu.dma_semaphore, #tpu.memory_space<semaphore_mem>>)
      } else {
      }
      %mul3A_167 = arith.constant 10 : i32
      %mul3A_168 = arith.muli %scan3A_144, %mul3A_167 : i32
      %add3A_169 = arith.constant 1 : i32
      %add3A_170 = arith.addi %mul3A_168, %add3A_169 : i32
      %dma_wait3A_171 = arith.constant 1 : i32
      %dma_wait3A_172 = arith.constant 0 : i32
      %dma_wait3A_173 = arith.constant 0 : i32
      %dma_wait3A_174 = tpu.memref_slice %arg9[%dma_wait3A_171, %dma_wait3A_172, %dma_wait3A_173] : memref<10x80x32xf32, #tpu.memory_space<vmem>> -> memref<1x80x32xf32, #tpu.memory_space<vmem>>
      %dma_wait3A_175 = tpu.memref_squeeze %dma_wait3A_174 : memref<1x80x32xf32, #tpu.memory_space<vmem>> -> memref<80x32xf32, #tpu.memory_space<vmem>>
      %dma_wait3A_176 = arith.constant 0 : i32
      %dma_wait3A_177 = arith.constant 0 : i32
      %dma_wait3A_178 = tpu.memref_slice %arg2[%dma_wait3A_176, %dma_wait3A_177] : memref<40000x32xf32, #tpu.memory_space<hbm>> -> memref<80x32xf32, #tpu.memory_space<hbm>>
      %dma_wait3A_179 = arith.constant 0 : i32
      %dma_wait3A_180 = arith.constant 0 : i32
      %dma_wait3A_181 = tpu.memref_slice %arg9[%dma_wait3A_171, %dma_wait3A_179, %dma_wait3A_180] : memref<10x80x32xf32, #tpu.memory_space<vmem>> -> memref<1x80x32xf32, #tpu.memory_space<vmem>>
      %dma_wait3A_182 = tpu.memref_squeeze %dma_wait3A_181 : memref<1x80x32xf32, #tpu.memory_space<vmem>> -> memref<80x32xf32, #tpu.memory_space<vmem>>
      %dma_wait3A_183 = arith.constant 0 : i32
      %dma_wait3A_184 = arith.constant 0 : i32
      %dma_wait3A_185 = tpu.memref_slice %arg2[%dma_wait3A_183, %dma_wait3A_184] : memref<40000x32xf32, #tpu.memory_space<hbm>> -> memref<80x32xf32, #tpu.memory_space<hbm>>
      tpu.wait_dma2 semaphore(%arg13 : memref<!tpu.dma_semaphore, #tpu.memory_space<semaphore_mem>>) src(%dma_wait3A_185 : memref<80x32xf32, #tpu.memory_space<hbm>>) dst(%dma_wait3A_182 : memref<80x32xf32, #tpu.memory_space<vmem>>)
      %run_scoped3A_186 = arith.constant 1 : i32
      "tpu.region"() ({
        %run_scoped3A_410 = tpu.sem_alloc : memref<!tpu.dma_semaphore, #tpu.memory_space<semaphore_mem>>
        %dma_start3A_411 = arith.constant 0 : i32
        %dma_start3A_412 = arith.constant 0 : i32
        %dma_start3A_413 = tpu.memref_slice %arg9[%run_scoped3A_186, %dma_start3A_411, %dma_start3A_412] : memref<10x80x32xf32, #tpu.memory_space<vmem>> -> memref<1x80x32xf32, #tpu.memory_space<vmem>>
        %dma_start3A_414 = tpu.memref_squeeze %dma_start3A_413 : memref<1x80x32xf32, #tpu.memory_space<vmem>> -> memref<80x32xf32, #tpu.memory_space<vmem>>
        %dma_start3A_415 = arith.constant 0 : i32
        %dma_start3A_416 = tpu.memref_slice %arg7[%add3A_170, %dma_start3A_415] : memref<250x80xi32, #tpu.memory_space<vmem>> -> memref<1x80xi32, #tpu.memory_space<vmem>>
        %dma_start3A_417 = tpu.memref_squeeze %dma_start3A_416 : memref<1x80xi32, #tpu.memory_space<vmem>> -> memref<80xi32, #tpu.memory_space<vmem>>
        %dma_start3A_418 = arith.constant 0 : i32
        %dma_start3A_419 = arith.constant 0 : i32
        %dma_start3A_420 = tpu.memref_slice %arg11[%dma_start3A_418, %dma_start3A_419] : memref<10240x32xf32, #tpu.memory_space<vmem_shared>> -> memref<10240x32xf32, #tpu.memory_space<vmem_shared>>
        tpu.enqueue_indirect_dma source(%dma_start3A_414 : memref<80x32xf32, #tpu.memory_space<vmem>>) target(%dma_start3A_420 : memref<10240x32xf32, #tpu.memory_space<vmem_shared>>) offsets(%dma_start3A_417 : memref<80xi32, #tpu.memory_space<vmem>>) semaphore(%run_scoped3A_410 : memref<!tpu.dma_semaphore, #tpu.memory_space<semaphore_mem>>) {add = true}
        %dma_wait3A_421 = arith.constant 0 : i32
        %dma_wait3A_422 = arith.constant 0 : i32
        %dma_wait3A_423 = tpu.memref_slice %arg9[%run_scoped3A_186, %dma_wait3A_421, %dma_wait3A_422] : memref<10x80x32xf32, #tpu.memory_space<vmem>> -> memref<1x80x32xf32, #tpu.memory_space<vmem>>
        %dma_wait3A_424 = tpu.memref_squeeze %dma_wait3A_423 : memref<1x80x32xf32, #tpu.memory_space<vmem>> -> memref<80x32xf32, #tpu.memory_space<vmem>>
        %dma_wait3A_425 = arith.constant 0 : i32
        %dma_wait3A_426 = tpu.memref_slice %arg7[%add3A_170, %dma_wait3A_425] : memref<250x80xi32, #tpu.memory_space<vmem>> -> memref<1x80xi32, #tpu.memory_space<vmem>>
        %dma_wait3A_427 = tpu.memref_squeeze %dma_wait3A_426 : memref<1x80xi32, #tpu.memory_space<vmem>> -> memref<80xi32, #tpu.memory_space<vmem>>
        %dma_wait3A_428 = arith.constant 0 : i32
        %dma_wait3A_429 = arith.constant 0 : i32
        %dma_wait3A_430 = tpu.memref_slice %arg11[%dma_wait3A_428, %dma_wait3A_429] : memref<10240x32xf32, #tpu.memory_space<vmem_shared>> -> memref<10240x32xf32, #tpu.memory_space<vmem_shared>>
        tpu.wait_indirect_dma semaphore(%run_scoped3A_410 : memref<!tpu.dma_semaphore, #tpu.memory_space<semaphore_mem>>) src(%dma_wait3A_424 : memref<80x32xf32, #tpu.memory_space<vmem>>) dst(%dma_wait3A_430 : memref<10240x32xf32, #tpu.memory_space<vmem_shared>>)
        tpu.yield
      }) : () -> ()
      %add3A_187 = arith.constant 10 : i32
      %add3A_188 = arith.addi %add3A_170, %add3A_187 : i32
      %lt3A_189 = arith.constant 250 : i32
      %lt3A_190 = arith.cmpi slt, %add3A_188, %lt3A_189 : i32
      %convert_element_type3A_191 = arith.extui %lt3A_190 : i1 to i32
      %cond3A_192 = arith.constant 0 : i32
      %cond3A_193 = arith.cmpi ne, %convert_element_type3A_191, %cond3A_192 : i32
      scf.if %cond3A_193 {
        %add3A_410 = arith.constant 10 : i32
        %add3A_411 = arith.addi %add3A_170, %add3A_410 : i32
        %dma_start3A_412 = arith.constant 1 : i32
        %dma_start3A_413 = arith.constant 0 : i32
        %dma_start3A_414 = arith.constant 0 : i32
        %dma_start3A_415 = tpu.memref_slice %arg9[%dma_start3A_412, %dma_start3A_413, %dma_start3A_414] : memref<10x80x32xf32, #tpu.memory_space<vmem>> -> memref<1x80x32xf32, #tpu.memory_space<vmem>>
        %dma_start3A_416 = tpu.memref_squeeze %dma_start3A_415 : memref<1x80x32xf32, #tpu.memory_space<vmem>> -> memref<80x32xf32, #tpu.memory_space<vmem>>
        %dma_start3A_417 = arith.constant 0 : i32
        %dma_start3A_418 = tpu.memref_slice %arg8[%add3A_411, %dma_start3A_417] : memref<250x80xi32, #tpu.memory_space<vmem>> -> memref<1x80xi32, #tpu.memory_space<vmem>>
        %dma_start3A_419 = tpu.memref_squeeze %dma_start3A_418 : memref<1x80xi32, #tpu.memory_space<vmem>> -> memref<80xi32, #tpu.memory_space<vmem>>
        %dma_start3A_420 = arith.constant 0 : i32
        %dma_start3A_421 = arith.constant 0 : i32
        %dma_start3A_422 = tpu.memref_slice %arg2[%dma_start3A_420, %dma_start3A_421] : memref<40000x32xf32, #tpu.memory_space<hbm>> -> memref<40000x32xf32, #tpu.memory_space<hbm>>
        tpu.enqueue_indirect_dma source(%dma_start3A_422 : memref<40000x32xf32, #tpu.memory_space<hbm>>) target(%dma_start3A_416 : memref<80x32xf32, #tpu.memory_space<vmem>>) offsets(%dma_start3A_419 : memref<80xi32, #tpu.memory_space<vmem>>) semaphore(%arg13 : memref<!tpu.dma_semaphore, #tpu.memory_space<semaphore_mem>>)
      } else {
      }
      %mul3A_194 = arith.constant 10 : i32
      %mul3A_195 = arith.muli %scan3A_144, %mul3A_194 : i32
      %add3A_196 = arith.constant 2 : i32
      %add3A_197 = arith.addi %mul3A_195, %add3A_196 : i32
      %dma_wait3A_198 = arith.constant 2 : i32
      %dma_wait3A_199 = arith.constant 0 : i32
      %dma_wait3A_200 = arith.constant 0 : i32
      %dma_wait3A_201 = tpu.memref_slice %arg9[%dma_wait3A_198, %dma_wait3A_199, %dma_wait3A_200] : memref<10x80x32xf32, #tpu.memory_space<vmem>> -> memref<1x80x32xf32, #tpu.memory_space<vmem>>
      %dma_wait3A_202 = tpu.memref_squeeze %dma_wait3A_201 : memref<1x80x32xf32, #tpu.memory_space<vmem>> -> memref<80x32xf32, #tpu.memory_space<vmem>>
      %dma_wait3A_203 = arith.constant 0 : i32
      %dma_wait3A_204 = arith.constant 0 : i32
      %dma_wait3A_205 = tpu.memref_slice %arg2[%dma_wait3A_203, %dma_wait3A_204] : memref<40000x32xf32, #tpu.memory_space<hbm>> -> memref<80x32xf32, #tpu.memory_space<hbm>>
      %dma_wait3A_206 = arith.constant 0 : i32
      %dma_wait3A_207 = arith.constant 0 : i32
      %dma_wait3A_208 = tpu.memref_slice %arg9[%dma_wait3A_198, %dma_wait3A_206, %dma_wait3A_207] : memref<10x80x32xf32, #tpu.memory_space<vmem>> -> memref<1x80x32xf32, #tpu.memory_space<vmem>>
      %dma_wait3A_209 = tpu.memref_squeeze %dma_wait3A_208 : memref<1x80x32xf32, #tpu.memory_space<vmem>> -> memref<80x32xf32, #tpu.memory_space<vmem>>
      %dma_wait3A_210 = arith.constant 0 : i32
      %dma_wait3A_211 = arith.constant 0 : i32
      %dma_wait3A_212 = tpu.memref_slice %arg2[%dma_wait3A_210, %dma_wait3A_211] : memref<40000x32xf32, #tpu.memory_space<hbm>> -> memref<80x32xf32, #tpu.memory_space<hbm>>
      tpu.wait_dma2 semaphore(%arg14 : memref<!tpu.dma_semaphore, #tpu.memory_space<semaphore_mem>>) src(%dma_wait3A_212 : memref<80x32xf32, #tpu.memory_space<hbm>>) dst(%dma_wait3A_209 : memref<80x32xf32, #tpu.memory_space<vmem>>)
      %run_scoped3A_213 = arith.constant 2 : i32
      "tpu.region"() ({
        %run_scoped3A_410 = tpu.sem_alloc : memref<!tpu.dma_semaphore, #tpu.memory_space<semaphore_mem>>
        %dma_start3A_411 = arith.constant 0 : i32
        %dma_start3A_412 = arith.constant 0 : i32
        %dma_start3A_413 = tpu.memref_slice %arg9[%run_scoped3A_213, %dma_start3A_411, %dma_start3A_412] : memref<10x80x32xf32, #tpu.memory_space<vmem>> -> memref<1x80x32xf32, #tpu.memory_space<vmem>>
        %dma_start3A_414 = tpu.memref_squeeze %dma_start3A_413 : memref<1x80x32xf32, #tpu.memory_space<vmem>> -> memref<80x32xf32, #tpu.memory_space<vmem>>
        %dma_start3A_415 = arith.constant 0 : i32
        %dma_start3A_416 = tpu.memref_slice %arg7[%add3A_197, %dma_start3A_415] : memref<250x80xi32, #tpu.memory_space<vmem>> -> memref<1x80xi32, #tpu.memory_space<vmem>>
        %dma_start3A_417 = tpu.memref_squeeze %dma_start3A_416 : memref<1x80xi32, #tpu.memory_space<vmem>> -> memref<80xi32, #tpu.memory_space<vmem>>
        %dma_start3A_418 = arith.constant 0 : i32
        %dma_start3A_419 = arith.constant 0 : i32
        %dma_start3A_420 = tpu.memref_slice %arg11[%dma_start3A_418, %dma_start3A_419] : memref<10240x32xf32, #tpu.memory_space<vmem_shared>> -> memref<10240x32xf32, #tpu.memory_space<vmem_shared>>
        tpu.enqueue_indirect_dma source(%dma_start3A_414 : memref<80x32xf32, #tpu.memory_space<vmem>>) target(%dma_start3A_420 : memref<10240x32xf32, #tpu.memory_space<vmem_shared>>) offsets(%dma_start3A_417 : memref<80xi32, #tpu.memory_space<vmem>>) semaphore(%run_scoped3A_410 : memref<!tpu.dma_semaphore, #tpu.memory_space<semaphore_mem>>) {add = true}
        %dma_wait3A_421 = arith.constant 0 : i32
        %dma_wait3A_422 = arith.constant 0 : i32
        %dma_wait3A_423 = tpu.memref_slice %arg9[%run_scoped3A_213, %dma_wait3A_421, %dma_wait3A_422] : memref<10x80x32xf32, #tpu.memory_space<vmem>> -> memref<1x80x32xf32, #tpu.memory_space<vmem>>
        %dma_wait3A_424 = tpu.memref_squeeze %dma_wait3A_423 : memref<1x80x32xf32, #tpu.memory_space<vmem>> -> memref<80x32xf32, #tpu.memory_space<vmem>>
        %dma_wait3A_425 = arith.constant 0 : i32
        %dma_wait3A_426 = tpu.memref_slice %arg7[%add3A_197, %dma_wait3A_425] : memref<250x80xi32, #tpu.memory_space<vmem>> -> memref<1x80xi32, #tpu.memory_space<vmem>>
        %dma_wait3A_427 = tpu.memref_squeeze %dma_wait3A_426 : memref<1x80xi32, #tpu.memory_space<vmem>> -> memref<80xi32, #tpu.memory_space<vmem>>
        %dma_wait3A_428 = arith.constant 0 : i32
        %dma_wait3A_429 = arith.constant 0 : i32
        %dma_wait3A_430 = tpu.memref_slice %arg11[%dma_wait3A_428, %dma_wait3A_429] : memref<10240x32xf32, #tpu.memory_space<vmem_shared>> -> memref<10240x32xf32, #tpu.memory_space<vmem_shared>>
        tpu.wait_indirect_dma semaphore(%run_scoped3A_410 : memref<!tpu.dma_semaphore, #tpu.memory_space<semaphore_mem>>) src(%dma_wait3A_424 : memref<80x32xf32, #tpu.memory_space<vmem>>) dst(%dma_wait3A_430 : memref<10240x32xf32, #tpu.memory_space<vmem_shared>>)
        tpu.yield
      }) : () -> ()
      %add3A_214 = arith.constant 10 : i32
      %add3A_215 = arith.addi %add3A_197, %add3A_214 : i32
      %lt3A_216 = arith.constant 250 : i32
      %lt3A_217 = arith.cmpi slt, %add3A_215, %lt3A_216 : i32
      %convert_element_type3A_218 = arith.extui %lt3A_217 : i1 to i32
      %cond3A_219 = arith.constant 0 : i32
      %cond3A_220 = arith.cmpi ne, %convert_element_type3A_218, %cond3A_219 : i32
      scf.if %cond3A_220 {
        %add3A_410 = arith.constant 10 : i32
        %add3A_411 = arith.addi %add3A_197, %add3A_410 : i32
        %dma_start3A_412 = arith.constant 2 : i32
        %dma_start3A_413 = arith.constant 0 : i32
        %dma_start3A_414 = arith.constant 0 : i32
        %dma_start3A_415 = tpu.memref_slice %arg9[%dma_start3A_412, %dma_start3A_413, %dma_start3A_414] : memref<10x80x32xf32, #tpu.memory_space<vmem>> -> memref<1x80x32xf32, #tpu.memory_space<vmem>>
        %dma_start3A_416 = tpu.memref_squeeze %dma_start3A_415 : memref<1x80x32xf32, #tpu.memory_space<vmem>> -> memref<80x32xf32, #tpu.memory_space<vmem>>
        %dma_start3A_417 = arith.constant 0 : i32
        %dma_start3A_418 = tpu.memref_slice %arg8[%add3A_411, %dma_start3A_417] : memref<250x80xi32, #tpu.memory_space<vmem>> -> memref<1x80xi32, #tpu.memory_space<vmem>>
        %dma_start3A_419 = tpu.memref_squeeze %dma_start3A_418 : memref<1x80xi32, #tpu.memory_space<vmem>> -> memref<80xi32, #tpu.memory_space<vmem>>
        %dma_start3A_420 = arith.constant 0 : i32
        %dma_start3A_421 = arith.constant 0 : i32
        %dma_start3A_422 = tpu.memref_slice %arg2[%dma_start3A_420, %dma_start3A_421] : memref<40000x32xf32, #tpu.memory_space<hbm>> -> memref<40000x32xf32, #tpu.memory_space<hbm>>
        tpu.enqueue_indirect_dma source(%dma_start3A_422 : memref<40000x32xf32, #tpu.memory_space<hbm>>) target(%dma_start3A_416 : memref<80x32xf32, #tpu.memory_space<vmem>>) offsets(%dma_start3A_419 : memref<80xi32, #tpu.memory_space<vmem>>) semaphore(%arg14 : memref<!tpu.dma_semaphore, #tpu.memory_space<semaphore_mem>>)
      } else {
      }
      %mul3A_221 = arith.constant 10 : i32
      %mul3A_222 = arith.muli %scan3A_144, %mul3A_221 : i32
      %add3A_223 = arith.constant 3 : i32
      %add3A_224 = arith.addi %mul3A_222, %add3A_223 : i32
      %dma_wait3A_225 = arith.constant 3 : i32
      %dma_wait3A_226 = arith.constant 0 : i32
      %dma_wait3A_227 = arith.constant 0 : i32
      %dma_wait3A_228 = tpu.memref_slice %arg9[%dma_wait3A_225, %dma_wait3A_226, %dma_wait3A_227] : memref<10x80x32xf32, #tpu.memory_space<vmem>> -> memref<1x80x32xf32, #tpu.memory_space<vmem>>
      %dma_wait3A_229 = tpu.memref_squeeze %dma_wait3A_228 : memref<1x80x32xf32, #tpu.memory_space<vmem>> -> memref<80x32xf32, #tpu.memory_space<vmem>>
      %dma_wait3A_230 = arith.constant 0 : i32
      %dma_wait3A_231 = arith.constant 0 : i32
      %dma_wait3A_232 = tpu.memref_slice %arg2[%dma_wait3A_230, %dma_wait3A_231] : memref<40000x32xf32, #tpu.memory_space<hbm>> -> memref<80x32xf32, #tpu.memory_space<hbm>>
      %dma_wait3A_233 = arith.constant 0 : i32
      %dma_wait3A_234 = arith.constant 0 : i32
      %dma_wait3A_235 = tpu.memref_slice %arg9[%dma_wait3A_225, %dma_wait3A_233, %dma_wait3A_234] : memref<10x80x32xf32, #tpu.memory_space<vmem>> -> memref<1x80x32xf32, #tpu.memory_space<vmem>>
      %dma_wait3A_236 = tpu.memref_squeeze %dma_wait3A_235 : memref<1x80x32xf32, #tpu.memory_space<vmem>> -> memref<80x32xf32, #tpu.memory_space<vmem>>
      %dma_wait3A_237 = arith.constant 0 : i32
      %dma_wait3A_238 = arith.constant 0 : i32
      %dma_wait3A_239 = tpu.memref_slice %arg2[%dma_wait3A_237, %dma_wait3A_238] : memref<40000x32xf32, #tpu.memory_space<hbm>> -> memref<80x32xf32, #tpu.memory_space<hbm>>
      tpu.wait_dma2 semaphore(%arg15 : memref<!tpu.dma_semaphore, #tpu.memory_space<semaphore_mem>>) src(%dma_wait3A_239 : memref<80x32xf32, #tpu.memory_space<hbm>>) dst(%dma_wait3A_236 : memref<80x32xf32, #tpu.memory_space<vmem>>)
      %run_scoped3A_240 = arith.constant 3 : i32
      "tpu.region"() ({
        %run_scoped3A_410 = tpu.sem_alloc : memref<!tpu.dma_semaphore, #tpu.memory_space<semaphore_mem>>
        %dma_start3A_411 = arith.constant 0 : i32
        %dma_start3A_412 = arith.constant 0 : i32
        %dma_start3A_413 = tpu.memref_slice %arg9[%run_scoped3A_240, %dma_start3A_411, %dma_start3A_412] : memref<10x80x32xf32, #tpu.memory_space<vmem>> -> memref<1x80x32xf32, #tpu.memory_space<vmem>>
        %dma_start3A_414 = tpu.memref_squeeze %dma_start3A_413 : memref<1x80x32xf32, #tpu.memory_space<vmem>> -> memref<80x32xf32, #tpu.memory_space<vmem>>
        %dma_start3A_415 = arith.constant 0 : i32
        %dma_start3A_416 = tpu.memref_slice %arg7[%add3A_224, %dma_start3A_415] : memref<250x80xi32, #tpu.memory_space<vmem>> -> memref<1x80xi32, #tpu.memory_space<vmem>>
        %dma_start3A_417 = tpu.memref_squeeze %dma_start3A_416 : memref<1x80xi32, #tpu.memory_space<vmem>> -> memref<80xi32, #tpu.memory_space<vmem>>
        %dma_start3A_418 = arith.constant 0 : i32
        %dma_start3A_419 = arith.constant 0 : i32
        %dma_start3A_420 = tpu.memref_slice %arg11[%dma_start3A_418, %dma_start3A_419] : memref<10240x32xf32, #tpu.memory_space<vmem_shared>> -> memref<10240x32xf32, #tpu.memory_space<vmem_shared>>
        tpu.enqueue_indirect_dma source(%dma_start3A_414 : memref<80x32xf32, #tpu.memory_space<vmem>>) target(%dma_start3A_420 : memref<10240x32xf32, #tpu.memory_space<vmem_shared>>) offsets(%dma_start3A_417 : memref<80xi32, #tpu.memory_space<vmem>>) semaphore(%run_scoped3A_410 : memref<!tpu.dma_semaphore, #tpu.memory_space<semaphore_mem>>) {add = true}
        %dma_wait3A_421 = arith.constant 0 : i32
        %dma_wait3A_422 = arith.constant 0 : i32
        %dma_wait3A_423 = tpu.memref_slice %arg9[%run_scoped3A_240, %dma_wait3A_421, %dma_wait3A_422] : memref<10x80x32xf32, #tpu.memory_space<vmem>> -> memref<1x80x32xf32, #tpu.memory_space<vmem>>
        %dma_wait3A_424 = tpu.memref_squeeze %dma_wait3A_423 : memref<1x80x32xf32, #tpu.memory_space<vmem>> -> memref<80x32xf32, #tpu.memory_space<vmem>>
        %dma_wait3A_425 = arith.constant 0 : i32
        %dma_wait3A_426 = tpu.memref_slice %arg7[%add3A_224, %dma_wait3A_425] : memref<250x80xi32, #tpu.memory_space<vmem>> -> memref<1x80xi32, #tpu.memory_space<vmem>>
        %dma_wait3A_427 = tpu.memref_squeeze %dma_wait3A_426 : memref<1x80xi32, #tpu.memory_space<vmem>> -> memref<80xi32, #tpu.memory_space<vmem>>
        %dma_wait3A_428 = arith.constant 0 : i32
        %dma_wait3A_429 = arith.constant 0 : i32
        %dma_wait3A_430 = tpu.memref_slice %arg11[%dma_wait3A_428, %dma_wait3A_429] : memref<10240x32xf32, #tpu.memory_space<vmem_shared>> -> memref<10240x32xf32, #tpu.memory_space<vmem_shared>>
        tpu.wait_indirect_dma semaphore(%run_scoped3A_410 : memref<!tpu.dma_semaphore, #tpu.memory_space<semaphore_mem>>) src(%dma_wait3A_424 : memref<80x32xf32, #tpu.memory_space<vmem>>) dst(%dma_wait3A_430 : memref<10240x32xf32, #tpu.memory_space<vmem_shared>>)
        tpu.yield
      }) : () -> ()
      %add3A_241 = arith.constant 10 : i32
      %add3A_242 = arith.addi %add3A_224, %add3A_241 : i32
      %lt3A_243 = arith.constant 250 : i32
      %lt3A_244 = arith.cmpi slt, %add3A_242, %lt3A_243 : i32
      %convert_element_type3A_245 = arith.extui %lt3A_244 : i1 to i32
      %cond3A_246 = arith.constant 0 : i32
      %cond3A_247 = arith.cmpi ne, %convert_element_type3A_245, %cond3A_246 : i32
      scf.if %cond3A_247 {
        %add3A_410 = arith.constant 10 : i32
        %add3A_411 = arith.addi %add3A_224, %add3A_410 : i32
        %dma_start3A_412 = arith.constant 3 : i32
        %dma_start3A_413 = arith.constant 0 : i32
        %dma_start3A_414 = arith.constant 0 : i32
        %dma_start3A_415 = tpu.memref_slice %arg9[%dma_start3A_412, %dma_start3A_413, %dma_start3A_414] : memref<10x80x32xf32, #tpu.memory_space<vmem>> -> memref<1x80x32xf32, #tpu.memory_space<vmem>>
        %dma_start3A_416 = tpu.memref_squeeze %dma_start3A_415 : memref<1x80x32xf32, #tpu.memory_space<vmem>> -> memref<80x32xf32, #tpu.memory_space<vmem>>
        %dma_start3A_417 = arith.constant 0 : i32
        %dma_start3A_418 = tpu.memref_slice %arg8[%add3A_411, %dma_start3A_417] : memref<250x80xi32, #tpu.memory_space<vmem>> -> memref<1x80xi32, #tpu.memory_space<vmem>>
        %dma_start3A_419 = tpu.memref_squeeze %dma_start3A_418 : memref<1x80xi32, #tpu.memory_space<vmem>> -> memref<80xi32, #tpu.memory_space<vmem>>
        %dma_start3A_420 = arith.constant 0 : i32
        %dma_start3A_421 = arith.constant 0 : i32
        %dma_start3A_422 = tpu.memref_slice %arg2[%dma_start3A_420, %dma_start3A_421] : memref<40000x32xf32, #tpu.memory_space<hbm>> -> memref<40000x32xf32, #tpu.memory_space<hbm>>
        tpu.enqueue_indirect_dma source(%dma_start3A_422 : memref<40000x32xf32, #tpu.memory_space<hbm>>) target(%dma_start3A_416 : memref<80x32xf32, #tpu.memory_space<vmem>>) offsets(%dma_start3A_419 : memref<80xi32, #tpu.memory_space<vmem>>) semaphore(%arg15 : memref<!tpu.dma_semaphore, #tpu.memory_space<semaphore_mem>>)
      } else {
      }
      %mul3A_248 = arith.constant 10 : i32
      %mul3A_249 = arith.muli %scan3A_144, %mul3A_248 : i32
      %add3A_250 = arith.constant 4 : i32
      %add3A_251 = arith.addi %mul3A_249, %add3A_250 : i32
      %dma_wait3A_252 = arith.constant 4 : i32
      %dma_wait3A_253 = arith.constant 0 : i32
      %dma_wait3A_254 = arith.constant 0 : i32
      %dma_wait3A_255 = tpu.memref_slice %arg9[%dma_wait3A_252, %dma_wait3A_253, %dma_wait3A_254] : memref<10x80x32xf32, #tpu.memory_space<vmem>> -> memref<1x80x32xf32, #tpu.memory_space<vmem>>
      %dma_wait3A_256 = tpu.memref_squeeze %dma_wait3A_255 : memref<1x80x32xf32, #tpu.memory_space<vmem>> -> memref<80x32xf32, #tpu.memory_space<vmem>>
      %dma_wait3A_257 = arith.constant 0 : i32
      %dma_wait3A_258 = arith.constant 0 : i32
      %dma_wait3A_259 = tpu.memref_slice %arg2[%dma_wait3A_257, %dma_wait3A_258] : memref<40000x32xf32, #tpu.memory_space<hbm>> -> memref<80x32xf32, #tpu.memory_space<hbm>>
      %dma_wait3A_260 = arith.constant 0 : i32
      %dma_wait3A_261 = arith.constant 0 : i32
      %dma_wait3A_262 = tpu.memref_slice %arg9[%dma_wait3A_252, %dma_wait3A_260, %dma_wait3A_261] : memref<10x80x32xf32, #tpu.memory_space<vmem>> -> memref<1x80x32xf32, #tpu.memory_space<vmem>>
      %dma_wait3A_263 = tpu.memref_squeeze %dma_wait3A_262 : memref<1x80x32xf32, #tpu.memory_space<vmem>> -> memref<80x32xf32, #tpu.memory_space<vmem>>
      %dma_wait3A_264 = arith.constant 0 : i32
      %dma_wait3A_265 = arith.constant 0 : i32
      %dma_wait3A_266 = tpu.memref_slice %arg2[%dma_wait3A_264, %dma_wait3A_265] : memref<40000x32xf32, #tpu.memory_space<hbm>> -> memref<80x32xf32, #tpu.memory_space<hbm>>
      tpu.wait_dma2 semaphore(%arg16 : memref<!tpu.dma_semaphore, #tpu.memory_space<semaphore_mem>>) src(%dma_wait3A_266 : memref<80x32xf32, #tpu.memory_space<hbm>>) dst(%dma_wait3A_263 : memref<80x32xf32, #tpu.memory_space<vmem>>)
      %run_scoped3A_267 = arith.constant 4 : i32
      "tpu.region"() ({
        %run_scoped3A_410 = tpu.sem_alloc : memref<!tpu.dma_semaphore, #tpu.memory_space<semaphore_mem>>
        %dma_start3A_411 = arith.constant 0 : i32
        %dma_start3A_412 = arith.constant 0 : i32
        %dma_start3A_413 = tpu.memref_slice %arg9[%run_scoped3A_267, %dma_start3A_411, %dma_start3A_412] : memref<10x80x32xf32, #tpu.memory_space<vmem>> -> memref<1x80x32xf32, #tpu.memory_space<vmem>>
        %dma_start3A_414 = tpu.memref_squeeze %dma_start3A_413 : memref<1x80x32xf32, #tpu.memory_space<vmem>> -> memref<80x32xf32, #tpu.memory_space<vmem>>
        %dma_start3A_415 = arith.constant 0 : i32
        %dma_start3A_416 = tpu.memref_slice %arg7[%add3A_251, %dma_start3A_415] : memref<250x80xi32, #tpu.memory_space<vmem>> -> memref<1x80xi32, #tpu.memory_space<vmem>>
        %dma_start3A_417 = tpu.memref_squeeze %dma_start3A_416 : memref<1x80xi32, #tpu.memory_space<vmem>> -> memref<80xi32, #tpu.memory_space<vmem>>
        %dma_start3A_418 = arith.constant 0 : i32
        %dma_start3A_419 = arith.constant 0 : i32
        %dma_start3A_420 = tpu.memref_slice %arg11[%dma_start3A_418, %dma_start3A_419] : memref<10240x32xf32, #tpu.memory_space<vmem_shared>> -> memref<10240x32xf32, #tpu.memory_space<vmem_shared>>
        tpu.enqueue_indirect_dma source(%dma_start3A_414 : memref<80x32xf32, #tpu.memory_space<vmem>>) target(%dma_start3A_420 : memref<10240x32xf32, #tpu.memory_space<vmem_shared>>) offsets(%dma_start3A_417 : memref<80xi32, #tpu.memory_space<vmem>>) semaphore(%run_scoped3A_410 : memref<!tpu.dma_semaphore, #tpu.memory_space<semaphore_mem>>) {add = true}
        %dma_wait3A_421 = arith.constant 0 : i32
        %dma_wait3A_422 = arith.constant 0 : i32
        %dma_wait3A_423 = tpu.memref_slice %arg9[%run_scoped3A_267, %dma_wait3A_421, %dma_wait3A_422] : memref<10x80x32xf32, #tpu.memory_space<vmem>> -> memref<1x80x32xf32, #tpu.memory_space<vmem>>
        %dma_wait3A_424 = tpu.memref_squeeze %dma_wait3A_423 : memref<1x80x32xf32, #tpu.memory_space<vmem>> -> memref<80x32xf32, #tpu.memory_space<vmem>>
        %dma_wait3A_425 = arith.constant 0 : i32
        %dma_wait3A_426 = tpu.memref_slice %arg7[%add3A_251, %dma_wait3A_425] : memref<250x80xi32, #tpu.memory_space<vmem>> -> memref<1x80xi32, #tpu.memory_space<vmem>>
        %dma_wait3A_427 = tpu.memref_squeeze %dma_wait3A_426 : memref<1x80xi32, #tpu.memory_space<vmem>> -> memref<80xi32, #tpu.memory_space<vmem>>
        %dma_wait3A_428 = arith.constant 0 : i32
        %dma_wait3A_429 = arith.constant 0 : i32
        %dma_wait3A_430 = tpu.memref_slice %arg11[%dma_wait3A_428, %dma_wait3A_429] : memref<10240x32xf32, #tpu.memory_space<vmem_shared>> -> memref<10240x32xf32, #tpu.memory_space<vmem_shared>>
        tpu.wait_indirect_dma semaphore(%run_scoped3A_410 : memref<!tpu.dma_semaphore, #tpu.memory_space<semaphore_mem>>) src(%dma_wait3A_424 : memref<80x32xf32, #tpu.memory_space<vmem>>) dst(%dma_wait3A_430 : memref<10240x32xf32, #tpu.memory_space<vmem_shared>>)
        tpu.yield
      }) : () -> ()
      %add3A_268 = arith.constant 10 : i32
      %add3A_269 = arith.addi %add3A_251, %add3A_268 : i32
      %lt3A_270 = arith.constant 250 : i32
      %lt3A_271 = arith.cmpi slt, %add3A_269, %lt3A_270 : i32
      %convert_element_type3A_272 = arith.extui %lt3A_271 : i1 to i32
      %cond3A_273 = arith.constant 0 : i32
      %cond3A_274 = arith.cmpi ne, %convert_element_type3A_272, %cond3A_273 : i32
      scf.if %cond3A_274 {
        %add3A_410 = arith.constant 10 : i32
        %add3A_411 = arith.addi %add3A_251, %add3A_410 : i32
        %dma_start3A_412 = arith.constant 4 : i32
        %dma_start3A_413 = arith.constant 0 : i32
        %dma_start3A_414 = arith.constant 0 : i32
        %dma_start3A_415 = tpu.memref_slice %arg9[%dma_start3A_412, %dma_start3A_413, %dma_start3A_414] : memref<10x80x32xf32, #tpu.memory_space<vmem>> -> memref<1x80x32xf32, #tpu.memory_space<vmem>>
        %dma_start3A_416 = tpu.memref_squeeze %dma_start3A_415 : memref<1x80x32xf32, #tpu.memory_space<vmem>> -> memref<80x32xf32, #tpu.memory_space<vmem>>
        %dma_start3A_417 = arith.constant 0 : i32
        %dma_start3A_418 = tpu.memref_slice %arg8[%add3A_411, %dma_start3A_417] : memref<250x80xi32, #tpu.memory_space<vmem>> -> memref<1x80xi32, #tpu.memory_space<vmem>>
        %dma_start3A_419 = tpu.memref_squeeze %dma_start3A_418 : memref<1x80xi32, #tpu.memory_space<vmem>> -> memref<80xi32, #tpu.memory_space<vmem>>
        %dma_start3A_420 = arith.constant 0 : i32
        %dma_start3A_421 = arith.constant 0 : i32
        %dma_start3A_422 = tpu.memref_slice %arg2[%dma_start3A_420, %dma_start3A_421] : memref<40000x32xf32, #tpu.memory_space<hbm>> -> memref<40000x32xf32, #tpu.memory_space<hbm>>
        tpu.enqueue_indirect_dma source(%dma_start3A_422 : memref<40000x32xf32, #tpu.memory_space<hbm>>) target(%dma_start3A_416 : memref<80x32xf32, #tpu.memory_space<vmem>>) offsets(%dma_start3A_419 : memref<80xi32, #tpu.memory_space<vmem>>) semaphore(%arg16 : memref<!tpu.dma_semaphore, #tpu.memory_space<semaphore_mem>>)
      } else {
      }
      %mul3A_275 = arith.constant 10 : i32
      %mul3A_276 = arith.muli %scan3A_144, %mul3A_275 : i32
      %add3A_277 = arith.constant 5 : i32
      %add3A_278 = arith.addi %mul3A_276, %add3A_277 : i32
      %dma_wait3A_279 = arith.constant 5 : i32
      %dma_wait3A_280 = arith.constant 0 : i32
      %dma_wait3A_281 = arith.constant 0 : i32
      %dma_wait3A_282 = tpu.memref_slice %arg9[%dma_wait3A_279, %dma_wait3A_280, %dma_wait3A_281] : memref<10x80x32xf32, #tpu.memory_space<vmem>> -> memref<1x80x32xf32, #tpu.memory_space<vmem>>
      %dma_wait3A_283 = tpu.memref_squeeze %dma_wait3A_282 : memref<1x80x32xf32, #tpu.memory_space<vmem>> -> memref<80x32xf32, #tpu.memory_space<vmem>>
      %dma_wait3A_284 = arith.constant 0 : i32
      %dma_wait3A_285 = arith.constant 0 : i32
      %dma_wait3A_286 = tpu.memref_slice %arg2[%dma_wait3A_284, %dma_wait3A_285] : memref<40000x32xf32, #tpu.memory_space<hbm>> -> memref<80x32xf32, #tpu.memory_space<hbm>>
      %dma_wait3A_287 = arith.constant 0 : i32
      %dma_wait3A_288 = arith.constant 0 : i32
      %dma_wait3A_289 = tpu.memref_slice %arg9[%dma_wait3A_279, %dma_wait3A_287, %dma_wait3A_288] : memref<10x80x32xf32, #tpu.memory_space<vmem>> -> memref<1x80x32xf32, #tpu.memory_space<vmem>>
      %dma_wait3A_290 = tpu.memref_squeeze %dma_wait3A_289 : memref<1x80x32xf32, #tpu.memory_space<vmem>> -> memref<80x32xf32, #tpu.memory_space<vmem>>
      %dma_wait3A_291 = arith.constant 0 : i32
      %dma_wait3A_292 = arith.constant 0 : i32
      %dma_wait3A_293 = tpu.memref_slice %arg2[%dma_wait3A_291, %dma_wait3A_292] : memref<40000x32xf32, #tpu.memory_space<hbm>> -> memref<80x32xf32, #tpu.memory_space<hbm>>
      tpu.wait_dma2 semaphore(%arg17 : memref<!tpu.dma_semaphore, #tpu.memory_space<semaphore_mem>>) src(%dma_wait3A_293 : memref<80x32xf32, #tpu.memory_space<hbm>>) dst(%dma_wait3A_290 : memref<80x32xf32, #tpu.memory_space<vmem>>)
      %run_scoped3A_294 = arith.constant 5 : i32
      "tpu.region"() ({
        %run_scoped3A_410 = tpu.sem_alloc : memref<!tpu.dma_semaphore, #tpu.memory_space<semaphore_mem>>
        %dma_start3A_411 = arith.constant 0 : i32
        %dma_start3A_412 = arith.constant 0 : i32
        %dma_start3A_413 = tpu.memref_slice %arg9[%run_scoped3A_294, %dma_start3A_411, %dma_start3A_412] : memref<10x80x32xf32, #tpu.memory_space<vmem>> -> memref<1x80x32xf32, #tpu.memory_space<vmem>>
        %dma_start3A_414 = tpu.memref_squeeze %dma_start3A_413 : memref<1x80x32xf32, #tpu.memory_space<vmem>> -> memref<80x32xf32, #tpu.memory_space<vmem>>
        %dma_start3A_415 = arith.constant 0 : i32
        %dma_start3A_416 = tpu.memref_slice %arg7[%add3A_278, %dma_start3A_415] : memref<250x80xi32, #tpu.memory_space<vmem>> -> memref<1x80xi32, #tpu.memory_space<vmem>>
        %dma_start3A_417 = tpu.memref_squeeze %dma_start3A_416 : memref<1x80xi32, #tpu.memory_space<vmem>> -> memref<80xi32, #tpu.memory_space<vmem>>
        %dma_start3A_418 = arith.constant 0 : i32
        %dma_start3A_419 = arith.constant 0 : i32
        %dma_start3A_420 = tpu.memref_slice %arg11[%dma_start3A_418, %dma_start3A_419] : memref<10240x32xf32, #tpu.memory_space<vmem_shared>> -> memref<10240x32xf32, #tpu.memory_space<vmem_shared>>
        tpu.enqueue_indirect_dma source(%dma_start3A_414 : memref<80x32xf32, #tpu.memory_space<vmem>>) target(%dma_start3A_420 : memref<10240x32xf32, #tpu.memory_space<vmem_shared>>) offsets(%dma_start3A_417 : memref<80xi32, #tpu.memory_space<vmem>>) semaphore(%run_scoped3A_410 : memref<!tpu.dma_semaphore, #tpu.memory_space<semaphore_mem>>) {add = true}
        %dma_wait3A_421 = arith.constant 0 : i32
        %dma_wait3A_422 = arith.constant 0 : i32
        %dma_wait3A_423 = tpu.memref_slice %arg9[%run_scoped3A_294, %dma_wait3A_421, %dma_wait3A_422] : memref<10x80x32xf32, #tpu.memory_space<vmem>> -> memref<1x80x32xf32, #tpu.memory_space<vmem>>
        %dma_wait3A_424 = tpu.memref_squeeze %dma_wait3A_423 : memref<1x80x32xf32, #tpu.memory_space<vmem>> -> memref<80x32xf32, #tpu.memory_space<vmem>>
        %dma_wait3A_425 = arith.constant 0 : i32
        %dma_wait3A_426 = tpu.memref_slice %arg7[%add3A_278, %dma_wait3A_425] : memref<250x80xi32, #tpu.memory_space<vmem>> -> memref<1x80xi32, #tpu.memory_space<vmem>>
        %dma_wait3A_427 = tpu.memref_squeeze %dma_wait3A_426 : memref<1x80xi32, #tpu.memory_space<vmem>> -> memref<80xi32, #tpu.memory_space<vmem>>
        %dma_wait3A_428 = arith.constant 0 : i32
        %dma_wait3A_429 = arith.constant 0 : i32
        %dma_wait3A_430 = tpu.memref_slice %arg11[%dma_wait3A_428, %dma_wait3A_429] : memref<10240x32xf32, #tpu.memory_space<vmem_shared>> -> memref<10240x32xf32, #tpu.memory_space<vmem_shared>>
        tpu.wait_indirect_dma semaphore(%run_scoped3A_410 : memref<!tpu.dma_semaphore, #tpu.memory_space<semaphore_mem>>) src(%dma_wait3A_424 : memref<80x32xf32, #tpu.memory_space<vmem>>) dst(%dma_wait3A_430 : memref<10240x32xf32, #tpu.memory_space<vmem_shared>>)
        tpu.yield
      }) : () -> ()
      %add3A_295 = arith.constant 10 : i32
      %add3A_296 = arith.addi %add3A_278, %add3A_295 : i32
      %lt3A_297 = arith.constant 250 : i32
      %lt3A_298 = arith.cmpi slt, %add3A_296, %lt3A_297 : i32
      %convert_element_type3A_299 = arith.extui %lt3A_298 : i1 to i32
      %cond3A_300 = arith.constant 0 : i32
      %cond3A_301 = arith.cmpi ne, %convert_element_type3A_299, %cond3A_300 : i32
      scf.if %cond3A_301 {
        %add3A_410 = arith.constant 10 : i32
        %add3A_411 = arith.addi %add3A_278, %add3A_410 : i32
        %dma_start3A_412 = arith.constant 5 : i32
        %dma_start3A_413 = arith.constant 0 : i32
        %dma_start3A_414 = arith.constant 0 : i32
        %dma_start3A_415 = tpu.memref_slice %arg9[%dma_start3A_412, %dma_start3A_413, %dma_start3A_414] : memref<10x80x32xf32, #tpu.memory_space<vmem>> -> memref<1x80x32xf32, #tpu.memory_space<vmem>>
        %dma_start3A_416 = tpu.memref_squeeze %dma_start3A_415 : memref<1x80x32xf32, #tpu.memory_space<vmem>> -> memref<80x32xf32, #tpu.memory_space<vmem>>
        %dma_start3A_417 = arith.constant 0 : i32
        %dma_start3A_418 = tpu.memref_slice %arg8[%add3A_411, %dma_start3A_417] : memref<250x80xi32, #tpu.memory_space<vmem>> -> memref<1x80xi32, #tpu.memory_space<vmem>>
        %dma_start3A_419 = tpu.memref_squeeze %dma_start3A_418 : memref<1x80xi32, #tpu.memory_space<vmem>> -> memref<80xi32, #tpu.memory_space<vmem>>
        %dma_start3A_420 = arith.constant 0 : i32
        %dma_start3A_421 = arith.constant 0 : i32
        %dma_start3A_422 = tpu.memref_slice %arg2[%dma_start3A_420, %dma_start3A_421] : memref<40000x32xf32, #tpu.memory_space<hbm>> -> memref<40000x32xf32, #tpu.memory_space<hbm>>
        tpu.enqueue_indirect_dma source(%dma_start3A_422 : memref<40000x32xf32, #tpu.memory_space<hbm>>) target(%dma_start3A_416 : memref<80x32xf32, #tpu.memory_space<vmem>>) offsets(%dma_start3A_419 : memref<80xi32, #tpu.memory_space<vmem>>) semaphore(%arg17 : memref<!tpu.dma_semaphore, #tpu.memory_space<semaphore_mem>>)
      } else {
      }
      %mul3A_302 = arith.constant 10 : i32
      %mul3A_303 = arith.muli %scan3A_144, %mul3A_302 : i32
      %add3A_304 = arith.constant 6 : i32
      %add3A_305 = arith.addi %mul3A_303, %add3A_304 : i32
      %dma_wait3A_306 = arith.constant 6 : i32
      %dma_wait3A_307 = arith.constant 0 : i32
      %dma_wait3A_308 = arith.constant 0 : i32
      %dma_wait3A_309 = tpu.memref_slice %arg9[%dma_wait3A_306, %dma_wait3A_307, %dma_wait3A_308] : memref<10x80x32xf32, #tpu.memory_space<vmem>> -> memref<1x80x32xf32, #tpu.memory_space<vmem>>
      %dma_wait3A_310 = tpu.memref_squeeze %dma_wait3A_309 : memref<1x80x32xf32, #tpu.memory_space<vmem>> -> memref<80x32xf32, #tpu.memory_space<vmem>>
      %dma_wait3A_311 = arith.constant 0 : i32
      %dma_wait3A_312 = arith.constant 0 : i32
      %dma_wait3A_313 = tpu.memref_slice %arg2[%dma_wait3A_311, %dma_wait3A_312] : memref<40000x32xf32, #tpu.memory_space<hbm>> -> memref<80x32xf32, #tpu.memory_space<hbm>>
      %dma_wait3A_314 = arith.constant 0 : i32
      %dma_wait3A_315 = arith.constant 0 : i32
      %dma_wait3A_316 = tpu.memref_slice %arg9[%dma_wait3A_306, %dma_wait3A_314, %dma_wait3A_315] : memref<10x80x32xf32, #tpu.memory_space<vmem>> -> memref<1x80x32xf32, #tpu.memory_space<vmem>>
      %dma_wait3A_317 = tpu.memref_squeeze %dma_wait3A_316 : memref<1x80x32xf32, #tpu.memory_space<vmem>> -> memref<80x32xf32, #tpu.memory_space<vmem>>
      %dma_wait3A_318 = arith.constant 0 : i32
      %dma_wait3A_319 = arith.constant 0 : i32
      %dma_wait3A_320 = tpu.memref_slice %arg2[%dma_wait3A_318, %dma_wait3A_319] : memref<40000x32xf32, #tpu.memory_space<hbm>> -> memref<80x32xf32, #tpu.memory_space<hbm>>
      tpu.wait_dma2 semaphore(%arg18 : memref<!tpu.dma_semaphore, #tpu.memory_space<semaphore_mem>>) src(%dma_wait3A_320 : memref<80x32xf32, #tpu.memory_space<hbm>>) dst(%dma_wait3A_317 : memref<80x32xf32, #tpu.memory_space<vmem>>)
      %run_scoped3A_321 = arith.constant 6 : i32
      "tpu.region"() ({
        %run_scoped3A_410 = tpu.sem_alloc : memref<!tpu.dma_semaphore, #tpu.memory_space<semaphore_mem>>
        %dma_start3A_411 = arith.constant 0 : i32
        %dma_start3A_412 = arith.constant 0 : i32
        %dma_start3A_413 = tpu.memref_slice %arg9[%run_scoped3A_321, %dma_start3A_411, %dma_start3A_412] : memref<10x80x32xf32, #tpu.memory_space<vmem>> -> memref<1x80x32xf32, #tpu.memory_space<vmem>>
        %dma_start3A_414 = tpu.memref_squeeze %dma_start3A_413 : memref<1x80x32xf32, #tpu.memory_space<vmem>> -> memref<80x32xf32, #tpu.memory_space<vmem>>
        %dma_start3A_415 = arith.constant 0 : i32
        %dma_start3A_416 = tpu.memref_slice %arg7[%add3A_305, %dma_start3A_415] : memref<250x80xi32, #tpu.memory_space<vmem>> -> memref<1x80xi32, #tpu.memory_space<vmem>>
        %dma_start3A_417 = tpu.memref_squeeze %dma_start3A_416 : memref<1x80xi32, #tpu.memory_space<vmem>> -> memref<80xi32, #tpu.memory_space<vmem>>
        %dma_start3A_418 = arith.constant 0 : i32
        %dma_start3A_419 = arith.constant 0 : i32
        %dma_start3A_420 = tpu.memref_slice %arg11[%dma_start3A_418, %dma_start3A_419] : memref<10240x32xf32, #tpu.memory_space<vmem_shared>> -> memref<10240x32xf32, #tpu.memory_space<vmem_shared>>
        tpu.enqueue_indirect_dma source(%dma_start3A_414 : memref<80x32xf32, #tpu.memory_space<vmem>>) target(%dma_start3A_420 : memref<10240x32xf32, #tpu.memory_space<vmem_shared>>) offsets(%dma_start3A_417 : memref<80xi32, #tpu.memory_space<vmem>>) semaphore(%run_scoped3A_410 : memref<!tpu.dma_semaphore, #tpu.memory_space<semaphore_mem>>) {add = true}
        %dma_wait3A_421 = arith.constant 0 : i32
        %dma_wait3A_422 = arith.constant 0 : i32
        %dma_wait3A_423 = tpu.memref_slice %arg9[%run_scoped3A_321, %dma_wait3A_421, %dma_wait3A_422] : memref<10x80x32xf32, #tpu.memory_space<vmem>> -> memref<1x80x32xf32, #tpu.memory_space<vmem>>
        %dma_wait3A_424 = tpu.memref_squeeze %dma_wait3A_423 : memref<1x80x32xf32, #tpu.memory_space<vmem>> -> memref<80x32xf32, #tpu.memory_space<vmem>>
        %dma_wait3A_425 = arith.constant 0 : i32
        %dma_wait3A_426 = tpu.memref_slice %arg7[%add3A_305, %dma_wait3A_425] : memref<250x80xi32, #tpu.memory_space<vmem>> -> memref<1x80xi32, #tpu.memory_space<vmem>>
        %dma_wait3A_427 = tpu.memref_squeeze %dma_wait3A_426 : memref<1x80xi32, #tpu.memory_space<vmem>> -> memref<80xi32, #tpu.memory_space<vmem>>
        %dma_wait3A_428 = arith.constant 0 : i32
        %dma_wait3A_429 = arith.constant 0 : i32
        %dma_wait3A_430 = tpu.memref_slice %arg11[%dma_wait3A_428, %dma_wait3A_429] : memref<10240x32xf32, #tpu.memory_space<vmem_shared>> -> memref<10240x32xf32, #tpu.memory_space<vmem_shared>>
        tpu.wait_indirect_dma semaphore(%run_scoped3A_410 : memref<!tpu.dma_semaphore, #tpu.memory_space<semaphore_mem>>) src(%dma_wait3A_424 : memref<80x32xf32, #tpu.memory_space<vmem>>) dst(%dma_wait3A_430 : memref<10240x32xf32, #tpu.memory_space<vmem_shared>>)
        tpu.yield
      }) : () -> ()
      %add3A_322 = arith.constant 10 : i32
      %add3A_323 = arith.addi %add3A_305, %add3A_322 : i32
      %lt3A_324 = arith.constant 250 : i32
      %lt3A_325 = arith.cmpi slt, %add3A_323, %lt3A_324 : i32
      %convert_element_type3A_326 = arith.extui %lt3A_325 : i1 to i32
      %cond3A_327 = arith.constant 0 : i32
      %cond3A_328 = arith.cmpi ne, %convert_element_type3A_326, %cond3A_327 : i32
      scf.if %cond3A_328 {
        %add3A_410 = arith.constant 10 : i32
        %add3A_411 = arith.addi %add3A_305, %add3A_410 : i32
        %dma_start3A_412 = arith.constant 6 : i32
        %dma_start3A_413 = arith.constant 0 : i32
        %dma_start3A_414 = arith.constant 0 : i32
        %dma_start3A_415 = tpu.memref_slice %arg9[%dma_start3A_412, %dma_start3A_413, %dma_start3A_414] : memref<10x80x32xf32, #tpu.memory_space<vmem>> -> memref<1x80x32xf32, #tpu.memory_space<vmem>>
        %dma_start3A_416 = tpu.memref_squeeze %dma_start3A_415 : memref<1x80x32xf32, #tpu.memory_space<vmem>> -> memref<80x32xf32, #tpu.memory_space<vmem>>
        %dma_start3A_417 = arith.constant 0 : i32
        %dma_start3A_418 = tpu.memref_slice %arg8[%add3A_411, %dma_start3A_417] : memref<250x80xi32, #tpu.memory_space<vmem>> -> memref<1x80xi32, #tpu.memory_space<vmem>>
        %dma_start3A_419 = tpu.memref_squeeze %dma_start3A_418 : memref<1x80xi32, #tpu.memory_space<vmem>> -> memref<80xi32, #tpu.memory_space<vmem>>
        %dma_start3A_420 = arith.constant 0 : i32
        %dma_start3A_421 = arith.constant 0 : i32
        %dma_start3A_422 = tpu.memref_slice %arg2[%dma_start3A_420, %dma_start3A_421] : memref<40000x32xf32, #tpu.memory_space<hbm>> -> memref<40000x32xf32, #tpu.memory_space<hbm>>
        tpu.enqueue_indirect_dma source(%dma_start3A_422 : memref<40000x32xf32, #tpu.memory_space<hbm>>) target(%dma_start3A_416 : memref<80x32xf32, #tpu.memory_space<vmem>>) offsets(%dma_start3A_419 : memref<80xi32, #tpu.memory_space<vmem>>) semaphore(%arg18 : memref<!tpu.dma_semaphore, #tpu.memory_space<semaphore_mem>>)
      } else {
      }
      %mul3A_329 = arith.constant 10 : i32
      %mul3A_330 = arith.muli %scan3A_144, %mul3A_329 : i32
      %add3A_331 = arith.constant 7 : i32
      %add3A_332 = arith.addi %mul3A_330, %add3A_331 : i32
      %dma_wait3A_333 = arith.constant 7 : i32
      %dma_wait3A_334 = arith.constant 0 : i32
      %dma_wait3A_335 = arith.constant 0 : i32
      %dma_wait3A_336 = tpu.memref_slice %arg9[%dma_wait3A_333, %dma_wait3A_334, %dma_wait3A_335] : memref<10x80x32xf32, #tpu.memory_space<vmem>> -> memref<1x80x32xf32, #tpu.memory_space<vmem>>
      %dma_wait3A_337 = tpu.memref_squeeze %dma_wait3A_336 : memref<1x80x32xf32, #tpu.memory_space<vmem>> -> memref<80x32xf32, #tpu.memory_space<vmem>>
      %dma_wait3A_338 = arith.constant 0 : i32
      %dma_wait3A_339 = arith.constant 0 : i32
      %dma_wait3A_340 = tpu.memref_slice %arg2[%dma_wait3A_338, %dma_wait3A_339] : memref<40000x32xf32, #tpu.memory_space<hbm>> -> memref<80x32xf32, #tpu.memory_space<hbm>>
      %dma_wait3A_341 = arith.constant 0 : i32
      %dma_wait3A_342 = arith.constant 0 : i32
      %dma_wait3A_343 = tpu.memref_slice %arg9[%dma_wait3A_333, %dma_wait3A_341, %dma_wait3A_342] : memref<10x80x32xf32, #tpu.memory_space<vmem>> -> memref<1x80x32xf32, #tpu.memory_space<vmem>>
      %dma_wait3A_344 = tpu.memref_squeeze %dma_wait3A_343 : memref<1x80x32xf32, #tpu.memory_space<vmem>> -> memref<80x32xf32, #tpu.memory_space<vmem>>
      %dma_wait3A_345 = arith.constant 0 : i32
      %dma_wait3A_346 = arith.constant 0 : i32
      %dma_wait3A_347 = tpu.memref_slice %arg2[%dma_wait3A_345, %dma_wait3A_346] : memref<40000x32xf32, #tpu.memory_space<hbm>> -> memref<80x32xf32, #tpu.memory_space<hbm>>
      tpu.wait_dma2 semaphore(%arg19 : memref<!tpu.dma_semaphore, #tpu.memory_space<semaphore_mem>>) src(%dma_wait3A_347 : memref<80x32xf32, #tpu.memory_space<hbm>>) dst(%dma_wait3A_344 : memref<80x32xf32, #tpu.memory_space<vmem>>)
      %run_scoped3A_348 = arith.constant 7 : i32
      "tpu.region"() ({
        %run_scoped3A_410 = tpu.sem_alloc : memref<!tpu.dma_semaphore, #tpu.memory_space<semaphore_mem>>
        %dma_start3A_411 = arith.constant 0 : i32
        %dma_start3A_412 = arith.constant 0 : i32
        %dma_start3A_413 = tpu.memref_slice %arg9[%run_scoped3A_348, %dma_start3A_411, %dma_start3A_412] : memref<10x80x32xf32, #tpu.memory_space<vmem>> -> memref<1x80x32xf32, #tpu.memory_space<vmem>>
        %dma_start3A_414 = tpu.memref_squeeze %dma_start3A_413 : memref<1x80x32xf32, #tpu.memory_space<vmem>> -> memref<80x32xf32, #tpu.memory_space<vmem>>
        %dma_start3A_415 = arith.constant 0 : i32
        %dma_start3A_416 = tpu.memref_slice %arg7[%add3A_332, %dma_start3A_415] : memref<250x80xi32, #tpu.memory_space<vmem>> -> memref<1x80xi32, #tpu.memory_space<vmem>>
        %dma_start3A_417 = tpu.memref_squeeze %dma_start3A_416 : memref<1x80xi32, #tpu.memory_space<vmem>> -> memref<80xi32, #tpu.memory_space<vmem>>
        %dma_start3A_418 = arith.constant 0 : i32
        %dma_start3A_419 = arith.constant 0 : i32
        %dma_start3A_420 = tpu.memref_slice %arg11[%dma_start3A_418, %dma_start3A_419] : memref<10240x32xf32, #tpu.memory_space<vmem_shared>> -> memref<10240x32xf32, #tpu.memory_space<vmem_shared>>
        tpu.enqueue_indirect_dma source(%dma_start3A_414 : memref<80x32xf32, #tpu.memory_space<vmem>>) target(%dma_start3A_420 : memref<10240x32xf32, #tpu.memory_space<vmem_shared>>) offsets(%dma_start3A_417 : memref<80xi32, #tpu.memory_space<vmem>>) semaphore(%run_scoped3A_410 : memref<!tpu.dma_semaphore, #tpu.memory_space<semaphore_mem>>) {add = true}
        %dma_wait3A_421 = arith.constant 0 : i32
        %dma_wait3A_422 = arith.constant 0 : i32
        %dma_wait3A_423 = tpu.memref_slice %arg9[%run_scoped3A_348, %dma_wait3A_421, %dma_wait3A_422] : memref<10x80x32xf32, #tpu.memory_space<vmem>> -> memref<1x80x32xf32, #tpu.memory_space<vmem>>
        %dma_wait3A_424 = tpu.memref_squeeze %dma_wait3A_423 : memref<1x80x32xf32, #tpu.memory_space<vmem>> -> memref<80x32xf32, #tpu.memory_space<vmem>>
        %dma_wait3A_425 = arith.constant 0 : i32
        %dma_wait3A_426 = tpu.memref_slice %arg7[%add3A_332, %dma_wait3A_425] : memref<250x80xi32, #tpu.memory_space<vmem>> -> memref<1x80xi32, #tpu.memory_space<vmem>>
        %dma_wait3A_427 = tpu.memref_squeeze %dma_wait3A_426 : memref<1x80xi32, #tpu.memory_space<vmem>> -> memref<80xi32, #tpu.memory_space<vmem>>
        %dma_wait3A_428 = arith.constant 0 : i32
        %dma_wait3A_429 = arith.constant 0 : i32
        %dma_wait3A_430 = tpu.memref_slice %arg11[%dma_wait3A_428, %dma_wait3A_429] : memref<10240x32xf32, #tpu.memory_space<vmem_shared>> -> memref<10240x32xf32, #tpu.memory_space<vmem_shared>>
        tpu.wait_indirect_dma semaphore(%run_scoped3A_410 : memref<!tpu.dma_semaphore, #tpu.memory_space<semaphore_mem>>) src(%dma_wait3A_424 : memref<80x32xf32, #tpu.memory_space<vmem>>) dst(%dma_wait3A_430 : memref<10240x32xf32, #tpu.memory_space<vmem_shared>>)
        tpu.yield
      }) : () -> ()
      %add3A_349 = arith.constant 10 : i32
      %add3A_350 = arith.addi %add3A_332, %add3A_349 : i32
      %lt3A_351 = arith.constant 250 : i32
      %lt3A_352 = arith.cmpi slt, %add3A_350, %lt3A_351 : i32
      %convert_element_type3A_353 = arith.extui %lt3A_352 : i1 to i32
      %cond3A_354 = arith.constant 0 : i32
      %cond3A_355 = arith.cmpi ne, %convert_element_type3A_353, %cond3A_354 : i32
      scf.if %cond3A_355 {
        %add3A_410 = arith.constant 10 : i32
        %add3A_411 = arith.addi %add3A_332, %add3A_410 : i32
        %dma_start3A_412 = arith.constant 7 : i32
        %dma_start3A_413 = arith.constant 0 : i32
        %dma_start3A_414 = arith.constant 0 : i32
        %dma_start3A_415 = tpu.memref_slice %arg9[%dma_start3A_412, %dma_start3A_413, %dma_start3A_414] : memref<10x80x32xf32, #tpu.memory_space<vmem>> -> memref<1x80x32xf32, #tpu.memory_space<vmem>>
        %dma_start3A_416 = tpu.memref_squeeze %dma_start3A_415 : memref<1x80x32xf32, #tpu.memory_space<vmem>> -> memref<80x32xf32, #tpu.memory_space<vmem>>
        %dma_start3A_417 = arith.constant 0 : i32
        %dma_start3A_418 = tpu.memref_slice %arg8[%add3A_411, %dma_start3A_417] : memref<250x80xi32, #tpu.memory_space<vmem>> -> memref<1x80xi32, #tpu.memory_space<vmem>>
        %dma_start3A_419 = tpu.memref_squeeze %dma_start3A_418 : memref<1x80xi32, #tpu.memory_space<vmem>> -> memref<80xi32, #tpu.memory_space<vmem>>
        %dma_start3A_420 = arith.constant 0 : i32
        %dma_start3A_421 = arith.constant 0 : i32
        %dma_start3A_422 = tpu.memref_slice %arg2[%dma_start3A_420, %dma_start3A_421] : memref<40000x32xf32, #tpu.memory_space<hbm>> -> memref<40000x32xf32, #tpu.memory_space<hbm>>
        tpu.enqueue_indirect_dma source(%dma_start3A_422 : memref<40000x32xf32, #tpu.memory_space<hbm>>) target(%dma_start3A_416 : memref<80x32xf32, #tpu.memory_space<vmem>>) offsets(%dma_start3A_419 : memref<80xi32, #tpu.memory_space<vmem>>) semaphore(%arg19 : memref<!tpu.dma_semaphore, #tpu.memory_space<semaphore_mem>>)
      } else {
      }
      %mul3A_356 = arith.constant 10 : i32
      %mul3A_357 = arith.muli %scan3A_144, %mul3A_356 : i32
      %add3A_358 = arith.constant 8 : i32
      %add3A_359 = arith.addi %mul3A_357, %add3A_358 : i32
      %dma_wait3A_360 = arith.constant 8 : i32
      %dma_wait3A_361 = arith.constant 0 : i32
      %dma_wait3A_362 = arith.constant 0 : i32
      %dma_wait3A_363 = tpu.memref_slice %arg9[%dma_wait3A_360, %dma_wait3A_361, %dma_wait3A_362] : memref<10x80x32xf32, #tpu.memory_space<vmem>> -> memref<1x80x32xf32, #tpu.memory_space<vmem>>
      %dma_wait3A_364 = tpu.memref_squeeze %dma_wait3A_363 : memref<1x80x32xf32, #tpu.memory_space<vmem>> -> memref<80x32xf32, #tpu.memory_space<vmem>>
      %dma_wait3A_365 = arith.constant 0 : i32
      %dma_wait3A_366 = arith.constant 0 : i32
      %dma_wait3A_367 = tpu.memref_slice %arg2[%dma_wait3A_365, %dma_wait3A_366] : memref<40000x32xf32, #tpu.memory_space<hbm>> -> memref<80x32xf32, #tpu.memory_space<hbm>>
      %dma_wait3A_368 = arith.constant 0 : i32
      %dma_wait3A_369 = arith.constant 0 : i32
      %dma_wait3A_370 = tpu.memref_slice %arg9[%dma_wait3A_360, %dma_wait3A_368, %dma_wait3A_369] : memref<10x80x32xf32, #tpu.memory_space<vmem>> -> memref<1x80x32xf32, #tpu.memory_space<vmem>>
      %dma_wait3A_371 = tpu.memref_squeeze %dma_wait3A_370 : memref<1x80x32xf32, #tpu.memory_space<vmem>> -> memref<80x32xf32, #tpu.memory_space<vmem>>
      %dma_wait3A_372 = arith.constant 0 : i32
      %dma_wait3A_373 = arith.constant 0 : i32
      %dma_wait3A_374 = tpu.memref_slice %arg2[%dma_wait3A_372, %dma_wait3A_373] : memref<40000x32xf32, #tpu.memory_space<hbm>> -> memref<80x32xf32, #tpu.memory_space<hbm>>
      tpu.wait_dma2 semaphore(%arg20 : memref<!tpu.dma_semaphore, #tpu.memory_space<semaphore_mem>>) src(%dma_wait3A_374 : memref<80x32xf32, #tpu.memory_space<hbm>>) dst(%dma_wait3A_371 : memref<80x32xf32, #tpu.memory_space<vmem>>)
      %run_scoped3A_375 = arith.constant 8 : i32
      "tpu.region"() ({
        %run_scoped3A_410 = tpu.sem_alloc : memref<!tpu.dma_semaphore, #tpu.memory_space<semaphore_mem>>
        %dma_start3A_411 = arith.constant 0 : i32
        %dma_start3A_412 = arith.constant 0 : i32
        %dma_start3A_413 = tpu.memref_slice %arg9[%run_scoped3A_375, %dma_start3A_411, %dma_start3A_412] : memref<10x80x32xf32, #tpu.memory_space<vmem>> -> memref<1x80x32xf32, #tpu.memory_space<vmem>>
        %dma_start3A_414 = tpu.memref_squeeze %dma_start3A_413 : memref<1x80x32xf32, #tpu.memory_space<vmem>> -> memref<80x32xf32, #tpu.memory_space<vmem>>
        %dma_start3A_415 = arith.constant 0 : i32
        %dma_start3A_416 = tpu.memref_slice %arg7[%add3A_359, %dma_start3A_415] : memref<250x80xi32, #tpu.memory_space<vmem>> -> memref<1x80xi32, #tpu.memory_space<vmem>>
        %dma_start3A_417 = tpu.memref_squeeze %dma_start3A_416 : memref<1x80xi32, #tpu.memory_space<vmem>> -> memref<80xi32, #tpu.memory_space<vmem>>
        %dma_start3A_418 = arith.constant 0 : i32
        %dma_start3A_419 = arith.constant 0 : i32
        %dma_start3A_420 = tpu.memref_slice %arg11[%dma_start3A_418, %dma_start3A_419] : memref<10240x32xf32, #tpu.memory_space<vmem_shared>> -> memref<10240x32xf32, #tpu.memory_space<vmem_shared>>
        tpu.enqueue_indirect_dma source(%dma_start3A_414 : memref<80x32xf32, #tpu.memory_space<vmem>>) target(%dma_start3A_420 : memref<10240x32xf32, #tpu.memory_space<vmem_shared>>) offsets(%dma_start3A_417 : memref<80xi32, #tpu.memory_space<vmem>>) semaphore(%run_scoped3A_410 : memref<!tpu.dma_semaphore, #tpu.memory_space<semaphore_mem>>) {add = true}
        %dma_wait3A_421 = arith.constant 0 : i32
        %dma_wait3A_422 = arith.constant 0 : i32
        %dma_wait3A_423 = tpu.memref_slice %arg9[%run_scoped3A_375, %dma_wait3A_421, %dma_wait3A_422] : memref<10x80x32xf32, #tpu.memory_space<vmem>> -> memref<1x80x32xf32, #tpu.memory_space<vmem>>
        %dma_wait3A_424 = tpu.memref_squeeze %dma_wait3A_423 : memref<1x80x32xf32, #tpu.memory_space<vmem>> -> memref<80x32xf32, #tpu.memory_space<vmem>>
        %dma_wait3A_425 = arith.constant 0 : i32
        %dma_wait3A_426 = tpu.memref_slice %arg7[%add3A_359, %dma_wait3A_425] : memref<250x80xi32, #tpu.memory_space<vmem>> -> memref<1x80xi32, #tpu.memory_space<vmem>>
        %dma_wait3A_427 = tpu.memref_squeeze %dma_wait3A_426 : memref<1x80xi32, #tpu.memory_space<vmem>> -> memref<80xi32, #tpu.memory_space<vmem>>
        %dma_wait3A_428 = arith.constant 0 : i32
        %dma_wait3A_429 = arith.constant 0 : i32
        %dma_wait3A_430 = tpu.memref_slice %arg11[%dma_wait3A_428, %dma_wait3A_429] : memref<10240x32xf32, #tpu.memory_space<vmem_shared>> -> memref<10240x32xf32, #tpu.memory_space<vmem_shared>>
        tpu.wait_indirect_dma semaphore(%run_scoped3A_410 : memref<!tpu.dma_semaphore, #tpu.memory_space<semaphore_mem>>) src(%dma_wait3A_424 : memref<80x32xf32, #tpu.memory_space<vmem>>) dst(%dma_wait3A_430 : memref<10240x32xf32, #tpu.memory_space<vmem_shared>>)
        tpu.yield
      }) : () -> ()
      %add3A_376 = arith.constant 10 : i32
      %add3A_377 = arith.addi %add3A_359, %add3A_376 : i32
      %lt3A_378 = arith.constant 250 : i32
      %lt3A_379 = arith.cmpi slt, %add3A_377, %lt3A_378 : i32
      %convert_element_type3A_380 = arith.extui %lt3A_379 : i1 to i32
      %cond3A_381 = arith.constant 0 : i32
      %cond3A_382 = arith.cmpi ne, %convert_element_type3A_380, %cond3A_381 : i32
      scf.if %cond3A_382 {
        %add3A_410 = arith.constant 10 : i32
        %add3A_411 = arith.addi %add3A_359, %add3A_410 : i32
        %dma_start3A_412 = arith.constant 8 : i32
        %dma_start3A_413 = arith.constant 0 : i32
        %dma_start3A_414 = arith.constant 0 : i32
        %dma_start3A_415 = tpu.memref_slice %arg9[%dma_start3A_412, %dma_start3A_413, %dma_start3A_414] : memref<10x80x32xf32, #tpu.memory_space<vmem>> -> memref<1x80x32xf32, #tpu.memory_space<vmem>>
        %dma_start3A_416 = tpu.memref_squeeze %dma_start3A_415 : memref<1x80x32xf32, #tpu.memory_space<vmem>> -> memref<80x32xf32, #tpu.memory_space<vmem>>
        %dma_start3A_417 = arith.constant 0 : i32
        %dma_start3A_418 = tpu.memref_slice %arg8[%add3A_411, %dma_start3A_417] : memref<250x80xi32, #tpu.memory_space<vmem>> -> memref<1x80xi32, #tpu.memory_space<vmem>>
        %dma_start3A_419 = tpu.memref_squeeze %dma_start3A_418 : memref<1x80xi32, #tpu.memory_space<vmem>> -> memref<80xi32, #tpu.memory_space<vmem>>
        %dma_start3A_420 = arith.constant 0 : i32
        %dma_start3A_421 = arith.constant 0 : i32
        %dma_start3A_422 = tpu.memref_slice %arg2[%dma_start3A_420, %dma_start3A_421] : memref<40000x32xf32, #tpu.memory_space<hbm>> -> memref<40000x32xf32, #tpu.memory_space<hbm>>
        tpu.enqueue_indirect_dma source(%dma_start3A_422 : memref<40000x32xf32, #tpu.memory_space<hbm>>) target(%dma_start3A_416 : memref<80x32xf32, #tpu.memory_space<vmem>>) offsets(%dma_start3A_419 : memref<80xi32, #tpu.memory_space<vmem>>) semaphore(%arg20 : memref<!tpu.dma_semaphore, #tpu.memory_space<semaphore_mem>>)
      } else {
      }
      %mul3A_383 = arith.constant 10 : i32
      %mul3A_384 = arith.muli %scan3A_144, %mul3A_383 : i32
      %add3A_385 = arith.constant 9 : i32
      %add3A_386 = arith.addi %mul3A_384, %add3A_385 : i32
      %dma_wait3A_387 = arith.constant 9 : i32
      %dma_wait3A_388 = arith.constant 0 : i32
      %dma_wait3A_389 = arith.constant 0 : i32
      %dma_wait3A_390 = tpu.memref_slice %arg9[%dma_wait3A_387, %dma_wait3A_388, %dma_wait3A_389] : memref<10x80x32xf32, #tpu.memory_space<vmem>> -> memref<1x80x32xf32, #tpu.memory_space<vmem>>
      %dma_wait3A_391 = tpu.memref_squeeze %dma_wait3A_390 : memref<1x80x32xf32, #tpu.memory_space<vmem>> -> memref<80x32xf32, #tpu.memory_space<vmem>>
      %dma_wait3A_392 = arith.constant 0 : i32
      %dma_wait3A_393 = arith.constant 0 : i32
      %dma_wait3A_394 = tpu.memref_slice %arg2[%dma_wait3A_392, %dma_wait3A_393] : memref<40000x32xf32, #tpu.memory_space<hbm>> -> memref<80x32xf32, #tpu.memory_space<hbm>>
      %dma_wait3A_395 = arith.constant 0 : i32
      %dma_wait3A_396 = arith.constant 0 : i32
      %dma_wait3A_397 = tpu.memref_slice %arg9[%dma_wait3A_387, %dma_wait3A_395, %dma_wait3A_396] : memref<10x80x32xf32, #tpu.memory_space<vmem>> -> memref<1x80x32xf32, #tpu.memory_space<vmem>>
      %dma_wait3A_398 = tpu.memref_squeeze %dma_wait3A_397 : memref<1x80x32xf32, #tpu.memory_space<vmem>> -> memref<80x32xf32, #tpu.memory_space<vmem>>
      %dma_wait3A_399 = arith.constant 0 : i32
      %dma_wait3A_400 = arith.constant 0 : i32
      %dma_wait3A_401 = tpu.memref_slice %arg2[%dma_wait3A_399, %dma_wait3A_400] : memref<40000x32xf32, #tpu.memory_space<hbm>> -> memref<80x32xf32, #tpu.memory_space<hbm>>
      tpu.wait_dma2 semaphore(%arg21 : memref<!tpu.dma_semaphore, #tpu.memory_space<semaphore_mem>>) src(%dma_wait3A_401 : memref<80x32xf32, #tpu.memory_space<hbm>>) dst(%dma_wait3A_398 : memref<80x32xf32, #tpu.memory_space<vmem>>)
      %run_scoped3A_402 = arith.constant 9 : i32
      "tpu.region"() ({
        %run_scoped3A_410 = tpu.sem_alloc : memref<!tpu.dma_semaphore, #tpu.memory_space<semaphore_mem>>
        %dma_start3A_411 = arith.constant 0 : i32
        %dma_start3A_412 = arith.constant 0 : i32
        %dma_start3A_413 = tpu.memref_slice %arg9[%run_scoped3A_402, %dma_start3A_411, %dma_start3A_412] : memref<10x80x32xf32, #tpu.memory_space<vmem>> -> memref<1x80x32xf32, #tpu.memory_space<vmem>>
        %dma_start3A_414 = tpu.memref_squeeze %dma_start3A_413 : memref<1x80x32xf32, #tpu.memory_space<vmem>> -> memref<80x32xf32, #tpu.memory_space<vmem>>
        %dma_start3A_415 = arith.constant 0 : i32
        %dma_start3A_416 = tpu.memref_slice %arg7[%add3A_386, %dma_start3A_415] : memref<250x80xi32, #tpu.memory_space<vmem>> -> memref<1x80xi32, #tpu.memory_space<vmem>>
        %dma_start3A_417 = tpu.memref_squeeze %dma_start3A_416 : memref<1x80xi32, #tpu.memory_space<vmem>> -> memref<80xi32, #tpu.memory_space<vmem>>
        %dma_start3A_418 = arith.constant 0 : i32
        %dma_start3A_419 = arith.constant 0 : i32
        %dma_start3A_420 = tpu.memref_slice %arg11[%dma_start3A_418, %dma_start3A_419] : memref<10240x32xf32, #tpu.memory_space<vmem_shared>> -> memref<10240x32xf32, #tpu.memory_space<vmem_shared>>
        tpu.enqueue_indirect_dma source(%dma_start3A_414 : memref<80x32xf32, #tpu.memory_space<vmem>>) target(%dma_start3A_420 : memref<10240x32xf32, #tpu.memory_space<vmem_shared>>) offsets(%dma_start3A_417 : memref<80xi32, #tpu.memory_space<vmem>>) semaphore(%run_scoped3A_410 : memref<!tpu.dma_semaphore, #tpu.memory_space<semaphore_mem>>) {add = true}
        %dma_wait3A_421 = arith.constant 0 : i32
        %dma_wait3A_422 = arith.constant 0 : i32
        %dma_wait3A_423 = tpu.memref_slice %arg9[%run_scoped3A_402, %dma_wait3A_421, %dma_wait3A_422] : memref<10x80x32xf32, #tpu.memory_space<vmem>> -> memref<1x80x32xf32, #tpu.memory_space<vmem>>
        %dma_wait3A_424 = tpu.memref_squeeze %dma_wait3A_423 : memref<1x80x32xf32, #tpu.memory_space<vmem>> -> memref<80x32xf32, #tpu.memory_space<vmem>>
        %dma_wait3A_425 = arith.constant 0 : i32
        %dma_wait3A_426 = tpu.memref_slice %arg7[%add3A_386, %dma_wait3A_425] : memref<250x80xi32, #tpu.memory_space<vmem>> -> memref<1x80xi32, #tpu.memory_space<vmem>>
        %dma_wait3A_427 = tpu.memref_squeeze %dma_wait3A_426 : memref<1x80xi32, #tpu.memory_space<vmem>> -> memref<80xi32, #tpu.memory_space<vmem>>
        %dma_wait3A_428 = arith.constant 0 : i32
        %dma_wait3A_429 = arith.constant 0 : i32
        %dma_wait3A_430 = tpu.memref_slice %arg11[%dma_wait3A_428, %dma_wait3A_429] : memref<10240x32xf32, #tpu.memory_space<vmem_shared>> -> memref<10240x32xf32, #tpu.memory_space<vmem_shared>>
        tpu.wait_indirect_dma semaphore(%run_scoped3A_410 : memref<!tpu.dma_semaphore, #tpu.memory_space<semaphore_mem>>) src(%dma_wait3A_424 : memref<80x32xf32, #tpu.memory_space<vmem>>) dst(%dma_wait3A_430 : memref<10240x32xf32, #tpu.memory_space<vmem_shared>>)
        tpu.yield
      }) : () -> ()
      %add3A_403 = arith.constant 10 : i32
      %add3A_404 = arith.addi %add3A_386, %add3A_403 : i32
      %lt3A_405 = arith.constant 250 : i32
      %lt3A_406 = arith.cmpi slt, %add3A_404, %lt3A_405 : i32
      %convert_element_type3A_407 = arith.extui %lt3A_406 : i1 to i32
      %cond3A_408 = arith.constant 0 : i32
      %cond3A_409 = arith.cmpi ne, %convert_element_type3A_407, %cond3A_408 : i32
      scf.if %cond3A_409 {
        %add3A_410 = arith.constant 10 : i32
        %add3A_411 = arith.addi %add3A_386, %add3A_410 : i32
        %dma_start3A_412 = arith.constant 9 : i32
        %dma_start3A_413 = arith.constant 0 : i32
        %dma_start3A_414 = arith.constant 0 : i32
        %dma_start3A_415 = tpu.memref_slice %arg9[%dma_start3A_412, %dma_start3A_413, %dma_start3A_414] : memref<10x80x32xf32, #tpu.memory_space<vmem>> -> memref<1x80x32xf32, #tpu.memory_space<vmem>>
        %dma_start3A_416 = tpu.memref_squeeze %dma_start3A_415 : memref<1x80x32xf32, #tpu.memory_space<vmem>> -> memref<80x32xf32, #tpu.memory_space<vmem>>
        %dma_start3A_417 = arith.constant 0 : i32
        %dma_start3A_418 = tpu.memref_slice %arg8[%add3A_411, %dma_start3A_417] : memref<250x80xi32, #tpu.memory_space<vmem>> -> memref<1x80xi32, #tpu.memory_space<vmem>>
        %dma_start3A_419 = tpu.memref_squeeze %dma_start3A_418 : memref<1x80xi32, #tpu.memory_space<vmem>> -> memref<80xi32, #tpu.memory_space<vmem>>
        %dma_start3A_420 = arith.constant 0 : i32
        %dma_start3A_421 = arith.constant 0 : i32
        %dma_start3A_422 = tpu.memref_slice %arg2[%dma_start3A_420, %dma_start3A_421] : memref<40000x32xf32, #tpu.memory_space<hbm>> -> memref<40000x32xf32, #tpu.memory_space<hbm>>
        tpu.enqueue_indirect_dma source(%dma_start3A_422 : memref<40000x32xf32, #tpu.memory_space<hbm>>) target(%dma_start3A_416 : memref<80x32xf32, #tpu.memory_space<vmem>>) offsets(%dma_start3A_419 : memref<80xi32, #tpu.memory_space<vmem>>) semaphore(%arg21 : memref<!tpu.dma_semaphore, #tpu.memory_space<semaphore_mem>>)
      } else {
      }
    }
    %scan3A_140 = arith.constant 25 : i32
    %barrier3A_141 = arith.constant 0 : index
    tpu.barrier barrier_id(%barrier3A_141)
    %mul3A_142 = arith.constant 32 : i32
    %mul3A_143 = arith.muli %add3A_9, %mul3A_142 : i32
    "tpu.region"() ({
      %run_scoped3A = tpu.sem_alloc : memref<!tpu.dma_semaphore, #tpu.memory_space<semaphore_mem>>
      %dma_start3A_144 = tpu.memref_slice %arg5[%mul3A_0, %mul3A_143] : memref<10240x128xf32, #tpu.memory_space<hbm>> -> memref<640x32xf32, #tpu.memory_space<hbm>>
      %dma_start3A_145 = arith.constant 0 : i32
      %dma_start3A_146 = tpu.memref_slice %arg11[%mul3A_0, %dma_start3A_145] : memref<10240x32xf32, #tpu.memory_space<vmem_shared>> -> memref<640x32xf32, #tpu.memory_space<vmem_shared>>
      tpu.enqueue_dma source(%dma_start3A_146 : memref<640x32xf32, #tpu.memory_space<vmem_shared>>) target(%dma_start3A_144 : memref<640x32xf32, #tpu.memory_space<hbm>>) target_semaphore(%run_scoped3A : memref<!tpu.dma_semaphore, #tpu.memory_space<semaphore_mem>>)
      %dma_wait3A = tpu.memref_slice %arg5[%mul3A_0, %mul3A_143] : memref<10240x128xf32, #tpu.memory_space<hbm>> -> memref<640x32xf32, #tpu.memory_space<hbm>>
      %dma_wait3A_147 = arith.constant 0 : i32
      %dma_wait3A_148 = tpu.memref_slice %arg11[%mul3A_0, %dma_wait3A_147] : memref<10240x32xf32, #tpu.memory_space<vmem_shared>> -> memref<640x32xf32, #tpu.memory_space<vmem_shared>>
      tpu.wait_dma2 semaphore(%run_scoped3A : memref<!tpu.dma_semaphore, #tpu.memory_space<semaphore_mem>>) src(%dma_wait3A_148 : memref<640x32xf32, #tpu.memory_space<vmem_shared>>) dst(%dma_wait3A : memref<640x32xf32, #tpu.memory_space<hbm>>)
      tpu.yield
    }) : () -> ()
    return
  }
}

module attributes {stable_mosaic.version = 14 : i64} {
  func.func @_a_body(%arg0: i32, %arg1: memref<1000x128xf32, #tpu.memory_space<vmem>>, %arg2: memref<128x128xf32, #tpu.memory_space<vmem>>, %arg3: memref<1x128xf32, #tpu.memory_space<vmem>>, %arg4: memref<1000x128xf32, #tpu.memory_space<vmem>>) attributes {dimension_semantics = [#tpu.dimension_semantics<arbitrary>], iteration_bounds = array<i64: 10>, scalar_prefetch = 0 : i64, scratch_operands = 0 : i64, tpu.core_type = #tpu.core_type<tc>, window_params = [{transform_indices = @transform_0, window_bounds = array<i64: 1000, 128>}, {pipeline_mode = #tpu.pipeline_mode<synchronous>, transform_indices = @transform_1, window_bounds = array<i64: 128, 128>}, {pipeline_mode = #tpu.pipeline_mode<synchronous>, transform_indices = @transform_2, window_bounds = array<i64: 1, 128>}, {transform_indices = @transform_3, window_bounds = array<i64: 1000, 128>}]} {
    %get3A = arith.constant 0 : index
    %get3A_0 = arith.constant 0 : index
    %get3A_1 = vector.load %arg1[%get3A, %get3A_0] : memref<1000x128xf32, #tpu.memory_space<vmem>>, vector<1000x128xf32>
    %get3A_2 = arith.constant 0 : index
    %get3A_3 = arith.constant 0 : index
    %get3A_4 = vector.load %arg2[%get3A_2, %get3A_3] : memref<128x128xf32, #tpu.memory_space<vmem>>, vector<128x128xf32>
    %dot_general3A = arith.constant dense<0.000000e+00> : vector<1000x128xf32>
    %dot_general3A_5 = tpu.matmul %get3A_1, %get3A_4, %dot_general3A {dimension_numbers = #tpu.dot_dimension_numbers<[1], [0], [0], [1], [0, 0, 1, 1], [], []>, transpose_lhs_hint = false} : vector<1000x128xf32>, vector<128x128xf32>, vector<1000x128xf32> -> vector<1000x128xf32>
    %get3A_6 = arith.constant 0 : index
    %get3A_7 = arith.constant 0 : index
    %get3A_8 = vector.load %arg3[%get3A_6, %get3A_7] : memref<1x128xf32, #tpu.memory_space<vmem>>, vector<1x128xf32>
    %add3A = vector.broadcast %get3A_8 : vector<1x128xf32> to vector<1000x128xf32>
    %add3A_9 = arith.addf %dot_general3A_5, %add3A : vector<1000x128xf32>
    %swap3A = arith.constant 0 : index
    %swap3A_10 = arith.constant 0 : index
    %swap3A_11 = vector.load %arg4[%swap3A, %swap3A_10] : memref<1000x128xf32, #tpu.memory_space<vmem>>, vector<1000x128xf32>
    tpu.vector_store %arg4[%swap3A, %swap3A_10], %add3A_9 {strides = array<i32>} : memref<1000x128xf32, #tpu.memory_space<vmem>>, vector<1000x128xf32>,
    return
  }
  func.func @transform_0(%arg0: i32) -> (i32, i32) {
    %c0_i32 = arith.constant 0 : i32
    %c0_i32_0 = arith.constant 0 : i32
    return %arg0, %c0_i32 : i32, i32
  }
  func.func @transform_1(%arg0: i32) -> (i32, i32) {
    %c0_i32 = arith.constant 0 : i32
    %c0_i32_0 = arith.constant 0 : i32
    %c0_i32_1 = arith.constant 0 : i32
    return %c0_i32, %c0_i32_0 : i32, i32
  }
  func.func @transform_2(%arg0: i32) -> (i32, i32) {
    %c0_i32 = arith.constant 0 : i32
    %c0_i32_0 = arith.constant 0 : i32
    %c0_i32_1 = arith.constant 0 : i32
    return %c0_i32, %c0_i32_0 : i32, i32
  }
  func.func @transform_3(%arg0: i32) -> (i32, i32) {
    %c0_i32 = arith.constant 0 : i32
    %c0_i32_0 = arith.constant 0 : i32
    return %arg0, %c0_i32 : i32, i32
  }
}

module attributes {stable_mosaic.version = 14 : i64} {
  func.func @_b_body(%arg0: i32, %arg1: memref<1000x128xf32, #tpu.memory_space<vmem>>, %arg2: memref<1000x128xf32, #tpu.memory_space<vmem>>, %arg3: memref<1000x32xf32, #tpu.memory_space<vmem>>, %arg4: memref<128x128xf32, #tpu.memory_space<vmem>>, %arg5: memref<128x128xf32, #tpu.memory_space<vmem>>, %arg6: memref<128x64xf32, #tpu.memory_space<vmem>>, %arg7: memref<1x64xf32, #tpu.memory_space<vmem>>, %arg8: memref<1000x128xf32, #tpu.memory_space<vmem>>, %arg9: memref<1000x64xf32, #tpu.memory_space<vmem>>) attributes {dimension_semantics = [#tpu.dimension_semantics<arbitrary>], iteration_bounds = array<i64: 10>, scalar_prefetch = 0 : i64, scratch_operands = 0 : i64, tpu.core_type = #tpu.core_type<tc>, window_params = [{transform_indices = @transform_0, window_bounds = array<i64: 1000, 128>}, {transform_indices = @transform_1, window_bounds = array<i64: 1000, 128>}, {transform_indices = @transform_2, window_bounds = array<i64: 1000, 32>}, {pipeline_mode = #tpu.pipeline_mode<synchronous>, transform_indices = @transform_3, window_bounds = array<i64: 128, 128>}, {pipeline_mode = #tpu.pipeline_mode<synchronous>, transform_indices = @transform_4, window_bounds = array<i64: 128, 128>}, {pipeline_mode = #tpu.pipeline_mode<synchronous>, transform_indices = @transform_5, window_bounds = array<i64: 128, 64>}, {pipeline_mode = #tpu.pipeline_mode<synchronous>, transform_indices = @transform_6, window_bounds = array<i64: 1, 64>}, {transform_indices = @transform_7, window_bounds = array<i64: 1000, 128>}, {transform_indices = @transform_8, window_bounds = array<i64: 1000, 64>}]} {
    %get3A = arith.constant 0 : index
    %get3A_0 = arith.constant 0 : index
    %get3A_1 = vector.load %arg3[%get3A, %get3A_0] : memref<1000x32xf32, #tpu.memory_space<vmem>>, vector<1000x32xf32>
    %reduce_sum3A = arith.constant dense<0.000000e+00> : vector<1000xf32>
    %reduce_sum3A_2 = vector.multi_reduction <add>, %get3A_1, %reduce_sum3A [1] : vector<1000x32xf32> to vector<1000xf32>
    %broadcast_in_dim3A = vector.shape_cast %reduce_sum3A_2 : vector<1000xf32> to vector<1000x1xf32>
    %max3A = arith.constant 1.000000e+00 : f32
    %max3A_3 = vector.broadcast %max3A : f32 to vector<1000x1xf32>
    %max3A_4 = arith.maximumf %broadcast_in_dim3A, %max3A_3 : vector<1000x1xf32>
    %get3A_5 = arith.constant 0 : index
    %get3A_6 = arith.constant 0 : index
    %get3A_7 = vector.load %arg2[%get3A_5, %get3A_6] : memref<1000x128xf32, #tpu.memory_space<vmem>>, vector<1000x128xf32>
    %div3A = vector.broadcast %max3A_4 : vector<1000x1xf32> to vector<1000x128xf32>
    %div3A_8 = arith.divf %get3A_7, %div3A : vector<1000x128xf32>
    %get3A_9 = arith.constant 0 : index
    %get3A_10 = arith.constant 0 : index
    %get3A_11 = vector.load %arg1[%get3A_9, %get3A_10] : memref<1000x128xf32, #tpu.memory_space<vmem>>, vector<1000x128xf32>
    %get3A_12 = arith.constant 0 : index
    %get3A_13 = arith.constant 0 : index
    %get3A_14 = vector.load %arg4[%get3A_12, %get3A_13] : memref<128x128xf32, #tpu.memory_space<vmem>>, vector<128x128xf32>
    %dot_general3A = arith.constant dense<0.000000e+00> : vector<1000x128xf32>
    %dot_general3A_15 = tpu.matmul %div3A_8, %get3A_14, %dot_general3A {dimension_numbers = #tpu.dot_dimension_numbers<[1], [0], [0], [1], [0, 0, 1, 1], [], []>, transpose_lhs_hint = false} : vector<1000x128xf32>, vector<128x128xf32>, vector<1000x128xf32> -> vector<1000x128xf32>
    %add3A = arith.addf %get3A_11, %dot_general3A_15 : vector<1000x128xf32>
    %max3A_16 = arith.constant 0.000000e+00 : f32
    %max3A_17 = vector.broadcast %max3A_16 : f32 to vector<1000x128xf32>
    %max3A_18 = arith.maximumf %add3A, %max3A_17 : vector<1000x128xf32>
    %get3A_19 = arith.constant 0 : index
    %get3A_20 = arith.constant 0 : index
    %get3A_21 = vector.load %arg5[%get3A_19, %get3A_20] : memref<128x128xf32, #tpu.memory_space<vmem>>, vector<128x128xf32>
    %dot_general3A_22 = arith.constant dense<0.000000e+00> : vector<1000x128xf32>
    %dot_general3A_23 = tpu.matmul %max3A_18, %get3A_21, %dot_general3A_22 {dimension_numbers = #tpu.dot_dimension_numbers<[1], [0], [0], [1], [0, 0, 1, 1], [], []>, transpose_lhs_hint = false} : vector<1000x128xf32>, vector<128x128xf32>, vector<1000x128xf32> -> vector<1000x128xf32>
    %swap3A = arith.constant 0 : index
    %swap3A_24 = arith.constant 0 : index
    %swap3A_25 = vector.load %arg8[%swap3A, %swap3A_24] : memref<1000x128xf32, #tpu.memory_space<vmem>>, vector<1000x128xf32>
    tpu.vector_store %arg8[%swap3A, %swap3A_24], %dot_general3A_23 {strides = array<i32>} : memref<1000x128xf32, #tpu.memory_space<vmem>>, vector<1000x128xf32>,
    %get3A_26 = arith.constant 0 : index
    %get3A_27 = arith.constant 0 : index
    %get3A_28 = vector.load %arg6[%get3A_26, %get3A_27] : memref<128x64xf32, #tpu.memory_space<vmem>>, vector<128x64xf32>
    %dot_general3A_29 = arith.constant dense<0.000000e+00> : vector<1000x64xf32>
    %dot_general3A_30 = tpu.matmul %max3A_18, %get3A_28, %dot_general3A_29 {dimension_numbers = #tpu.dot_dimension_numbers<[1], [0], [0], [1], [0, 0, 1, 1], [], []>, transpose_lhs_hint = false} : vector<1000x128xf32>, vector<128x64xf32>, vector<1000x64xf32> -> vector<1000x64xf32>
    %get3A_31 = arith.constant 0 : index
    %get3A_32 = arith.constant 0 : index
    %get3A_33 = vector.load %arg7[%get3A_31, %get3A_32] : memref<1x64xf32, #tpu.memory_space<vmem>>, vector<1x64xf32>
    %add3A_34 = vector.broadcast %get3A_33 : vector<1x64xf32> to vector<1000x64xf32>
    %add3A_35 = arith.addf %dot_general3A_30, %add3A_34 : vector<1000x64xf32>
    %swap3A_36 = arith.constant 0 : index
    %swap3A_37 = arith.constant 0 : index
    %swap3A_38 = vector.load %arg9[%swap3A_36, %swap3A_37] : memref<1000x64xf32, #tpu.memory_space<vmem>>, vector<1000x64xf32>
    tpu.vector_store %arg9[%swap3A_36, %swap3A_37], %add3A_35 {strides = array<i32>} : memref<1000x64xf32, #tpu.memory_space<vmem>>, vector<1000x64xf32>,
    return
  }
  func.func @transform_0(%arg0: i32) -> (i32, i32) {
    %c0_i32 = arith.constant 0 : i32
    %c0_i32_0 = arith.constant 0 : i32
    return %arg0, %c0_i32 : i32, i32
  }
  func.func @transform_1(%arg0: i32) -> (i32, i32) {
    %c0_i32 = arith.constant 0 : i32
    %c0_i32_0 = arith.constant 0 : i32
    return %arg0, %c0_i32 : i32, i32
  }
  func.func @transform_2(%arg0: i32) -> (i32, i32) {
    %c0_i32 = arith.constant 0 : i32
    %c0_i32_0 = arith.constant 0 : i32
    return %arg0, %c0_i32 : i32, i32
  }
  func.func @transform_3(%arg0: i32) -> (i32, i32) {
    %c0_i32 = arith.constant 0 : i32
    %c0_i32_0 = arith.constant 0 : i32
    %c0_i32_1 = arith.constant 0 : i32
    return %c0_i32, %c0_i32_0 : i32, i32
  }
  func.func @transform_4(%arg0: i32) -> (i32, i32) {
    %c0_i32 = arith.constant 0 : i32
    %c0_i32_0 = arith.constant 0 : i32
    %c0_i32_1 = arith.constant 0 : i32
    return %c0_i32, %c0_i32_0 : i32, i32
  }
  func.func @transform_5(%arg0: i32) -> (i32, i32) {
    %c0_i32 = arith.constant 0 : i32
    %c0_i32_0 = arith.constant 0 : i32
    %c0_i32_1 = arith.constant 0 : i32
    return %c0_i32, %c0_i32_0 : i32, i32
  }
  func.func @transform_6(%arg0: i32) -> (i32, i32) {
    %c0_i32 = arith.constant 0 : i32
    %c0_i32_0 = arith.constant 0 : i32
    %c0_i32_1 = arith.constant 0 : i32
    return %c0_i32, %c0_i32_0 : i32, i32
  }
  func.func @transform_7(%arg0: i32) -> (i32, i32) {
    %c0_i32 = arith.constant 0 : i32
    %c0_i32_0 = arith.constant 0 : i32
    return %arg0, %c0_i32 : i32, i32
  }
  func.func @transform_8(%arg0: i32) -> (i32, i32) {
    %c0_i32 = arith.constant 0 : i32
    %c0_i32_0 = arith.constant 0 : i32
    return %arg0, %c0_i32 : i32, i32
  }
}

module attributes {stable_mosaic.version = 14 : i64} {
  func.func @_c_body(%arg0: i32, %arg1: memref<1000x64xf32, #tpu.memory_space<vmem>>, %arg2: memref<1000x128xf32, #tpu.memory_space<vmem>>, %arg3: memref<1000x32xf32, #tpu.memory_space<vmem>>, %arg4: memref<1000x64xf32, #tpu.memory_space<vmem>>) attributes {dimension_semantics = [#tpu.dimension_semantics<arbitrary>], iteration_bounds = array<i64: 10>, scalar_prefetch = 0 : i64, scratch_operands = 0 : i64, tpu.core_type = #tpu.core_type<tc>, window_params = [{transform_indices = @transform_0, window_bounds = array<i64: 1000, 64>}, {transform_indices = @transform_1, window_bounds = array<i64: 1000, 128>}, {transform_indices = @transform_2, window_bounds = array<i64: 1000, 32>}, {transform_indices = @transform_3, window_bounds = array<i64: 1000, 64>}]} {
    %get3A = arith.constant 0 : index
    %get3A_0 = arith.constant 0 : index
    %get3A_1 = vector.load %arg3[%get3A, %get3A_0] : memref<1000x32xf32, #tpu.memory_space<vmem>>, vector<1000x32xf32>
    %reduce_sum3A = arith.constant dense<0.000000e+00> : vector<1000xf32>
    %reduce_sum3A_2 = vector.multi_reduction <add>, %get3A_1, %reduce_sum3A [1] : vector<1000x32xf32> to vector<1000xf32>
    %broadcast_in_dim3A = vector.shape_cast %reduce_sum3A_2 : vector<1000xf32> to vector<1000x1xf32>
    %max3A = arith.constant 1.000000e+00 : f32
    %max3A_3 = vector.broadcast %max3A : f32 to vector<1000x1xf32>
    %max3A_4 = arith.maximumf %broadcast_in_dim3A, %max3A_3 : vector<1000x1xf32>
    %get3A_5 = arith.constant 0 : index
    %get3A_6 = arith.constant 0 : index
    %get3A_7 = vector.load %arg1[%get3A_5, %get3A_6] : memref<1000x64xf32, #tpu.memory_space<vmem>>, vector<1000x64xf32>
    %get3A_8 = arith.constant 0 : index
    %get3A_9 = arith.constant 0 : index
    %get3A_10 = vector.load %arg2[%get3A_8, %get3A_9] : memref<1000x128xf32, #tpu.memory_space<vmem>>, vector<1000x64xf32>
    %div3A = vector.broadcast %max3A_4 : vector<1000x1xf32> to vector<1000x64xf32>
    %div3A_11 = arith.divf %get3A_10, %div3A : vector<1000x64xf32>
    %add3A = arith.addf %get3A_7, %div3A_11 : vector<1000x64xf32>
    %swap3A = arith.constant 0 : index
    %swap3A_12 = arith.constant 0 : index
    %swap3A_13 = vector.load %arg4[%swap3A, %swap3A_12] : memref<1000x64xf32, #tpu.memory_space<vmem>>, vector<1000x64xf32>
    tpu.vector_store %arg4[%swap3A, %swap3A_12], %add3A {strides = array<i32>} : memref<1000x64xf32, #tpu.memory_space<vmem>>, vector<1000x64xf32>,
    return
  }
  func.func @transform_0(%arg0: i32) -> (i32, i32) {
    %c0_i32 = arith.constant 0 : i32
    %c0_i32_0 = arith.constant 0 : i32
    return %arg0, %c0_i32 : i32, i32
  }
  func.func @transform_1(%arg0: i32) -> (i32, i32) {
    %c0_i32 = arith.constant 0 : i32
    %c0_i32_0 = arith.constant 0 : i32
    return %arg0, %c0_i32 : i32, i32
  }
  func.func @transform_2(%arg0: i32) -> (i32, i32) {
    %c0_i32 = arith.constant 0 : i32
    %c0_i32_0 = arith.constant 0 : i32
    return %arg0, %c0_i32 : i32, i32
  }
  func.func @transform_3(%arg0: i32) -> (i32, i32) {
    %c0_i32 = arith.constant 0 : i32
    %c0_i32_0 = arith.constant 0 : i32
    return %arg0, %c0_i32 : i32, i32
  }
}

</mosaic_0001>

<sc_bundles>
// kernel: sage_sc_agg_g1.3.cloned.1.call-start
scs
__scs_entry_jumppad:
0x0: {  	(pc) =	sbr.rel $0x88, $3  }
0x1: {  	(tag) =	ssettag $0x0;
	lr =	simm.s32 $0x1  }
0x2: {  	[smem:$0x3F99] =	sst lr;
	_ =	strace $0xD0000000  }
0x3: {  	_ = 	snop  }
0x4: {  	_ = 	snop  }
0x5: {  	_ = 	snop  }
0x6: {  	_ = 	snop  }
0x7: {  	_ = 	snop  }
__scs_overlays_trampoline_lowered:
0x8: {  	[smem:$0x3FA8] =	sst s0  }
0x9: {  	[smem:$0x3FA9] =	sst s1  }
0xa: {  	[smem:$0x3FAA] =	sst s2  }
0xb: {  	[smem:$0x3FAB] =	sst s3  }
0xc: {  	[smem:$0x3FAC] =	sst s4  }
0xd: {  	[smem:$0x3FAD] =	sst s5  }
0xe: {  	[smem:$0x3FAE] =	sst s6  }
0xf: {  	[smem:$0x3FAF] =	sst s7  }
0x10: {  	[smem:$0x3FB0] =	sst s8  }
0x11: {  	[smem:$0x3FB1] =	sst s9;
	s0 =	simm.s32 @!p0 $0x0  }
0x12: {  	s1 =	sld [smem:$0x3F97];
	s0 =	simm.s32 @p0 $0x1  }
0x13: {  	[smem:$0x3FB2] =	sst s0;
	s0 =	simm.s32 @!p1 $0x0  }
0x14: {  	s2 =	sld [smem:$0x3F96];
	s0 =	simm.s32 @p1 $0x1  }
0x15: {  	[smem:$0x3FB3] =	sst s0;
	s0 =	simm.s32 @!p2 $0x0  }
0x16: {  	s3 =	sld [smem:$0x3FDB];
	s0 =	simm.s32 @p2 $0x1  }
0x17: {  	s4 =	simm.s32 $0x1BF5;
	[smem:$0x3FB5] =	sst s0  }
0x18: {  	s0 =	sld [smem:$0x3F98];
	_ =	swait.ge [sflag:s4], $0x0  }
0x19: {  	s7 =	sld [smem:$0x3F99]  }
0x1a: {  	s8 =	sadd.s32 $0xFFFFE003, lr  }
0x1b: {  	s9 =	sadd.s32 $0xFFFFFEF7, lr;
	s5 =	simm.s32 $0xFFFFFFFF;
	p2 =	slt.u32 s8, $0xFFFFF086  }
0x1c: {  	p1 =	slt.u32 s9, $0xF7A;
	s5 =	simm.s32 @!p2 $0x0  }
0x1d: {  	s5 =	simm.s32 @p1 $0x1;
	p0 =	seq.s32 s7, s2  }
0x1e: {  	s7 =	smul.u32 @!p0 $0xF7A, s2;
	p2 =	seq.s32 @!p0 s5, $0x0  }
0x1f: {  	s9 =	smul.u32 $0xF7A, s1;
	s8 =	simm.s32 @!p0 $0x1BF5;
	p2 =	por !p2, p0  }
0x20: {  	[sflag:s8] =	ssyncset.s32 @!p0 $0xFFFFF086;
	s6 =	sadd.s32 @!p0 s3, s7;
	s7 =	simm.s32 @!p0 $0x108  }
0x21: {  	s3 =	sadd.s32 s3, s9;
	s6 =	sadd.s32 @!p0 $0x88, s6;
	s7 =	simm.s32 @p2 $0x1082  }
0x22: {  	[simem:s7], [sflag:s8] =	dma.local @!p0 [hbm:s6], $0xF7A  }
0x23: {  	s9 =	sor.u32 $0xD0000000, s2;
	s6 =	simm.s32 $0x108;
	_ =	swait.ge @!p0 [sflag:s8], $0x0  }
0x24: {  	s3 =	sadd.s32 $0x88, s3;
	s6 =	simm.s32 @!p1 $0x1082;
	[sflag:s4] =	ssyncset.s32 $0xFFFFF086  }
0x25: {  	[simem:s6], [sflag:s4] =	dma.local [hbm:s3], $0xF7A  }
0x26: {  	[smem:$0x3F99] =	sst s1;
	(tag) =	ssettag s2;
	_ =	strace s9  }
0x27: {  	s1 =	sld [smem:$0x3FA9]  }
0x28: {  	s2 =	sld [smem:$0x3FAA]  }
0x29: {  	s4 =	sld [smem:$0x3FAC]  }
0x2a: {  	p0 =	seq.s32 s5, $0x0;
	s5 =	sld [smem:$0x3FAD]  }
0x2b: {  	s6 =	sld [smem:$0x3FAE]  }
0x2c: {  	s7 =	sld [smem:$0x3FAF]  }
0x2d: {  	s3 =	simm.s32 $0x108;
	s8 =	sld [smem:$0x3FB0]  }
0x2e: {  	s3 =	simm.s32 @!p0 $0x1082;
	s9 =	sld [smem:$0x3FB1]  }
0x2f: {  	lr =	sadd.s32 s0, s3;
	s0 =	sld [smem:$0x3FA8]  }
0x30: {  	s3 =	sld [smem:$0x3FAB]  }
0x31: {  	[smem:$0x3FB4] =	sst s10  }
0x32: {  	s10 =	sld [smem:$0x3FB2];
	_ =	sdelay $0x3  }
0x33: {  	p0 =	seq.s32 s10, $0x1;
	s10 =	sld [smem:$0x3FB4];
	_ =	sdelay $0x3  }
0x34: {  	[smem:$0x3FB4] =	sst s10  }
0x35: {  	s10 =	sld [smem:$0x3FB3];
	_ =	sdelay $0x3  }
0x36: {  	p1 =	seq.s32 s10, $0x1;
	s10 =	sld [smem:$0x3FB4];
	_ =	sdelay $0x3  }
0x37: {  	[smem:$0x3FB4] =	sst s10  }
0x38: {  	s10 =	sld [smem:$0x3FB5]  }
0x39: {  	_ = 	snop;
	(pc) =	sbr.ind lr, $3  }
0x3a: {  	_ = 	snop  }
0x3b: {  	_ = 	snop  }
0x3c: {  	p2 =	seq.s32 s10, $0x1;
	s10 =	sld [smem:$0x3FB4]  }
0x3d: {  	_ =	shalt  }
0x3e: {  	_ =	shalt  }
0x3f: {  	_ =	shalt  }
0x40: {  	_ =	shalt  }
0x41: {  	_ =	shalt  }
0x42: {  	_ =	shalt  }
0x43: {  	_ =	shalt  }
0x44: {  	_ =	shalt  }
0x45: {  	_ =	shalt  }
0x46: {  	_ =	shalt  }
0x47: {  	_ =	shalt  }
0x48: {  	_ =	shalt  }
0x49: {  	_ =	shalt  }
0x4a: {  	_ =	shalt  }
0x4b: {  	_ =	shalt  }
0x4c: {  	_ =	shalt  }
0x4d: {  	_ =	shalt  }
0x4e: {  	_ =	shalt  }
0x4f: {  	_ =	shalt  }
0x50: {  	_ =	shalt  }
0x51: {  	_ =	shalt  }
0x52: {  	_ =	shalt  }
0x53: {  	_ =	shalt  }
0x54: {  	_ =	shalt  }
0x55: {  	_ =	shalt  }
0x56: {  	_ =	shalt  }
0x57: {  	_ =	shalt  }
0x58: {  	_ =	shalt  }
0x59: {  	_ =	shalt  }
0x5a: {  	_ =	shalt  }
0x5b: {  	_ =	shalt  }
0x5c: {  	_ =	shalt  }
0x5d: {  	_ =	shalt  }
0x5e: {  	_ =	shalt  }
0x5f: {  	_ =	shalt  }
0x60: {  	_ =	shalt  }
0x61: {  	_ =	shalt  }
0x62: {  	_ =	shalt  }
0x63: {  	_ =	shalt  }
0x64: {  	_ =	shalt  }
0x65: {  	_ =	shalt  }
0x66: {  	_ =	shalt  }
0x67: {  	_ =	shalt  }
0x68: {  	_ =	shalt  }
0x69: {  	_ =	shalt  }
0x6a: {  	_ =	shalt  }
0x6b: {  	_ =	shalt  }
0x6c: {  	_ =	shalt  }
0x6d: {  	_ =	shalt  }
0x6e: {  	_ =	shalt  }
0x6f: {  	_ =	shalt  }
0x70: {  	_ =	shalt  }
0x71: {  	_ =	shalt  }
0x72: {  	_ =	shalt  }
0x73: {  	_ =	shalt  }
0x74: {  	_ =	shalt  }
0x75: {  	_ =	shalt  }
0x76: {  	_ =	shalt  }
0x77: {  	_ =	shalt  }
0x78: {  	_ =	shalt  }
0x79: {  	_ =	shalt  }
0x7a: {  	_ =	shalt  }
0x7b: {  	_ =	shalt  }
0x7c: {  	_ =	shalt  }
0x7d: {  	_ =	shalt  }
0x7e: {  	_ =	shalt  }
0x7f: {  	_ =	shalt  }
0x80: {  	_ =	shalt  }
0x81: {  	_ =	shalt  }
0x82: {  	_ =	shalt  }
0x83: {  	_ =	shalt  }
0x84: {  	_ =	shalt  }
0x85: {  	_ =	shalt  }
0x86: {  	_ =	shalt  }
0x87: {  	_ =	shalt  }
.Lfunc_end0:
.L_simem_size_0:
called_computation.2_lowered:
.L_overlay_start_0:
0x88: {  	s2 =	sld [smem:$0x3FD9]  }
0x89: {  	s3 =	sld [smem:$0x3FFE];
	_ =	sdelay $0x1  }
0x8a: {  	s1 =	srdreg.scid  }
0x8b: {  	s0 =	sand.u32 $0x1, s1  }
0x8c: {  	s16 =	sshll.u32 s0, $0xA;
	s2 =	sadd.s32 s3, s2  }
0x8d: {  	s2 =	sadd.s32 s2, s16  }
0x8e: {  	[smem:$0x3FC0] =	sst s2  }
0x8f: {  	_ = 	snop  }
0x90: {  	(tm) =	ssettm $0x1  }
0x91: {  	s17 =	sld [smem:$0x3FFB];
	_ =	sdelay $0x3  }
0x92: {  	_ =	strace s17  }
0x93: {  	s2 =	sld [smem:$0x3FFC];
	_ =	sdelay $0x3  }
0x94: {  	_ =	strace s2  }
0x95: {  	s2 =	sld [smem:$0x3FFD];
	_ =	sdelay $0x3  }
0x96: {  	_ =	strace s2  }
0x97: {  	_ =	strace $0x8FFFFFFF  }
0x98: {  	s18 =	sld [smem:$0x3FDB];
	_ =	sdelay $0x1  }
0x99: {  	s19 =	simm.s32 $_scs_section_size  }
0x9a: {  	s4 =	simm.s32 $_size__tile_overlayer_lowered;
	s5 =	simm.s32 $_tile_overlayer_lowered  }
0x9b: {  	s22 =	simm.s32 $0x1BFF;
	s21 =	sshll.u32 s5, $0x1;
	s2 =	sadd.s32 s19, s18  }
0x9c: {  	s6 =	simm.s32 $0x0;
	s20 =	sshll.u32 s4, $0x1;
	s4 =	sadd.s32 s21, s2  }
0x9d: {  	[timem:s6], [sflag:s22] =	dma.local [hbm:s4], s20  }
0x9e: {  	_ =	swait.ge [sflag:s22], s20  }
0x9f: {  	s3 =	ssub.s32 $0x0, s20;
	[sflag:s22] =	ssyncset.done $0x0  }
0xa0: {  	[sflag:s22] =	ssyncadd.s32 s3;
	_ =	sdelay $0x1  }
0xa1: {  	s23 =	simm.s32 $0x1B8B  }
0xa2: {  	_ =	swait.ge [sflag:s23], $0x1  }
0xa3: {  	[sflag:s23] =	ssyncset.done $0x0  }
0xa4: {  	s25 =	simm.s32 $0x1B8E;
	s24 =	sld [smem:$0x3FFE];
	[sflag:s23] =	ssyncadd.s32 $0xFFFFFFFF  }
0xa5: {  	s26 =	simm.s32 $execute0_lowered;
	[smem:$0x3FD2] =	sst s25  }
0xa6: {  	s4 =	sshll.u32 s26, $0x1;
	_ =	strace $0x8000004C;
	[dreg:$0x1] =	wrdreg $0xFFFFFFFF  }
0xa7: {  	s28 =	simm.s32 $_size_execute0_lowered;
	s2 =	sadd.s32 s2, s4;
	[dreg:$0x0] =	wrdreg $0x0  }
0xa8: {  	s4 =	sshll.u32 s28, $0x1;
	[dreg:$0x2] =	wrdreg s2  }
0xa9: {  	[dreg:$0x3] =	wrdreg s4  }
0xaa: {  	[dreg:$0x4] =	wrdreg $0xC0  }
0xab: {  	_ =	task [dreg:s6], $0x5FFFF  }
0xac: {  	[dreg:$0x1] =	wrdreg $0xFFFFFFFF  }
0xad: {  	[dreg:$0x0] =	wrdreg $0x60  }
0xae: {  	[dreg:$0x2] =	wrdreg s24  }
0xaf: {  	[dreg:$0x3] =	wrdreg $0x19E600  }
0xb0: {  	[dreg:$0x4] =	wrdreg $0x9  }
0xb1: {  	_ =	task.clear_ibuf [dreg:s6], $0x5FFFF;
	_ =	strace $0x9000004C  }
0xb2: {  	s29 =	simm.s32 $0x9;
	_ =	strace $0x8000004E  }
0xb3: {  	_ =	swait.ge [sflag:s29], $0x1  }
0xb4: {  	[sflag:s29] =	ssyncadd.s32 $0xFFFFFFFF  }
0xb5: {  	_ =	strace $0x9000004E  }
0xb6: {  	_ =	sfence  }
0xb7: {  	s30 =	sld [smem:$0x0];
	_ =	sdelay $0x2  }
0xb8: {  	s31 =	sshll.u32 s1, $0xD;
	s1 =	sshrl.u32 s1, $0x2  }
0xb9: {  	s3 =	sand.u32 $0x4000, s31;
	s1 =	sadd.s32 s1, s30  }
0xba: {  	s0 =	sor.u32 s3, s0;
	s1 =	sshll.u32 s1, $0x11  }
0xbb: {  	s0 =	sor.u32 s1, s0  }
0xbc: {  	s0 =	sadd.s32 $0x8F2B, s0  }
0xbd: {  	[sflag:s0] =	ssyncadd.remote.s32 $0x1  }
0xbe: {  	_ =	sfence.sel $0xFFFF  }
0xbf: {  	[dreg:$0x0] =	wrdreg $0xFFFFFFFF;
	(pc) =	sbr.abs _section_cstart, $3  }
0xc0: {  	[dreg:$0x1] =	wrdreg $0xFFFFFFFF  }
0xc1: {  	_ =	task.clear_ibuf [dreg:s6], $0x2FFFF;
	_ =	strace $0x9FFFFFFF  }
0xc2: {  	(tm) =	ssettm $0x7FFFFFFF  }
0xc3: {  	_ =	shalt  }
tec
execute0_lowered:
.L_overlay_start_1:
0x0: {  	(tag) =	ssettag $0x1  }
0x1: {  	s0 =	rddreg [dreg:$0x0]  }
0x2: {  	s2 =	rddreg [dreg:$0x1];
	s4 =	simm.s32 $0x0  }
0x3: {  	s3 =	stileid.u32;
	s1 =	srdreg.scid;
	s13 =	simm.s32 $0x50  }
0x4: {  	s15 =	simm.s32 $0xEA60;
	s19 =	simm.s32 $0xFE60;
	s23 =	simm.s32 $0x11260  }
0x5: {  	s28 =	simm.s32 $0x12660;
	s12 =	simm.s32 $0x14460;
	s14 =	simm.s32 $0x1  }
0x6: {  	s16 =	simm.s32 $0x5;
	s17 =	simm.s32 $0x7;
	s18 =	simm.s32 $0x9  }
0x7: {  	s20 =	simm.s32 $0xA;
	s24 =	simm.s32 $0x0;
	s29 =	smul.u32 $0x14000, s3  }
0x8: {  	[smem:$0x7FF] =	sst s4;
	s11 =	sand.u32 $0x1, s1;
	s5 =	smul.u32 $0x9C4, s3  }
0x9: {  	s4 =	sadd.s32 $0x16400, s0;
	s30 =	sshll.u32 s11, $0x5;
	s7 =	ssub.s32 $0x2, s11  }
0xa: {  	_ =	strace $0x8000004D;
	s6 =	sor.u32 s30, s29;
	s8 =	sshrl.u32 s7, $0x1  }
.Ltmp0:
0xb: {  	s9 =	sadd.s32 s5, s0;
	s1 =	sshrl.u32 s29, $0x2;
	(pc) =	sbr.rel .LBB2_1-.Ltmp0, $4  }
0xc: {  	s6 =	sshrl.u32 s6, $0x3;
	s10 =	ssub.s32 s7, s8;
	s31 =	sadd.s32 $0xC600, s9  }
0xd: {  	s7 =	sadd.s32 s1, s2;
	s1 =	simm.s32 $0x3;
	s0 =	sadd.s32 s6, s0  }
0xe: {  	[dreg:$0x3] =	wrdreg s31;
	s6 =	sadd.s32 $0x2800, s9;
	s9 =	smax.u32 s10, $0x1  }
0xf: {  	v1 =	vimm.f32 $0.0e+00;
	v0 =	vmov s11;
	s10 =	simm.s32 $0xB;
	s8 =	sadd.s32 $0x66400, s0;
	s0 =	simm.s32 $0x13A60  }
.LBB2_8:
0x10: {  	_ =	swait.ge [sflag:s20], $0xA00  }
0x11: {  	[sflag:s20] =	ssyncset.done $0x0  }
0x12: {  	s3 =	stileid.u32;
	[sflag:s20] =	ssyncadd.s32 $0xFFFFF600  }
0x13: {  	[spmem:s2] =	stream.indirect.scatter.add.f32 [tilespmem:s12], [sflag:$0xB], $0x20, s11, s13, $0xb8;
	[tilespmem:$0x1EE60] =	vst v63  }
0x14: {  	s5 =	sshrl.u32 s7, $0x3;
	s31 =	simm.s32 $0x10;
	_ =	swait.ge [sflag:s10], $0xA00  }
0x15: {  	s21 =	simm.s32 $0x4;
	s24 =	sadd.s32 $0x1, s24;
	[sflag:s10] =	ssyncset.done $0x0  }
0x16: {  	s3 =	sshll.u32 s3, $0x6;
	p0 =	sne.s32 s24, s9;
	[sflag:s10] =	ssyncadd.s32 $0xFFFFF600  }
.Ltmp1:
0x17: {  	s3 =	sor.u32 $0x1C0B, s3;
	[bflag:$0x0] =	sbarrier.arrive $0xFFFF;
	(pc) =	sbr.rel @!p0 .LBB2_9-.Ltmp1, $4  }
0x18: {  	[hbm:s8@s31], [sflag:s3] =	dma.strided [spmem:s5@s21], $0xA00, s14, $0x4   }
0x19: {  	_ =	swait.ge [sflag:s10], $0xA00  }
0x1a: {  	[sflag:s10] =	ssyncset.done $0x0  }
0x1b: {  	[sflag:s10] =	ssyncadd.s32 $0xFFFFF600  }
.LBB2_1:
0x1c: {  	s3 =	simm.s32 $0x0;
	s5 =	rddreg [dreg:$0x3]  }
0x1d: {  	[tilespmem:s3], [sflag:$0xB] =	stream.linear.gather [hbm4b:s5+s3], $0x4E20, $0x38;
	[tilespmem:$0x1EE60] =	vst v63  }
0x1e: {  	_ =	swait.ge [sflag:s10], $0x4E20  }
0x1f: {  	[sflag:s10] =	ssyncset.done $0x0  }
0x20: {  	s31 =	simm.s32 $0x4E20;
	[sflag:s10] =	ssyncadd.s32 $0xFFFFB1E0  }
0x21: {  	[tilespmem:s31], [sflag:$0xB] =	stream.linear.gather [hbm4b:s6+s3], $0x4E20, $0x38;
	[tilespmem:$0x1EE60] =	vst v63  }
0x22: {  	_ =	swait.ge [sflag:s10], $0x4E20  }
0x23: {  	[sflag:s10] =	ssyncset.done $0x0  }
0x24: {  	s11 =	simm.s32 $0x0;
	[sflag:s10] =	ssyncadd.s32 $0xFFFFB1E0  }
.LBB2_2:
0x25: {  	p0 =	sne.s32 s11, $0x13F80  }
.Ltmp2:
0x26: {  	_ = 	snop;
	(pc) =	sbr.rel @p0 .LBB2_2-.Ltmp2, $4  }
0x27: {  	_ = 	snop  }
0x28: {  	s21 =	sshra.s32 s11, $0x2  }
0x29: {  	[tilespmem:s21+$0x14E60] =	vst v1  }
0x2a: {  	s11 =	sadd.s32 $0x80, s11;
	[tilespmem:s21+$0x14E70] =	vst v1  }
0x2b: {  	s21 =	simm.s32 $0x0  }
0x2c: {  	v2 =	vld [tilespmem:s21+$0x40]  }
0x2d: {  	v3 =	vld [tilespmem:s21+$0x0]  }
0x2e: {  	v6 =	vld [tilespmem:s21+$0x10]  }
0x2f: {  	v7 =	vld [tilespmem:s21+$0x20]  }
0x30: {  	v8 =	vld [tilespmem:s21+$0x30]  }
0x31: {  	s11 =	simm.s32 $0x50;
	v4 =	vshll.u32 v2, $0x2  }
0x32: {  	v2 =	vld [tilespmem:s11+$0x40];
	v3 =	vshll.u32 v3, $0x2;
	v4 =	vor.u32 v0, v4  }
0x33: {  	v5 =	vld [tilespmem:s11+$0x0];
	v6 =	vshll.u32 v6, $0x2;
	v3 =	vor.u32 v0, v3;
	[tilespmem:s21+$0x9C80] =	vst v4  }
0x34: {  	v7 =	vshll.u32 v7, $0x2;
	v6 =	vor.u32 v0, v6;
	v4 =	vld [tilespmem:s11+$0x10];
	[tilespmem:s21+$0x9C40] =	vst v3  }
0x35: {  	v8 =	vshll.u32 v8, $0x2;
	v7 =	vor.u32 v0, v7;
	v3 =	vld [tilespmem:s11+$0x20];
	[tilespmem:s21+$0x9C50] =	vst v6  }
0x36: {  	s22 =	simm.s32 $0x280;
	v6 =	vld [tilespmem:s11+$0x30];
	[tilespmem:s21+$0x9C60] =	vst v7;
	v7 =	vor.u32 v0, v8  }
.LBB2_4:
0x37: {  	s25 =	sshra.s32 s22, $0x2;
	p0 =	sne.s32 s22, $0x13740;
	s22 =	sadd.s32 $0x140, s22;
	v8 =	vshll.u32 v2, $0x2;
	[tilespmem:s21+$0x9C70] =	vst v7  }
.Ltmp3:
0x38: {  	s21 =	smov.u32 s11;
	v2 =	vld [tilespmem:s25+$0x40];
	v7 =	vshll.u32 v5, $0x2;
	v8 =	vor.u32 v0, v8;
	s11 =	smov.u32 s25;
	(pc) =	sbr.rel @p0 .LBB2_4-.Ltmp3, $4  }
0x39: {  	v5 =	vld [tilespmem:s11+$0x0];
	v7 =	vor.u32 v0, v7;
	v9 =	vshll.u32 v4, $0x2;
	[tilespmem:s21+$0x9C80] =	vst v8  }
0x3a: {  	v4 =	vld [tilespmem:s11+$0x10];
	[tilespmem:s21+$0x9C40] =	vst v7;
	v7 =	vor.u32 v0, v9;
	v8 =	vshll.u32 v3, $0x2  }
0x3b: {  	v3 =	vld [tilespmem:s11+$0x20];
	[tilespmem:s21+$0x9C50] =	vst v7;
	v7 =	vor.u32 v0, v8;
	v8 =	vshll.u32 v6, $0x2  }
0x3c: {  	v6 =	vld [tilespmem:s11+$0x30];
	[tilespmem:s21+$0x9C60] =	vst v7;
	v7 =	vor.u32 v0, v8  }
0x3d: {  	v2 =	vshll.u32 v2, $0x2  }
0x3e: {  	[tilespmem:s21+$0x9C70] =	vst v7;
	v5 =	vshll.u32 v5, $0x2;
	v2 =	vor.u32 v0, v2  }
0x3f: {  	v5 =	vor.u32 v0, v5;
	v4 =	vshll.u32 v4, $0x2;
	[tilespmem:s11+$0x9C80] =	vst v2  }
0x40: {  	[tilespmem:s11+$0x9C40] =	vst v5;
	v2 =	vor.u32 v0, v4;
	v3 =	vshll.u32 v3, $0x2  }
0x41: {  	[tilespmem:s11+$0x9C50] =	vst v2;
	v2 =	vor.u32 v0, v3;
	v3 =	vshll.u32 v6, $0x2  }
0x42: {  	[tilespmem:s11+$0x9C60] =	vst v2;
	v2 =	vor.u32 v0, v3  }
0x43: {  	s3 =	simm.s32 $0x14E60;
	[tilespmem:s11+$0x9C70] =	vst v2  }
0x44: {  	[spmem:s7] =	stream.linear.scatter [tilespmem:s3], [sflag:$0xB], $0x5000, $0x38;
	[tilespmem:$0x1EE60] =	vst v63  }
0x45: {  	_ =	swait.ge [sflag:s10], $0x5000  }
0x46: {  	[sflag:s10] =	ssyncset.done $0x0  }
0x47: {  	[sflag:s10] =	ssyncadd.s32 $0xFFFFB000  }
0x48: {  	s25 =	simm.s32 $0x9C40;
	[bflag:$0x0] =	sbarrier.arrive $0xFFFF  }
0x49: {  	[tilespmem:s15], [sflag:$0x1] =	stream.indirect.gather [hbm4b:s4+s13], $0x20, s25, s13, $0xb8;
	[tilespmem:$0x1EE60] =	vst v63  }
0x4a: {  	s26 =	simm.s32 $0x9C90;
	s5 =	simm.s32 $0xF460  }
0x4b: {  	[tilespmem:s5], [sflag:$0x2] =	stream.indirect.gather [hbm4b:s4+s13], $0x20, s26, s13, $0xb8;
	[tilespmem:$0x1EE60] =	vst v63  }
0x4c: {  	s29 =	simm.s32 $0x9CE0  }
0x4d: {  	[tilespmem:s19], [sflag:$0x3] =	stream.indirect.gather [hbm4b:s4+s13], $0x20, s29, s13, $0xb8;
	[tilespmem:$0x1EE60] =	vst v63  }
0x4e: {  	s30 =	simm.s32 $0x9D30;
	s31 =	simm.s32 $0x10860  }
0x4f: {  	[tilespmem:s31], [sflag:$0x4] =	stream.indirect.gather [hbm4b:s4+s13], $0x20, s30, s13, $0xb8;
	[tilespmem:$0x1EE60] =	vst v63  }
0x50: {  	s11 =	simm.s32 $0x9D80  }
0x51: {  	[tilespmem:s23], [sflag:$0x5] =	stream.indirect.gather [hbm4b:s4+s13], $0x20, s11, s13, $0xb8;
	[tilespmem:$0x1EE60] =	vst v63  }
0x52: {  	s21 =	simm.s32 $0x9DD0;
	s22 =	simm.s32 $0x11C60  }
0x53: {  	[tilespmem:s22], [sflag:$0x6] =	stream.indirect.gather [hbm4b:s4+s13], $0x20, s21, s13, $0xb8;
	[tilespmem:$0x1EE60] =	vst v63  }
0x54: {  	s25 =	simm.s32 $0x9E20  }
0x55: {  	[tilespmem:s28], [sflag:$0x7] =	stream.indirect.gather [hbm4b:s4+s13], $0x20, s25, s13, $0xb8;
	[tilespmem:$0x1EE60] =	vst v63  }
0x56: {  	s26 =	simm.s32 $0x9E70;
	s29 =	simm.s32 $0x13060  }
0x57: {  	[tilespmem:s29], [sflag:$0x8] =	stream.indirect.gather [hbm4b:s4+s13], $0x20, s26, s13, $0xb8;
	[tilespmem:$0x1EE60] =	vst v63  }
0x58: {  	s30 =	simm.s32 $0x9EC0  }
0x59: {  	[tilespmem:s0], [sflag:$0x9] =	stream.indirect.gather [hbm4b:s4+s13], $0x20, s30, s13, $0xb8;
	[tilespmem:$0x1EE60] =	vst v63  }
0x5a: {  	s31 =	simm.s32 $0x9F10;
	s25 =	simm.s32 $0x0  }
0x5b: {  	[tilespmem:s12], [sflag:$0xA] =	stream.indirect.gather [hbm4b:s4+s13], $0x20, s31, s13, $0xb8;
	[tilespmem:$0x1EE60] =	vst v63  }
.LBB2_6:
0x5c: {  	_ =	swait.ge [sflag:s14], $0xA00  }
0x5d: {  	s26 =	sshra.s32 s25, $0x2;
	[sflag:s14] =	ssyncset.done $0x0  }
0x5e: {  	s11 =	sadd.s32 $0x4E20, s26;
	[sflag:s14] =	ssyncadd.s32 $0xFFFFF600  }
0x5f: {  	[spmem:s2] =	stream.indirect.scatter.add.f32 [tilespmem:s15], [sflag:$0xB], $0x20, s11, s13, $0xb8;
	[tilespmem:$0x1EE60] =	vst v63  }
0x60: {  	_ =	swait.ge [sflag:s10], $0xA00  }
0x61: {  	p0 =	seq.s32 s25, $0x12C00;
	[sflag:s10] =	ssyncset.done $0x0  }
0x62: {  	s11 =	simm.s32 @p0 $0x2;
	[sflag:s10] =	ssyncadd.s32 $0xFFFFF600  }
0x63: {  	_ =	swait.ge @p0 [sflag:s11], $0xA00  }
0x64: {  	s31 =	sshra.s32 @p0 s25, $0x2;
	s22 =	simm.s32 @p0 $0xF460;
	[sflag:s11] =	ssyncset.done @p0 $0x0  }
0x65: {  	s21 =	sadd.s32 @p0 $0x4E70, s31;
	[sflag:s11] =	ssyncadd.s32 @p0 $0xFFFFF600;
	s11 =	simm.s32 @p0 $0x50  }
0x66: {  	[spmem:s2] =	stream.indirect.scatter.add.f32 @p0 [tilespmem:s22], [sflag:$0xB], $0x20, s21, s11, $0xb8;
	[tilespmem:$0x1EE60] =	vst v63  }
0x67: {  	s21 =	simm.s32 @p0 $0xB  }
0x68: {  	_ =	swait.ge @p0 [sflag:s21], $0xA00  }
0x69: {  	s29 =	sshra.s32 @!p0 s25, $0x2;
	s30 =	simm.s32 @!p0 $0x50;
	[sflag:s21] =	ssyncset.done @p0 $0x0  }
0x6a: {  	s3 =	simm.s32 @!p0 $0xEA60;
	s22 =	sadd.s32 @!p0 $0x9F60, s29;
	[sflag:s21] =	ssyncadd.s32 @p0 $0xFFFFF600  }
0x6b: {  	[tilespmem:s3], [sflag:$0x1] =	stream.indirect.gather @!p0 [hbm4b:s4+s30], $0x20, s22, s30, $0xb8;
	[tilespmem:$0x1EE60] =	vst v63  }
0x6c: {  	s3 =	simm.s32 @!p0 $0x2  }
0x6d: {  	_ =	swait.ge @!p0 [sflag:s3], $0xA00  }
0x6e: {  	s5 =	simm.s32 @!p0 $0xF460;
	[sflag:s3] =	ssyncset.done @!p0 $0x0  }
0x6f: {  	s22 =	simm.s32 @!p0 $0xB;
	[sflag:s3] =	ssyncadd.s32 @!p0 $0xFFFFF600;
	s3 =	sadd.s32 @!p0 $0x4E70, s29  }
0x70: {  	[spmem:s2] =	stream.indirect.scatter.add.f32 @!p0 [tilespmem:s5], [sflag:$0xB], $0x20, s3, s30, $0xb8;
	[tilespmem:$0x1EE60] =	vst v63  }
0x71: {  	_ =	swait.ge @!p0 [sflag:s22], $0xA00  }
0x72: {  	[sflag:s22] =	ssyncset.done @!p0 $0x0  }
0x73: {  	s3 =	sadd.s32 @!p0 $0x9FB0, s29;
	[sflag:s22] =	ssyncadd.s32 @!p0 $0xFFFFF600  }
0x74: {  	[tilespmem:s5], [sflag:$0x2] =	stream.indirect.gather @!p0 [hbm4b:s4+s30], $0x20, s3, s30, $0xb8;
	[tilespmem:$0x1EE60] =	vst v63  }
0x75: {  	_ =	swait.ge [sflag:s1], $0xA00  }
0x76: {  	[sflag:s1] =	ssyncset.done $0x0  }
0x77: {  	s5 =	sadd.s32 $0x4EC0, s26;
	[sflag:s1] =	ssyncadd.s32 $0xFFFFF600  }
0x78: {  	[spmem:s2] =	stream.indirect.scatter.add.f32 [tilespmem:s19], [sflag:$0xB], $0x20, s5, s13, $0xb8;
	[tilespmem:$0x1EE60] =	vst v63  }
0x79: {  	_ =	swait.ge [sflag:s10], $0xA00  }
0x7a: {  	[sflag:s10] =	ssyncset.done $0x0  }
0x7b: {  	s3 =	simm.s32 @p0 $0x4;
	[sflag:s10] =	ssyncadd.s32 $0xFFFFF600  }
0x7c: {  	_ =	swait.ge @p0 [sflag:s3], $0xA00  }
0x7d: {  	[sflag:s3] =	ssyncset.done @p0 $0x0  }
0x7e: {  	s5 =	simm.s32 @p0 $0x10860;
	[sflag:s3] =	ssyncadd.s32 @p0 $0xFFFFF600;
	s3 =	sadd.s32 @p0 $0x4F10, s31  }
0x7f: {  	[spmem:s2] =	stream.indirect.scatter.add.f32 @p0 [tilespmem:s5], [sflag:$0xB], $0x20, s3, s11, $0xb8;
	[tilespmem:$0x1EE60] =	vst v63  }
0x80: {  	_ =	swait.ge @p0 [sflag:s21], $0xA00  }
0x81: {  	[sflag:s21] =	ssyncset.done @p0 $0x0  }
0x82: {  	s3 =	sadd.s32 @!p0 $0xA000, s29;
	s5 =	simm.s32 @!p0 $0xFE60;
	[sflag:s21] =	ssyncadd.s32 @p0 $0xFFFFF600  }
0x83: {  	[tilespmem:s5], [sflag:$0x3] =	stream.indirect.gather @!p0 [hbm4b:s4+s30], $0x20, s3, s30, $0xb8;
	[tilespmem:$0x1EE60] =	vst v63  }
0x84: {  	s3 =	simm.s32 @!p0 $0x4  }
0x85: {  	_ =	swait.ge @!p0 [sflag:s3], $0xA00  }
0x86: {  	[sflag:s3] =	ssyncset.done @!p0 $0x0  }
0x87: {  	s5 =	simm.s32 @!p0 $0x10860;
	[sflag:s3] =	ssyncadd.s32 @!p0 $0xFFFFF600;
	s3 =	sadd.s32 @!p0 $0x4F10, s29  }
0x88: {  	[spmem:s2] =	stream.indirect.scatter.add.f32 @!p0 [tilespmem:s5], [sflag:$0xB], $0x20, s3, s30, $0xb8;
	[tilespmem:$0x1EE60] =	vst v63  }
0x89: {  	_ =	swait.ge @!p0 [sflag:s22], $0xA00  }
0x8a: {  	[sflag:s22] =	ssyncset.done @!p0 $0x0  }
0x8b: {  	s3 =	sadd.s32 @!p0 $0xA050, s29;
	[sflag:s22] =	ssyncadd.s32 @!p0 $0xFFFFF600  }
0x8c: {  	[tilespmem:s5], [sflag:$0x4] =	stream.indirect.gather @!p0 [hbm4b:s4+s30], $0x20, s3, s30, $0xb8;
	[tilespmem:$0x1EE60] =	vst v63  }
0x8d: {  	_ =	swait.ge [sflag:s16], $0xA00  }
0x8e: {  	[sflag:s16] =	ssyncset.done $0x0  }
0x8f: {  	s5 =	sadd.s32 $0x4F60, s26;
	[sflag:s16] =	ssyncadd.s32 $0xFFFFF600  }
0x90: {  	[spmem:s2] =	stream.indirect.scatter.add.f32 [tilespmem:s23], [sflag:$0xB], $0x20, s5, s13, $0xb8;
	[tilespmem:$0x1EE60] =	vst v63  }
0x91: {  	_ =	swait.ge [sflag:s10], $0xA00  }
0x92: {  	[sflag:s10] =	ssyncset.done $0x0  }
0x93: {  	s3 =	simm.s32 @p0 $0x6;
	[sflag:s10] =	ssyncadd.s32 $0xFFFFF600  }
0x94: {  	_ =	swait.ge @p0 [sflag:s3], $0xA00  }
0x95: {  	[sflag:s3] =	ssyncset.done @p0 $0x0  }
0x96: {  	s5 =	simm.s32 @p0 $0x11C60;
	[sflag:s3] =	ssyncadd.s32 @p0 $0xFFFFF600;
	s3 =	sadd.s32 @p0 $0x4FB0, s31  }
0x97: {  	[spmem:s2] =	stream.indirect.scatter.add.f32 @p0 [tilespmem:s5], [sflag:$0xB], $0x20, s3, s11, $0xb8;
	[tilespmem:$0x1EE60] =	vst v63  }
0x98: {  	_ =	swait.ge @p0 [sflag:s21], $0xA00  }
0x99: {  	[sflag:s21] =	ssyncset.done @p0 $0x0  }
0x9a: {  	s3 =	sadd.s32 @!p0 $0xA0A0, s29;
	s5 =	simm.s32 @!p0 $0x11260;
	[sflag:s21] =	ssyncadd.s32 @p0 $0xFFFFF600  }
0x9b: {  	[tilespmem:s5], [sflag:$0x5] =	stream.indirect.gather @!p0 [hbm4b:s4+s30], $0x20, s3, s30, $0xb8;
	[tilespmem:$0x1EE60] =	vst v63  }
0x9c: {  	s3 =	simm.s32 @!p0 $0x6  }
0x9d: {  	_ =	swait.ge @!p0 [sflag:s3], $0xA00  }
0x9e: {  	[sflag:s3] =	ssyncset.done @!p0 $0x0  }
0x9f: {  	s5 =	simm.s32 @!p0 $0x11C60;
	[sflag:s3] =	ssyncadd.s32 @!p0 $0xFFFFF600;
	s3 =	sadd.s32 @!p0 $0x4FB0, s29  }
0xa0: {  	[spmem:s2] =	stream.indirect.scatter.add.f32 @!p0 [tilespmem:s5], [sflag:$0xB], $0x20, s3, s30, $0xb8;
	[tilespmem:$0x1EE60] =	vst v63  }
0xa1: {  	_ =	swait.ge @!p0 [sflag:s22], $0xA00  }
0xa2: {  	[sflag:s22] =	ssyncset.done @!p0 $0x0  }
0xa3: {  	s3 =	sadd.s32 @!p0 $0xA0F0, s29;
	[sflag:s22] =	ssyncadd.s32 @!p0 $0xFFFFF600  }
0xa4: {  	[tilespmem:s5], [sflag:$0x6] =	stream.indirect.gather @!p0 [hbm4b:s4+s30], $0x20, s3, s30, $0xb8;
	[tilespmem:$0x1EE60] =	vst v63  }
0xa5: {  	_ =	swait.ge [sflag:s17], $0xA00  }
0xa6: {  	[sflag:s17] =	ssyncset.done $0x0  }
0xa7: {  	s5 =	sadd.s32 $0x5000, s26;
	[sflag:s17] =	ssyncadd.s32 $0xFFFFF600  }
0xa8: {  	[spmem:s2] =	stream.indirect.scatter.add.f32 [tilespmem:s28], [sflag:$0xB], $0x20, s5, s13, $0xb8;
	[tilespmem:$0x1EE60] =	vst v63  }
0xa9: {  	_ =	swait.ge [sflag:s10], $0xA00  }
0xaa: {  	[sflag:s10] =	ssyncset.done $0x0  }
0xab: {  	s3 =	simm.s32 @p0 $0x8;
	[sflag:s10] =	ssyncadd.s32 $0xFFFFF600  }
0xac: {  	_ =	swait.ge @p0 [sflag:s3], $0xA00  }
0xad: {  	[sflag:s3] =	ssyncset.done @p0 $0x0  }
0xae: {  	s5 =	simm.s32 @p0 $0x13060;
	[sflag:s3] =	ssyncadd.s32 @p0 $0xFFFFF600;
	s3 =	sadd.s32 @p0 $0x5050, s31  }
0xaf: {  	[spmem:s2] =	stream.indirect.scatter.add.f32 @p0 [tilespmem:s5], [sflag:$0xB], $0x20, s3, s11, $0xb8;
	[tilespmem:$0x1EE60] =	vst v63  }
0xb0: {  	_ =	swait.ge @p0 [sflag:s21], $0xA00  }
0xb1: {  	[sflag:s21] =	ssyncset.done @p0 $0x0  }
0xb2: {  	s3 =	sadd.s32 @!p0 $0xA140, s29;
	s5 =	simm.s32 @!p0 $0x12660;
	[sflag:s21] =	ssyncadd.s32 @p0 $0xFFFFF600  }
0xb3: {  	[tilespmem:s5], [sflag:$0x7] =	stream.indirect.gather @!p0 [hbm4b:s4+s30], $0x20, s3, s30, $0xb8;
	[tilespmem:$0x1EE60] =	vst v63  }
0xb4: {  	s3 =	simm.s32 @!p0 $0x8  }
0xb5: {  	_ =	swait.ge @!p0 [sflag:s3], $0xA00  }
0xb6: {  	[sflag:s3] =	ssyncset.done @!p0 $0x0  }
0xb7: {  	s5 =	simm.s32 @!p0 $0x13060;
	[sflag:s3] =	ssyncadd.s32 @!p0 $0xFFFFF600;
	s3 =	sadd.s32 @!p0 $0x5050, s29  }
0xb8: {  	[spmem:s2] =	stream.indirect.scatter.add.f32 @!p0 [tilespmem:s5], [sflag:$0xB], $0x20, s3, s30, $0xb8;
	[tilespmem:$0x1EE60] =	vst v63  }
0xb9: {  	_ =	swait.ge @!p0 [sflag:s22], $0xA00  }
0xba: {  	[sflag:s22] =	ssyncset.done @!p0 $0x0  }
0xbb: {  	s3 =	sadd.s32 @!p0 $0xA190, s29;
	[sflag:s22] =	ssyncadd.s32 @!p0 $0xFFFFF600  }
0xbc: {  	[tilespmem:s5], [sflag:$0x8] =	stream.indirect.gather @!p0 [hbm4b:s4+s30], $0x20, s3, s30, $0xb8;
	[tilespmem:$0x1EE60] =	vst v63  }
0xbd: {  	_ =	swait.ge [sflag:s18], $0xA00  }
0xbe: {  	[sflag:s18] =	ssyncset.done $0x0  }
.Ltmp4:
0xbf: {  	s31 =	sadd.s32 $0x50A0, s26;
	[sflag:s18] =	ssyncadd.s32 $0xFFFFF600;
	(pc) =	sbr.rel @p0 .LBB2_8-.Ltmp4, $4  }
0xc0: {  	[spmem:s2] =	stream.indirect.scatter.add.f32 [tilespmem:s0], [sflag:$0xB], $0x20, s31, s13, $0xb8;
	[tilespmem:$0x1EE60] =	vst v63  }
0xc1: {  	_ =	swait.ge [sflag:s10], $0xA00  }
0xc2: {  	[sflag:s10] =	ssyncset.done $0x0  }
0xc3: {  	s11 =	sadd.s32 $0x50F0, s26;
	[sflag:s10] =	ssyncadd.s32 $0xFFFFF600  }
0xc4: {  	s3 =	sadd.s32 $0xA1E0, s26  }
0xc5: {  	[tilespmem:s0], [sflag:$0x9] =	stream.indirect.gather [hbm4b:s4+s13], $0x20, s3, s13, $0xb8;
	[tilespmem:$0x1EE60] =	vst v63  }
0xc6: {  	_ =	swait.ge [sflag:s20], $0xA00  }
0xc7: {  	[sflag:s20] =	ssyncset.done $0x0  }
0xc8: {  	[sflag:s20] =	ssyncadd.s32 $0xFFFFF600  }
0xc9: {  	[spmem:s2] =	stream.indirect.scatter.add.f32 [tilespmem:s12], [sflag:$0xB], $0x20, s11, s13, $0xb8;
	[tilespmem:$0x1EE60] =	vst v63  }
.Ltmp5:
0xca: {  	_ = 	snop;
	(pc) =	sbr.rel .LBB2_6-.Ltmp5, $4  }
0xcb: {  	_ =	swait.ge [sflag:s10], $0xA00  }
0xcc: {  	[sflag:s10] =	ssyncset.done $0x0  }
0xcd: {  	s31 =	sadd.s32 $0xA230, s26;
	s25 =	sadd.s32 $0xC80, s25;
	[sflag:s10] =	ssyncadd.s32 $0xFFFFF600  }
0xce: {  	[tilespmem:s12], [sflag:$0xA] =	stream.indirect.gather [hbm4b:s4+s13], $0x20, s31, s13, $0xb8;
	[tilespmem:$0x1EE60] =	vst v63  }
.LBB2_9:
0xcf: {  	_ =	sfence.sel $0x180000  }
0xd0: {  	[bflag:$0x0] =	sbarrier.arrive $0xFFFF  }
0xd1: {  	_ =	strace $0x9000004D  }
0xd2: {  	s0 =	stileid.u32;
	[bflag:$0x2] =	sbarrier.arrive $0xFFFF  }
0xd3: {  	p0 =	sne.s32 s0, $0x0;
	s0 =	rddreg [dreg:$0x2]  }
0xd4: {  	s0 =	sadd.s32 @!p0 $0x100000, s0  }
0xd5: {  	[sflag:s0] =	ssyncadd.tile.s32 @!p0 $0x1;
	_ =	shalt  }
.Lfunc_end2:
_tile_overlayer_lowered:
.L_overlay_start_2:
0xd6: {  	(tag) =	ssettag $0x2  }
0xd7: {  	s0 =	rddreg [dreg:$0x0];
	s2 =	stileid.u32  }
0xd8: {  	s1 =	rddreg [dreg:$0x1];
	p0 =	sne.s32 s2, $0x0  }
0xd9: {  	s3 =	rddreg [dreg:$0x2];
	[bflag:$0x3] =	sbarrier.arrive $0xFFFF;
	s2 =	simm.s32 @!p0 $0x1C0B  }
0xda: {  	[timem:s3], [sflag:s2] =	dma.local @!p0 [hbm:s0], s1  }
0xdb: {  	s0 =	simm.s32 @!p0 $0xB  }
0xdc: {  	_ =	swait.ge @!p0 [sflag:s0], s1  }
0xdd: {  	s1 =	ssub.s32 @!p0 $0x0, s1;
	[sflag:s0] =	ssyncset.done @!p0 $0x0  }
0xde: {  	[sflag:s0] =	ssyncadd.s32 @!p0 s1  }
0xdf: {  	[bflag:$0x3] =	sbarrier.arrive $0xFFFF  }
0xe0: {  	_ =	shalt  }

// kernel: sage_sc_agg_g2.3.cloned.1.call-start
scs
__scs_entry_jumppad:
0x0: {  	(pc) =	sbr.rel $0x88, $3  }
0x1: {  	(tag) =	ssettag $0x0;
	lr =	simm.s32 $0x1  }
0x2: {  	[smem:$0x3F99] =	sst lr;
	_ =	strace $0xD0000000  }
0x3: {  	_ = 	snop  }
0x4: {  	_ = 	snop  }
0x5: {  	_ = 	snop  }
0x6: {  	_ = 	snop  }
0x7: {  	_ = 	snop  }
__scs_overlays_trampoline_lowered:
0x8: {  	[smem:$0x3FA8] =	sst s0  }
0x9: {  	[smem:$0x3FA9] =	sst s1  }
0xa: {  	[smem:$0x3FAA] =	sst s2  }
0xb: {  	[smem:$0x3FAB] =	sst s3  }
0xc: {  	[smem:$0x3FAC] =	sst s4  }
0xd: {  	[smem:$0x3FAD] =	sst s5  }
0xe: {  	[smem:$0x3FAE] =	sst s6  }
0xf: {  	[smem:$0x3FAF] =	sst s7  }
0x10: {  	[smem:$0x3FB0] =	sst s8  }
0x11: {  	[smem:$0x3FB1] =	sst s9;
	s0 =	simm.s32 @!p0 $0x0  }
0x12: {  	s1 =	sld [smem:$0x3F97];
	s0 =	simm.s32 @p0 $0x1  }
0x13: {  	[smem:$0x3FB2] =	sst s0;
	s0 =	simm.s32 @!p1 $0x0  }
0x14: {  	s2 =	sld [smem:$0x3F96];
	s0 =	simm.s32 @p1 $0x1  }
0x15: {  	[smem:$0x3FB3] =	sst s0;
	s0 =	simm.s32 @!p2 $0x0  }
0x16: {  	s3 =	sld [smem:$0x3FDB];
	s0 =	simm.s32 @p2 $0x1  }
0x17: {  	s4 =	simm.s32 $0x1BF5;
	[smem:$0x3FB5] =	sst s0  }
0x18: {  	s0 =	sld [smem:$0x3F98];
	_ =	swait.ge [sflag:s4], $0x0  }
0x19: {  	s7 =	sld [smem:$0x3F99]  }
0x1a: {  	s8 =	sadd.s32 $0xFFFFE003, lr  }
0x1b: {  	s9 =	sadd.s32 $0xFFFFFEF7, lr;
	s5 =	simm.s32 $0xFFFFFFFF;
	p2 =	slt.u32 s8, $0xFFFFF086  }
0x1c: {  	p1 =	slt.u32 s9, $0xF7A;
	s5 =	simm.s32 @!p2 $0x0  }
0x1d: {  	s5 =	simm.s32 @p1 $0x1;
	p0 =	seq.s32 s7, s2  }
0x1e: {  	s7 =	smul.u32 @!p0 $0xF7A, s2;
	p2 =	seq.s32 @!p0 s5, $0x0  }
0x1f: {  	s9 =	smul.u32 $0xF7A, s1;
	s8 =	simm.s32 @!p0 $0x1BF5;
	p2 =	por !p2, p0  }
0x20: {  	[sflag:s8] =	ssyncset.s32 @!p0 $0xFFFFF086;
	s6 =	sadd.s32 @!p0 s3, s7;
	s7 =	simm.s32 @!p0 $0x108  }
0x21: {  	s3 =	sadd.s32 s3, s9;
	s6 =	sadd.s32 @!p0 $0x88, s6;
	s7 =	simm.s32 @p2 $0x1082  }
0x22: {  	[simem:s7], [sflag:s8] =	dma.local @!p0 [hbm:s6], $0xF7A  }
0x23: {  	s9 =	sor.u32 $0xD0000000, s2;
	s6 =	simm.s32 $0x108;
	_ =	swait.ge @!p0 [sflag:s8], $0x0  }
0x24: {  	s3 =	sadd.s32 $0x88, s3;
	s6 =	simm.s32 @!p1 $0x1082;
	[sflag:s4] =	ssyncset.s32 $0xFFFFF086  }
0x25: {  	[simem:s6], [sflag:s4] =	dma.local [hbm:s3], $0xF7A  }
0x26: {  	[smem:$0x3F99] =	sst s1;
	(tag) =	ssettag s2;
	_ =	strace s9  }
0x27: {  	s1 =	sld [smem:$0x3FA9]  }
0x28: {  	s2 =	sld [smem:$0x3FAA]  }
0x29: {  	s4 =	sld [smem:$0x3FAC]  }
0x2a: {  	p0 =	seq.s32 s5, $0x0;
	s5 =	sld [smem:$0x3FAD]  }
0x2b: {  	s6 =	sld [smem:$0x3FAE]  }
0x2c: {  	s7 =	sld [smem:$0x3FAF]  }
0x2d: {  	s3 =	simm.s32 $0x108;
	s8 =	sld [smem:$0x3FB0]  }
0x2e: {  	s3 =	simm.s32 @!p0 $0x1082;
	s9 =	sld [smem:$0x3FB1]  }
0x2f: {  	lr =	sadd.s32 s0, s3;
	s0 =	sld [smem:$0x3FA8]  }
0x30: {  	s3 =	sld [smem:$0x3FAB]  }
0x31: {  	[smem:$0x3FB4] =	sst s10  }
0x32: {  	s10 =	sld [smem:$0x3FB2];
	_ =	sdelay $0x3  }
0x33: {  	p0 =	seq.s32 s10, $0x1;
	s10 =	sld [smem:$0x3FB4];
	_ =	sdelay $0x3  }
0x34: {  	[smem:$0x3FB4] =	sst s10  }
0x35: {  	s10 =	sld [smem:$0x3FB3];
	_ =	sdelay $0x3  }
0x36: {  	p1 =	seq.s32 s10, $0x1;
	s10 =	sld [smem:$0x3FB4];
	_ =	sdelay $0x3  }
0x37: {  	[smem:$0x3FB4] =	sst s10  }
0x38: {  	s10 =	sld [smem:$0x3FB5]  }
0x39: {  	_ = 	snop;
	(pc) =	sbr.ind lr, $3  }
0x3a: {  	_ = 	snop  }
0x3b: {  	_ = 	snop  }
0x3c: {  	p2 =	seq.s32 s10, $0x1;
	s10 =	sld [smem:$0x3FB4]  }
0x3d: {  	_ =	shalt  }
0x3e: {  	_ =	shalt  }
0x3f: {  	_ =	shalt  }
0x40: {  	_ =	shalt  }
0x41: {  	_ =	shalt  }
0x42: {  	_ =	shalt  }
0x43: {  	_ =	shalt  }
0x44: {  	_ =	shalt  }
0x45: {  	_ =	shalt  }
0x46: {  	_ =	shalt  }
0x47: {  	_ =	shalt  }
0x48: {  	_ =	shalt  }
0x49: {  	_ =	shalt  }
0x4a: {  	_ =	shalt  }
0x4b: {  	_ =	shalt  }
0x4c: {  	_ =	shalt  }
0x4d: {  	_ =	shalt  }
0x4e: {  	_ =	shalt  }
0x4f: {  	_ =	shalt  }
0x50: {  	_ =	shalt  }
0x51: {  	_ =	shalt  }
0x52: {  	_ =	shalt  }
0x53: {  	_ =	shalt  }
0x54: {  	_ =	shalt  }
0x55: {  	_ =	shalt  }
0x56: {  	_ =	shalt  }
0x57: {  	_ =	shalt  }
0x58: {  	_ =	shalt  }
0x59: {  	_ =	shalt  }
0x5a: {  	_ =	shalt  }
0x5b: {  	_ =	shalt  }
0x5c: {  	_ =	shalt  }
0x5d: {  	_ =	shalt  }
0x5e: {  	_ =	shalt  }
0x5f: {  	_ =	shalt  }
0x60: {  	_ =	shalt  }
0x61: {  	_ =	shalt  }
0x62: {  	_ =	shalt  }
0x63: {  	_ =	shalt  }
0x64: {  	_ =	shalt  }
0x65: {  	_ =	shalt  }
0x66: {  	_ =	shalt  }
0x67: {  	_ =	shalt  }
0x68: {  	_ =	shalt  }
0x69: {  	_ =	shalt  }
0x6a: {  	_ =	shalt  }
0x6b: {  	_ =	shalt  }
0x6c: {  	_ =	shalt  }
0x6d: {  	_ =	shalt  }
0x6e: {  	_ =	shalt  }
0x6f: {  	_ =	shalt  }
0x70: {  	_ =	shalt  }
0x71: {  	_ =	shalt  }
0x72: {  	_ =	shalt  }
0x73: {  	_ =	shalt  }
0x74: {  	_ =	shalt  }
0x75: {  	_ =	shalt  }
0x76: {  	_ =	shalt  }
0x77: {  	_ =	shalt  }
0x78: {  	_ =	shalt  }
0x79: {  	_ =	shalt  }
0x7a: {  	_ =	shalt  }
0x7b: {  	_ =	shalt  }
0x7c: {  	_ =	shalt  }
0x7d: {  	_ =	shalt  }
0x7e: {  	_ =	shalt  }
0x7f: {  	_ =	shalt  }
0x80: {  	_ =	shalt  }
0x81: {  	_ =	shalt  }
0x82: {  	_ =	shalt  }
0x83: {  	_ =	shalt  }
0x84: {  	_ =	shalt  }
0x85: {  	_ =	shalt  }
0x86: {  	_ =	shalt  }
0x87: {  	_ =	shalt  }
.Lfunc_end0:
.L_simem_size_0:
called_computation.1_lowered:
.L_overlay_start_0:
0x88: {  	s2 =	sld [smem:$0x3FD9]  }
0x89: {  	s3 =	sld [smem:$0x3FFE];
	_ =	sdelay $0x1  }
0x8a: {  	s1 =	srdreg.scid  }
0x8b: {  	s0 =	sand.u32 $0x1, s1  }
0x8c: {  	s17 =	sshll.u32 s0, $0xA;
	s2 =	sadd.s32 s3, s2  }
0x8d: {  	s2 =	sadd.s32 s2, s17  }
0x8e: {  	[smem:$0x3FC0] =	sst s2  }
0x8f: {  	_ = 	snop  }
0x90: {  	s18 =	sld [smem:$0x3FC9];
	(tm) =	ssettm $0x1  }
0x91: {  	s19 =	sld [smem:$0x3FFB];
	_ =	sdelay $0x3  }
0x92: {  	_ =	strace s19  }
0x93: {  	s2 =	sld [smem:$0x3FFC];
	_ =	sdelay $0x3  }
0x94: {  	_ =	strace s2  }
0x95: {  	s2 =	sld [smem:$0x3FFD];
	_ =	sdelay $0x3  }
0x96: {  	_ =	strace s2  }
0x97: {  	_ =	strace $0x8FFFFFFF  }
0x98: {  	s20 =	sld [smem:$0x3FDB];
	_ =	sdelay $0x1  }
0x99: {  	s4 =	simm.s32 $_scs_section_size  }
0x9a: {  	s5 =	simm.s32 $_size__tile_overlayer_lowered;
	s6 =	simm.s32 $_tile_overlayer_lowered  }
0x9b: {  	s7 =	simm.s32 $0x1BFF;
	s21 =	sshll.u32 s6, $0x1;
	s4 =	sadd.s32 s4, s20  }
0x9c: {  	s22 =	simm.s32 $0x0;
	s5 =	sshll.u32 s5, $0x1;
	s6 =	sadd.s32 s21, s4  }
0x9d: {  	[timem:s22], [sflag:s7] =	dma.local [hbm:s6], s5  }
0x9e: {  	_ =	swait.ge [sflag:s7], s5  }
0x9f: {  	s5 =	ssub.s32 $0x0, s5;
	[sflag:s7] =	ssyncset.done $0x0  }
0xa0: {  	[sflag:s7] =	ssyncadd.s32 s5;
	_ =	sdelay $0x1  }
0xa1: {  	s23 =	simm.s32 $0x1B8B  }
0xa2: {  	_ =	swait.ge [sflag:s23], $0x1  }
0xa3: {  	[sflag:s23] =	ssyncset.done $0x0  }
0xa4: {  	[sflag:s23] =	ssyncadd.s32 $0xFFFFFFFF  }
0xa5: {  	s5 =	sld [smem:$0x0]  }
0xa6: {  	s6 =	sand.u32 $0xFFFFFFFE, s1  }
0xa7: {  	p0 =	sne.s32 s1, s6  }
0xa8: {  	s6 =	sshll.u32 @p0 s6, $0xE  }
0xa9: {  	s6 =	sadd.s32 @p0 $0x11B8D, s6;
	s7 =	sshll.u32 @p0 s5, $0x11  }
0xaa: {  	s6 =	sor.u32 @p0 s7, s6  }
0xab: {  	[sflag:s6] =	ssyncadd.remote.s32 @p0 $0x1;
	_ =	sdelay $0x1  }
0xac: {  	s6 =	simm.s32 @p0 $0x1B8D  }
0xad: {  	_ =	swait.eq @p0 [sflag:s6], $0x1  }
0xae: {  	[sflag:s6] =	ssyncadd.s32 @p0 $0xFFFFFFFF  }
0xaf: {  	s7 =	sshll.u32 @!p0 s1, $0xE  }
0xb0: {  	s7 =	sor.u32 @!p0 $0x4000, s7;
	s6 =	simm.s32 @!p0 $0x1B8D  }
0xb1: {  	s5 =	sshll.u32 @!p0 s5, $0x11;
	s7 =	sadd.s32 @!p0 $0x11B8D, s7;
	_ =	swait.eq @!p0 [sflag:s6], $0x1  }
0xb2: {  	s5 =	sor.u32 @!p0 s5, s7;
	[sflag:s6] =	ssyncadd.s32 @!p0 $0xFFFFFFFF  }
0xb3: {  	s25 =	simm.s32 $0x1B8E;
	s24 =	sld [smem:$0x3FFE];
	[sflag:s5] =	ssyncadd.remote.s32 @!p0 $0x1  }
0xb4: {  	s26 =	simm.s32 $execute0_lowered;
	[smem:$0x3FD2] =	sst s25  }
0xb5: {  	s6 =	sshll.u32 s26, $0x1;
	_ =	strace $0x80000049;
	[dreg:$0x1] =	wrdreg $0xFFFFFFFF  }
0xb6: {  	s28 =	simm.s32 $_size_execute0_lowered;
	s4 =	sadd.s32 s4, s6;
	[dreg:$0x0] =	wrdreg $0x0  }
0xb7: {  	s6 =	sshll.u32 s28, $0x1;
	[dreg:$0x2] =	wrdreg s4  }
0xb8: {  	[dreg:$0x3] =	wrdreg s6  }
0xb9: {  	[dreg:$0x4] =	wrdreg $0xC0  }
0xba: {  	_ =	task [dreg:s22], $0x5FFFF  }
0xbb: {  	[dreg:$0x1] =	wrdreg $0xFFFFFFFF  }
0xbc: {  	[dreg:$0x0] =	wrdreg $0x60  }
0xbd: {  	[dreg:$0x2] =	wrdreg s18  }
0xbe: {  	[dreg:$0x3] =	wrdreg s24  }
0xbf: {  	[dreg:$0x4] =	wrdreg $0x19E600  }
0xc0: {  	[dreg:$0x5] =	wrdreg $0xA  }
0xc1: {  	_ =	task.clear_ibuf [dreg:s22], $0x6FFFF;
	_ =	strace $0x90000049  }
0xc2: {  	s29 =	simm.s32 $0xA;
	_ =	strace $0x8000004B  }
0xc3: {  	_ =	swait.ge [sflag:s29], $0x1  }
0xc4: {  	[sflag:s29] =	ssyncadd.s32 $0xFFFFFFFF  }
0xc5: {  	_ =	strace $0x9000004B  }
0xc6: {  	_ =	sfence  }
0xc7: {  	s30 =	sld [smem:$0x0];
	_ =	sdelay $0x2  }
0xc8: {  	s31 =	sshll.u32 s1, $0xD;
	s1 =	sshrl.u32 s1, $0x2  }
0xc9: {  	s4 =	sand.u32 $0x4000, s31;
	s1 =	sadd.s32 s1, s30  }
0xca: {  	s0 =	sor.u32 s4, s0;
	s1 =	sshll.u32 s1, $0x11  }
0xcb: {  	s0 =	sor.u32 s1, s0  }
0xcc: {  	s0 =	sadd.s32 $0x8F2B, s0  }
0xcd: {  	[sflag:s0] =	ssyncadd.remote.s32 $0x1  }
0xce: {  	_ =	sfence.sel $0xFFFF  }
0xcf: {  	[dreg:$0x0] =	wrdreg $0xFFFFFFFF;
	(pc) =	sbr.abs _section_cstart, $3  }
0xd0: {  	[dreg:$0x1] =	wrdreg $0xFFFFFFFF  }
0xd1: {  	_ =	task.clear_ibuf [dreg:s22], $0x2FFFF;
	_ =	strace $0x9FFFFFFF  }
0xd2: {  	(tm) =	ssettm $0x7FFFFFFF  }
0xd3: {  	_ =	shalt  }
tec
execute0_lowered:
.L_overlay_start_1:
0x0: {  	(tag) =	ssettag $0x1  }
0x1: {  	s2 =	rddreg [dreg:$0x0]  }
0x2: {  	s0 =	rddreg [dreg:$0x1]  }
0x3: {  	s3 =	rddreg [dreg:$0x2]  }
0x4: {  	s7 =	stileid.u32;
	s1 =	srdreg.scid;
	s5 =	simm.s32 $0x0  }
0x5: {  	s11 =	simm.s32 $0xB;
	s18 =	simm.s32 $0x14E60;
	s14 =	simm.s32 $0x50  }
0x6: {  	s16 =	simm.s32 $0xEA60;
	s20 =	simm.s32 $0xFE60;
	s24 =	simm.s32 $0x11260  }
0x7: {  	s29 =	simm.s32 $0x12660;
	s12 =	simm.s32 $0x13A60;
	s13 =	simm.s32 $0x5  }
0x8: {  	s15 =	simm.s32 $0x7;
	s17 =	simm.s32 $0x9;
	s8 =	simm.s32 $0xA  }
0x9: {  	s19 =	simm.s32 $0x0;
	s4 =	smul.u32 $0x9C4, s7;
	s1 =	sand.u32 $0x1, s1  }
0xa: {  	[smem:$0x7FF] =	sst s5;
	s28 =	smul.u32 $0x14000, s7;
	s25 =	ssub.s32 $0x2, s1  }
0xb: {  	_ =	strace $0x8000004A;
	s9 =	sshllo.u32 s1, $0x1;
	s10 =	sshll.u32 s1, $0x1  }
0xc: {  	s1 =	sshll.u32 s1, $0x6;
	s4 =	sadd.s32 s4, s0;
	s6 =	sshrl.u32 s25, $0x1  }
0xd: {  	s0 =	sadd.s32 $0x16400, s0;
	s30 =	sshll.u32 s9, $0x5;
	s7 =	sshrl.u32 s28, $0x2  }
0xe: {  	s1 =	sor.u32 s1, s28;
	v1 =	vmov s9;
	s9 =	simm.s32 $0x4;
	s5 =	ssub.s32 s25, s6  }
0xf: {  	s26 =	sadd.s32 $0xC600, s4;
	s4 =	sadd.s32 $0x2800, s4;
	s7 =	sadd.s32 s7, s3  }
.Ltmp0:
0x10: {  	s1 =	sshrl.u32 s1, $0x3;
	[dreg:$0x4] =	wrdreg s26;
	(pc) =	sbr.rel .LBB2_1-.Ltmp0, $4  }
0x11: {  	[dreg:$0x5] =	wrdreg s4;
	s4 =	sor.u32 s28, s30;
	s1 =	sadd.s32 s0, s1  }
0x12: {  	s31 =	smax.u32 s5, $0x1;
	s4 =	sshrl.u32 s4, $0x3;
	[dreg:$0x6] =	wrdreg s1  }
0x13: {  	s6 =	simm.s32 $0x3;
	[dreg:$0x8] =	wrdreg s31;
	s0 =	sadd.s32 s0, s4  }
0x14: {  	v2 =	vimm.f32 $0.0e+00;
	v0 =	vmov s10;
	s5 =	simm.s32 $0x1;
	s4 =	simm.s32 $0x14460;
	[dreg:$0x7] =	wrdreg s0  }
.LBB2_13:
0x15: {  	_ =	swait.ge [sflag:s8], $0xA00  }
0x16: {  	[sflag:s8] =	ssyncset.done $0x0  }
0x17: {  	[sflag:s8] =	ssyncadd.s32 $0xFFFFF600  }
0x18: {  	[spmem:s3] =	stream.indirect.scatter.add.f32 [tilespmem:s4], [sflag:$0xB], $0x20, s0, s14, $0xb8;
	[tilespmem:$0x1EE60] =	vst v63  }
0x19: {  	_ =	swait.ge [sflag:s11], $0xA00  }
0x1a: {  	[sflag:s11] =	ssyncset.done $0x0  }
0x1b: {  	[sflag:s11] =	ssyncadd.s32 $0xFFFFF600  }
0x1c: {  	[bflag:$0x0] =	sbarrier.arrive $0xFFFF  }
0x1d: {  	s1 =	simm.s32 $0x10;
	s30 =	rddreg [dreg:$0x7]  }
0x1e: {  	[hbm:s30@s1], [sflag:s10] =	dma.strided [spmem:s21@s9], $0xA00, s5, $0x4   }
0x1f: {  	_ =	swait.ge [sflag:s11], $0xA00  }
0x20: {  	s19 =	sadd.s32 $0x1, s19;
	s31 =	rddreg [dreg:$0x8]  }
0x21: {  	p0 =	sne.s32 s19, s31  }
.Ltmp1:
0x22: {  	_ = 	snop;
	(pc) =	sbr.rel @!p0 .LBB2_14-.Ltmp1, $3  }
0x23: {  	_ =	sdelay $0x1  }
0x24: {  	[sflag:s11] =	ssyncset.done $0x0  }
0x25: {  	s18 =	simm.s32 $0x14E60;
	[sflag:s11] =	ssyncadd.s32 $0xFFFFF600  }
.LBB2_1:
0x26: {  	s0 =	simm.s32 $0x0;
	s1 =	rddreg [dreg:$0x4]  }
0x27: {  	[tilespmem:s0], [sflag:$0xB] =	stream.linear.gather [hbm4b:s1+s0], $0x4E20, $0x38;
	[tilespmem:$0x1EE60] =	vst v63  }
0x28: {  	_ =	swait.ge [sflag:s11], $0x4E20  }
0x29: {  	[sflag:s11] =	ssyncset.done $0x0  }
0x2a: {  	s10 =	simm.s32 $0x4E20;
	s31 =	rddreg [dreg:$0x5];
	[sflag:s11] =	ssyncadd.s32 $0xFFFFB1E0  }
0x2b: {  	[tilespmem:s10], [sflag:$0xB] =	stream.linear.gather [hbm4b:s31+s0], $0x4E20, $0x38;
	[tilespmem:$0x1EE60] =	vst v63  }
0x2c: {  	_ =	swait.ge [sflag:s11], $0x4E20  }
0x2d: {  	[sflag:s11] =	ssyncset.done $0x0  }
0x2e: {  	s0 =	simm.s32 $0x0;
	[sflag:s11] =	ssyncadd.s32 $0xFFFFB1E0  }
.LBB2_2:
0x2f: {  	p0 =	sne.s32 s0, $0x13F80  }
.Ltmp2:
0x30: {  	_ = 	snop;
	(pc) =	sbr.rel @p0 .LBB2_2-.Ltmp2, $4  }
0x31: {  	_ = 	snop  }
0x32: {  	s10 =	sshra.s32 s0, $0x2  }
0x33: {  	[tilespmem:s10+$0x14E60] =	vst v2  }
0x34: {  	s0 =	sadd.s32 $0x80, s0;
	[tilespmem:s10+$0x14E70] =	vst v2  }
0x35: {  	s10 =	simm.s32 $0x0  }
0x36: {  	v3 =	vld [tilespmem:s10+$0x40]  }
0x37: {  	v4 =	vld [tilespmem:s10+$0x0]  }
0x38: {  	v7 =	vld [tilespmem:s10+$0x10]  }
0x39: {  	v8 =	vld [tilespmem:s10+$0x20]  }
0x3a: {  	v9 =	vld [tilespmem:s10+$0x30]  }
0x3b: {  	s0 =	simm.s32 $0x50;
	v5 =	vshll.u32 v3, $0x2  }
0x3c: {  	v3 =	vld [tilespmem:s0+$0x40];
	v4 =	vshll.u32 v4, $0x2;
	v5 =	vor.u32 v0, v5  }
0x3d: {  	v6 =	vld [tilespmem:s0+$0x0];
	v7 =	vshll.u32 v7, $0x2;
	v4 =	vor.u32 v0, v4;
	[tilespmem:s10+$0x9C80] =	vst v5  }
0x3e: {  	v8 =	vshll.u32 v8, $0x2;
	v7 =	vor.u32 v0, v7;
	v5 =	vld [tilespmem:s0+$0x10];
	[tilespmem:s10+$0x9C40] =	vst v4  }
0x3f: {  	v9 =	vshll.u32 v9, $0x2;
	v8 =	vor.u32 v0, v8;
	v4 =	vld [tilespmem:s0+$0x20];
	[tilespmem:s10+$0x9C50] =	vst v7  }
0x40: {  	s21 =	simm.s32 $0x280;
	v7 =	vld [tilespmem:s0+$0x30];
	[tilespmem:s10+$0x9C60] =	vst v8;
	v8 =	vor.u32 v0, v9  }
.LBB2_4:
0x41: {  	s22 =	sshra.s32 s21, $0x2;
	p0 =	sne.s32 s21, $0x13740;
	s21 =	sadd.s32 $0x140, s21;
	v9 =	vshll.u32 v3, $0x2;
	[tilespmem:s10+$0x9C70] =	vst v8  }
.Ltmp3:
0x42: {  	s10 =	smov.u32 s0;
	v3 =	vld [tilespmem:s22+$0x40];
	v8 =	vshll.u32 v6, $0x2;
	v9 =	vor.u32 v0, v9;
	s0 =	smov.u32 s22;
	(pc) =	sbr.rel @p0 .LBB2_4-.Ltmp3, $4  }
0x43: {  	v6 =	vld [tilespmem:s0+$0x0];
	v8 =	vor.u32 v0, v8;
	v10 =	vshll.u32 v5, $0x2;
	[tilespmem:s10+$0x9C80] =	vst v9  }
0x44: {  	v5 =	vld [tilespmem:s0+$0x10];
	[tilespmem:s10+$0x9C40] =	vst v8;
	v8 =	vor.u32 v0, v10;
	v9 =	vshll.u32 v4, $0x2  }
0x45: {  	v4 =	vld [tilespmem:s0+$0x20];
	[tilespmem:s10+$0x9C50] =	vst v8;
	v8 =	vor.u32 v0, v9;
	v9 =	vshll.u32 v7, $0x2  }
0x46: {  	v7 =	vld [tilespmem:s0+$0x30];
	[tilespmem:s10+$0x9C60] =	vst v8;
	v8 =	vor.u32 v0, v9  }
0x47: {  	v3 =	vshll.u32 v3, $0x2  }
0x48: {  	[tilespmem:s10+$0x9C70] =	vst v8;
	v6 =	vshll.u32 v6, $0x2;
	v3 =	vor.u32 v0, v3  }
0x49: {  	v6 =	vor.u32 v0, v6;
	v5 =	vshll.u32 v5, $0x2;
	[tilespmem:s0+$0x9C80] =	vst v3  }
0x4a: {  	[tilespmem:s0+$0x9C40] =	vst v6;
	v3 =	vor.u32 v0, v5;
	v4 =	vshll.u32 v4, $0x2  }
0x4b: {  	[tilespmem:s0+$0x9C50] =	vst v3;
	v3 =	vor.u32 v0, v4;
	v63 =	vshll.u32 v7, $0x2  }
0x4c: {  	[tilespmem:s0+$0x9C60] =	vst v3;
	v3 =	vor.u32 v0, v63  }
0x4d: {  	[tilespmem:s0+$0x9C70] =	vst v3  }
0x4e: {  	[spmem:s7] =	stream.linear.scatter [tilespmem:s18], [sflag:$0xB], $0x5000, $0x38;
	[tilespmem:$0x1EE60] =	vst v63  }
0x4f: {  	_ =	swait.ge [sflag:s11], $0x5000  }
0x50: {  	[sflag:s11] =	ssyncset.done $0x0  }
0x51: {  	[sflag:s11] =	ssyncadd.s32 $0xFFFFB000  }
0x52: {  	s28 =	simm.s32 $0x9C40;
	[bflag:$0x0] =	sbarrier.arrive $0xFFFF  }
0x53: {  	[tilespmem:s16], [sflag:$0x1] =	stream.indirect.gather [hbm4b:s2+s14], $0x20, s28, s14, $0xb8;
	[tilespmem:$0x1EE60] =	vst v63  }
0x54: {  	s30 =	simm.s32 $0x9C90;
	s1 =	simm.s32 $0xF460  }
0x55: {  	[tilespmem:s1], [sflag:$0x2] =	stream.indirect.gather [hbm4b:s2+s14], $0x20, s30, s14, $0xb8;
	[tilespmem:$0x1EE60] =	vst v63  }
0x56: {  	s31 =	simm.s32 $0x9CE0  }
0x57: {  	[tilespmem:s20], [sflag:$0x3] =	stream.indirect.gather [hbm4b:s2+s14], $0x20, s31, s14, $0xb8;
	[tilespmem:$0x1EE60] =	vst v63  }
0x58: {  	s10 =	simm.s32 $0x10860;
	s1 =	simm.s32 $0x9D30  }
0x59: {  	[tilespmem:s10], [sflag:$0x4] =	stream.indirect.gather [hbm4b:s2+s14], $0x20, s1, s14, $0xb8;
	[tilespmem:$0x1EE60] =	vst v63  }
0x5a: {  	s21 =	simm.s32 $0x9D80  }
0x5b: {  	[tilespmem:s24], [sflag:$0x5] =	stream.indirect.gather [hbm4b:s2+s14], $0x20, s21, s14, $0xb8;
	[tilespmem:$0x1EE60] =	vst v63  }
0x5c: {  	s22 =	simm.s32 $0x9DD0;
	s23 =	simm.s32 $0x11C60  }
0x5d: {  	[tilespmem:s23], [sflag:$0x6] =	stream.indirect.gather [hbm4b:s2+s14], $0x20, s22, s14, $0xb8;
	[tilespmem:$0x1EE60] =	vst v63  }
0x5e: {  	s25 =	simm.s32 $0x9E20  }
0x5f: {  	[tilespmem:s29], [sflag:$0x7] =	stream.indirect.gather [hbm4b:s2+s14], $0x20, s25, s14, $0xb8;
	[tilespmem:$0x1EE60] =	vst v63  }
0x60: {  	s26 =	simm.s32 $0x9E70;
	s28 =	simm.s32 $0x13060  }
0x61: {  	[tilespmem:s28], [sflag:$0x8] =	stream.indirect.gather [hbm4b:s2+s14], $0x20, s26, s14, $0xb8;
	[tilespmem:$0x1EE60] =	vst v63  }
0x62: {  	s30 =	simm.s32 $0x9EC0  }
0x63: {  	[tilespmem:s12], [sflag:$0x9] =	stream.indirect.gather [hbm4b:s2+s14], $0x20, s30, s14, $0xb8;
	[tilespmem:$0x1EE60] =	vst v63  }
0x64: {  	s31 =	simm.s32 $0x9F10;
	s10 =	simm.s32 $0x0  }
0x65: {  	[tilespmem:s4], [sflag:$0xA] =	stream.indirect.gather [hbm4b:s2+s14], $0x20, s31, s14, $0xb8;
	[tilespmem:$0x1EE60] =	vst v63  }
.LBB2_6:
0x66: {  	_ =	swait.ge [sflag:s5], $0xA00  }
0x67: {  	s21 =	sshra.s32 s10, $0x2;
	[sflag:s5] =	ssyncset.done $0x0  }
0x68: {  	s0 =	sadd.s32 $0x4E20, s21;
	[sflag:s5] =	ssyncadd.s32 $0xFFFFF600  }
0x69: {  	[spmem:s3] =	stream.indirect.scatter.add.f32 [tilespmem:s16], [sflag:$0xB], $0x20, s0, s14, $0xb8;
	[tilespmem:$0x1EE60] =	vst v63  }
0x6a: {  	_ =	swait.ge [sflag:s11], $0xA00  }
0x6b: {  	p0 =	seq.s32 s10, $0x12C00;
	[sflag:s11] =	ssyncset.done $0x0  }
0x6c: {  	s0 =	simm.s32 @p0 $0x2;
	[sflag:s11] =	ssyncadd.s32 $0xFFFFF600  }
0x6d: {  	s25 =	sshra.s32 @p0 s10, $0x2;
	_ =	swait.ge @p0 [sflag:s0], $0xA00  }
0x6e: {  	s26 =	simm.s32 @p0 $0x50;
	s22 =	simm.s32 @p0 $0xF460;
	[sflag:s0] =	ssyncset.done @p0 $0x0  }
0x6f: {  	s28 =	simm.s32 @p0 $0xB;
	[sflag:s0] =	ssyncadd.s32 @p0 $0xFFFFF600;
	s0 =	sadd.s32 @p0 $0x4E70, s25  }
0x70: {  	[spmem:s3] =	stream.indirect.scatter.add.f32 @p0 [tilespmem:s22], [sflag:$0xB], $0x20, s0, s26, $0xb8;
	[tilespmem:$0x1EE60] =	vst v63  }
0x71: {  	_ =	swait.ge @p0 [sflag:s28], $0xA00  }
0x72: {  	s23 =	simm.s32 @!p0 $0x50;
	s22 =	sshra.s32 @!p0 s10, $0x2;
	[sflag:s28] =	ssyncset.done @p0 $0x0  }
0x73: {  	s30 =	simm.s32 @!p0 $0xEA60;
	s0 =	sadd.s32 @!p0 $0x9F60, s22;
	[sflag:s28] =	ssyncadd.s32 @p0 $0xFFFFF600  }
0x74: {  	[tilespmem:s30], [sflag:$0x1] =	stream.indirect.gather @!p0 [hbm4b:s2+s23], $0x20, s0, s23, $0xb8;
	[tilespmem:$0x1EE60] =	vst v63  }
0x75: {  	s0 =	simm.s32 @!p0 $0x2  }
0x76: {  	_ =	swait.ge @!p0 [sflag:s0], $0xA00  }
0x77: {  	s31 =	simm.s32 @!p0 $0xF460;
	[sflag:s0] =	ssyncset.done @!p0 $0x0  }
0x78: {  	s30 =	simm.s32 @!p0 $0xB;
	[sflag:s0] =	ssyncadd.s32 @!p0 $0xFFFFF600;
	s0 =	sadd.s32 @!p0 $0x4E70, s22  }
0x79: {  	[spmem:s3] =	stream.indirect.scatter.add.f32 @!p0 [tilespmem:s31], [sflag:$0xB], $0x20, s0, s23, $0xb8;
	[tilespmem:$0x1EE60] =	vst v63  }
0x7a: {  	_ =	swait.ge @!p0 [sflag:s30], $0xA00  }
0x7b: {  	[sflag:s30] =	ssyncset.done @!p0 $0x0  }
0x7c: {  	s0 =	sadd.s32 @!p0 $0x9FB0, s22;
	[sflag:s30] =	ssyncadd.s32 @!p0 $0xFFFFF600  }
0x7d: {  	[tilespmem:s31], [sflag:$0x2] =	stream.indirect.gather @!p0 [hbm4b:s2+s23], $0x20, s0, s23, $0xb8;
	[tilespmem:$0x1EE60] =	vst v63  }
0x7e: {  	_ =	swait.ge [sflag:s6], $0xA00  }
0x7f: {  	[sflag:s6] =	ssyncset.done $0x0  }
0x80: {  	s1 =	sadd.s32 $0x4EC0, s21;
	[sflag:s6] =	ssyncadd.s32 $0xFFFFF600  }
0x81: {  	[spmem:s3] =	stream.indirect.scatter.add.f32 [tilespmem:s20], [sflag:$0xB], $0x20, s1, s14, $0xb8;
	[tilespmem:$0x1EE60] =	vst v63  }
0x82: {  	_ =	swait.ge [sflag:s11], $0xA00  }
0x83: {  	[sflag:s11] =	ssyncset.done $0x0  }
0x84: {  	s0 =	simm.s32 @p0 $0x4;
	[sflag:s11] =	ssyncadd.s32 $0xFFFFF600  }
0x85: {  	_ =	swait.ge @p0 [sflag:s0], $0xA00  }
0x86: {  	[sflag:s0] =	ssyncset.done @p0 $0x0  }
0x87: {  	s31 =	simm.s32 @p0 $0x10860;
	[sflag:s0] =	ssyncadd.s32 @p0 $0xFFFFF600;
	s0 =	sadd.s32 @p0 $0x4F10, s25  }
0x88: {  	[spmem:s3] =	stream.indirect.scatter.add.f32 @p0 [tilespmem:s31], [sflag:$0xB], $0x20, s0, s26, $0xb8;
	[tilespmem:$0x1EE60] =	vst v63  }
0x89: {  	_ =	swait.ge @p0 [sflag:s28], $0xA00  }
0x8a: {  	[sflag:s28] =	ssyncset.done @p0 $0x0  }
0x8b: {  	s0 =	sadd.s32 @!p0 $0xA000, s22;
	s31 =	simm.s32 @!p0 $0xFE60;
	[sflag:s28] =	ssyncadd.s32 @p0 $0xFFFFF600  }
0x8c: {  	[tilespmem:s31], [sflag:$0x3] =	stream.indirect.gather @!p0 [hbm4b:s2+s23], $0x20, s0, s23, $0xb8;
	[tilespmem:$0x1EE60] =	vst v63  }
0x8d: {  	s0 =	simm.s32 @!p0 $0x4  }
0x8e: {  	_ =	swait.ge @!p0 [sflag:s0], $0xA00  }
0x8f: {  	[sflag:s0] =	ssyncset.done @!p0 $0x0  }
0x90: {  	s31 =	simm.s32 @!p0 $0x10860;
	[sflag:s0] =	ssyncadd.s32 @!p0 $0xFFFFF600;
	s0 =	sadd.s32 @!p0 $0x4F10, s22  }
0x91: {  	[spmem:s3] =	stream.indirect.scatter.add.f32 @!p0 [tilespmem:s31], [sflag:$0xB], $0x20, s0, s23, $0xb8;
	[tilespmem:$0x1EE60] =	vst v63  }
0x92: {  	_ =	swait.ge @!p0 [sflag:s30], $0xA00  }
0x93: {  	[sflag:s30] =	ssyncset.done @!p0 $0x0  }
0x94: {  	s0 =	sadd.s32 @!p0 $0xA050, s22;
	[sflag:s30] =	ssyncadd.s32 @!p0 $0xFFFFF600  }
0x95: {  	[tilespmem:s31], [sflag:$0x4] =	stream.indirect.gather @!p0 [hbm4b:s2+s23], $0x20, s0, s23, $0xb8;
	[tilespmem:$0x1EE60] =	vst v63  }
0x96: {  	_ =	swait.ge [sflag:s13], $0xA00  }
0x97: {  	[sflag:s13] =	ssyncset.done $0x0  }
0x98: {  	s31 =	sadd.s32 $0x4F60, s21;
	[sflag:s13] =	ssyncadd.s32 $0xFFFFF600  }
0x99: {  	[spmem:s3] =	stream.indirect.scatter.add.f32 [tilespmem:s24], [sflag:$0xB], $0x20, s31, s14, $0xb8;
	[tilespmem:$0x1EE60] =	vst v63  }
0x9a: {  	_ =	swait.ge [sflag:s11], $0xA00  }
0x9b: {  	[sflag:s11] =	ssyncset.done $0x0  }
0x9c: {  	s0 =	simm.s32 @p0 $0x6;
	[sflag:s11] =	ssyncadd.s32 $0xFFFFF600  }
0x9d: {  	_ =	swait.ge @p0 [sflag:s0], $0xA00  }
0x9e: {  	[sflag:s0] =	ssyncset.done @p0 $0x0  }
0x9f: {  	s31 =	simm.s32 @p0 $0x11C60;
	[sflag:s0] =	ssyncadd.s32 @p0 $0xFFFFF600;
	s0 =	sadd.s32 @p0 $0x4FB0, s25  }
0xa0: {  	[spmem:s3] =	stream.indirect.scatter.add.f32 @p0 [tilespmem:s31], [sflag:$0xB], $0x20, s0, s26, $0xb8;
	[tilespmem:$0x1EE60] =	vst v63  }
0xa1: {  	_ =	swait.ge @p0 [sflag:s28], $0xA00  }
0xa2: {  	[sflag:s28] =	ssyncset.done @p0 $0x0  }
0xa3: {  	s0 =	sadd.s32 @!p0 $0xA0A0, s22;
	s31 =	simm.s32 @!p0 $0x11260;
	[sflag:s28] =	ssyncadd.s32 @p0 $0xFFFFF600  }
0xa4: {  	[tilespmem:s31], [sflag:$0x5] =	stream.indirect.gather @!p0 [hbm4b:s2+s23], $0x20, s0, s23, $0xb8;
	[tilespmem:$0x1EE60] =	vst v63  }
0xa5: {  	s0 =	simm.s32 @!p0 $0x6  }
0xa6: {  	_ =	swait.ge @!p0 [sflag:s0], $0xA00  }
0xa7: {  	[sflag:s0] =	ssyncset.done @!p0 $0x0  }
0xa8: {  	s31 =	simm.s32 @!p0 $0x11C60;
	[sflag:s0] =	ssyncadd.s32 @!p0 $0xFFFFF600;
	s0 =	sadd.s32 @!p0 $0x4FB0, s22  }
0xa9: {  	[spmem:s3] =	stream.indirect.scatter.add.f32 @!p0 [tilespmem:s31], [sflag:$0xB], $0x20, s0, s23, $0xb8;
	[tilespmem:$0x1EE60] =	vst v63  }
0xaa: {  	_ =	swait.ge @!p0 [sflag:s30], $0xA00  }
0xab: {  	[sflag:s30] =	ssyncset.done @!p0 $0x0  }
0xac: {  	s0 =	sadd.s32 @!p0 $0xA0F0, s22;
	[sflag:s30] =	ssyncadd.s32 @!p0 $0xFFFFF600  }
0xad: {  	[tilespmem:s31], [sflag:$0x6] =	stream.indirect.gather @!p0 [hbm4b:s2+s23], $0x20, s0, s23, $0xb8;
	[tilespmem:$0x1EE60] =	vst v63  }
0xae: {  	_ =	swait.ge [sflag:s15], $0xA00  }
0xaf: {  	[sflag:s15] =	ssyncset.done $0x0  }
0xb0: {  	s1 =	sadd.s32 $0x5000, s21;
	[sflag:s15] =	ssyncadd.s32 $0xFFFFF600  }
0xb1: {  	[spmem:s3] =	stream.indirect.scatter.add.f32 [tilespmem:s29], [sflag:$0xB], $0x20, s1, s14, $0xb8;
	[tilespmem:$0x1EE60] =	vst v63  }
0xb2: {  	_ =	swait.ge [sflag:s11], $0xA00  }
0xb3: {  	[sflag:s11] =	ssyncset.done $0x0  }
0xb4: {  	s0 =	simm.s32 @p0 $0x8;
	[sflag:s11] =	ssyncadd.s32 $0xFFFFF600  }
0xb5: {  	_ =	swait.ge @p0 [sflag:s0], $0xA00  }
0xb6: {  	[sflag:s0] =	ssyncset.done @p0 $0x0  }
0xb7: {  	[sflag:s0] =	ssyncadd.s32 @p0 $0xFFFFF600;
	s0 =	sadd.s32 @p0 $0x5050, s25;
	s25 =	simm.s32 @p0 $0x13060  }
0xb8: {  	[spmem:s3] =	stream.indirect.scatter.add.f32 @p0 [tilespmem:s25], [sflag:$0xB], $0x20, s0, s26, $0xb8;
	[tilespmem:$0x1EE60] =	vst v63  }
0xb9: {  	_ =	swait.ge @p0 [sflag:s28], $0xA00  }
0xba: {  	[sflag:s28] =	ssyncset.done @p0 $0x0  }
0xbb: {  	s0 =	sadd.s32 @!p0 $0xA140, s22;
	s25 =	simm.s32 @!p0 $0x12660;
	[sflag:s28] =	ssyncadd.s32 @p0 $0xFFFFF600  }
0xbc: {  	[tilespmem:s25], [sflag:$0x7] =	stream.indirect.gather @!p0 [hbm4b:s2+s23], $0x20, s0, s23, $0xb8;
	[tilespmem:$0x1EE60] =	vst v63  }
0xbd: {  	s0 =	simm.s32 @!p0 $0x8  }
0xbe: {  	_ =	swait.ge @!p0 [sflag:s0], $0xA00  }
0xbf: {  	[sflag:s0] =	ssyncset.done @!p0 $0x0  }
0xc0: {  	s25 =	simm.s32 @!p0 $0x13060;
	[sflag:s0] =	ssyncadd.s32 @!p0 $0xFFFFF600;
	s0 =	sadd.s32 @!p0 $0x5050, s22  }
0xc1: {  	[spmem:s3] =	stream.indirect.scatter.add.f32 @!p0 [tilespmem:s25], [sflag:$0xB], $0x20, s0, s23, $0xb8;
	[tilespmem:$0x1EE60] =	vst v63  }
0xc2: {  	_ =	swait.ge @!p0 [sflag:s30], $0xA00  }
0xc3: {  	[sflag:s30] =	ssyncset.done @!p0 $0x0  }
0xc4: {  	s0 =	sadd.s32 @!p0 $0xA190, s22;
	[sflag:s30] =	ssyncadd.s32 @!p0 $0xFFFFF600  }
0xc5: {  	[tilespmem:s25], [sflag:$0x8] =	stream.indirect.gather @!p0 [hbm4b:s2+s23], $0x20, s0, s23, $0xb8;
	[tilespmem:$0x1EE60] =	vst v63  }
0xc6: {  	_ =	swait.ge [sflag:s17], $0xA00  }
0xc7: {  	[sflag:s17] =	ssyncset.done $0x0  }
.Ltmp4:
0xc8: {  	s31 =	sadd.s32 $0x50A0, s21;
	[sflag:s17] =	ssyncadd.s32 $0xFFFFF600;
	(pc) =	sbr.rel @p0 .LBB2_8-.Ltmp4, $4  }
0xc9: {  	[spmem:s3] =	stream.indirect.scatter.add.f32 [tilespmem:s12], [sflag:$0xB], $0x20, s31, s14, $0xb8;
	[tilespmem:$0x1EE60] =	vst v63  }
0xca: {  	_ =	swait.ge [sflag:s11], $0xA00  }
0xcb: {  	[sflag:s11] =	ssyncset.done $0x0  }
0xcc: {  	s0 =	sadd.s32 $0x50F0, s21;
	[sflag:s11] =	ssyncadd.s32 $0xFFFFF600  }
0xcd: {  	s22 =	sadd.s32 $0xA1E0, s21  }
0xce: {  	[tilespmem:s12], [sflag:$0x9] =	stream.indirect.gather [hbm4b:s2+s14], $0x20, s22, s14, $0xb8;
	[tilespmem:$0x1EE60] =	vst v63  }
0xcf: {  	_ =	swait.ge [sflag:s8], $0xA00  }
0xd0: {  	[sflag:s8] =	ssyncset.done $0x0  }
0xd1: {  	[sflag:s8] =	ssyncadd.s32 $0xFFFFF600  }
0xd2: {  	[spmem:s3] =	stream.indirect.scatter.add.f32 [tilespmem:s4], [sflag:$0xB], $0x20, s0, s14, $0xb8;
	[tilespmem:$0x1EE60] =	vst v63  }
.Ltmp5:
0xd3: {  	_ = 	snop;
	(pc) =	sbr.rel .LBB2_6-.Ltmp5, $4  }
0xd4: {  	_ =	swait.ge [sflag:s11], $0xA00  }
0xd5: {  	[sflag:s11] =	ssyncset.done $0x0  }
0xd6: {  	s31 =	sadd.s32 $0xA230, s21;
	s10 =	sadd.s32 $0xC80, s10;
	[sflag:s11] =	ssyncadd.s32 $0xFFFFF600  }
0xd7: {  	[tilespmem:s4], [sflag:$0xA] =	stream.indirect.gather [hbm4b:s2+s14], $0x20, s31, s14, $0xb8;
	[tilespmem:$0x1EE60] =	vst v63  }
.LBB2_8:
0xd8: {  	_ =	swait.ge [sflag:s8], $0xA00  }
0xd9: {  	[sflag:s8] =	ssyncset.done $0x0  }
0xda: {  	[sflag:s8] =	ssyncadd.s32 $0xFFFFF600  }
0xdb: {  	[spmem:s3] =	stream.indirect.scatter.add.f32 [tilespmem:s4], [sflag:$0xB], $0x20, s0, s14, $0xb8;
	[tilespmem:$0x1EE60] =	vst v63  }
0xdc: {  	_ =	swait.ge [sflag:s11], $0xA00  }
0xdd: {  	[sflag:s11] =	ssyncset.done $0x0  }
0xde: {  	s30 =	stileid.u32;
	[sflag:s11] =	ssyncadd.s32 $0xFFFFF600  }
0xdf: {  	s21 =	sshrl.u32 s7, $0x3;
	s0 =	sshll.u32 s30, $0x6;
	[bflag:$0x0] =	sbarrier.arrive $0xFFFF  }
0xe0: {  	s1 =	simm.s32 $0x10;
	s10 =	sor.u32 $0x1C0B, s0;
	s31 =	rddreg [dreg:$0x6]  }
0xe1: {  	[hbm:s31@s1], [sflag:s10] =	dma.strided [spmem:s21@s9], $0xA00, s5, $0x4   }
0xe2: {  	_ =	swait.ge [sflag:s11], $0xA00  }
0xe3: {  	[sflag:s11] =	ssyncset.done $0x0  }
0xe4: {  	s22 =	simm.s32 $0x0;
	[sflag:s11] =	ssyncadd.s32 $0xFFFFF600  }
0xe5: {  	v3 =	vld [tilespmem:s22+$0x40]  }
0xe6: {  	v4 =	vld [tilespmem:s22+$0x0]  }
0xe7: {  	v7 =	vld [tilespmem:s22+$0x10]  }
0xe8: {  	v8 =	vld [tilespmem:s22+$0x20]  }
0xe9: {  	v9 =	vld [tilespmem:s22+$0x30]  }
0xea: {  	s0 =	simm.s32 $0x50;
	v5 =	vshll.u32 v3, $0x2  }
0xeb: {  	v3 =	vld [tilespmem:s0+$0x40];
	v4 =	vshll.u32 v4, $0x2;
	v5 =	vor.u32 v1, v5  }
0xec: {  	v6 =	vld [tilespmem:s0+$0x0];
	v7 =	vshll.u32 v7, $0x2;
	v4 =	vor.u32 v1, v4;
	[tilespmem:s22+$0x9C80] =	vst v5  }
0xed: {  	v8 =	vshll.u32 v8, $0x2;
	v7 =	vor.u32 v1, v7;
	v5 =	vld [tilespmem:s0+$0x10];
	[tilespmem:s22+$0x9C40] =	vst v4  }
0xee: {  	v9 =	vshll.u32 v9, $0x2;
	v8 =	vor.u32 v1, v8;
	v4 =	vld [tilespmem:s0+$0x20];
	[tilespmem:s22+$0x9C50] =	vst v7  }
0xef: {  	s23 =	simm.s32 $0x280;
	v7 =	vld [tilespmem:s0+$0x30];
	[tilespmem:s22+$0x9C60] =	vst v8;
	v8 =	vor.u32 v1, v9  }
.LBB2_9:
0xf0: {  	s25 =	sshra.s32 s23, $0x2;
	p0 =	sne.s32 s23, $0x13740;
	s23 =	sadd.s32 $0x140, s23;
	v9 =	vshll.u32 v3, $0x2;
	[tilespmem:s22+$0x9C70] =	vst v8  }
.Ltmp6:
0xf1: {  	s22 =	smov.u32 s0;
	v3 =	vld [tilespmem:s25+$0x40];
	v8 =	vshll.u32 v6, $0x2;
	v9 =	vor.u32 v1, v9;
	s0 =	smov.u32 s25;
	(pc) =	sbr.rel @p0 .LBB2_9-.Ltmp6, $4  }
0xf2: {  	v6 =	vld [tilespmem:s0+$0x0];
	v8 =	vor.u32 v1, v8;
	v10 =	vshll.u32 v5, $0x2;
	[tilespmem:s22+$0x9C80] =	vst v9  }
0xf3: {  	v5 =	vld [tilespmem:s0+$0x10];
	[tilespmem:s22+$0x9C40] =	vst v8;
	v8 =	vor.u32 v1, v10;
	v9 =	vshll.u32 v4, $0x2  }
0xf4: {  	v4 =	vld [tilespmem:s0+$0x20];
	[tilespmem:s22+$0x9C50] =	vst v8;
	v8 =	vor.u32 v1, v9;
	v9 =	vshll.u32 v7, $0x2  }
0xf5: {  	v7 =	vld [tilespmem:s0+$0x30];
	[tilespmem:s22+$0x9C60] =	vst v8;
	v8 =	vor.u32 v1, v9  }
0xf6: {  	v3 =	vshll.u32 v3, $0x2  }
0xf7: {  	[tilespmem:s22+$0x9C70] =	vst v8;
	v6 =	vshll.u32 v6, $0x2;
	v3 =	vor.u32 v1, v3  }
0xf8: {  	v6 =	vor.u32 v1, v6;
	v5 =	vshll.u32 v5, $0x2;
	[tilespmem:s0+$0x9C80] =	vst v3  }
0xf9: {  	[tilespmem:s0+$0x9C40] =	vst v6;
	v3 =	vor.u32 v1, v5;
	v4 =	vshll.u32 v4, $0x2  }
0xfa: {  	[tilespmem:s0+$0x9C50] =	vst v3;
	v3 =	vor.u32 v1, v4;
	v63 =	vshll.u32 v7, $0x2  }
0xfb: {  	[tilespmem:s0+$0x9C60] =	vst v3;
	v3 =	vor.u32 v1, v63  }
0xfc: {  	[tilespmem:s0+$0x9C70] =	vst v3  }
0xfd: {  	[spmem:s7] =	stream.linear.scatter [tilespmem:s18], [sflag:$0xB], $0x5000, $0x38;
	[tilespmem:$0x1EE60] =	vst v63  }
0xfe: {  	_ =	swait.ge [sflag:s11], $0x5000  }
0xff: {  	[sflag:s11] =	ssyncset.done $0x0  }
0x100: {  	[sflag:s11] =	ssyncadd.s32 $0xFFFFB000  }
0x101: {  	s25 =	simm.s32 $0x9C40;
	[bflag:$0x0] =	sbarrier.arrive $0xFFFF  }
0x102: {  	[tilespmem:s16], [sflag:$0x1] =	stream.indirect.gather [hbm4b:s2+s14], $0x20, s25, s14, $0xb8;
	[tilespmem:$0x1EE60] =	vst v63  }
0x103: {  	s26 =	simm.s32 $0x9C90;
	s1 =	simm.s32 $0xF460  }
0x104: {  	[tilespmem:s1], [sflag:$0x2] =	stream.indirect.gather [hbm4b:s2+s14], $0x20, s26, s14, $0xb8;
	[tilespmem:$0x1EE60] =	vst v63  }
0x105: {  	s28 =	simm.s32 $0x9CE0  }
0x106: {  	[tilespmem:s20], [sflag:$0x3] =	stream.indirect.gather [hbm4b:s2+s14], $0x20, s28, s14, $0xb8;
	[tilespmem:$0x1EE60] =	vst v63  }
0x107: {  	s30 =	simm.s32 $0x9D30;
	s31 =	simm.s32 $0x10860  }
0x108: {  	[tilespmem:s31], [sflag:$0x4] =	stream.indirect.gather [hbm4b:s2+s14], $0x20, s30, s14, $0xb8;
	[tilespmem:$0x1EE60] =	vst v63  }
0x109: {  	s18 =	simm.s32 $0x9D80  }
0x10a: {  	[tilespmem:s24], [sflag:$0x5] =	stream.indirect.gather [hbm4b:s2+s14], $0x20, s18, s14, $0xb8;
	[tilespmem:$0x1EE60] =	vst v63  }
0x10b: {  	s22 =	simm.s32 $0x9DD0;
	s23 =	simm.s32 $0x11C60  }
0x10c: {  	[tilespmem:s23], [sflag:$0x6] =	stream.indirect.gather [hbm4b:s2+s14], $0x20, s22, s14, $0xb8;
	[tilespmem:$0x1EE60] =	vst v63  }
0x10d: {  	s25 =	simm.s32 $0x9E20  }
0x10e: {  	[tilespmem:s29], [sflag:$0x7] =	stream.indirect.gather [hbm4b:s2+s14], $0x20, s25, s14, $0xb8;
	[tilespmem:$0x1EE60] =	vst v63  }
0x10f: {  	s26 =	simm.s32 $0x9E70;
	s28 =	simm.s32 $0x13060  }
0x110: {  	[tilespmem:s28], [sflag:$0x8] =	stream.indirect.gather [hbm4b:s2+s14], $0x20, s26, s14, $0xb8;
	[tilespmem:$0x1EE60] =	vst v63  }
0x111: {  	s30 =	simm.s32 $0x9EC0  }
0x112: {  	[tilespmem:s12], [sflag:$0x9] =	stream.indirect.gather [hbm4b:s2+s14], $0x20, s30, s14, $0xb8;
	[tilespmem:$0x1EE60] =	vst v63  }
0x113: {  	s31 =	simm.s32 $0x9F10;
	s22 =	simm.s32 $0x0  }
0x114: {  	[tilespmem:s4], [sflag:$0xA] =	stream.indirect.gather [hbm4b:s2+s14], $0x20, s31, s14, $0xb8;
	[tilespmem:$0x1EE60] =	vst v63  }
.LBB2_11:
0x115: {  	_ =	swait.ge [sflag:s5], $0xA00  }
0x116: {  	s23 =	sshra.s32 s22, $0x2;
	[sflag:s5] =	ssyncset.done $0x0  }
0x117: {  	s0 =	sadd.s32 $0x4E20, s23;
	[sflag:s5] =	ssyncadd.s32 $0xFFFFF600  }
0x118: {  	[spmem:s3] =	stream.indirect.scatter.add.f32 [tilespmem:s16], [sflag:$0xB], $0x20, s0, s14, $0xb8;
	[tilespmem:$0x1EE60] =	vst v63  }
0x119: {  	_ =	swait.ge [sflag:s11], $0xA00  }
0x11a: {  	p0 =	seq.s32 s22, $0x12C00;
	[sflag:s11] =	ssyncset.done $0x0  }
0x11b: {  	s0 =	simm.s32 @p0 $0x2;
	[sflag:s11] =	ssyncadd.s32 $0xFFFFF600  }
0x11c: {  	s28 =	sshra.s32 @p0 s22, $0x2;
	_ =	swait.ge @p0 [sflag:s0], $0xA00  }
0x11d: {  	s30 =	simm.s32 @p0 $0x50;
	s25 =	simm.s32 @p0 $0xF460;
	[sflag:s0] =	ssyncset.done @p0 $0x0  }
0x11e: {  	s31 =	simm.s32 @p0 $0xB;
	[sflag:s0] =	ssyncadd.s32 @p0 $0xFFFFF600;
	s0 =	sadd.s32 @p0 $0x4E70, s28  }
0x11f: {  	[spmem:s3] =	stream.indirect.scatter.add.f32 @p0 [tilespmem:s25], [sflag:$0xB], $0x20, s0, s30, $0xb8;
	[tilespmem:$0x1EE60] =	vst v63  }
0x120: {  	_ =	swait.ge @p0 [sflag:s31], $0xA00  }
0x121: {  	s26 =	simm.s32 @!p0 $0x50;
	s25 =	sshra.s32 @!p0 s22, $0x2;
	[sflag:s31] =	ssyncset.done @p0 $0x0  }
0x122: {  	s1 =	simm.s32 @!p0 $0xEA60;
	s0 =	sadd.s32 @!p0 $0x9F60, s25;
	[sflag:s31] =	ssyncadd.s32 @p0 $0xFFFFF600  }
0x123: {  	[tilespmem:s1], [sflag:$0x1] =	stream.indirect.gather @!p0 [hbm4b:s2+s26], $0x20, s0, s26, $0xb8;
	[tilespmem:$0x1EE60] =	vst v63  }
0x124: {  	s0 =	simm.s32 @!p0 $0x2  }
0x125: {  	_ =	swait.ge @!p0 [sflag:s0], $0xA00  }
0x126: {  	[sflag:s0] =	ssyncset.done @!p0 $0x0  }
0x127: {  	s1 =	simm.s32 @!p0 $0xF460;
	[sflag:s0] =	ssyncadd.s32 @!p0 $0xFFFFF600;
	s0 =	sadd.s32 @!p0 $0x4E70, s25  }
0x128: {  	[spmem:s3] =	stream.indirect.scatter.add.f32 @!p0 [tilespmem:s1], [sflag:$0xB], $0x20, s0, s26, $0xb8;
	[tilespmem:$0x1EE60] =	vst v63  }
0x129: {  	s0 =	simm.s32 @!p0 $0xB  }
0x12a: {  	_ =	swait.ge @!p0 [sflag:s0], $0xA00  }
0x12b: {  	[sflag:s0] =	ssyncset.done @!p0 $0x0  }
0x12c: {  	s18 =	sadd.s32 @!p0 $0x9FB0, s25;
	[sflag:s0] =	ssyncadd.s32 @!p0 $0xFFFFF600  }
0x12d: {  	[tilespmem:s1], [sflag:$0x2] =	stream.indirect.gather @!p0 [hbm4b:s2+s26], $0x20, s18, s26, $0xb8;
	[tilespmem:$0x1EE60] =	vst v63  }
0x12e: {  	_ =	swait.ge [sflag:s6], $0xA00  }
0x12f: {  	[sflag:s6] =	ssyncset.done $0x0  }
0x130: {  	s18 =	sadd.s32 $0x4EC0, s23;
	[sflag:s6] =	ssyncadd.s32 $0xFFFFF600  }
0x131: {  	[spmem:s3] =	stream.indirect.scatter.add.f32 [tilespmem:s20], [sflag:$0xB], $0x20, s18, s14, $0xb8;
	[tilespmem:$0x1EE60] =	vst v63  }
0x132: {  	_ =	swait.ge [sflag:s11], $0xA00  }
0x133: {  	[sflag:s11] =	ssyncset.done $0x0  }
0x134: {  	s1 =	simm.s32 @p0 $0x4;
	[sflag:s11] =	ssyncadd.s32 $0xFFFFF600  }
0x135: {  	_ =	swait.ge @p0 [sflag:s1], $0xA00  }
0x136: {  	[sflag:s1] =	ssyncset.done @p0 $0x0  }
0x137: {  	s18 =	simm.s32 @p0 $0x10860;
	[sflag:s1] =	ssyncadd.s32 @p0 $0xFFFFF600;
	s1 =	sadd.s32 @p0 $0x4F10, s28  }
0x138: {  	[spmem:s3] =	stream.indirect.scatter.add.f32 @p0 [tilespmem:s18], [sflag:$0xB], $0x20, s1, s30, $0xb8;
	[tilespmem:$0x1EE60] =	vst v63  }
0x139: {  	_ =	swait.ge @p0 [sflag:s31], $0xA00  }
0x13a: {  	[sflag:s31] =	ssyncset.done @p0 $0x0  }
0x13b: {  	s1 =	sadd.s32 @!p0 $0xA000, s25;
	s18 =	simm.s32 @!p0 $0xFE60;
	[sflag:s31] =	ssyncadd.s32 @p0 $0xFFFFF600  }
0x13c: {  	[tilespmem:s18], [sflag:$0x3] =	stream.indirect.gather @!p0 [hbm4b:s2+s26], $0x20, s1, s26, $0xb8;
	[tilespmem:$0x1EE60] =	vst v63  }
0x13d: {  	s1 =	simm.s32 @!p0 $0x4  }
0x13e: {  	_ =	swait.ge @!p0 [sflag:s1], $0xA00  }
0x13f: {  	[sflag:s1] =	ssyncset.done @!p0 $0x0  }
0x140: {  	s18 =	simm.s32 @!p0 $0x10860;
	[sflag:s1] =	ssyncadd.s32 @!p0 $0xFFFFF600;
	s1 =	sadd.s32 @!p0 $0x4F10, s25  }
0x141: {  	[spmem:s3] =	stream.indirect.scatter.add.f32 @!p0 [tilespmem:s18], [sflag:$0xB], $0x20, s1, s26, $0xb8;
	[tilespmem:$0x1EE60] =	vst v63  }
0x142: {  	_ =	swait.ge @!p0 [sflag:s0], $0xA00  }
0x143: {  	[sflag:s0] =	ssyncset.done @!p0 $0x0  }
0x144: {  	s1 =	sadd.s32 @!p0 $0xA050, s25;
	[sflag:s0] =	ssyncadd.s32 @!p0 $0xFFFFF600  }
0x145: {  	[tilespmem:s18], [sflag:$0x4] =	stream.indirect.gather @!p0 [hbm4b:s2+s26], $0x20, s1, s26, $0xb8;
	[tilespmem:$0x1EE60] =	vst v63  }
0x146: {  	_ =	swait.ge [sflag:s13], $0xA00  }
0x147: {  	[sflag:s13] =	ssyncset.done $0x0  }
0x148: {  	s18 =	sadd.s32 $0x4F60, s23;
	[sflag:s13] =	ssyncadd.s32 $0xFFFFF600  }
0x149: {  	[spmem:s3] =	stream.indirect.scatter.add.f32 [tilespmem:s24], [sflag:$0xB], $0x20, s18, s14, $0xb8;
	[tilespmem:$0x1EE60] =	vst v63  }
0x14a: {  	_ =	swait.ge [sflag:s11], $0xA00  }
0x14b: {  	[sflag:s11] =	ssyncset.done $0x0  }
0x14c: {  	s1 =	simm.s32 @p0 $0x6;
	[sflag:s11] =	ssyncadd.s32 $0xFFFFF600  }
0x14d: {  	_ =	swait.ge @p0 [sflag:s1], $0xA00  }
0x14e: {  	[sflag:s1] =	ssyncset.done @p0 $0x0  }
0x14f: {  	s18 =	simm.s32 @p0 $0x11C60;
	[sflag:s1] =	ssyncadd.s32 @p0 $0xFFFFF600;
	s1 =	sadd.s32 @p0 $0x4FB0, s28  }
0x150: {  	[spmem:s3] =	stream.indirect.scatter.add.f32 @p0 [tilespmem:s18], [sflag:$0xB], $0x20, s1, s30, $0xb8;
	[tilespmem:$0x1EE60] =	vst v63  }
0x151: {  	_ =	swait.ge @p0 [sflag:s31], $0xA00  }
0x152: {  	[sflag:s31] =	ssyncset.done @p0 $0x0  }
0x153: {  	s1 =	sadd.s32 @!p0 $0xA0A0, s25;
	s18 =	simm.s32 @!p0 $0x11260;
	[sflag:s31] =	ssyncadd.s32 @p0 $0xFFFFF600  }
0x154: {  	[tilespmem:s18], [sflag:$0x5] =	stream.indirect.gather @!p0 [hbm4b:s2+s26], $0x20, s1, s26, $0xb8;
	[tilespmem:$0x1EE60] =	vst v63  }
0x155: {  	s1 =	simm.s32 @!p0 $0x6  }
0x156: {  	_ =	swait.ge @!p0 [sflag:s1], $0xA00  }
0x157: {  	[sflag:s1] =	ssyncset.done @!p0 $0x0  }
0x158: {  	s18 =	simm.s32 @!p0 $0x11C60;
	[sflag:s1] =	ssyncadd.s32 @!p0 $0xFFFFF600;
	s1 =	sadd.s32 @!p0 $0x4FB0, s25  }
0x159: {  	[spmem:s3] =	stream.indirect.scatter.add.f32 @!p0 [tilespmem:s18], [sflag:$0xB], $0x20, s1, s26, $0xb8;
	[tilespmem:$0x1EE60] =	vst v63  }
0x15a: {  	_ =	swait.ge @!p0 [sflag:s0], $0xA00  }
0x15b: {  	[sflag:s0] =	ssyncset.done @!p0 $0x0  }
0x15c: {  	s1 =	sadd.s32 @!p0 $0xA0F0, s25;
	[sflag:s0] =	ssyncadd.s32 @!p0 $0xFFFFF600  }
0x15d: {  	[tilespmem:s18], [sflag:$0x6] =	stream.indirect.gather @!p0 [hbm4b:s2+s26], $0x20, s1, s26, $0xb8;
	[tilespmem:$0x1EE60] =	vst v63  }
0x15e: {  	_ =	swait.ge [sflag:s15], $0xA00  }
0x15f: {  	[sflag:s15] =	ssyncset.done $0x0  }
0x160: {  	s18 =	sadd.s32 $0x5000, s23;
	[sflag:s15] =	ssyncadd.s32 $0xFFFFF600  }
0x161: {  	[spmem:s3] =	stream.indirect.scatter.add.f32 [tilespmem:s29], [sflag:$0xB], $0x20, s18, s14, $0xb8;
	[tilespmem:$0x1EE60] =	vst v63  }
0x162: {  	_ =	swait.ge [sflag:s11], $0xA00  }
0x163: {  	[sflag:s11] =	ssyncset.done $0x0  }
0x164: {  	s1 =	simm.s32 @p0 $0x8;
	[sflag:s11] =	ssyncadd.s32 $0xFFFFF600  }
0x165: {  	_ =	swait.ge @p0 [sflag:s1], $0xA00  }
0x166: {  	[sflag:s1] =	ssyncset.done @p0 $0x0  }
0x167: {  	s18 =	simm.s32 @p0 $0x13060;
	[sflag:s1] =	ssyncadd.s32 @p0 $0xFFFFF600;
	s1 =	sadd.s32 @p0 $0x5050, s28  }
0x168: {  	[spmem:s3] =	stream.indirect.scatter.add.f32 @p0 [tilespmem:s18], [sflag:$0xB], $0x20, s1, s30, $0xb8;
	[tilespmem:$0x1EE60] =	vst v63  }
0x169: {  	_ =	swait.ge @p0 [sflag:s31], $0xA00  }
0x16a: {  	[sflag:s31] =	ssyncset.done @p0 $0x0  }
0x16b: {  	s1 =	sadd.s32 @!p0 $0xA140, s25;
	s18 =	simm.s32 @!p0 $0x12660;
	[sflag:s31] =	ssyncadd.s32 @p0 $0xFFFFF600  }
0x16c: {  	[tilespmem:s18], [sflag:$0x7] =	stream.indirect.gather @!p0 [hbm4b:s2+s26], $0x20, s1, s26, $0xb8;
	[tilespmem:$0x1EE60] =	vst v63  }
0x16d: {  	s1 =	simm.s32 @!p0 $0x8  }
0x16e: {  	_ =	swait.ge @!p0 [sflag:s1], $0xA00  }
0x16f: {  	[sflag:s1] =	ssyncset.done @!p0 $0x0  }
0x170: {  	s18 =	simm.s32 @!p0 $0x13060;
	[sflag:s1] =	ssyncadd.s32 @!p0 $0xFFFFF600;
	s1 =	sadd.s32 @!p0 $0x5050, s25  }
0x171: {  	[spmem:s3] =	stream.indirect.scatter.add.f32 @!p0 [tilespmem:s18], [sflag:$0xB], $0x20, s1, s26, $0xb8;
	[tilespmem:$0x1EE60] =	vst v63  }
0x172: {  	_ =	swait.ge @!p0 [sflag:s0], $0xA00  }
0x173: {  	[sflag:s0] =	ssyncset.done @!p0 $0x0  }
0x174: {  	[sflag:s0] =	ssyncadd.s32 @!p0 $0xFFFFF600;
	s0 =	sadd.s32 @!p0 $0xA190, s25  }
0x175: {  	[tilespmem:s18], [sflag:$0x8] =	stream.indirect.gather @!p0 [hbm4b:s2+s26], $0x20, s0, s26, $0xb8;
	[tilespmem:$0x1EE60] =	vst v63  }
0x176: {  	_ =	swait.ge [sflag:s17], $0xA00  }
0x177: {  	[sflag:s17] =	ssyncset.done $0x0  }
.Ltmp7:
0x178: {  	s31 =	sadd.s32 $0x50A0, s23;
	[sflag:s17] =	ssyncadd.s32 $0xFFFFF600;
	(pc) =	sbr.rel @p0 .LBB2_13-.Ltmp7, $4  }
0x179: {  	[spmem:s3] =	stream.indirect.scatter.add.f32 [tilespmem:s12], [sflag:$0xB], $0x20, s31, s14, $0xb8;
	[tilespmem:$0x1EE60] =	vst v63  }
0x17a: {  	_ =	swait.ge [sflag:s11], $0xA00  }
0x17b: {  	[sflag:s11] =	ssyncset.done $0x0  }
0x17c: {  	s0 =	sadd.s32 $0x50F0, s23;
	[sflag:s11] =	ssyncadd.s32 $0xFFFFF600  }
0x17d: {  	s1 =	sadd.s32 $0xA1E0, s23  }
0x17e: {  	[tilespmem:s12], [sflag:$0x9] =	stream.indirect.gather [hbm4b:s2+s14], $0x20, s1, s14, $0xb8;
	[tilespmem:$0x1EE60] =	vst v63  }
0x17f: {  	_ =	swait.ge [sflag:s8], $0xA00  }
0x180: {  	[sflag:s8] =	ssyncset.done $0x0  }
0x181: {  	[sflag:s8] =	ssyncadd.s32 $0xFFFFF600  }
0x182: {  	[spmem:s3] =	stream.indirect.scatter.add.f32 [tilespmem:s4], [sflag:$0xB], $0x20, s0, s14, $0xb8;
	[tilespmem:$0x1EE60] =	vst v63  }
.Ltmp8:
0x183: {  	_ = 	snop;
	(pc) =	sbr.rel .LBB2_11-.Ltmp8, $4  }
0x184: {  	_ =	swait.ge [sflag:s11], $0xA00  }
0x185: {  	[sflag:s11] =	ssyncset.done $0x0  }
0x186: {  	s31 =	sadd.s32 $0xA230, s23;
	s22 =	sadd.s32 $0xC80, s22;
	[sflag:s11] =	ssyncadd.s32 $0xFFFFF600  }
0x187: {  	[tilespmem:s4], [sflag:$0xA] =	stream.indirect.gather [hbm4b:s2+s14], $0x20, s31, s14, $0xb8;
	[tilespmem:$0x1EE60] =	vst v63  }
.LBB2_14:
0x188: {  	_ =	sfence.sel $0x180000  }
0x189: {  	[bflag:$0x0] =	sbarrier.arrive $0xFFFF  }
0x18a: {  	_ =	strace $0x9000004A  }
0x18b: {  	s0 =	stileid.u32;
	[bflag:$0x2] =	sbarrier.arrive $0xFFFF  }
0x18c: {  	p0 =	sne.s32 s0, $0x0;
	s0 =	rddreg [dreg:$0x3]  }
0x18d: {  	s0 =	sadd.s32 @!p0 $0x100000, s0  }
0x18e: {  	[sflag:s0] =	ssyncadd.tile.s32 @!p0 $0x1;
	_ =	shalt  }
.Lfunc_end2:
_tile_overlayer_lowered:
.L_overlay_start_2:
0x18f: {  	(tag) =	ssettag $0x2  }
0x190: {  	s0 =	rddreg [dreg:$0x0];
	s2 =	stileid.u32  }
0x191: {  	s1 =	rddreg [dreg:$0x1];
	p0 =	sne.s32 s2, $0x0  }
0x192: {  	s3 =	rddreg [dreg:$0x2];
	[bflag:$0x3] =	sbarrier.arrive $0xFFFF;
	s2 =	simm.s32 @!p0 $0x1C0B  }
0x193: {  	[timem:s3], [sflag:s2] =	dma.local @!p0 [hbm:s0], s1  }
0x194: {  	s0 =	simm.s32 @!p0 $0xB  }
0x195: {  	_ =	swait.ge @!p0 [sflag:s0], s1  }
0x196: {  	s1 =	ssub.s32 @!p0 $0x0, s1;
	[sflag:s0] =	ssyncset.done @!p0 $0x0  }
0x197: {  	[sflag:s0] =	ssyncadd.s32 @!p0 s1  }
0x198: {  	[bflag:$0x3] =	sbarrier.arrive $0xFFFF  }
0x199: {  	_ =	shalt  }

// kernel: sage_sc_deg.3.cloned.1.call-start
scs
__scs_entry_jumppad:
0x0: {  	(pc) =	sbr.rel $0x88, $3  }
0x1: {  	(tag) =	ssettag $0x0;
	lr =	simm.s32 $0x1  }
0x2: {  	[smem:$0x3F99] =	sst lr;
	_ =	strace $0xD0000000  }
0x3: {  	_ = 	snop  }
0x4: {  	_ = 	snop  }
0x5: {  	_ = 	snop  }
0x6: {  	_ = 	snop  }
0x7: {  	_ = 	snop  }
__scs_overlays_trampoline_lowered:
0x8: {  	[smem:$0x3FA8] =	sst s0  }
0x9: {  	[smem:$0x3FA9] =	sst s1  }
0xa: {  	[smem:$0x3FAA] =	sst s2  }
0xb: {  	[smem:$0x3FAB] =	sst s3  }
0xc: {  	[smem:$0x3FAC] =	sst s4  }
0xd: {  	[smem:$0x3FAD] =	sst s5  }
0xe: {  	[smem:$0x3FAE] =	sst s6  }
0xf: {  	[smem:$0x3FAF] =	sst s7  }
0x10: {  	[smem:$0x3FB0] =	sst s8  }
0x11: {  	[smem:$0x3FB1] =	sst s9;
	s0 =	simm.s32 @!p0 $0x0  }
0x12: {  	s1 =	sld [smem:$0x3F97];
	s0 =	simm.s32 @p0 $0x1  }
0x13: {  	[smem:$0x3FB2] =	sst s0;
	s0 =	simm.s32 @!p1 $0x0  }
0x14: {  	s2 =	sld [smem:$0x3F96];
	s0 =	simm.s32 @p1 $0x1  }
0x15: {  	[smem:$0x3FB3] =	sst s0;
	s0 =	simm.s32 @!p2 $0x0  }
0x16: {  	s3 =	sld [smem:$0x3FDB];
	s0 =	simm.s32 @p2 $0x1  }
0x17: {  	s4 =	simm.s32 $0x1BF5;
	[smem:$0x3FB5] =	sst s0  }
0x18: {  	s0 =	sld [smem:$0x3F98];
	_ =	swait.ge [sflag:s4], $0x0  }
0x19: {  	s7 =	sld [smem:$0x3F99]  }
0x1a: {  	s8 =	sadd.s32 $0xFFFFE003, lr  }
0x1b: {  	s9 =	sadd.s32 $0xFFFFFEF7, lr;
	s5 =	simm.s32 $0xFFFFFFFF;
	p2 =	slt.u32 s8, $0xFFFFF086  }
0x1c: {  	p1 =	slt.u32 s9, $0xF7A;
	s5 =	simm.s32 @!p2 $0x0  }
0x1d: {  	s5 =	simm.s32 @p1 $0x1;
	p0 =	seq.s32 s7, s2  }
0x1e: {  	s7 =	smul.u32 @!p0 $0xF7A, s2;
	p2 =	seq.s32 @!p0 s5, $0x0  }
0x1f: {  	s9 =	smul.u32 $0xF7A, s1;
	s8 =	simm.s32 @!p0 $0x1BF5;
	p2 =	por !p2, p0  }
0x20: {  	[sflag:s8] =	ssyncset.s32 @!p0 $0xFFFFF086;
	s6 =	sadd.s32 @!p0 s3, s7;
	s7 =	simm.s32 @!p0 $0x108  }
0x21: {  	s3 =	sadd.s32 s3, s9;
	s6 =	sadd.s32 @!p0 $0x88, s6;
	s7 =	simm.s32 @p2 $0x1082  }
0x22: {  	[simem:s7], [sflag:s8] =	dma.local @!p0 [hbm:s6], $0xF7A  }
0x23: {  	s9 =	sor.u32 $0xD0000000, s2;
	s6 =	simm.s32 $0x108;
	_ =	swait.ge @!p0 [sflag:s8], $0x0  }
0x24: {  	s3 =	sadd.s32 $0x88, s3;
	s6 =	simm.s32 @!p1 $0x1082;
	[sflag:s4] =	ssyncset.s32 $0xFFFFF086  }
0x25: {  	[simem:s6], [sflag:s4] =	dma.local [hbm:s3], $0xF7A  }
0x26: {  	[smem:$0x3F99] =	sst s1;
	(tag) =	ssettag s2;
	_ =	strace s9  }
0x27: {  	s1 =	sld [smem:$0x3FA9]  }
0x28: {  	s2 =	sld [smem:$0x3FAA]  }
0x29: {  	s4 =	sld [smem:$0x3FAC]  }
0x2a: {  	p0 =	seq.s32 s5, $0x0;
	s5 =	sld [smem:$0x3FAD]  }
0x2b: {  	s6 =	sld [smem:$0x3FAE]  }
0x2c: {  	s7 =	sld [smem:$0x3FAF]  }
0x2d: {  	s3 =	simm.s32 $0x108;
	s8 =	sld [smem:$0x3FB0]  }
0x2e: {  	s3 =	simm.s32 @!p0 $0x1082;
	s9 =	sld [smem:$0x3FB1]  }
0x2f: {  	lr =	sadd.s32 s0, s3;
	s0 =	sld [smem:$0x3FA8]  }
0x30: {  	s3 =	sld [smem:$0x3FAB]  }
0x31: {  	[smem:$0x3FB4] =	sst s10  }
0x32: {  	s10 =	sld [smem:$0x3FB2];
	_ =	sdelay $0x3  }
0x33: {  	p0 =	seq.s32 s10, $0x1;
	s10 =	sld [smem:$0x3FB4];
	_ =	sdelay $0x3  }
0x34: {  	[smem:$0x3FB4] =	sst s10  }
0x35: {  	s10 =	sld [smem:$0x3FB3];
	_ =	sdelay $0x3  }
0x36: {  	p1 =	seq.s32 s10, $0x1;
	s10 =	sld [smem:$0x3FB4];
	_ =	sdelay $0x3  }
0x37: {  	[smem:$0x3FB4] =	sst s10  }
0x38: {  	s10 =	sld [smem:$0x3FB5]  }
0x39: {  	_ = 	snop;
	(pc) =	sbr.ind lr, $3  }
0x3a: {  	_ = 	snop  }
0x3b: {  	_ = 	snop  }
0x3c: {  	p2 =	seq.s32 s10, $0x1;
	s10 =	sld [smem:$0x3FB4]  }
0x3d: {  	_ =	shalt  }
0x3e: {  	_ =	shalt  }
0x3f: {  	_ =	shalt  }
0x40: {  	_ =	shalt  }
0x41: {  	_ =	shalt  }
0x42: {  	_ =	shalt  }
0x43: {  	_ =	shalt  }
0x44: {  	_ =	shalt  }
0x45: {  	_ =	shalt  }
0x46: {  	_ =	shalt  }
0x47: {  	_ =	shalt  }
0x48: {  	_ =	shalt  }
0x49: {  	_ =	shalt  }
0x4a: {  	_ =	shalt  }
0x4b: {  	_ =	shalt  }
0x4c: {  	_ =	shalt  }
0x4d: {  	_ =	shalt  }
0x4e: {  	_ =	shalt  }
0x4f: {  	_ =	shalt  }
0x50: {  	_ =	shalt  }
0x51: {  	_ =	shalt  }
0x52: {  	_ =	shalt  }
0x53: {  	_ =	shalt  }
0x54: {  	_ =	shalt  }
0x55: {  	_ =	shalt  }
0x56: {  	_ =	shalt  }
0x57: {  	_ =	shalt  }
0x58: {  	_ =	shalt  }
0x59: {  	_ =	shalt  }
0x5a: {  	_ =	shalt  }
0x5b: {  	_ =	shalt  }
0x5c: {  	_ =	shalt  }
0x5d: {  	_ =	shalt  }
0x5e: {  	_ =	shalt  }
0x5f: {  	_ =	shalt  }
0x60: {  	_ =	shalt  }
0x61: {  	_ =	shalt  }
0x62: {  	_ =	shalt  }
0x63: {  	_ =	shalt  }
0x64: {  	_ =	shalt  }
0x65: {  	_ =	shalt  }
0x66: {  	_ =	shalt  }
0x67: {  	_ =	shalt  }
0x68: {  	_ =	shalt  }
0x69: {  	_ =	shalt  }
0x6a: {  	_ =	shalt  }
0x6b: {  	_ =	shalt  }
0x6c: {  	_ =	shalt  }
0x6d: {  	_ =	shalt  }
0x6e: {  	_ =	shalt  }
0x6f: {  	_ =	shalt  }
0x70: {  	_ =	shalt  }
0x71: {  	_ =	shalt  }
0x72: {  	_ =	shalt  }
0x73: {  	_ =	shalt  }
0x74: {  	_ =	shalt  }
0x75: {  	_ =	shalt  }
0x76: {  	_ =	shalt  }
0x77: {  	_ =	shalt  }
0x78: {  	_ =	shalt  }
0x79: {  	_ =	shalt  }
0x7a: {  	_ =	shalt  }
0x7b: {  	_ =	shalt  }
0x7c: {  	_ =	shalt  }
0x7d: {  	_ =	shalt  }
0x7e: {  	_ =	shalt  }
0x7f: {  	_ =	shalt  }
0x80: {  	_ =	shalt  }
0x81: {  	_ =	shalt  }
0x82: {  	_ =	shalt  }
0x83: {  	_ =	shalt  }
0x84: {  	_ =	shalt  }
0x85: {  	_ =	shalt  }
0x86: {  	_ =	shalt  }
0x87: {  	_ =	shalt  }
.Lfunc_end0:
.L_simem_size_0:
called_computation_lowered:
.L_overlay_start_0:
0x88: {  	s2 =	sld [smem:$0x3FD9]  }
0x89: {  	s3 =	sld [smem:$0x3FFE];
	_ =	sdelay $0x1  }
0x8a: {  	s1 =	srdreg.scid  }
0x8b: {  	s0 =	sand.u32 $0x1, s1  }
0x8c: {  	s17 =	sshll.u32 s0, $0xA;
	s2 =	sadd.s32 s3, s2  }
0x8d: {  	s2 =	sadd.s32 s2, s17  }
0x8e: {  	[smem:$0x3FC0] =	sst s2  }
0x8f: {  	_ = 	snop  }
0x90: {  	s2 =	sld [smem:$0x3FD0];
	(tm) =	ssettm $0x1  }
0x91: {  	s18 =	sld [smem:$0x3FFB];
	_ =	sdelay $0x3  }
0x92: {  	_ =	strace s18  }
0x93: {  	s3 =	sld [smem:$0x3FFC];
	_ =	sdelay $0x3  }
0x94: {  	_ =	strace s3  }
0x95: {  	s3 =	sld [smem:$0x3FFD];
	_ =	sdelay $0x3  }
0x96: {  	_ =	strace s3  }
0x97: {  	_ =	strace $0x8FFFFFFF  }
0x98: {  	s19 =	sld [smem:$0x3FDB];
	_ =	sdelay $0x1  }
0x99: {  	s4 =	simm.s32 $_scs_section_size  }
0x9a: {  	s5 =	simm.s32 $_size__tile_overlayer_lowered;
	s6 =	simm.s32 $_tile_overlayer_lowered  }
0x9b: {  	s22 =	simm.s32 $0x1BFF;
	s21 =	sshll.u32 s6, $0x1;
	s3 =	sadd.s32 s4, s19  }
0x9c: {  	s7 =	simm.s32 $0x0;
	s20 =	sshll.u32 s5, $0x1;
	s5 =	sadd.s32 s21, s3  }
0x9d: {  	[timem:s7], [sflag:s22] =	dma.local [hbm:s5], s20  }
0x9e: {  	_ =	swait.ge [sflag:s22], s20  }
0x9f: {  	s4 =	ssub.s32 $0x0, s20;
	[sflag:s22] =	ssyncset.done $0x0  }
0xa0: {  	[sflag:s22] =	ssyncadd.s32 s4;
	_ =	sdelay $0x1  }
0xa1: {  	s23 =	simm.s32 $0x1B8B  }
0xa2: {  	_ =	swait.ge [sflag:s23], $0x1  }
0xa3: {  	[sflag:s23] =	ssyncset.done $0x0  }
0xa4: {  	s25 =	simm.s32 $0x1B8E;
	s24 =	sld [smem:$0x3FFE];
	[sflag:s23] =	ssyncadd.s32 $0xFFFFFFFF  }
0xa5: {  	s26 =	simm.s32 $execute0_lowered;
	[smem:$0x3FD2] =	sst s25  }
0xa6: {  	s5 =	sshll.u32 s26, $0x1;
	_ =	strace $0x80000046;
	[dreg:$0x1] =	wrdreg $0xFFFFFFFF  }
0xa7: {  	s28 =	simm.s32 $_size_execute0_lowered;
	s3 =	sadd.s32 s3, s5;
	[dreg:$0x0] =	wrdreg $0x0  }
0xa8: {  	s5 =	sshll.u32 s28, $0x1;
	[dreg:$0x2] =	wrdreg s3  }
0xa9: {  	[dreg:$0x3] =	wrdreg s5  }
0xaa: {  	[dreg:$0x4] =	wrdreg $0xC0  }
0xab: {  	_ =	task [dreg:s7], $0x5FFFF  }
0xac: {  	[dreg:$0x1] =	wrdreg $0xFFFFFFFF  }
0xad: {  	[dreg:$0x0] =	wrdreg $0x60  }
0xae: {  	[dreg:$0x2] =	wrdreg s24  }
0xaf: {  	[dreg:$0x3] =	wrdreg s2  }
0xb0: {  	[dreg:$0x4] =	wrdreg $0x9  }
0xb1: {  	_ =	task.clear_ibuf [dreg:s7], $0x5FFFF;
	_ =	strace $0x90000046  }
0xb2: {  	s29 =	simm.s32 $0x9;
	_ =	strace $0x80000048  }
0xb3: {  	_ =	swait.ge [sflag:s29], $0x1  }
0xb4: {  	[sflag:s29] =	ssyncadd.s32 $0xFFFFFFFF  }
0xb5: {  	_ =	strace $0x90000048  }
0xb6: {  	_ =	sfence  }
0xb7: {  	s30 =	sld [smem:$0x0];
	_ =	sdelay $0x2  }
0xb8: {  	s31 =	sshll.u32 s1, $0xD;
	s1 =	sshrl.u32 s1, $0x2  }
0xb9: {  	s3 =	sand.u32 $0x4000, s31;
	s1 =	sadd.s32 s1, s30  }
0xba: {  	s0 =	sor.u32 s3, s0;
	s1 =	sshll.u32 s1, $0x11  }
0xbb: {  	s0 =	sor.u32 s1, s0  }
0xbc: {  	s0 =	sadd.s32 $0x8F2B, s0  }
0xbd: {  	[sflag:s0] =	ssyncadd.remote.s32 $0x1  }
0xbe: {  	_ =	sfence.sel $0xFFFF  }
0xbf: {  	[dreg:$0x0] =	wrdreg $0xFFFFFFFF;
	(pc) =	sbr.abs _section_cstart, $3  }
0xc0: {  	[dreg:$0x1] =	wrdreg $0xFFFFFFFF  }
0xc1: {  	_ =	task.clear_ibuf [dreg:s7], $0x2FFFF;
	_ =	strace $0x9FFFFFFF  }
0xc2: {  	(tm) =	ssettm $0x7FFFFFFF  }
0xc3: {  	_ =	shalt  }
tec
execute0_lowered:
.L_overlay_start_1:
0x0: {  	(tag) =	ssettag $0x1  }
0x1: {  	s0 =	srdreg.scid  }
0x2: {  	s3 =	rddreg [dreg:$0x0];
	s4 =	sand.u32 $0x1, s0  }
0x3: {  	s5 =	rddreg [dreg:$0x1];
	s1 =	stileid.u32;
	s2 =	sshll.u32 s4, $0x4  }
0x4: {  	s0 =	rddreg [dreg:$0x2];
	s6 =	sor.u32 s1, s2  }
0x5: {  	s4 =	ssub.s32 $0x2, s4;
	s2 =	simm.s32 $0x0;
	s7 =	smul.u32 $0x4E2, s6  }
0x6: {  	s8 =	sshrl.u32 s4, $0x1;
	[smem:$0x7FF] =	sst s2;
	s6 =	smul.u32 $0x500, s6  }
0x7: {  	s31 =	ssub.s32 s4, s8;
	s8 =	simm.s32 $0x0;
	_ =	strace $0x80000047  }
0x8: {  	s3 =	sadd.s32 s7, s3;
	s4 =	sadd.s32 s5, s6;
	s5 =	smax.u32 s31, $0x1  }
0x9: {  	v0 =	vimm.f32 $0.0e+00;
	v1 =	vimm.f32 $1.000000000e+00;
	s6 =	simm.s32 $0x1;
	s7 =	simm.s32 $0x2710;
	s3 =	sadd.s32 $0x2800, s3  }
.LBB2_1:
0xa: {  	[tilespmem:s2], [sflag:$0x1] =	stream.linear.gather [hbm4b:s3+s2], $0x2710, $0x38;
	[tilespmem:$0x4F10] =	vst v63  }
0xb: {  	_ =	swait.ge [sflag:s6], $0x2710  }
0xc: {  	[sflag:s6] =	ssyncset.done $0x0  }
0xd: {  	s9 =	simm.s32 $0x0;
	[sflag:s6] =	ssyncadd.s32 $0xFFFFD8F0  }
.LBB2_2:
0xe: {  	p0 =	sne.s32 s9, $0x9FC0  }
.Ltmp0:
0xf: {  	_ = 	snop;
	(pc) =	sbr.rel @p0 .LBB2_2-.Ltmp0, $3  }
0x10: {  	_ =	sdelay $0x1  }
0x11: {  	s10 =	sshra.s32 s9, $0x2  }
0x12: {  	s9 =	sadd.s32 $0x40, s9;
	[tilespmem:s10+$0x2710] =	vst v0  }
0x13: {  	s9 =	simm.s32 $0x0  }
.LBB2_4:
0x14: {  	s10 =	sshra.s32 s9, $0x2  }
0x15: {  	v2 =	vld [tilespmem:s10+$0x0];
	_ =	sdelay $0x7  }
0x16: {  	[tilespmem:v2+s7+$0x0] =	vst.idx.add.f32.msk $0xffff, v1  }
0x17: {  	v2 =	vld [tilespmem:s10+$0x10];
	_ =	sdelay $0x7  }
0x18: {  	[tilespmem:v2+s7+$0x0] =	vst.idx.add.f32.msk $0xffff, v1  }
0x19: {  	v2 =	vld [tilespmem:s10+$0x20];
	_ =	sdelay $0x7  }
0x1a: {  	[tilespmem:v2+s7+$0x0] =	vst.idx.add.f32.msk $0xffff, v1  }
0x1b: {  	v2 =	vld [tilespmem:s10+$0x30];
	_ =	sdelay $0x7  }
0x1c: {  	[tilespmem:v2+s7+$0x0] =	vst.idx.add.f32.msk $0xffff, v1  }
0x1d: {  	v2 =	vld [tilespmem:s10+$0x40];
	_ =	sdelay $0x2  }
0x1e: {  	p0 =	sne.s32 s9, $0x9B00  }
.Ltmp1:
0x1f: {  	_ = 	snop;
	(pc) =	sbr.rel @p0 .LBB2_4-.Ltmp1, $2  }
0x20: {  	_ =	sdelay $0x2  }
0x21: {  	s9 =	sadd.s32 $0x140, s9;
	[tilespmem:v2+s7+$0x0] =	vst.idx.add.f32.msk $0xffff, v1  }
0x22: {  	s8 =	sadd.s32 $0x1, s8  }
0x23: {  	p0 =	sne.s32 s8, s5  }
.Ltmp2:
0x24: {  	_ = 	snop;
	(pc) =	sbr.rel @p0 .LBB2_1-.Ltmp2, $4  }
0x25: {  	[hbm4b:s4+s2] =	stream.linear.scatter [tilespmem:s7], [sflag:$0x1], $0x2800, $0x38;
	[tilespmem:$0x4F10] =	vst v63  }
0x26: {  	_ =	swait.ge [sflag:s6], $0x2800  }
0x27: {  	[sflag:s6] =	ssyncset.done $0x0  }
0x28: {  	[sflag:s6] =	ssyncadd.s32 $0xFFFFD800  }
0x29: {  	_ =	sfence.sel $0x180000  }
0x2a: {  	[bflag:$0x0] =	sbarrier.arrive $0xFFFF  }
0x2b: {  	p0 =	sne.s32 s1, $0x0;
	_ =	strace $0x90000047  }
0x2c: {  	s0 =	sadd.s32 @!p0 $0x100000, s0;
	[bflag:$0x2] =	sbarrier.arrive $0xFFFF  }
0x2d: {  	[sflag:s0] =	ssyncadd.tile.s32 @!p0 $0x1;
	_ =	shalt  }
.Lfunc_end2:
_tile_overlayer_lowered:
.L_overlay_start_2:
0x2e: {  	(tag) =	ssettag $0x2  }
0x2f: {  	s0 =	rddreg [dreg:$0x0];
	s2 =	stileid.u32  }
0x30: {  	s1 =	rddreg [dreg:$0x1];
	p0 =	sne.s32 s2, $0x0  }
0x31: {  	s3 =	rddreg [dreg:$0x2];
	[bflag:$0x3] =	sbarrier.arrive $0xFFFF;
	s2 =	simm.s32 @!p0 $0x1C01  }
0x32: {  	[timem:s3], [sflag:s2] =	dma.local @!p0 [hbm:s0], s1  }
0x33: {  	s0 =	simm.s32 @!p0 $0x1  }
0x34: {  	_ =	swait.ge @!p0 [sflag:s0], s1  }
0x35: {  	s1 =	ssub.s32 @!p0 $0x0, s1;
	[sflag:s0] =	ssyncset.done @!p0 $0x0  }
0x36: {  	[sflag:s0] =	ssyncadd.s32 @!p0 s1  }
0x37: {  	[bflag:$0x3] =	sbarrier.arrive $0xFFFF  }
0x38: {  	_ =	shalt  }

</sc_bundles>
